<compile_context>
chip_gen: v7x
topology: tpu7x:2x2x1
jax: 0.10.2.dev20260603
libtpu: 0.0.44.dev20260713+nightly
codegen_flags: <defaults>
</compile_context>

<pallas_src>
import functools

import jax
import jax.numpy as jnp
import numpy as np
from jax import lax
from jax.experimental import pallas as pl
from jax.experimental.pallas import tpu as pltpu
from jax.experimental.pallas import tpu_sc as plsc

MIN_NORM = 1e-15
EPS = 4e-3

N_NODES = 10000
N_EDGES = 160000
D = 256
HALF = 128

NS = 16
CHUNK = 128
CHUNKS_PER_TILE = 80
E_PAD = NS * CHUNKS_PER_TILE * CHUNK
N_PAD = 10240
ROWS_PER_TILE = N_PAD // NS
ROW_CHUNK = 128
ROW_CHUNKS = ROWS_PER_TILE // ROW_CHUNK



def _rsum(v):
    return jnp.sum(v, axis=-1, keepdims=True)


def _norm(x):
    return jnp.clip(jnp.sqrt(_rsum(x * x)), MIN_NORM, None)


def _artanh(x):
    x = jnp.clip(x, -1.0 + 1e-7, 1.0 - 1e-7)
    return 0.5 * jnp.log((1.0 + x) / (1.0 - x))


def _proj(x):
    norm = _norm(x)
    maxnorm = 1.0 - EPS
    return jnp.where(norm > maxnorm, x / norm * maxnorm, x)


def _expmap0(u):
    u_norm = _norm(u)
    return jnp.tanh(u_norm) * u / u_norm


def _logmap0(p):
    p_norm = _norm(p)
    return _artanh(p_norm) * p / p_norm


def _projexp(u):
    n = _norm(u)
    return u * (jnp.minimum(jnp.tanh(n), 1.0 - EPS) / n)


def _projexp_n(u):
    n = _norm(u)
    s = jnp.minimum(jnp.tanh(n), 1.0 - EPS)
    return u * (s / n), s


_ARTANH_MAX = float(
    np.float32(0.5) * np.log((np.float32(1) + np.float32(1.0 - EPS))
                             / (np.float32(1) - np.float32(1.0 - EPS))))


def _mobius_add(x, y):
    x2 = _rsum(x * x)
    y2 = _rsum(y * y)
    xy = _rsum(x * y)
    num = (1.0 + 2.0 * xy + y2) * x + (1.0 - x2) * y
    denom = 1.0 + 2.0 * xy + x2 * y2
    return num / jnp.clip(denom, MIN_NORM, None)


def _hyp_linear(xh, x_norm, w, b_row):
    mx = lax.dot_general(xh, w, (((1,), (1,)), ((), ())),
                         precision=lax.Precision.DEFAULT,
                         preferred_element_type=jnp.float32)
    mx_norm = _norm(mx)
    scale = jnp.minimum(jnp.tanh(mx_norm / x_norm * _artanh(x_norm)),
                        1.0 - EPS) / mx_norm
    res = mx * scale
    hyp_b = _projexp(b_row)
    return _proj(_mobius_add(res, hyp_b))


def _post_agg(agg):
    n = _norm(agg)
    xt = jax.nn.relu(agg * (jnp.minimum(n, _ARTANH_MAX) / n))
    return _projexp_n(xt)



def _pre1_body(x_ref, w_ref, b_ref, lo_ref, hi_ref):
    x = x_ref[...]
    xh, xn = _projexp_n(x)
    xt = _logmap0(_hyp_linear(xh, xn, w_ref[...], b_ref[...]))
    lo_ref[...] = xt[:, :HALF]
    hi_ref[...] = xt[:, HALF:]


def _mid_body(lo_in, hi_in, w_ref, b_ref, lo_ref, hi_ref):
    agg = jnp.concatenate([lo_in[...], hi_in[...]], axis=1)
    u, un = _post_agg(agg)
    xt = _logmap0(_hyp_linear(u, un, w_ref[...], b_ref[...]))
    lo_ref[...] = xt[:, :HALF]
    hi_ref[...] = xt[:, HALF:]


def _final_body(lo_in, hi_in, out_ref):
    agg = jnp.concatenate([lo_in[...], hi_in[...]], axis=1)
    out_ref[...] = _post_agg(agg)[0]


_BLK = 2000
_GRID = N_NODES // _BLK

_row_spec = pl.BlockSpec((_BLK, D), lambda i: (i, 0))
_half_spec = pl.BlockSpec((_BLK, HALF), lambda i: (i, 0))
_w_spec = pl.BlockSpec((D, D), lambda i: (0, 0))
_b_spec = pl.BlockSpec((1, D), lambda i: (0, 0))

_half_sds = jax.ShapeDtypeStruct((N_NODES, HALF), jnp.float32)

_pre1 = pl.pallas_call(
    _pre1_body,
    grid=(_GRID,),
    in_specs=[_row_spec, _w_spec, _b_spec],
    out_specs=[_half_spec, _half_spec],
    out_shape=[_half_sds, _half_sds],
)

_mid = pl.pallas_call(
    _mid_body,
    grid=(_GRID,),
    in_specs=[_half_spec, _half_spec, _w_spec, _b_spec],
    out_specs=[_half_spec, _half_spec],
    out_shape=[_half_sds, _half_sds],
)

_final = pl.pallas_call(
    _final_body,
    grid=(_GRID,),
    in_specs=[_half_spec, _half_spec],
    out_specs=_row_spec,
    out_shape=jax.ShapeDtypeStruct((N_NODES, D), jnp.float32),
)



def _seg_sum_body(lo_hbm, hi_hbm, idx_hbm, out_lo, out_hi,
                  accum, ring, rows0, rows1,
                  gi0, gi1, gi2, gi3, gr0, gr1):
    c = lax.axis_index("c")
    s = lax.axis_index("s")
    gis = [gi0, gi1, gi2, gi3]
    kbase = s * CHUNKS_PER_TILE

    def idx_load(k, slot, sem):
        pltpu.async_copy(idx_hbm.at[kbase + k], ring.at[slot], sem)

    def idx_wait(slot, sem):
        pltpu.make_async_copy(idx_hbm.at[0], ring.at[slot], sem).wait()

    def gather(table, k_slot, buf, sem):
        pltpu.async_copy(table.at[ring.at[k_slot, 0]], buf, sem)

    def gather_wait(table, buf, sem):
        pltpu.make_async_copy(table.at[pl.ds(0, CHUNK)], buf, sem).wait()

    def scatter(slot, buf):
        pltpu.sync_copy(buf, accum.at[ring.at[slot, 1]], add=True)

    for b in range(4):
        idx_load(b, b, gis[b])

    zero = jnp.zeros((16,), jnp.float32)

    def zrow(i, _):
        def zcol(j, _):
            rows1[i, pl.ds(j * 16, 16)] = zero
            return 0
        return lax.fori_loop(0, HALF // 16, zcol, 0)

    lax.fori_loop(0, ROW_CHUNK, zrow, 0)
    zcopies = [
        pltpu.async_copy(
            rows1, accum.at[pl.ds(s * ROWS_PER_TILE + q * ROW_CHUNK,
                                  ROW_CHUNK)], gr1)
        for q in range(ROW_CHUNKS)]
    for h in zcopies:
        h.wait()

    plsc.subcore_barrier()

    def run(table, out_hbm):
        idx_wait(0, gi0)
        gather(table, 0, rows0, gr0)
        idx_wait(1, gi1)
        gather(table, 1, rows1, gr1)

        def step(t, _):
            c0 = 4 * t

            gather_wait(table, rows0, gr0)
            scatter(0, rows0)
            idx_wait(2, gi2)
            gather(table, 2, rows0, gr0)
            @pl.when(c0 + 4 < CHUNKS_PER_TILE)
            def _():
                idx_load(c0 + 4, 0, gi0)

            gather_wait(table, rows1, gr1)
            scatter(1, rows1)
            idx_wait(3, gi3)
            gather(table, 3, rows1, gr1)
            @pl.when(c0 + 5 < CHUNKS_PER_TILE)
            def _():
                idx_load(c0 + 5, 1, gi1)

            gather_wait(table, rows0, gr0)
            scatter(2, rows0)
            @pl.when(c0 + 4 < CHUNKS_PER_TILE)
            def _():
                idx_wait(0, gi0)
                gather(table, 0, rows0, gr0)
            @pl.when(c0 + 6 < CHUNKS_PER_TILE)
            def _():
                idx_load(c0 + 6, 2, gi2)

            gather_wait(table, rows1, gr1)
            scatter(3, rows1)
            @pl.when(c0 + 5 < CHUNKS_PER_TILE)
            def _():
                idx_wait(1, gi1)
                gather(table, 1, rows1, gr1)
            @pl.when(c0 + 7 < CHUNKS_PER_TILE)
            def _():
                idx_load(c0 + 7, 3, gi3)
            return 0

        lax.fori_loop(0, CHUNKS_PER_TILE // 4, step, 0)
        plsc.subcore_barrier()

        def obase(q):
            return s * ROWS_PER_TILE + q * ROW_CHUNK

        bufs = [rows0, rows1]
        sems = [gr0, gr1]
        pltpu.async_copy(accum.at[pl.ds(obase(0), ROW_CHUNK)], rows0, gr0)
        for q in range(ROW_CHUNKS):
            b = q % 2
            pltpu.make_async_copy(
                accum.at[pl.ds(obase(q), ROW_CHUNK)], bufs[b],
                sems[b]).wait()
            if q + 1 < ROW_CHUNKS:
                pltpu.async_copy(
                    accum.at[pl.ds(obase(q + 1), ROW_CHUNK)],
                    bufs[(q + 1) % 2], sems[(q + 1) % 2])
            pltpu.sync_copy(bufs[b], out_hbm.at[pl.ds(obase(q), ROW_CHUNK)])

    @pl.when(c == 0)
    def _():
        run(lo_hbm, out_lo)

    @pl.when(c == 1)
    def _():
        run(hi_hbm, out_hi)


_pad_sds = jax.ShapeDtypeStruct((N_PAD, HALF), jnp.float32)


@functools.cache
def _get_seg_sum():
    return functools.partial(
        pl.kernel,
        out_type=[_pad_sds, _pad_sds],
        mesh=plsc.VectorSubcoreMesh(core_axis_name="c",
                                    subcore_axis_name="s"),
        scratch_types=[
            pltpu.VMEM_SHARED((N_PAD, HALF), jnp.float32),
            pltpu.VMEM((4, 2, CHUNK), jnp.int32),
            pltpu.VMEM((CHUNK, HALF), jnp.float32),
            pltpu.VMEM((CHUNK, HALF), jnp.float32),
            pltpu.SemaphoreType.DMA,
            pltpu.SemaphoreType.DMA,
            pltpu.SemaphoreType.DMA,
            pltpu.SemaphoreType.DMA,
            pltpu.SemaphoreType.DMA,
            pltpu.SemaphoreType.DMA,
        ],
    )(_seg_sum_body)



def kernel(x, edge_index, W1, b1, W2, b2):
    n_extra = E_PAD - N_EDGES
    src_pad = jnp.arange(n_extra, dtype=jnp.int32) % N_NODES
    dst_pad = N_NODES + (jnp.arange(n_extra, dtype=jnp.int32)
                         % (N_PAD - N_NODES))
    src = jnp.concatenate(
        [edge_index[0].astype(jnp.int32), src_pad]).reshape(
            NS * CHUNKS_PER_TILE, 1, CHUNK)
    dst = jnp.concatenate(
        [edge_index[1].astype(jnp.int32), dst_pad]).reshape(
            NS * CHUNKS_PER_TILE, 1, CHUNK)
    idx = jnp.concatenate([src, dst], axis=1)

    seg_sum = _get_seg_sum()
    lo1, hi1 = _pre1(x, W1, b1.reshape(1, D))
    alo1, ahi1 = seg_sum(lo1, hi1, idx)
    lo2, hi2 = _mid(alo1, ahi1, W2, b2.reshape(1, D))
    alo2, ahi2 = seg_sum(lo2, hi2, idx)
    return _final(alo2, ahi2)

# --- scband reference (transcript-rebuilt; emitter-appended) ---
"""Pipeline reference for scband-hgcn-27685359190143 (READ-ONLY COPY).

The authoritative reference and input builder live on the scoring server;
editing this copy changes nothing except your own understanding.
"""

import jax, jax.numpy as jnp
import numpy as np

MIN_NORM = 1e-15
EPS = 4e-3

def artanh(x):
    x = jnp.clip(x, -1.0 + 1e-7, 1.0 - 1e-7)
    return 0.5 * jnp.log((1.0 + x) / (1.0 - x))

def _norm(x):
    return jnp.clip(jnp.linalg.norm(x, axis=-1, keepdims=True), MIN_NORM, None)

def proj(x, c):
    norm = _norm(x)
    maxnorm = (1.0 - EPS) / jnp.sqrt(c)
    projected = x / norm * maxnorm
    return jnp.where(norm > maxnorm, projected, x)

def expmap0(u, c):
    sqrt_c = jnp.sqrt(c)
    u_norm = _norm(u)
    return jnp.tanh(sqrt_c * u_norm) * u / (sqrt_c * u_norm)

def logmap0(p, c):
    sqrt_c = jnp.sqrt(c)
    p_norm = _norm(p)
    return artanh(sqrt_c * p_norm) * p / (sqrt_c * p_norm)

def mobius_add(x, y, c):
    x2 = jnp.sum(x * x, axis=-1, keepdims=True)
    y2 = jnp.sum(y * y, axis=-1, keepdims=True)
    xy = jnp.sum(x * y, axis=-1, keepdims=True)
    num = (1.0 + 2.0 * c * xy + c * y2) * x + (1.0 - c * x2) * y
    denom = 1.0 + 2.0 * c * xy + (c ** 2) * x2 * y2
    return num / jnp.clip(denom, MIN_NORM, None)

def mobius_matvec(m, x, c):
    sqrt_c = jnp.sqrt(c)
    x_norm = _norm(x)
    mx = x @ m.T
    mx_norm = _norm(mx)
    res_c = jnp.tanh(mx_norm / x_norm * artanh(sqrt_c * x_norm)) * mx / (mx_norm * sqrt_c)
    cond = jnp.all(mx == 0, axis=-1, keepdims=True)
    return jnp.where(cond, jnp.zeros_like(res_c), res_c)

def hgc_layer(x, W, b, c_in, c_out, src, dst, n_nodes):
    # HypLinear (dropout=0)
    mv = mobius_matvec(W, x, c_in)
    res = proj(mv, c_in)
    hyp_b = proj(expmap0(b[None, :], c_in), c_in)
    res = proj(mobius_add(res, hyp_b, c_in), c_in)
    # HypAgg (no attention, no local_agg): spmm(adj, logmap0(x))
    xt = logmap0(res, c_in)
    agg = jax.ops.segment_sum(xt[src], dst, num_segments=n_nodes)
    h = proj(expmap0(agg, c_in), c_in)
    # HypAct (relu)
    xt2 = jax.nn.relu(logmap0(h, c_in))
    return proj(expmap0(xt2, c_out), c_out)

def setup_inputs(seed: int = 0):
    key = jax.random.key(seed)
    k1, k2, k3, k4, k5, k6 = jax.random.split(key, 6)
    N, E, D = 10000, 160000, 256
    x = jax.random.normal(k1, (N, D), dtype=jnp.float32)
    edge_index = jax.random.randint(k2, (2, E), 0, N, dtype=jnp.int64)
    W1 = jax.random.normal(k3, (D, D), dtype=jnp.float32) / jnp.sqrt(D)
    b1 = jax.random.normal(k4, (D,), dtype=jnp.float32) * 0.02
    W2 = jax.random.normal(k5, (D, D), dtype=jnp.float32) / jnp.sqrt(D)
    b2 = jax.random.normal(k6, (D,), dtype=jnp.float32) * 0.02
    return {"x": x, "edge_index": edge_index, "W1": W1, "b1": b1, "W2": W2, "b2": b2}

def reference(x, edge_index, W1, b1, W2, b2):
    c = 1.0
    n_nodes = x.shape[0]
    src, dst = edge_index[0], edge_index[1]
    # PoincareBall: proj_tan0 is identity
    x_tan = x
    x_hyp = proj(expmap0(x_tan, c), c)
    h = hgc_layer(x_hyp, W1, b1, c, c, src, dst, n_nodes)
    h = hgc_layer(h, W2, b2, c, c, src, dst, n_nodes)
    return h

if __name__ == "__main__":
    import jax
    _d = setup_inputs()
    print(jax.jit(kernel)(*tuple(_d.values())))

</pallas_src>

<mosaic_0001>
#map = affine_map<(d0, d1) -> (0, 0)>
#map1 = affine_map<(d0, d1) -> (0, 0, 0)>
module attributes {stable_mosaic.version = 14 : i64} {
  func.func @_seg_sum_body(%arg0: i32, %arg1: i32, %arg2: memref<10000x128xf32, #tpu.memory_space<hbm>>, %arg3: memref<10000x128xf32, #tpu.memory_space<hbm>>, %arg4: memref<1280x2x128xi32, #tpu.memory_space<hbm>>, %arg5: memref<10240x128xf32, #tpu.memory_space<hbm>>, %arg6: memref<10240x128xf32, #tpu.memory_space<hbm>>, %arg7: memref<10240x128xf32, #tpu.memory_space<vmem_shared>>, %arg8: memref<4x2x128xi32, #tpu.memory_space<vmem>>, %arg9: memref<128x128xf32, #tpu.memory_space<vmem>>, %arg10: memref<128x128xf32, #tpu.memory_space<vmem>>, %arg11: memref<!tpu.dma_semaphore, #tpu.memory_space<semaphore_mem>>, %arg12: memref<!tpu.dma_semaphore, #tpu.memory_space<semaphore_mem>>, %arg13: memref<!tpu.dma_semaphore, #tpu.memory_space<semaphore_mem>>, %arg14: memref<!tpu.dma_semaphore, #tpu.memory_space<semaphore_mem>>, %arg15: memref<!tpu.dma_semaphore, #tpu.memory_space<semaphore_mem>>, %arg16: memref<!tpu.dma_semaphore, #tpu.memory_space<semaphore_mem>>) attributes {dimension_semantics = [#tpu.dimension_semantics<core_parallel>, #tpu.dimension_semantics<subcore_parallel>], iteration_bounds = array<i64: 2, 16>, scalar_prefetch = 0 : i64, scratch_operands = 10 : i64, tpu.core_type = #tpu.core_type<sc_vector_subcore>, window_params = [{transform_indices = #map}, {transform_indices = #map}, {transform_indices = #map1}, {transform_indices = #map}, {transform_indices = #map}]} {
    %mul3A = arith.constant 80 : i32
    %mul3A_0 = arith.muli %arg1, %mul3A : i32
    %add3A = arith.constant 0 : i32
    %add3A_1 = arith.addi %mul3A_0, %add3A : i32
    %dma_start3A = arith.constant 0 : i32
    %dma_start3A_2 = arith.constant 0 : i32
    %dma_start3A_3 = arith.constant 0 : i32
    %dma_start3A_4 = tpu.memref_slice %arg8[%dma_start3A, %dma_start3A_2, %dma_start3A_3] : memref<4x2x128xi32, #tpu.memory_space<vmem>> -> memref<1x2x128xi32, #tpu.memory_space<vmem>>
    %dma_start3A_5 = tpu.memref_squeeze %dma_start3A_4 : memref<1x2x128xi32, #tpu.memory_space<vmem>> -> memref<2x128xi32, #tpu.memory_space<vmem>>
    %dma_start3A_6 = arith.constant 0 : i32
    %dma_start3A_7 = arith.constant 0 : i32
    %dma_start3A_8 = tpu.memref_slice %arg4[%add3A_1, %dma_start3A_6, %dma_start3A_7] : memref<1280x2x128xi32, #tpu.memory_space<hbm>> -> memref<1x2x128xi32, #tpu.memory_space<hbm>>
    %dma_start3A_9 = tpu.memref_squeeze %dma_start3A_8 : memref<1x2x128xi32, #tpu.memory_space<hbm>> -> memref<2x128xi32, #tpu.memory_space<hbm>>
    %dma_start3A_10 = arith.constant 0 : i32
    %dma_start3A_11 = arith.constant 0 : i32
    %dma_start3A_12 = tpu.memref_slice %arg8[%dma_start3A, %dma_start3A_10, %dma_start3A_11] : memref<4x2x128xi32, #tpu.memory_space<vmem>> -> memref<1x2x128xi32, #tpu.memory_space<vmem>>
    %dma_start3A_13 = tpu.memref_squeeze %dma_start3A_12 : memref<1x2x128xi32, #tpu.memory_space<vmem>> -> memref<2x128xi32, #tpu.memory_space<vmem>>
    %dma_start3A_14 = arith.constant 0 : i32
    %dma_start3A_15 = arith.constant 0 : i32
    %dma_start3A_16 = tpu.memref_slice %arg4[%add3A_1, %dma_start3A_14, %dma_start3A_15] : memref<1280x2x128xi32, #tpu.memory_space<hbm>> -> memref<1x2x128xi32, #tpu.memory_space<hbm>>
    %dma_start3A_17 = tpu.memref_squeeze %dma_start3A_16 : memref<1x2x128xi32, #tpu.memory_space<hbm>> -> memref<2x128xi32, #tpu.memory_space<hbm>>
    tpu.enqueue_dma source(%dma_start3A_17 : memref<2x128xi32, #tpu.memory_space<hbm>>) target(%dma_start3A_13 : memref<2x128xi32, #tpu.memory_space<vmem>>) target_semaphore(%arg11 : memref<!tpu.dma_semaphore, #tpu.memory_space<semaphore_mem>>)
    %add3A_18 = arith.constant 1 : i32
    %add3A_19 = arith.addi %mul3A_0, %add3A_18 : i32
    %dma_start3A_20 = arith.constant 1 : i32
    %dma_start3A_21 = arith.constant 0 : i32
    %dma_start3A_22 = arith.constant 0 : i32
    %dma_start3A_23 = tpu.memref_slice %arg8[%dma_start3A_20, %dma_start3A_21, %dma_start3A_22] : memref<4x2x128xi32, #tpu.memory_space<vmem>> -> memref<1x2x128xi32, #tpu.memory_space<vmem>>
    %dma_start3A_24 = tpu.memref_squeeze %dma_start3A_23 : memref<1x2x128xi32, #tpu.memory_space<vmem>> -> memref<2x128xi32, #tpu.memory_space<vmem>>
    %dma_start3A_25 = arith.constant 0 : i32
    %dma_start3A_26 = arith.constant 0 : i32
    %dma_start3A_27 = tpu.memref_slice %arg4[%add3A_19, %dma_start3A_25, %dma_start3A_26] : memref<1280x2x128xi32, #tpu.memory_space<hbm>> -> memref<1x2x128xi32, #tpu.memory_space<hbm>>
    %dma_start3A_28 = tpu.memref_squeeze %dma_start3A_27 : memref<1x2x128xi32, #tpu.memory_space<hbm>> -> memref<2x128xi32, #tpu.memory_space<hbm>>
    %dma_start3A_29 = arith.constant 0 : i32
    %dma_start3A_30 = arith.constant 0 : i32
    %dma_start3A_31 = tpu.memref_slice %arg8[%dma_start3A_20, %dma_start3A_29, %dma_start3A_30] : memref<4x2x128xi32, #tpu.memory_space<vmem>> -> memref<1x2x128xi32, #tpu.memory_space<vmem>>
    %dma_start3A_32 = tpu.memref_squeeze %dma_start3A_31 : memref<1x2x128xi32, #tpu.memory_space<vmem>> -> memref<2x128xi32, #tpu.memory_space<vmem>>
    %dma_start3A_33 = arith.constant 0 : i32
    %dma_start3A_34 = arith.constant 0 : i32
    %dma_start3A_35 = tpu.memref_slice %arg4[%add3A_19, %dma_start3A_33, %dma_start3A_34] : memref<1280x2x128xi32, #tpu.memory_space<hbm>> -> memref<1x2x128xi32, #tpu.memory_space<hbm>>
    %dma_start3A_36 = tpu.memref_squeeze %dma_start3A_35 : memref<1x2x128xi32, #tpu.memory_space<hbm>> -> memref<2x128xi32, #tpu.memory_space<hbm>>
    tpu.enqueue_dma source(%dma_start3A_36 : memref<2x128xi32, #tpu.memory_space<hbm>>) target(%dma_start3A_32 : memref<2x128xi32, #tpu.memory_space<vmem>>) target_semaphore(%arg12 : memref<!tpu.dma_semaphore, #tpu.memory_space<semaphore_mem>>)
    %add3A_37 = arith.constant 2 : i32
    %add3A_38 = arith.addi %mul3A_0, %add3A_37 : i32
    %dma_start3A_39 = arith.constant 2 : i32
    %dma_start3A_40 = arith.constant 0 : i32
    %dma_start3A_41 = arith.constant 0 : i32
    %dma_start3A_42 = tpu.memref_slice %arg8[%dma_start3A_39, %dma_start3A_40, %dma_start3A_41] : memref<4x2x128xi32, #tpu.memory_space<vmem>> -> memref<1x2x128xi32, #tpu.memory_space<vmem>>
    %dma_start3A_43 = tpu.memref_squeeze %dma_start3A_42 : memref<1x2x128xi32, #tpu.memory_space<vmem>> -> memref<2x128xi32, #tpu.memory_space<vmem>>
    %dma_start3A_44 = arith.constant 0 : i32
    %dma_start3A_45 = arith.constant 0 : i32
    %dma_start3A_46 = tpu.memref_slice %arg4[%add3A_38, %dma_start3A_44, %dma_start3A_45] : memref<1280x2x128xi32, #tpu.memory_space<hbm>> -> memref<1x2x128xi32, #tpu.memory_space<hbm>>
    %dma_start3A_47 = tpu.memref_squeeze %dma_start3A_46 : memref<1x2x128xi32, #tpu.memory_space<hbm>> -> memref<2x128xi32, #tpu.memory_space<hbm>>
    %dma_start3A_48 = arith.constant 0 : i32
    %dma_start3A_49 = arith.constant 0 : i32
    %dma_start3A_50 = tpu.memref_slice %arg8[%dma_start3A_39, %dma_start3A_48, %dma_start3A_49] : memref<4x2x128xi32, #tpu.memory_space<vmem>> -> memref<1x2x128xi32, #tpu.memory_space<vmem>>
    %dma_start3A_51 = tpu.memref_squeeze %dma_start3A_50 : memref<1x2x128xi32, #tpu.memory_space<vmem>> -> memref<2x128xi32, #tpu.memory_space<vmem>>
    %dma_start3A_52 = arith.constant 0 : i32
    %dma_start3A_53 = arith.constant 0 : i32
    %dma_start3A_54 = tpu.memref_slice %arg4[%add3A_38, %dma_start3A_52, %dma_start3A_53] : memref<1280x2x128xi32, #tpu.memory_space<hbm>> -> memref<1x2x128xi32, #tpu.memory_space<hbm>>
    %dma_start3A_55 = tpu.memref_squeeze %dma_start3A_54 : memref<1x2x128xi32, #tpu.memory_space<hbm>> -> memref<2x128xi32, #tpu.memory_space<hbm>>
    tpu.enqueue_dma source(%dma_start3A_55 : memref<2x128xi32, #tpu.memory_space<hbm>>) target(%dma_start3A_51 : memref<2x128xi32, #tpu.memory_space<vmem>>) target_semaphore(%arg13 : memref<!tpu.dma_semaphore, #tpu.memory_space<semaphore_mem>>)
    %add3A_56 = arith.constant 3 : i32
    %add3A_57 = arith.addi %mul3A_0, %add3A_56 : i32
    %dma_start3A_58 = arith.constant 3 : i32
    %dma_start3A_59 = arith.constant 0 : i32
    %dma_start3A_60 = arith.constant 0 : i32
    %dma_start3A_61 = tpu.memref_slice %arg8[%dma_start3A_58, %dma_start3A_59, %dma_start3A_60] : memref<4x2x128xi32, #tpu.memory_space<vmem>> -> memref<1x2x128xi32, #tpu.memory_space<vmem>>
    %dma_start3A_62 = tpu.memref_squeeze %dma_start3A_61 : memref<1x2x128xi32, #tpu.memory_space<vmem>> -> memref<2x128xi32, #tpu.memory_space<vmem>>
    %dma_start3A_63 = arith.constant 0 : i32
    %dma_start3A_64 = arith.constant 0 : i32
    %dma_start3A_65 = tpu.memref_slice %arg4[%add3A_57, %dma_start3A_63, %dma_start3A_64] : memref<1280x2x128xi32, #tpu.memory_space<hbm>> -> memref<1x2x128xi32, #tpu.memory_space<hbm>>
    %dma_start3A_66 = tpu.memref_squeeze %dma_start3A_65 : memref<1x2x128xi32, #tpu.memory_space<hbm>> -> memref<2x128xi32, #tpu.memory_space<hbm>>
    %dma_start3A_67 = arith.constant 0 : i32
    %dma_start3A_68 = arith.constant 0 : i32
    %dma_start3A_69 = tpu.memref_slice %arg8[%dma_start3A_58, %dma_start3A_67, %dma_start3A_68] : memref<4x2x128xi32, #tpu.memory_space<vmem>> -> memref<1x2x128xi32, #tpu.memory_space<vmem>>
    %dma_start3A_70 = tpu.memref_squeeze %dma_start3A_69 : memref<1x2x128xi32, #tpu.memory_space<vmem>> -> memref<2x128xi32, #tpu.memory_space<vmem>>
    %dma_start3A_71 = arith.constant 0 : i32
    %dma_start3A_72 = arith.constant 0 : i32
    %dma_start3A_73 = tpu.memref_slice %arg4[%add3A_57, %dma_start3A_71, %dma_start3A_72] : memref<1280x2x128xi32, #tpu.memory_space<hbm>> -> memref<1x2x128xi32, #tpu.memory_space<hbm>>
    %dma_start3A_74 = tpu.memref_squeeze %dma_start3A_73 : memref<1x2x128xi32, #tpu.memory_space<hbm>> -> memref<2x128xi32, #tpu.memory_space<hbm>>
    tpu.enqueue_dma source(%dma_start3A_74 : memref<2x128xi32, #tpu.memory_space<hbm>>) target(%dma_start3A_70 : memref<2x128xi32, #tpu.memory_space<vmem>>) target_semaphore(%arg14 : memref<!tpu.dma_semaphore, #tpu.memory_space<semaphore_mem>>)
    %broadcast_in_dim3A = arith.constant 0.000000e+00 : f32
    %broadcast_in_dim3A_75 = vector.broadcast %broadcast_in_dim3A : f32 to vector<16xf32>
    %scan3A = arith.constant 0 : i32
    %scan3A_76 = arith.constant 0 : i32
    %scan3A_77 = arith.constant 128 : i32
    %scan3A_78 = arith.addi %scan3A_76, %scan3A_77 : i32
    %scan3A_79 = arith.constant 1 : i32
    %scan3A_80 = scf.for %scan3A_148 = %scan3A_76 to %scan3A_78 step %scan3A_79 iter_args(%scan3A_149 = %scan3A) -> (i32)  : i32 {
      %scan3A_150 = arith.constant 0 : i32
      %scan3A_151 = arith.constant 0 : i32
      %scan3A_152 = arith.constant 8 : i32
      %scan3A_153 = arith.addi %scan3A_151, %scan3A_152 : i32
      %scan3A_154 = arith.constant 1 : i32
      %scan3A_155 = scf.for %scan3A_157 = %scan3A_151 to %scan3A_153 step %scan3A_154 iter_args(%scan3A_158 = %scan3A_150) -> (i32)  : i32 {
        %mul3A_159 = arith.constant 16 : i32
        %mul3A_160 = arith.muli %scan3A_157, %mul3A_159 : i32
        %swap3A = arith.index_cast %scan3A_148 : i32 to index
        %swap3A_161 = arith.index_cast %mul3A_160 : i32 to index
        %swap3A_162 = tpu.vector_load %arg10[%swap3A, %swap3A_161] {strides = array<i32>} : memref<128x128xf32, #tpu.memory_space<vmem>>, vector<1x16xf32>,
        %swap3A_163 = vector.shape_cast %swap3A_162 : vector<1x16xf32> to vector<16xf32>
        %swap3A_164 = vector.shape_cast %broadcast_in_dim3A_75 : vector<16xf32> to vector<1x16xf32>
        tpu.vector_store %arg10[%swap3A, %swap3A_161], %swap3A_164 {strides = array<i32>} : memref<128x128xf32, #tpu.memory_space<vmem>>, vector<1x16xf32>,
        %scan3A_165 = arith.constant 0 : i32
        scf.yield %scan3A_165 : i32
      }
      %scan3A_156 = arith.constant 8 : i32
      scf.yield %scan3A_155 : i32
    }
    %scan3A_81 = arith.constant 128 : i32
    %mul3A_82 = arith.constant 640 : i32
    %mul3A_83 = arith.muli %arg1, %mul3A_82 : i32
    %add3A_84 = arith.constant 0 : i32
    %add3A_85 = arith.addi %mul3A_83, %add3A_84 : i32
    %dma_start3A_86 = arith.constant 0 : i32
    %dma_start3A_87 = tpu.memref_slice %arg7[%add3A_85, %dma_start3A_86] : memref<10240x128xf32, #tpu.memory_space<vmem_shared>> -> memref<128x128xf32, #tpu.memory_space<vmem_shared>>
    %dma_start3A_88 = arith.constant 0 : i32
    %dma_start3A_89 = tpu.memref_slice %arg7[%add3A_85, %dma_start3A_88] : memref<10240x128xf32, #tpu.memory_space<vmem_shared>> -> memref<128x128xf32, #tpu.memory_space<vmem_shared>>
    tpu.enqueue_dma source(%arg10 : memref<128x128xf32, #tpu.memory_space<vmem>>) target(%dma_start3A_89 : memref<128x128xf32, #tpu.memory_space<vmem_shared>>) target_semaphore(%arg16 : memref<!tpu.dma_semaphore, #tpu.memory_space<semaphore_mem>>)
    %mul3A_90 = arith.constant 640 : i32
    %mul3A_91 = arith.muli %arg1, %mul3A_90 : i32
    %add3A_92 = arith.constant 128 : i32
    %add3A_93 = arith.addi %mul3A_91, %add3A_92 : i32
    %dma_start3A_94 = arith.constant 0 : i32
    %dma_start3A_95 = tpu.memref_slice %arg7[%add3A_93, %dma_start3A_94] : memref<10240x128xf32, #tpu.memory_space<vmem_shared>> -> memref<128x128xf32, #tpu.memory_space<vmem_shared>>
    %dma_start3A_96 = arith.constant 0 : i32
    %dma_start3A_97 = tpu.memref_slice %arg7[%add3A_93, %dma_start3A_96] : memref<10240x128xf32, #tpu.memory_space<vmem_shared>> -> memref<128x128xf32, #tpu.memory_space<vmem_shared>>
    tpu.enqueue_dma source(%arg10 : memref<128x128xf32, #tpu.memory_space<vmem>>) target(%dma_start3A_97 : memref<128x128xf32, #tpu.memory_space<vmem_shared>>) target_semaphore(%arg16 : memref<!tpu.dma_semaphore, #tpu.memory_space<semaphore_mem>>)
    %mul3A_98 = arith.constant 640 : i32
    %mul3A_99 = arith.muli %arg1, %mul3A_98 : i32
    %add3A_100 = arith.constant 256 : i32
    %add3A_101 = arith.addi %mul3A_99, %add3A_100 : i32
    %dma_start3A_102 = arith.constant 0 : i32
    %dma_start3A_103 = tpu.memref_slice %arg7[%add3A_101, %dma_start3A_102] : memref<10240x128xf32, #tpu.memory_space<vmem_shared>> -> memref<128x128xf32, #tpu.memory_space<vmem_shared>>
    %dma_start3A_104 = arith.constant 0 : i32
    %dma_start3A_105 = tpu.memref_slice %arg7[%add3A_101, %dma_start3A_104] : memref<10240x128xf32, #tpu.memory_space<vmem_shared>> -> memref<128x128xf32, #tpu.memory_space<vmem_shared>>
    tpu.enqueue_dma source(%arg10 : memref<128x128xf32, #tpu.memory_space<vmem>>) target(%dma_start3A_105 : memref<128x128xf32, #tpu.memory_space<vmem_shared>>) target_semaphore(%arg16 : memref<!tpu.dma_semaphore, #tpu.memory_space<semaphore_mem>>)
    %mul3A_106 = arith.constant 640 : i32
    %mul3A_107 = arith.muli %arg1, %mul3A_106 : i32
    %add3A_108 = arith.constant 384 : i32
    %add3A_109 = arith.addi %mul3A_107, %add3A_108 : i32
    %dma_start3A_110 = arith.constant 0 : i32
    %dma_start3A_111 = tpu.memref_slice %arg7[%add3A_109, %dma_start3A_110] : memref<10240x128xf32, #tpu.memory_space<vmem_shared>> -> memref<128x128xf32, #tpu.memory_space<vmem_shared>>
    %dma_start3A_112 = arith.constant 0 : i32
    %dma_start3A_113 = tpu.memref_slice %arg7[%add3A_109, %dma_start3A_112] : memref<10240x128xf32, #tpu.memory_space<vmem_shared>> -> memref<128x128xf32, #tpu.memory_space<vmem_shared>>
    tpu.enqueue_dma source(%arg10 : memref<128x128xf32, #tpu.memory_space<vmem>>) target(%dma_start3A_113 : memref<128x128xf32, #tpu.memory_space<vmem_shared>>) target_semaphore(%arg16 : memref<!tpu.dma_semaphore, #tpu.memory_space<semaphore_mem>>)
    %mul3A_114 = arith.constant 640 : i32
    %mul3A_115 = arith.muli %arg1, %mul3A_114 : i32
    %add3A_116 = arith.constant 512 : i32
    %add3A_117 = arith.addi %mul3A_115, %add3A_116 : i32
    %dma_start3A_118 = arith.constant 0 : i32
    %dma_start3A_119 = tpu.memref_slice %arg7[%add3A_117, %dma_start3A_118] : memref<10240x128xf32, #tpu.memory_space<vmem_shared>> -> memref<128x128xf32, #tpu.memory_space<vmem_shared>>
    %dma_start3A_120 = arith.constant 0 : i32
    %dma_start3A_121 = tpu.memref_slice %arg7[%add3A_117, %dma_start3A_120] : memref<10240x128xf32, #tpu.memory_space<vmem_shared>> -> memref<128x128xf32, #tpu.memory_space<vmem_shared>>
    tpu.enqueue_dma source(%arg10 : memref<128x128xf32, #tpu.memory_space<vmem>>) target(%dma_start3A_121 : memref<128x128xf32, #tpu.memory_space<vmem_shared>>) target_semaphore(%arg16 : memref<!tpu.dma_semaphore, #tpu.memory_space<semaphore_mem>>)
    %dma_wait3A = arith.constant 0 : i32
    %dma_wait3A_122 = tpu.memref_slice %arg7[%add3A_85, %dma_wait3A] : memref<10240x128xf32, #tpu.memory_space<vmem_shared>> -> memref<128x128xf32, #tpu.memory_space<vmem_shared>>
    %dma_wait3A_123 = arith.constant 0 : i32
    %dma_wait3A_124 = tpu.memref_slice %arg7[%add3A_85, %dma_wait3A_123] : memref<10240x128xf32, #tpu.memory_space<vmem_shared>> -> memref<128x128xf32, #tpu.memory_space<vmem_shared>>
    tpu.wait_dma2 semaphore(%arg16 : memref<!tpu.dma_semaphore, #tpu.memory_space<semaphore_mem>>) src(%arg10 : memref<128x128xf32, #tpu.memory_space<vmem>>) dst(%dma_wait3A_124 : memref<128x128xf32, #tpu.memory_space<vmem_shared>>)
    %dma_wait3A_125 = arith.constant 0 : i32
    %dma_wait3A_126 = tpu.memref_slice %arg7[%add3A_93, %dma_wait3A_125] : memref<10240x128xf32, #tpu.memory_space<vmem_shared>> -> memref<128x128xf32, #tpu.memory_space<vmem_shared>>
    %dma_wait3A_127 = arith.constant 0 : i32
    %dma_wait3A_128 = tpu.memref_slice %arg7[%add3A_93, %dma_wait3A_127] : memref<10240x128xf32, #tpu.memory_space<vmem_shared>> -> memref<128x128xf32, #tpu.memory_space<vmem_shared>>
    tpu.wait_dma2 semaphore(%arg16 : memref<!tpu.dma_semaphore, #tpu.memory_space<semaphore_mem>>) src(%arg10 : memref<128x128xf32, #tpu.memory_space<vmem>>) dst(%dma_wait3A_128 : memref<128x128xf32, #tpu.memory_space<vmem_shared>>)
    %dma_wait3A_129 = arith.constant 0 : i32
    %dma_wait3A_130 = tpu.memref_slice %arg7[%add3A_101, %dma_wait3A_129] : memref<10240x128xf32, #tpu.memory_space<vmem_shared>> -> memref<128x128xf32, #tpu.memory_space<vmem_shared>>
    %dma_wait3A_131 = arith.constant 0 : i32
    %dma_wait3A_132 = tpu.memref_slice %arg7[%add3A_101, %dma_wait3A_131] : memref<10240x128xf32, #tpu.memory_space<vmem_shared>> -> memref<128x128xf32, #tpu.memory_space<vmem_shared>>
    tpu.wait_dma2 semaphore(%arg16 : memref<!tpu.dma_semaphore, #tpu.memory_space<semaphore_mem>>) src(%arg10 : memref<128x128xf32, #tpu.memory_space<vmem>>) dst(%dma_wait3A_132 : memref<128x128xf32, #tpu.memory_space<vmem_shared>>)
    %dma_wait3A_133 = arith.constant 0 : i32
    %dma_wait3A_134 = tpu.memref_slice %arg7[%add3A_109, %dma_wait3A_133] : memref<10240x128xf32, #tpu.memory_space<vmem_shared>> -> memref<128x128xf32, #tpu.memory_space<vmem_shared>>
    %dma_wait3A_135 = arith.constant 0 : i32
    %dma_wait3A_136 = tpu.memref_slice %arg7[%add3A_109, %dma_wait3A_135] : memref<10240x128xf32, #tpu.memory_space<vmem_shared>> -> memref<128x128xf32, #tpu.memory_space<vmem_shared>>
    tpu.wait_dma2 semaphore(%arg16 : memref<!tpu.dma_semaphore, #tpu.memory_space<semaphore_mem>>) src(%arg10 : memref<128x128xf32, #tpu.memory_space<vmem>>) dst(%dma_wait3A_136 : memref<128x128xf32, #tpu.memory_space<vmem_shared>>)
    %dma_wait3A_137 = arith.constant 0 : i32
    %dma_wait3A_138 = tpu.memref_slice %arg7[%add3A_117, %dma_wait3A_137] : memref<10240x128xf32, #tpu.memory_space<vmem_shared>> -> memref<128x128xf32, #tpu.memory_space<vmem_shared>>
    %dma_wait3A_139 = arith.constant 0 : i32
    %dma_wait3A_140 = tpu.memref_slice %arg7[%add3A_117, %dma_wait3A_139] : memref<10240x128xf32, #tpu.memory_space<vmem_shared>> -> memref<128x128xf32, #tpu.memory_space<vmem_shared>>
    tpu.wait_dma2 semaphore(%arg16 : memref<!tpu.dma_semaphore, #tpu.memory_space<semaphore_mem>>) src(%arg10 : memref<128x128xf32, #tpu.memory_space<vmem>>) dst(%dma_wait3A_140 : memref<128x128xf32, #tpu.memory_space<vmem_shared>>)
    %barrier3A = arith.constant 0 : index
    tpu.barrier barrier_id(%barrier3A)
    %eq3A = arith.constant 0 : i32
    %eq3A_141 = arith.cmpi eq, %arg0, %eq3A : i32
    %convert_element_type3A = arith.extui %eq3A_141 : i1 to i32
    %cond3A = arith.constant 0 : i32
    %cond3A_142 = arith.cmpi ne, %convert_element_type3A, %cond3A : i32
    scf.if %cond3A_142 {
      %dma_wait3A_148 = arith.constant 0 : i32
      %dma_wait3A_149 = arith.constant 0 : i32
      %dma_wait3A_150 = arith.constant 0 : i32
      %dma_wait3A_151 = arith.constant 0 : i32
      %dma_wait3A_152 = tpu.memref_slice %arg8[%dma_wait3A_149, %dma_wait3A_150, %dma_wait3A_151] : memref<4x2x128xi32, #tpu.memory_space<vmem>> -> memref<1x2x128xi32, #tpu.memory_space<vmem>>
      %dma_wait3A_153 = tpu.memref_squeeze %dma_wait3A_152 : memref<1x2x128xi32, #tpu.memory_space<vmem>> -> memref<2x128xi32, #tpu.memory_space<vmem>>
      %dma_wait3A_154 = arith.constant 0 : i32
      %dma_wait3A_155 = arith.constant 0 : i32
      %dma_wait3A_156 = tpu.memref_slice %arg4[%dma_wait3A_148, %dma_wait3A_154, %dma_wait3A_155] : memref<1280x2x128xi32, #tpu.memory_space<hbm>> -> memref<1x2x128xi32, #tpu.memory_space<hbm>>
      %dma_wait3A_157 = tpu.memref_squeeze %dma_wait3A_156 : memref<1x2x128xi32, #tpu.memory_space<hbm>> -> memref<2x128xi32, #tpu.memory_space<hbm>>
      %dma_wait3A_158 = arith.constant 0 : i32
      %dma_wait3A_159 = arith.constant 0 : i32
      %dma_wait3A_160 = tpu.memref_slice %arg8[%dma_wait3A_149, %dma_wait3A_158, %dma_wait3A_159] : memref<4x2x128xi32, #tpu.memory_space<vmem>> -> memref<1x2x128xi32, #tpu.memory_space<vmem>>
      %dma_wait3A_161 = tpu.memref_squeeze %dma_wait3A_160 : memref<1x2x128xi32, #tpu.memory_space<vmem>> -> memref<2x128xi32, #tpu.memory_space<vmem>>
      %dma_wait3A_162 = arith.constant 0 : i32
      %dma_wait3A_163 = arith.constant 0 : i32
      %dma_wait3A_164 = tpu.memref_slice %arg4[%dma_wait3A_148, %dma_wait3A_162, %dma_wait3A_163] : memref<1280x2x128xi32, #tpu.memory_space<hbm>> -> memref<1x2x128xi32, #tpu.memory_space<hbm>>
      %dma_wait3A_165 = tpu.memref_squeeze %dma_wait3A_164 : memref<1x2x128xi32, #tpu.memory_space<hbm>> -> memref<2x128xi32, #tpu.memory_space<hbm>>
      tpu.wait_dma2 semaphore(%arg11 : memref<!tpu.dma_semaphore, #tpu.memory_space<semaphore_mem>>) src(%dma_wait3A_165 : memref<2x128xi32, #tpu.memory_space<hbm>>) dst(%dma_wait3A_161 : memref<2x128xi32, #tpu.memory_space<vmem>>)
      %dma_start3A_166 = arith.constant 0 : i32
      %dma_start3A_167 = arith.constant 0 : i32
      %dma_start3A_168 = arith.constant 0 : i32
      %dma_start3A_169 = tpu.memref_slice %arg8[%dma_start3A_166, %dma_start3A_167, %dma_start3A_168] : memref<4x2x128xi32, #tpu.memory_space<vmem>> -> memref<1x1x128xi32, #tpu.memory_space<vmem>>
      %dma_start3A_170 = tpu.memref_squeeze %dma_start3A_169 : memref<1x1x128xi32, #tpu.memory_space<vmem>> -> memref<128xi32, #tpu.memory_space<vmem>>
      %dma_start3A_171 = arith.constant 0 : i32
      %dma_start3A_172 = arith.constant 0 : i32
      %dma_start3A_173 = tpu.memref_slice %arg2[%dma_start3A_171, %dma_start3A_172] : memref<10000x128xf32, #tpu.memory_space<hbm>> -> memref<10000x128xf32, #tpu.memory_space<hbm>>
      tpu.enqueue_indirect_dma source(%dma_start3A_173 : memref<10000x128xf32, #tpu.memory_space<hbm>>) target(%arg9 : memref<128x128xf32, #tpu.memory_space<vmem>>) offsets(%dma_start3A_170 : memref<128xi32, #tpu.memory_space<vmem>>) semaphore(%arg15 : memref<!tpu.dma_semaphore, #tpu.memory_space<semaphore_mem>>)
      %dma_wait3A_174 = arith.constant 0 : i32
      %dma_wait3A_175 = arith.constant 1 : i32
      %dma_wait3A_176 = arith.constant 0 : i32
      %dma_wait3A_177 = arith.constant 0 : i32
      %dma_wait3A_178 = tpu.memref_slice %arg8[%dma_wait3A_175, %dma_wait3A_176, %dma_wait3A_177] : memref<4x2x128xi32, #tpu.memory_space<vmem>> -> memref<1x2x128xi32, #tpu.memory_space<vmem>>
      %dma_wait3A_179 = tpu.memref_squeeze %dma_wait3A_178 : memref<1x2x128xi32, #tpu.memory_space<vmem>> -> memref<2x128xi32, #tpu.memory_space<vmem>>
      %dma_wait3A_180 = arith.constant 0 : i32
      %dma_wait3A_181 = arith.constant 0 : i32
      %dma_wait3A_182 = tpu.memref_slice %arg4[%dma_wait3A_174, %dma_wait3A_180, %dma_wait3A_181] : memref<1280x2x128xi32, #tpu.memory_space<hbm>> -> memref<1x2x128xi32, #tpu.memory_space<hbm>>
      %dma_wait3A_183 = tpu.memref_squeeze %dma_wait3A_182 : memref<1x2x128xi32, #tpu.memory_space<hbm>> -> memref<2x128xi32, #tpu.memory_space<hbm>>
      %dma_wait3A_184 = arith.constant 0 : i32
      %dma_wait3A_185 = arith.constant 0 : i32
      %dma_wait3A_186 = tpu.memref_slice %arg8[%dma_wait3A_175, %dma_wait3A_184, %dma_wait3A_185] : memref<4x2x128xi32, #tpu.memory_space<vmem>> -> memref<1x2x128xi32, #tpu.memory_space<vmem>>
      %dma_wait3A_187 = tpu.memref_squeeze %dma_wait3A_186 : memref<1x2x128xi32, #tpu.memory_space<vmem>> -> memref<2x128xi32, #tpu.memory_space<vmem>>
      %dma_wait3A_188 = arith.constant 0 : i32
      %dma_wait3A_189 = arith.constant 0 : i32
      %dma_wait3A_190 = tpu.memref_slice %arg4[%dma_wait3A_174, %dma_wait3A_188, %dma_wait3A_189] : memref<1280x2x128xi32, #tpu.memory_space<hbm>> -> memref<1x2x128xi32, #tpu.memory_space<hbm>>
      %dma_wait3A_191 = tpu.memref_squeeze %dma_wait3A_190 : memref<1x2x128xi32, #tpu.memory_space<hbm>> -> memref<2x128xi32, #tpu.memory_space<hbm>>
      tpu.wait_dma2 semaphore(%arg12 : memref<!tpu.dma_semaphore, #tpu.memory_space<semaphore_mem>>) src(%dma_wait3A_191 : memref<2x128xi32, #tpu.memory_space<hbm>>) dst(%dma_wait3A_187 : memref<2x128xi32, #tpu.memory_space<vmem>>)
      %dma_start3A_192 = arith.constant 1 : i32
      %dma_start3A_193 = arith.constant 0 : i32
      %dma_start3A_194 = arith.constant 0 : i32
      %dma_start3A_195 = tpu.memref_slice %arg8[%dma_start3A_192, %dma_start3A_193, %dma_start3A_194] : memref<4x2x128xi32, #tpu.memory_space<vmem>> -> memref<1x1x128xi32, #tpu.memory_space<vmem>>
      %dma_start3A_196 = tpu.memref_squeeze %dma_start3A_195 : memref<1x1x128xi32, #tpu.memory_space<vmem>> -> memref<128xi32, #tpu.memory_space<vmem>>
      %dma_start3A_197 = arith.constant 0 : i32
      %dma_start3A_198 = arith.constant 0 : i32
      %dma_start3A_199 = tpu.memref_slice %arg2[%dma_start3A_197, %dma_start3A_198] : memref<10000x128xf32, #tpu.memory_space<hbm>> -> memref<10000x128xf32, #tpu.memory_space<hbm>>
      tpu.enqueue_indirect_dma source(%dma_start3A_199 : memref<10000x128xf32, #tpu.memory_space<hbm>>) target(%arg10 : memref<128x128xf32, #tpu.memory_space<vmem>>) offsets(%dma_start3A_196 : memref<128xi32, #tpu.memory_space<vmem>>) semaphore(%arg16 : memref<!tpu.dma_semaphore, #tpu.memory_space<semaphore_mem>>)
      %scan3A_200 = arith.constant 0 : i32
      %scan3A_201 = arith.constant 0 : i32
      %scan3A_202 = arith.constant 20 : i32
      %scan3A_203 = arith.addi %scan3A_201, %scan3A_202 : i32
      %scan3A_204 = arith.constant 1 : i32
      %scan3A_205 = scf.for %scan3A_308 = %scan3A_201 to %scan3A_203 step %scan3A_204 iter_args(%scan3A_309 = %scan3A_200) -> (i32)  : i32 {
        %mul3A_310 = arith.constant 4 : i32
        %mul3A_311 = arith.muli %mul3A_310, %scan3A_308 : i32
        %dma_wait3A_312 = arith.constant 0 : i32
        %dma_wait3A_313 = arith.constant 0 : i32
        %dma_wait3A_314 = tpu.memref_slice %arg2[%dma_wait3A_312, %dma_wait3A_313] : memref<10000x128xf32, #tpu.memory_space<hbm>> -> memref<128x128xf32, #tpu.memory_space<hbm>>
        %dma_wait3A_315 = arith.constant 0 : i32
        %dma_wait3A_316 = arith.constant 0 : i32
        %dma_wait3A_317 = tpu.memref_slice %arg2[%dma_wait3A_315, %dma_wait3A_316] : memref<10000x128xf32, #tpu.memory_space<hbm>> -> memref<128x128xf32, #tpu.memory_space<hbm>>
        tpu.wait_dma2 semaphore(%arg15 : memref<!tpu.dma_semaphore, #tpu.memory_space<semaphore_mem>>) src(%dma_wait3A_317 : memref<128x128xf32, #tpu.memory_space<hbm>>) dst(%arg9 : memref<128x128xf32, #tpu.memory_space<vmem>>)
        %run_scoped3A = arith.constant 0 : i32
        %run_scoped3A_318 = arith.constant 1 : i32
        "tpu.region"() ({
          %run_scoped3A_437 = tpu.sem_alloc : memref<!tpu.dma_semaphore, #tpu.memory_space<semaphore_mem>>
          %dma_start3A_438 = arith.constant 0 : i32
          %dma_start3A_439 = tpu.memref_slice %arg8[%run_scoped3A, %run_scoped3A_318, %dma_start3A_438] : memref<4x2x128xi32, #tpu.memory_space<vmem>> -> memref<1x1x128xi32, #tpu.memory_space<vmem>>
          %dma_start3A_440 = tpu.memref_squeeze %dma_start3A_439 : memref<1x1x128xi32, #tpu.memory_space<vmem>> -> memref<128xi32, #tpu.memory_space<vmem>>
          %dma_start3A_441 = arith.constant 0 : i32
          %dma_start3A_442 = arith.constant 0 : i32
          %dma_start3A_443 = tpu.memref_slice %arg7[%dma_start3A_441, %dma_start3A_442] : memref<10240x128xf32, #tpu.memory_space<vmem_shared>> -> memref<10240x128xf32, #tpu.memory_space<vmem_shared>>
          tpu.enqueue_indirect_dma source(%arg9 : memref<128x128xf32, #tpu.memory_space<vmem>>) target(%dma_start3A_443 : memref<10240x128xf32, #tpu.memory_space<vmem_shared>>) offsets(%dma_start3A_440 : memref<128xi32, #tpu.memory_space<vmem>>) semaphore(%run_scoped3A_437 : memref<!tpu.dma_semaphore, #tpu.memory_space<semaphore_mem>>) {add = true}
          %dma_wait3A_444 = arith.constant 0 : i32
          %dma_wait3A_445 = tpu.memref_slice %arg8[%run_scoped3A, %run_scoped3A_318, %dma_wait3A_444] : memref<4x2x128xi32, #tpu.memory_space<vmem>> -> memref<1x1x128xi32, #tpu.memory_space<vmem>>
          %dma_wait3A_446 = tpu.memref_squeeze %dma_wait3A_445 : memref<1x1x128xi32, #tpu.memory_space<vmem>> -> memref<128xi32, #tpu.memory_space<vmem>>
          %dma_wait3A_447 = arith.constant 0 : i32
          %dma_wait3A_448 = arith.constant 0 : i32
          %dma_wait3A_449 = tpu.memref_slice %arg7[%dma_wait3A_447, %dma_wait3A_448] : memref<10240x128xf32, #tpu.memory_space<vmem_shared>> -> memref<10240x128xf32, #tpu.memory_space<vmem_shared>>
          tpu.wait_indirect_dma semaphore(%run_scoped3A_437 : memref<!tpu.dma_semaphore, #tpu.memory_space<semaphore_mem>>) src(%arg9 : memref<128x128xf32, #tpu.memory_space<vmem>>) dst(%dma_wait3A_449 : memref<10240x128xf32, #tpu.memory_space<vmem_shared>>)
          tpu.yield
        }) : () -> ()
        %dma_wait3A_319 = arith.constant 0 : i32
        %dma_wait3A_320 = arith.constant 2 : i32
        %dma_wait3A_321 = arith.constant 0 : i32
        %dma_wait3A_322 = arith.constant 0 : i32
        %dma_wait3A_323 = tpu.memref_slice %arg8[%dma_wait3A_320, %dma_wait3A_321, %dma_wait3A_322] : memref<4x2x128xi32, #tpu.memory_space<vmem>> -> memref<1x2x128xi32, #tpu.memory_space<vmem>>
        %dma_wait3A_324 = tpu.memref_squeeze %dma_wait3A_323 : memref<1x2x128xi32, #tpu.memory_space<vmem>> -> memref<2x128xi32, #tpu.memory_space<vmem>>
        %dma_wait3A_325 = arith.constant 0 : i32
        %dma_wait3A_326 = arith.constant 0 : i32
        %dma_wait3A_327 = tpu.memref_slice %arg4[%dma_wait3A_319, %dma_wait3A_325, %dma_wait3A_326] : memref<1280x2x128xi32, #tpu.memory_space<hbm>> -> memref<1x2x128xi32, #tpu.memory_space<hbm>>
        %dma_wait3A_328 = tpu.memref_squeeze %dma_wait3A_327 : memref<1x2x128xi32, #tpu.memory_space<hbm>> -> memref<2x128xi32, #tpu.memory_space<hbm>>
        %dma_wait3A_329 = arith.constant 0 : i32
        %dma_wait3A_330 = arith.constant 0 : i32
        %dma_wait3A_331 = tpu.memref_slice %arg8[%dma_wait3A_320, %dma_wait3A_329, %dma_wait3A_330] : memref<4x2x128xi32, #tpu.memory_space<vmem>> -> memref<1x2x128xi32, #tpu.memory_space<vmem>>
        %dma_wait3A_332 = tpu.memref_squeeze %dma_wait3A_331 : memref<1x2x128xi32, #tpu.memory_space<vmem>> -> memref<2x128xi32, #tpu.memory_space<vmem>>
        %dma_wait3A_333 = arith.constant 0 : i32
        %dma_wait3A_334 = arith.constant 0 : i32
        %dma_wait3A_335 = tpu.memref_slice %arg4[%dma_wait3A_319, %dma_wait3A_333, %dma_wait3A_334] : memref<1280x2x128xi32, #tpu.memory_space<hbm>> -> memref<1x2x128xi32, #tpu.memory_space<hbm>>
        %dma_wait3A_336 = tpu.memref_squeeze %dma_wait3A_335 : memref<1x2x128xi32, #tpu.memory_space<hbm>> -> memref<2x128xi32, #tpu.memory_space<hbm>>
        tpu.wait_dma2 semaphore(%arg13 : memref<!tpu.dma_semaphore, #tpu.memory_space<semaphore_mem>>) src(%dma_wait3A_336 : memref<2x128xi32, #tpu.memory_space<hbm>>) dst(%dma_wait3A_332 : memref<2x128xi32, #tpu.memory_space<vmem>>)
        %dma_start3A_337 = arith.constant 2 : i32
        %dma_start3A_338 = arith.constant 0 : i32
        %dma_start3A_339 = arith.constant 0 : i32
        %dma_start3A_340 = tpu.memref_slice %arg8[%dma_start3A_337, %dma_start3A_338, %dma_start3A_339] : memref<4x2x128xi32, #tpu.memory_space<vmem>> -> memref<1x1x128xi32, #tpu.memory_space<vmem>>
        %dma_start3A_341 = tpu.memref_squeeze %dma_start3A_340 : memref<1x1x128xi32, #tpu.memory_space<vmem>> -> memref<128xi32, #tpu.memory_space<vmem>>
        %dma_start3A_342 = arith.constant 0 : i32
        %dma_start3A_343 = arith.constant 0 : i32
        %dma_start3A_344 = tpu.memref_slice %arg2[%dma_start3A_342, %dma_start3A_343] : memref<10000x128xf32, #tpu.memory_space<hbm>> -> memref<10000x128xf32, #tpu.memory_space<hbm>>
        tpu.enqueue_indirect_dma source(%dma_start3A_344 : memref<10000x128xf32, #tpu.memory_space<hbm>>) target(%arg9 : memref<128x128xf32, #tpu.memory_space<vmem>>) offsets(%dma_start3A_341 : memref<128xi32, #tpu.memory_space<vmem>>) semaphore(%arg15 : memref<!tpu.dma_semaphore, #tpu.memory_space<semaphore_mem>>)
        %add3A_345 = arith.constant 4 : i32
        %add3A_346 = arith.addi %mul3A_311, %add3A_345 : i32
        %lt3A = arith.constant 80 : i32
        %lt3A_347 = arith.cmpi slt, %add3A_346, %lt3A : i32
        %convert_element_type3A_348 = arith.extui %lt3A_347 : i1 to i32
        %cond3A_349 = arith.constant 0 : i32
        %cond3A_350 = arith.cmpi ne, %convert_element_type3A_348, %cond3A_349 : i32
        scf.if %cond3A_350 {
          %add3A_437 = arith.constant 4 : i32
          %add3A_438 = arith.addi %mul3A_311, %add3A_437 : i32
          %add3A_439 = arith.addi %mul3A_0, %add3A_438 : i32
          %dma_start3A_440 = arith.constant 0 : i32
          %dma_start3A_441 = arith.constant 0 : i32
          %dma_start3A_442 = arith.constant 0 : i32
          %dma_start3A_443 = tpu.memref_slice %arg8[%dma_start3A_440, %dma_start3A_441, %dma_start3A_442] : memref<4x2x128xi32, #tpu.memory_space<vmem>> -> memref<1x2x128xi32, #tpu.memory_space<vmem>>
          %dma_start3A_444 = tpu.memref_squeeze %dma_start3A_443 : memref<1x2x128xi32, #tpu.memory_space<vmem>> -> memref<2x128xi32, #tpu.memory_space<vmem>>
          %dma_start3A_445 = arith.constant 0 : i32
          %dma_start3A_446 = arith.constant 0 : i32
          %dma_start3A_447 = tpu.memref_slice %arg4[%add3A_439, %dma_start3A_445, %dma_start3A_446] : memref<1280x2x128xi32, #tpu.memory_space<hbm>> -> memref<1x2x128xi32, #tpu.memory_space<hbm>>
          %dma_start3A_448 = tpu.memref_squeeze %dma_start3A_447 : memref<1x2x128xi32, #tpu.memory_space<hbm>> -> memref<2x128xi32, #tpu.memory_space<hbm>>
          %dma_start3A_449 = arith.constant 0 : i32
          %dma_start3A_450 = arith.constant 0 : i32
          %dma_start3A_451 = tpu.memref_slice %arg8[%dma_start3A_440, %dma_start3A_449, %dma_start3A_450] : memref<4x2x128xi32, #tpu.memory_space<vmem>> -> memref<1x2x128xi32, #tpu.memory_space<vmem>>
          %dma_start3A_452 = tpu.memref_squeeze %dma_start3A_451 : memref<1x2x128xi32, #tpu.memory_space<vmem>> -> memref<2x128xi32, #tpu.memory_space<vmem>>
          %dma_start3A_453 = arith.constant 0 : i32
          %dma_start3A_454 = arith.constant 0 : i32
          %dma_start3A_455 = tpu.memref_slice %arg4[%add3A_439, %dma_start3A_453, %dma_start3A_454] : memref<1280x2x128xi32, #tpu.memory_space<hbm>> -> memref<1x2x128xi32, #tpu.memory_space<hbm>>
          %dma_start3A_456 = tpu.memref_squeeze %dma_start3A_455 : memref<1x2x128xi32, #tpu.memory_space<hbm>> -> memref<2x128xi32, #tpu.memory_space<hbm>>
          tpu.enqueue_dma source(%dma_start3A_456 : memref<2x128xi32, #tpu.memory_space<hbm>>) target(%dma_start3A_452 : memref<2x128xi32, #tpu.memory_space<vmem>>) target_semaphore(%arg11 : memref<!tpu.dma_semaphore, #tpu.memory_space<semaphore_mem>>)
        } else {
        }
        %dma_wait3A_351 = arith.constant 0 : i32
        %dma_wait3A_352 = arith.constant 0 : i32
        %dma_wait3A_353 = tpu.memref_slice %arg2[%dma_wait3A_351, %dma_wait3A_352] : memref<10000x128xf32, #tpu.memory_space<hbm>> -> memref<128x128xf32, #tpu.memory_space<hbm>>
        %dma_wait3A_354 = arith.constant 0 : i32
        %dma_wait3A_355 = arith.constant 0 : i32
        %dma_wait3A_356 = tpu.memref_slice %arg2[%dma_wait3A_354, %dma_wait3A_355] : memref<10000x128xf32, #tpu.memory_space<hbm>> -> memref<128x128xf32, #tpu.memory_space<hbm>>
        tpu.wait_dma2 semaphore(%arg16 : memref<!tpu.dma_semaphore, #tpu.memory_space<semaphore_mem>>) src(%dma_wait3A_356 : memref<128x128xf32, #tpu.memory_space<hbm>>) dst(%arg10 : memref<128x128xf32, #tpu.memory_space<vmem>>)
        %run_scoped3A_357 = arith.constant 1 : i32
        %run_scoped3A_358 = arith.constant 1 : i32
        "tpu.region"() ({
          %run_scoped3A_437 = tpu.sem_alloc : memref<!tpu.dma_semaphore, #tpu.memory_space<semaphore_mem>>
          %dma_start3A_438 = arith.constant 0 : i32
          %dma_start3A_439 = tpu.memref_slice %arg8[%run_scoped3A_357, %run_scoped3A_358, %dma_start3A_438] : memref<4x2x128xi32, #tpu.memory_space<vmem>> -> memref<1x1x128xi32, #tpu.memory_space<vmem>>
          %dma_start3A_440 = tpu.memref_squeeze %dma_start3A_439 : memref<1x1x128xi32, #tpu.memory_space<vmem>> -> memref<128xi32, #tpu.memory_space<vmem>>
          %dma_start3A_441 = arith.constant 0 : i32
          %dma_start3A_442 = arith.constant 0 : i32
          %dma_start3A_443 = tpu.memref_slice %arg7[%dma_start3A_441, %dma_start3A_442] : memref<10240x128xf32, #tpu.memory_space<vmem_shared>> -> memref<10240x128xf32, #tpu.memory_space<vmem_shared>>
          tpu.enqueue_indirect_dma source(%arg10 : memref<128x128xf32, #tpu.memory_space<vmem>>) target(%dma_start3A_443 : memref<10240x128xf32, #tpu.memory_space<vmem_shared>>) offsets(%dma_start3A_440 : memref<128xi32, #tpu.memory_space<vmem>>) semaphore(%run_scoped3A_437 : memref<!tpu.dma_semaphore, #tpu.memory_space<semaphore_mem>>) {add = true}
          %dma_wait3A_444 = arith.constant 0 : i32
          %dma_wait3A_445 = tpu.memref_slice %arg8[%run_scoped3A_357, %run_scoped3A_358, %dma_wait3A_444] : memref<4x2x128xi32, #tpu.memory_space<vmem>> -> memref<1x1x128xi32, #tpu.memory_space<vmem>>
          %dma_wait3A_446 = tpu.memref_squeeze %dma_wait3A_445 : memref<1x1x128xi32, #tpu.memory_space<vmem>> -> memref<128xi32, #tpu.memory_space<vmem>>
          %dma_wait3A_447 = arith.constant 0 : i32
          %dma_wait3A_448 = arith.constant 0 : i32
          %dma_wait3A_449 = tpu.memref_slice %arg7[%dma_wait3A_447, %dma_wait3A_448] : memref<10240x128xf32, #tpu.memory_space<vmem_shared>> -> memref<10240x128xf32, #tpu.memory_space<vmem_shared>>
          tpu.wait_indirect_dma semaphore(%run_scoped3A_437 : memref<!tpu.dma_semaphore, #tpu.memory_space<semaphore_mem>>) src(%arg10 : memref<128x128xf32, #tpu.memory_space<vmem>>) dst(%dma_wait3A_449 : memref<10240x128xf32, #tpu.memory_space<vmem_shared>>)
          tpu.yield
        }) : () -> ()
        %dma_wait3A_359 = arith.constant 0 : i32
        %dma_wait3A_360 = arith.constant 3 : i32
        %dma_wait3A_361 = arith.constant 0 : i32
        %dma_wait3A_362 = arith.constant 0 : i32
        %dma_wait3A_363 = tpu.memref_slice %arg8[%dma_wait3A_360, %dma_wait3A_361, %dma_wait3A_362] : memref<4x2x128xi32, #tpu.memory_space<vmem>> -> memref<1x2x128xi32, #tpu.memory_space<vmem>>
        %dma_wait3A_364 = tpu.memref_squeeze %dma_wait3A_363 : memref<1x2x128xi32, #tpu.memory_space<vmem>> -> memref<2x128xi32, #tpu.memory_space<vmem>>
        %dma_wait3A_365 = arith.constant 0 : i32
        %dma_wait3A_366 = arith.constant 0 : i32
        %dma_wait3A_367 = tpu.memref_slice %arg4[%dma_wait3A_359, %dma_wait3A_365, %dma_wait3A_366] : memref<1280x2x128xi32, #tpu.memory_space<hbm>> -> memref<1x2x128xi32, #tpu.memory_space<hbm>>
        %dma_wait3A_368 = tpu.memref_squeeze %dma_wait3A_367 : memref<1x2x128xi32, #tpu.memory_space<hbm>> -> memref<2x128xi32, #tpu.memory_space<hbm>>
        %dma_wait3A_369 = arith.constant 0 : i32
        %dma_wait3A_370 = arith.constant 0 : i32
        %dma_wait3A_371 = tpu.memref_slice %arg8[%dma_wait3A_360, %dma_wait3A_369, %dma_wait3A_370] : memref<4x2x128xi32, #tpu.memory_space<vmem>> -> memref<1x2x128xi32, #tpu.memory_space<vmem>>
        %dma_wait3A_372 = tpu.memref_squeeze %dma_wait3A_371 : memref<1x2x128xi32, #tpu.memory_space<vmem>> -> memref<2x128xi32, #tpu.memory_space<vmem>>
        %dma_wait3A_373 = arith.constant 0 : i32
        %dma_wait3A_374 = arith.constant 0 : i32
        %dma_wait3A_375 = tpu.memref_slice %arg4[%dma_wait3A_359, %dma_wait3A_373, %dma_wait3A_374] : memref<1280x2x128xi32, #tpu.memory_space<hbm>> -> memref<1x2x128xi32, #tpu.memory_space<hbm>>
        %dma_wait3A_376 = tpu.memref_squeeze %dma_wait3A_375 : memref<1x2x128xi32, #tpu.memory_space<hbm>> -> memref<2x128xi32, #tpu.memory_space<hbm>>
        tpu.wait_dma2 semaphore(%arg14 : memref<!tpu.dma_semaphore, #tpu.memory_space<semaphore_mem>>) src(%dma_wait3A_376 : memref<2x128xi32, #tpu.memory_space<hbm>>) dst(%dma_wait3A_372 : memref<2x128xi32, #tpu.memory_space<vmem>>)
        %dma_start3A_377 = arith.constant 3 : i32
        %dma_start3A_378 = arith.constant 0 : i32
        %dma_start3A_379 = arith.constant 0 : i32
        %dma_start3A_380 = tpu.memref_slice %arg8[%dma_start3A_377, %dma_start3A_378, %dma_start3A_379] : memref<4x2x128xi32, #tpu.memory_space<vmem>> -> memref<1x1x128xi32, #tpu.memory_space<vmem>>
        %dma_start3A_381 = tpu.memref_squeeze %dma_start3A_380 : memref<1x1x128xi32, #tpu.memory_space<vmem>> -> memref<128xi32, #tpu.memory_space<vmem>>
        %dma_start3A_382 = arith.constant 0 : i32
        %dma_start3A_383 = arith.constant 0 : i32
        %dma_start3A_384 = tpu.memref_slice %arg2[%dma_start3A_382, %dma_start3A_383] : memref<10000x128xf32, #tpu.memory_space<hbm>> -> memref<10000x128xf32, #tpu.memory_space<hbm>>
        tpu.enqueue_indirect_dma source(%dma_start3A_384 : memref<10000x128xf32, #tpu.memory_space<hbm>>) target(%arg10 : memref<128x128xf32, #tpu.memory_space<vmem>>) offsets(%dma_start3A_381 : memref<128xi32, #tpu.memory_space<vmem>>) semaphore(%arg16 : memref<!tpu.dma_semaphore, #tpu.memory_space<semaphore_mem>>)
        %add3A_385 = arith.constant 5 : i32
        %add3A_386 = arith.addi %mul3A_311, %add3A_385 : i32
        %lt3A_387 = arith.constant 80 : i32
        %lt3A_388 = arith.cmpi slt, %add3A_386, %lt3A_387 : i32
        %convert_element_type3A_389 = arith.extui %lt3A_388 : i1 to i32
        %cond3A_390 = arith.constant 0 : i32
        %cond3A_391 = arith.cmpi ne, %convert_element_type3A_389, %cond3A_390 : i32
        scf.if %cond3A_391 {
          %add3A_437 = arith.constant 5 : i32
          %add3A_438 = arith.addi %mul3A_311, %add3A_437 : i32
          %add3A_439 = arith.addi %mul3A_0, %add3A_438 : i32
          %dma_start3A_440 = arith.constant 1 : i32
          %dma_start3A_441 = arith.constant 0 : i32
          %dma_start3A_442 = arith.constant 0 : i32
          %dma_start3A_443 = tpu.memref_slice %arg8[%dma_start3A_440, %dma_start3A_441, %dma_start3A_442] : memref<4x2x128xi32, #tpu.memory_space<vmem>> -> memref<1x2x128xi32, #tpu.memory_space<vmem>>
          %dma_start3A_444 = tpu.memref_squeeze %dma_start3A_443 : memref<1x2x128xi32, #tpu.memory_space<vmem>> -> memref<2x128xi32, #tpu.memory_space<vmem>>
          %dma_start3A_445 = arith.constant 0 : i32
          %dma_start3A_446 = arith.constant 0 : i32
          %dma_start3A_447 = tpu.memref_slice %arg4[%add3A_439, %dma_start3A_445, %dma_start3A_446] : memref<1280x2x128xi32, #tpu.memory_space<hbm>> -> memref<1x2x128xi32, #tpu.memory_space<hbm>>
          %dma_start3A_448 = tpu.memref_squeeze %dma_start3A_447 : memref<1x2x128xi32, #tpu.memory_space<hbm>> -> memref<2x128xi32, #tpu.memory_space<hbm>>
          %dma_start3A_449 = arith.constant 0 : i32
          %dma_start3A_450 = arith.constant 0 : i32
          %dma_start3A_451 = tpu.memref_slice %arg8[%dma_start3A_440, %dma_start3A_449, %dma_start3A_450] : memref<4x2x128xi32, #tpu.memory_space<vmem>> -> memref<1x2x128xi32, #tpu.memory_space<vmem>>
          %dma_start3A_452 = tpu.memref_squeeze %dma_start3A_451 : memref<1x2x128xi32, #tpu.memory_space<vmem>> -> memref<2x128xi32, #tpu.memory_space<vmem>>
          %dma_start3A_453 = arith.constant 0 : i32
          %dma_start3A_454 = arith.constant 0 : i32
          %dma_start3A_455 = tpu.memref_slice %arg4[%add3A_439, %dma_start3A_453, %dma_start3A_454] : memref<1280x2x128xi32, #tpu.memory_space<hbm>> -> memref<1x2x128xi32, #tpu.memory_space<hbm>>
          %dma_start3A_456 = tpu.memref_squeeze %dma_start3A_455 : memref<1x2x128xi32, #tpu.memory_space<hbm>> -> memref<2x128xi32, #tpu.memory_space<hbm>>
          tpu.enqueue_dma source(%dma_start3A_456 : memref<2x128xi32, #tpu.memory_space<hbm>>) target(%dma_start3A_452 : memref<2x128xi32, #tpu.memory_space<vmem>>) target_semaphore(%arg12 : memref<!tpu.dma_semaphore, #tpu.memory_space<semaphore_mem>>)
        } else {
        }
        %dma_wait3A_392 = arith.constant 0 : i32
        %dma_wait3A_393 = arith.constant 0 : i32
        %dma_wait3A_394 = tpu.memref_slice %arg2[%dma_wait3A_392, %dma_wait3A_393] : memref<10000x128xf32, #tpu.memory_space<hbm>> -> memref<128x128xf32, #tpu.memory_space<hbm>>
        %dma_wait3A_395 = arith.constant 0 : i32
        %dma_wait3A_396 = arith.constant 0 : i32
        %dma_wait3A_397 = tpu.memref_slice %arg2[%dma_wait3A_395, %dma_wait3A_396] : memref<10000x128xf32, #tpu.memory_space<hbm>> -> memref<128x128xf32, #tpu.memory_space<hbm>>
        tpu.wait_dma2 semaphore(%arg15 : memref<!tpu.dma_semaphore, #tpu.memory_space<semaphore_mem>>) src(%dma_wait3A_397 : memref<128x128xf32, #tpu.memory_space<hbm>>) dst(%arg9 : memref<128x128xf32, #tpu.memory_space<vmem>>)
        %run_scoped3A_398 = arith.constant 2 : i32
        %run_scoped3A_399 = arith.constant 1 : i32
        "tpu.region"() ({
          %run_scoped3A_437 = tpu.sem_alloc : memref<!tpu.dma_semaphore, #tpu.memory_space<semaphore_mem>>
          %dma_start3A_438 = arith.constant 0 : i32
          %dma_start3A_439 = tpu.memref_slice %arg8[%run_scoped3A_398, %run_scoped3A_399, %dma_start3A_438] : memref<4x2x128xi32, #tpu.memory_space<vmem>> -> memref<1x1x128xi32, #tpu.memory_space<vmem>>
          %dma_start3A_440 = tpu.memref_squeeze %dma_start3A_439 : memref<1x1x128xi32, #tpu.memory_space<vmem>> -> memref<128xi32, #tpu.memory_space<vmem>>
          %dma_start3A_441 = arith.constant 0 : i32
          %dma_start3A_442 = arith.constant 0 : i32
          %dma_start3A_443 = tpu.memref_slice %arg7[%dma_start3A_441, %dma_start3A_442] : memref<10240x128xf32, #tpu.memory_space<vmem_shared>> -> memref<10240x128xf32, #tpu.memory_space<vmem_shared>>
          tpu.enqueue_indirect_dma source(%arg9 : memref<128x128xf32, #tpu.memory_space<vmem>>) target(%dma_start3A_443 : memref<10240x128xf32, #tpu.memory_space<vmem_shared>>) offsets(%dma_start3A_440 : memref<128xi32, #tpu.memory_space<vmem>>) semaphore(%run_scoped3A_437 : memref<!tpu.dma_semaphore, #tpu.memory_space<semaphore_mem>>) {add = true}
          %dma_wait3A_444 = arith.constant 0 : i32
          %dma_wait3A_445 = tpu.memref_slice %arg8[%run_scoped3A_398, %run_scoped3A_399, %dma_wait3A_444] : memref<4x2x128xi32, #tpu.memory_space<vmem>> -> memref<1x1x128xi32, #tpu.memory_space<vmem>>
          %dma_wait3A_446 = tpu.memref_squeeze %dma_wait3A_445 : memref<1x1x128xi32, #tpu.memory_space<vmem>> -> memref<128xi32, #tpu.memory_space<vmem>>
          %dma_wait3A_447 = arith.constant 0 : i32
          %dma_wait3A_448 = arith.constant 0 : i32
          %dma_wait3A_449 = tpu.memref_slice %arg7[%dma_wait3A_447, %dma_wait3A_448] : memref<10240x128xf32, #tpu.memory_space<vmem_shared>> -> memref<10240x128xf32, #tpu.memory_space<vmem_shared>>
          tpu.wait_indirect_dma semaphore(%run_scoped3A_437 : memref<!tpu.dma_semaphore, #tpu.memory_space<semaphore_mem>>) src(%arg9 : memref<128x128xf32, #tpu.memory_space<vmem>>) dst(%dma_wait3A_449 : memref<10240x128xf32, #tpu.memory_space<vmem_shared>>)
          tpu.yield
        }) : () -> ()
        %add3A_400 = arith.constant 4 : i32
        %add3A_401 = arith.addi %mul3A_311, %add3A_400 : i32
        %lt3A_402 = arith.constant 80 : i32
        %lt3A_403 = arith.cmpi slt, %add3A_401, %lt3A_402 : i32
        %convert_element_type3A_404 = arith.extui %lt3A_403 : i1 to i32
        %cond3A_405 = arith.constant 0 : i32
        %cond3A_406 = arith.cmpi ne, %convert_element_type3A_404, %cond3A_405 : i32
        scf.if %cond3A_406 {
          %dma_wait3A_437 = arith.constant 0 : i32
          %dma_wait3A_438 = arith.constant 0 : i32
          %dma_wait3A_439 = arith.constant 0 : i32
          %dma_wait3A_440 = arith.constant 0 : i32
          %dma_wait3A_441 = tpu.memref_slice %arg8[%dma_wait3A_438, %dma_wait3A_439, %dma_wait3A_440] : memref<4x2x128xi32, #tpu.memory_space<vmem>> -> memref<1x2x128xi32, #tpu.memory_space<vmem>>
          %dma_wait3A_442 = tpu.memref_squeeze %dma_wait3A_441 : memref<1x2x128xi32, #tpu.memory_space<vmem>> -> memref<2x128xi32, #tpu.memory_space<vmem>>
          %dma_wait3A_443 = arith.constant 0 : i32
          %dma_wait3A_444 = arith.constant 0 : i32
          %dma_wait3A_445 = tpu.memref_slice %arg4[%dma_wait3A_437, %dma_wait3A_443, %dma_wait3A_444] : memref<1280x2x128xi32, #tpu.memory_space<hbm>> -> memref<1x2x128xi32, #tpu.memory_space<hbm>>
          %dma_wait3A_446 = tpu.memref_squeeze %dma_wait3A_445 : memref<1x2x128xi32, #tpu.memory_space<hbm>> -> memref<2x128xi32, #tpu.memory_space<hbm>>
          %dma_wait3A_447 = arith.constant 0 : i32
          %dma_wait3A_448 = arith.constant 0 : i32
          %dma_wait3A_449 = tpu.memref_slice %arg8[%dma_wait3A_438, %dma_wait3A_447, %dma_wait3A_448] : memref<4x2x128xi32, #tpu.memory_space<vmem>> -> memref<1x2x128xi32, #tpu.memory_space<vmem>>
          %dma_wait3A_450 = tpu.memref_squeeze %dma_wait3A_449 : memref<1x2x128xi32, #tpu.memory_space<vmem>> -> memref<2x128xi32, #tpu.memory_space<vmem>>
          %dma_wait3A_451 = arith.constant 0 : i32
          %dma_wait3A_452 = arith.constant 0 : i32
          %dma_wait3A_453 = tpu.memref_slice %arg4[%dma_wait3A_437, %dma_wait3A_451, %dma_wait3A_452] : memref<1280x2x128xi32, #tpu.memory_space<hbm>> -> memref<1x2x128xi32, #tpu.memory_space<hbm>>
          %dma_wait3A_454 = tpu.memref_squeeze %dma_wait3A_453 : memref<1x2x128xi32, #tpu.memory_space<hbm>> -> memref<2x128xi32, #tpu.memory_space<hbm>>
          tpu.wait_dma2 semaphore(%arg11 : memref<!tpu.dma_semaphore, #tpu.memory_space<semaphore_mem>>) src(%dma_wait3A_454 : memref<2x128xi32, #tpu.memory_space<hbm>>) dst(%dma_wait3A_450 : memref<2x128xi32, #tpu.memory_space<vmem>>)
          %dma_start3A_455 = arith.constant 0 : i32
          %dma_start3A_456 = arith.constant 0 : i32
          %dma_start3A_457 = arith.constant 0 : i32
          %dma_start3A_458 = tpu.memref_slice %arg8[%dma_start3A_455, %dma_start3A_456, %dma_start3A_457] : memref<4x2x128xi32, #tpu.memory_space<vmem>> -> memref<1x1x128xi32, #tpu.memory_space<vmem>>
          %dma_start3A_459 = tpu.memref_squeeze %dma_start3A_458 : memref<1x1x128xi32, #tpu.memory_space<vmem>> -> memref<128xi32, #tpu.memory_space<vmem>>
          %dma_start3A_460 = arith.constant 0 : i32
          %dma_start3A_461 = arith.constant 0 : i32
          %dma_start3A_462 = tpu.memref_slice %arg2[%dma_start3A_460, %dma_start3A_461] : memref<10000x128xf32, #tpu.memory_space<hbm>> -> memref<10000x128xf32, #tpu.memory_space<hbm>>
          tpu.enqueue_indirect_dma source(%dma_start3A_462 : memref<10000x128xf32, #tpu.memory_space<hbm>>) target(%arg9 : memref<128x128xf32, #tpu.memory_space<vmem>>) offsets(%dma_start3A_459 : memref<128xi32, #tpu.memory_space<vmem>>) semaphore(%arg15 : memref<!tpu.dma_semaphore, #tpu.memory_space<semaphore_mem>>)
        } else {
        }
        %add3A_407 = arith.constant 6 : i32
        %add3A_408 = arith.addi %mul3A_311, %add3A_407 : i32
        %lt3A_409 = arith.constant 80 : i32
        %lt3A_410 = arith.cmpi slt, %add3A_408, %lt3A_409 : i32
        %convert_element_type3A_411 = arith.extui %lt3A_410 : i1 to i32
        %cond3A_412 = arith.constant 0 : i32
        %cond3A_413 = arith.cmpi ne, %convert_element_type3A_411, %cond3A_412 : i32
        scf.if %cond3A_413 {
          %add3A_437 = arith.constant 6 : i32
          %add3A_438 = arith.addi %mul3A_311, %add3A_437 : i32
          %add3A_439 = arith.addi %mul3A_0, %add3A_438 : i32
          %dma_start3A_440 = arith.constant 2 : i32
          %dma_start3A_441 = arith.constant 0 : i32
          %dma_start3A_442 = arith.constant 0 : i32
          %dma_start3A_443 = tpu.memref_slice %arg8[%dma_start3A_440, %dma_start3A_441, %dma_start3A_442] : memref<4x2x128xi32, #tpu.memory_space<vmem>> -> memref<1x2x128xi32, #tpu.memory_space<vmem>>
          %dma_start3A_444 = tpu.memref_squeeze %dma_start3A_443 : memref<1x2x128xi32, #tpu.memory_space<vmem>> -> memref<2x128xi32, #tpu.memory_space<vmem>>
          %dma_start3A_445 = arith.constant 0 : i32
          %dma_start3A_446 = arith.constant 0 : i32
          %dma_start3A_447 = tpu.memref_slice %arg4[%add3A_439, %dma_start3A_445, %dma_start3A_446] : memref<1280x2x128xi32, #tpu.memory_space<hbm>> -> memref<1x2x128xi32, #tpu.memory_space<hbm>>
          %dma_start3A_448 = tpu.memref_squeeze %dma_start3A_447 : memref<1x2x128xi32, #tpu.memory_space<hbm>> -> memref<2x128xi32, #tpu.memory_space<hbm>>
          %dma_start3A_449 = arith.constant 0 : i32
          %dma_start3A_450 = arith.constant 0 : i32
          %dma_start3A_451 = tpu.memref_slice %arg8[%dma_start3A_440, %dma_start3A_449, %dma_start3A_450] : memref<4x2x128xi32, #tpu.memory_space<vmem>> -> memref<1x2x128xi32, #tpu.memory_space<vmem>>
          %dma_start3A_452 = tpu.memref_squeeze %dma_start3A_451 : memref<1x2x128xi32, #tpu.memory_space<vmem>> -> memref<2x128xi32, #tpu.memory_space<vmem>>
          %dma_start3A_453 = arith.constant 0 : i32
          %dma_start3A_454 = arith.constant 0 : i32
          %dma_start3A_455 = tpu.memref_slice %arg4[%add3A_439, %dma_start3A_453, %dma_start3A_454] : memref<1280x2x128xi32, #tpu.memory_space<hbm>> -> memref<1x2x128xi32, #tpu.memory_space<hbm>>
          %dma_start3A_456 = tpu.memref_squeeze %dma_start3A_455 : memref<1x2x128xi32, #tpu.memory_space<hbm>> -> memref<2x128xi32, #tpu.memory_space<hbm>>
          tpu.enqueue_dma source(%dma_start3A_456 : memref<2x128xi32, #tpu.memory_space<hbm>>) target(%dma_start3A_452 : memref<2x128xi32, #tpu.memory_space<vmem>>) target_semaphore(%arg13 : memref<!tpu.dma_semaphore, #tpu.memory_space<semaphore_mem>>)
        } else {
        }
        %dma_wait3A_414 = arith.constant 0 : i32
        %dma_wait3A_415 = arith.constant 0 : i32
        %dma_wait3A_416 = tpu.memref_slice %arg2[%dma_wait3A_414, %dma_wait3A_415] : memref<10000x128xf32, #tpu.memory_space<hbm>> -> memref<128x128xf32, #tpu.memory_space<hbm>>
        %dma_wait3A_417 = arith.constant 0 : i32
        %dma_wait3A_418 = arith.constant 0 : i32
        %dma_wait3A_419 = tpu.memref_slice %arg2[%dma_wait3A_417, %dma_wait3A_418] : memref<10000x128xf32, #tpu.memory_space<hbm>> -> memref<128x128xf32, #tpu.memory_space<hbm>>
        tpu.wait_dma2 semaphore(%arg16 : memref<!tpu.dma_semaphore, #tpu.memory_space<semaphore_mem>>) src(%dma_wait3A_419 : memref<128x128xf32, #tpu.memory_space<hbm>>) dst(%arg10 : memref<128x128xf32, #tpu.memory_space<vmem>>)
        %run_scoped3A_420 = arith.constant 3 : i32
        %run_scoped3A_421 = arith.constant 1 : i32
        "tpu.region"() ({
          %run_scoped3A_437 = tpu.sem_alloc : memref<!tpu.dma_semaphore, #tpu.memory_space<semaphore_mem>>
          %dma_start3A_438 = arith.constant 0 : i32
          %dma_start3A_439 = tpu.memref_slice %arg8[%run_scoped3A_420, %run_scoped3A_421, %dma_start3A_438] : memref<4x2x128xi32, #tpu.memory_space<vmem>> -> memref<1x1x128xi32, #tpu.memory_space<vmem>>
          %dma_start3A_440 = tpu.memref_squeeze %dma_start3A_439 : memref<1x1x128xi32, #tpu.memory_space<vmem>> -> memref<128xi32, #tpu.memory_space<vmem>>
          %dma_start3A_441 = arith.constant 0 : i32
          %dma_start3A_442 = arith.constant 0 : i32
          %dma_start3A_443 = tpu.memref_slice %arg7[%dma_start3A_441, %dma_start3A_442] : memref<10240x128xf32, #tpu.memory_space<vmem_shared>> -> memref<10240x128xf32, #tpu.memory_space<vmem_shared>>
          tpu.enqueue_indirect_dma source(%arg10 : memref<128x128xf32, #tpu.memory_space<vmem>>) target(%dma_start3A_443 : memref<10240x128xf32, #tpu.memory_space<vmem_shared>>) offsets(%dma_start3A_440 : memref<128xi32, #tpu.memory_space<vmem>>) semaphore(%run_scoped3A_437 : memref<!tpu.dma_semaphore, #tpu.memory_space<semaphore_mem>>) {add = true}
          %dma_wait3A_444 = arith.constant 0 : i32
          %dma_wait3A_445 = tpu.memref_slice %arg8[%run_scoped3A_420, %run_scoped3A_421, %dma_wait3A_444] : memref<4x2x128xi32, #tpu.memory_space<vmem>> -> memref<1x1x128xi32, #tpu.memory_space<vmem>>
          %dma_wait3A_446 = tpu.memref_squeeze %dma_wait3A_445 : memref<1x1x128xi32, #tpu.memory_space<vmem>> -> memref<128xi32, #tpu.memory_space<vmem>>
          %dma_wait3A_447 = arith.constant 0 : i32
          %dma_wait3A_448 = arith.constant 0 : i32
          %dma_wait3A_449 = tpu.memref_slice %arg7[%dma_wait3A_447, %dma_wait3A_448] : memref<10240x128xf32, #tpu.memory_space<vmem_shared>> -> memref<10240x128xf32, #tpu.memory_space<vmem_shared>>
          tpu.wait_indirect_dma semaphore(%run_scoped3A_437 : memref<!tpu.dma_semaphore, #tpu.memory_space<semaphore_mem>>) src(%arg10 : memref<128x128xf32, #tpu.memory_space<vmem>>) dst(%dma_wait3A_449 : memref<10240x128xf32, #tpu.memory_space<vmem_shared>>)
          tpu.yield
        }) : () -> ()
        %add3A_422 = arith.constant 5 : i32
        %add3A_423 = arith.addi %mul3A_311, %add3A_422 : i32
        %lt3A_424 = arith.constant 80 : i32
        %lt3A_425 = arith.cmpi slt, %add3A_423, %lt3A_424 : i32
        %convert_element_type3A_426 = arith.extui %lt3A_425 : i1 to i32
        %cond3A_427 = arith.constant 0 : i32
        %cond3A_428 = arith.cmpi ne, %convert_element_type3A_426, %cond3A_427 : i32
        scf.if %cond3A_428 {
          %dma_wait3A_437 = arith.constant 0 : i32
          %dma_wait3A_438 = arith.constant 1 : i32
          %dma_wait3A_439 = arith.constant 0 : i32
          %dma_wait3A_440 = arith.constant 0 : i32
          %dma_wait3A_441 = tpu.memref_slice %arg8[%dma_wait3A_438, %dma_wait3A_439, %dma_wait3A_440] : memref<4x2x128xi32, #tpu.memory_space<vmem>> -> memref<1x2x128xi32, #tpu.memory_space<vmem>>
          %dma_wait3A_442 = tpu.memref_squeeze %dma_wait3A_441 : memref<1x2x128xi32, #tpu.memory_space<vmem>> -> memref<2x128xi32, #tpu.memory_space<vmem>>
          %dma_wait3A_443 = arith.constant 0 : i32
          %dma_wait3A_444 = arith.constant 0 : i32
          %dma_wait3A_445 = tpu.memref_slice %arg4[%dma_wait3A_437, %dma_wait3A_443, %dma_wait3A_444] : memref<1280x2x128xi32, #tpu.memory_space<hbm>> -> memref<1x2x128xi32, #tpu.memory_space<hbm>>
          %dma_wait3A_446 = tpu.memref_squeeze %dma_wait3A_445 : memref<1x2x128xi32, #tpu.memory_space<hbm>> -> memref<2x128xi32, #tpu.memory_space<hbm>>
          %dma_wait3A_447 = arith.constant 0 : i32
          %dma_wait3A_448 = arith.constant 0 : i32
          %dma_wait3A_449 = tpu.memref_slice %arg8[%dma_wait3A_438, %dma_wait3A_447, %dma_wait3A_448] : memref<4x2x128xi32, #tpu.memory_space<vmem>> -> memref<1x2x128xi32, #tpu.memory_space<vmem>>
          %dma_wait3A_450 = tpu.memref_squeeze %dma_wait3A_449 : memref<1x2x128xi32, #tpu.memory_space<vmem>> -> memref<2x128xi32, #tpu.memory_space<vmem>>
          %dma_wait3A_451 = arith.constant 0 : i32
          %dma_wait3A_452 = arith.constant 0 : i32
          %dma_wait3A_453 = tpu.memref_slice %arg4[%dma_wait3A_437, %dma_wait3A_451, %dma_wait3A_452] : memref<1280x2x128xi32, #tpu.memory_space<hbm>> -> memref<1x2x128xi32, #tpu.memory_space<hbm>>
          %dma_wait3A_454 = tpu.memref_squeeze %dma_wait3A_453 : memref<1x2x128xi32, #tpu.memory_space<hbm>> -> memref<2x128xi32, #tpu.memory_space<hbm>>
          tpu.wait_dma2 semaphore(%arg12 : memref<!tpu.dma_semaphore, #tpu.memory_space<semaphore_mem>>) src(%dma_wait3A_454 : memref<2x128xi32, #tpu.memory_space<hbm>>) dst(%dma_wait3A_450 : memref<2x128xi32, #tpu.memory_space<vmem>>)
          %dma_start3A_455 = arith.constant 1 : i32
          %dma_start3A_456 = arith.constant 0 : i32
          %dma_start3A_457 = arith.constant 0 : i32
          %dma_start3A_458 = tpu.memref_slice %arg8[%dma_start3A_455, %dma_start3A_456, %dma_start3A_457] : memref<4x2x128xi32, #tpu.memory_space<vmem>> -> memref<1x1x128xi32, #tpu.memory_space<vmem>>
          %dma_start3A_459 = tpu.memref_squeeze %dma_start3A_458 : memref<1x1x128xi32, #tpu.memory_space<vmem>> -> memref<128xi32, #tpu.memory_space<vmem>>
          %dma_start3A_460 = arith.constant 0 : i32
          %dma_start3A_461 = arith.constant 0 : i32
          %dma_start3A_462 = tpu.memref_slice %arg2[%dma_start3A_460, %dma_start3A_461] : memref<10000x128xf32, #tpu.memory_space<hbm>> -> memref<10000x128xf32, #tpu.memory_space<hbm>>
          tpu.enqueue_indirect_dma source(%dma_start3A_462 : memref<10000x128xf32, #tpu.memory_space<hbm>>) target(%arg10 : memref<128x128xf32, #tpu.memory_space<vmem>>) offsets(%dma_start3A_459 : memref<128xi32, #tpu.memory_space<vmem>>) semaphore(%arg16 : memref<!tpu.dma_semaphore, #tpu.memory_space<semaphore_mem>>)
        } else {
        }
        %add3A_429 = arith.constant 7 : i32
        %add3A_430 = arith.addi %mul3A_311, %add3A_429 : i32
        %lt3A_431 = arith.constant 80 : i32
        %lt3A_432 = arith.cmpi slt, %add3A_430, %lt3A_431 : i32
        %convert_element_type3A_433 = arith.extui %lt3A_432 : i1 to i32
        %cond3A_434 = arith.constant 0 : i32
        %cond3A_435 = arith.cmpi ne, %convert_element_type3A_433, %cond3A_434 : i32
        scf.if %cond3A_435 {
          %add3A_437 = arith.constant 7 : i32
          %add3A_438 = arith.addi %mul3A_311, %add3A_437 : i32
          %add3A_439 = arith.addi %mul3A_0, %add3A_438 : i32
          %dma_start3A_440 = arith.constant 3 : i32
          %dma_start3A_441 = arith.constant 0 : i32
          %dma_start3A_442 = arith.constant 0 : i32
          %dma_start3A_443 = tpu.memref_slice %arg8[%dma_start3A_440, %dma_start3A_441, %dma_start3A_442] : memref<4x2x128xi32, #tpu.memory_space<vmem>> -> memref<1x2x128xi32, #tpu.memory_space<vmem>>
          %dma_start3A_444 = tpu.memref_squeeze %dma_start3A_443 : memref<1x2x128xi32, #tpu.memory_space<vmem>> -> memref<2x128xi32, #tpu.memory_space<vmem>>
          %dma_start3A_445 = arith.constant 0 : i32
          %dma_start3A_446 = arith.constant 0 : i32
          %dma_start3A_447 = tpu.memref_slice %arg4[%add3A_439, %dma_start3A_445, %dma_start3A_446] : memref<1280x2x128xi32, #tpu.memory_space<hbm>> -> memref<1x2x128xi32, #tpu.memory_space<hbm>>
          %dma_start3A_448 = tpu.memref_squeeze %dma_start3A_447 : memref<1x2x128xi32, #tpu.memory_space<hbm>> -> memref<2x128xi32, #tpu.memory_space<hbm>>
          %dma_start3A_449 = arith.constant 0 : i32
          %dma_start3A_450 = arith.constant 0 : i32
          %dma_start3A_451 = tpu.memref_slice %arg8[%dma_start3A_440, %dma_start3A_449, %dma_start3A_450] : memref<4x2x128xi32, #tpu.memory_space<vmem>> -> memref<1x2x128xi32, #tpu.memory_space<vmem>>
          %dma_start3A_452 = tpu.memref_squeeze %dma_start3A_451 : memref<1x2x128xi32, #tpu.memory_space<vmem>> -> memref<2x128xi32, #tpu.memory_space<vmem>>
          %dma_start3A_453 = arith.constant 0 : i32
          %dma_start3A_454 = arith.constant 0 : i32
          %dma_start3A_455 = tpu.memref_slice %arg4[%add3A_439, %dma_start3A_453, %dma_start3A_454] : memref<1280x2x128xi32, #tpu.memory_space<hbm>> -> memref<1x2x128xi32, #tpu.memory_space<hbm>>
          %dma_start3A_456 = tpu.memref_squeeze %dma_start3A_455 : memref<1x2x128xi32, #tpu.memory_space<hbm>> -> memref<2x128xi32, #tpu.memory_space<hbm>>
          tpu.enqueue_dma source(%dma_start3A_456 : memref<2x128xi32, #tpu.memory_space<hbm>>) target(%dma_start3A_452 : memref<2x128xi32, #tpu.memory_space<vmem>>) target_semaphore(%arg14 : memref<!tpu.dma_semaphore, #tpu.memory_space<semaphore_mem>>)
        } else {
        }
        %scan3A_436 = arith.constant 0 : i32
        scf.yield %scan3A_436 : i32
      }
      %scan3A_206 = arith.constant 20 : i32
      %barrier3A_207 = arith.constant 0 : index
      tpu.barrier barrier_id(%barrier3A_207)
      %mul3A_208 = arith.constant 640 : i32
      %mul3A_209 = arith.muli %arg1, %mul3A_208 : i32
      %add3A_210 = arith.constant 0 : i32
      %add3A_211 = arith.addi %mul3A_209, %add3A_210 : i32
      %dma_start3A_212 = arith.constant 0 : i32
      %dma_start3A_213 = tpu.memref_slice %arg7[%add3A_211, %dma_start3A_212] : memref<10240x128xf32, #tpu.memory_space<vmem_shared>> -> memref<128x128xf32, #tpu.memory_space<vmem_shared>>
      %dma_start3A_214 = arith.constant 0 : i32
      %dma_start3A_215 = tpu.memref_slice %arg7[%add3A_211, %dma_start3A_214] : memref<10240x128xf32, #tpu.memory_space<vmem_shared>> -> memref<128x128xf32, #tpu.memory_space<vmem_shared>>
      tpu.enqueue_dma source(%dma_start3A_215 : memref<128x128xf32, #tpu.memory_space<vmem_shared>>) target(%arg9 : memref<128x128xf32, #tpu.memory_space<vmem>>) target_semaphore(%arg15 : memref<!tpu.dma_semaphore, #tpu.memory_space<semaphore_mem>>)
      %mul3A_216 = arith.constant 640 : i32
      %mul3A_217 = arith.muli %arg1, %mul3A_216 : i32
      %add3A_218 = arith.constant 0 : i32
      %add3A_219 = arith.addi %mul3A_217, %add3A_218 : i32
      %dma_wait3A_220 = arith.constant 0 : i32
      %dma_wait3A_221 = tpu.memref_slice %arg7[%add3A_219, %dma_wait3A_220] : memref<10240x128xf32, #tpu.memory_space<vmem_shared>> -> memref<128x128xf32, #tpu.memory_space<vmem_shared>>
      %dma_wait3A_222 = arith.constant 0 : i32
      %dma_wait3A_223 = tpu.memref_slice %arg7[%add3A_219, %dma_wait3A_222] : memref<10240x128xf32, #tpu.memory_space<vmem_shared>> -> memref<128x128xf32, #tpu.memory_space<vmem_shared>>
      tpu.wait_dma2 semaphore(%arg15 : memref<!tpu.dma_semaphore, #tpu.memory_space<semaphore_mem>>) src(%dma_wait3A_223 : memref<128x128xf32, #tpu.memory_space<vmem_shared>>) dst(%arg9 : memref<128x128xf32, #tpu.memory_space<vmem>>)
      %mul3A_224 = arith.constant 640 : i32
      %mul3A_225 = arith.muli %arg1, %mul3A_224 : i32
      %add3A_226 = arith.constant 128 : i32
      %add3A_227 = arith.addi %mul3A_225, %add3A_226 : i32
      %dma_start3A_228 = arith.constant 0 : i32
      %dma_start3A_229 = tpu.memref_slice %arg7[%add3A_227, %dma_start3A_228] : memref<10240x128xf32, #tpu.memory_space<vmem_shared>> -> memref<128x128xf32, #tpu.memory_space<vmem_shared>>
      %dma_start3A_230 = arith.constant 0 : i32
      %dma_start3A_231 = tpu.memref_slice %arg7[%add3A_227, %dma_start3A_230] : memref<10240x128xf32, #tpu.memory_space<vmem_shared>> -> memref<128x128xf32, #tpu.memory_space<vmem_shared>>
      tpu.enqueue_dma source(%dma_start3A_231 : memref<128x128xf32, #tpu.memory_space<vmem_shared>>) target(%arg10 : memref<128x128xf32, #tpu.memory_space<vmem>>) target_semaphore(%arg16 : memref<!tpu.dma_semaphore, #tpu.memory_space<semaphore_mem>>)
      %mul3A_232 = arith.constant 640 : i32
      %mul3A_233 = arith.muli %arg1, %mul3A_232 : i32
      %add3A_234 = arith.constant 0 : i32
      %add3A_235 = arith.addi %mul3A_233, %add3A_234 : i32
      "tpu.region"() ({
        %run_scoped3A = tpu.sem_alloc : memref<!tpu.dma_semaphore, #tpu.memory_space<semaphore_mem>>
        %dma_start3A_308 = arith.constant 0 : i32
        %dma_start3A_309 = tpu.memref_slice %arg5[%add3A_235, %dma_start3A_308] : memref<10240x128xf32, #tpu.memory_space<hbm>> -> memref<128x128xf32, #tpu.memory_space<hbm>>
        %dma_start3A_310 = arith.constant 0 : i32
        %dma_start3A_311 = tpu.memref_slice %arg5[%add3A_235, %dma_start3A_310] : memref<10240x128xf32, #tpu.memory_space<hbm>> -> memref<128x128xf32, #tpu.memory_space<hbm>>
        tpu.enqueue_dma source(%arg9 : memref<128x128xf32, #tpu.memory_space<vmem>>) target(%dma_start3A_311 : memref<128x128xf32, #tpu.memory_space<hbm>>) target_semaphore(%run_scoped3A : memref<!tpu.dma_semaphore, #tpu.memory_space<semaphore_mem>>)
        %dma_wait3A_312 = arith.constant 0 : i32
        %dma_wait3A_313 = tpu.memref_slice %arg5[%add3A_235, %dma_wait3A_312] : memref<10240x128xf32, #tpu.memory_space<hbm>> -> memref<128x128xf32, #tpu.memory_space<hbm>>
        %dma_wait3A_314 = arith.constant 0 : i32
        %dma_wait3A_315 = tpu.memref_slice %arg5[%add3A_235, %dma_wait3A_314] : memref<10240x128xf32, #tpu.memory_space<hbm>> -> memref<128x128xf32, #tpu.memory_space<hbm>>
        tpu.wait_dma2 semaphore(%run_scoped3A : memref<!tpu.dma_semaphore, #tpu.memory_space<semaphore_mem>>) src(%arg9 : memref<128x128xf32, #tpu.memory_space<vmem>>) dst(%dma_wait3A_315 : memref<128x128xf32, #tpu.memory_space<hbm>>)
        tpu.yield
      }) : () -> ()
      %mul3A_236 = arith.constant 640 : i32
      %mul3A_237 = arith.muli %arg1, %mul3A_236 : i32
      %add3A_238 = arith.constant 128 : i32
      %add3A_239 = arith.addi %mul3A_237, %add3A_238 : i32
      %dma_wait3A_240 = arith.constant 0 : i32
      %dma_wait3A_241 = tpu.memref_slice %arg7[%add3A_239, %dma_wait3A_240] : memref<10240x128xf32, #tpu.memory_space<vmem_shared>> -> memref<128x128xf32, #tpu.memory_space<vmem_shared>>
      %dma_wait3A_242 = arith.constant 0 : i32
      %dma_wait3A_243 = tpu.memref_slice %arg7[%add3A_239, %dma_wait3A_242] : memref<10240x128xf32, #tpu.memory_space<vmem_shared>> -> memref<128x128xf32, #tpu.memory_space<vmem_shared>>
      tpu.wait_dma2 semaphore(%arg16 : memref<!tpu.dma_semaphore, #tpu.memory_space<semaphore_mem>>) src(%dma_wait3A_243 : memref<128x128xf32, #tpu.memory_space<vmem_shared>>) dst(%arg10 : memref<128x128xf32, #tpu.memory_space<vmem>>)
      %mul3A_244 = arith.constant 640 : i32
      %mul3A_245 = arith.muli %arg1, %mul3A_244 : i32
      %add3A_246 = arith.constant 256 : i32
      %add3A_247 = arith.addi %mul3A_245, %add3A_246 : i32
      %dma_start3A_248 = arith.constant 0 : i32
      %dma_start3A_249 = tpu.memref_slice %arg7[%add3A_247, %dma_start3A_248] : memref<10240x128xf32, #tpu.memory_space<vmem_shared>> -> memref<128x128xf32, #tpu.memory_space<vmem_shared>>
      %dma_start3A_250 = arith.constant 0 : i32
      %dma_start3A_251 = tpu.memref_slice %arg7[%add3A_247, %dma_start3A_250] : memref<10240x128xf32, #tpu.memory_space<vmem_shared>> -> memref<128x128xf32, #tpu.memory_space<vmem_shared>>
      tpu.enqueue_dma source(%dma_start3A_251 : memref<128x128xf32, #tpu.memory_space<vmem_shared>>) target(%arg9 : memref<128x128xf32, #tpu.memory_space<vmem>>) target_semaphore(%arg15 : memref<!tpu.dma_semaphore, #tpu.memory_space<semaphore_mem>>)
      %mul3A_252 = arith.constant 640 : i32
      %mul3A_253 = arith.muli %arg1, %mul3A_252 : i32
      %add3A_254 = arith.constant 128 : i32
      %add3A_255 = arith.addi %mul3A_253, %add3A_254 : i32
      "tpu.region"() ({
        %run_scoped3A = tpu.sem_alloc : memref<!tpu.dma_semaphore, #tpu.memory_space<semaphore_mem>>
        %dma_start3A_308 = arith.constant 0 : i32
        %dma_start3A_309 = tpu.memref_slice %arg5[%add3A_255, %dma_start3A_308] : memref<10240x128xf32, #tpu.memory_space<hbm>> -> memref<128x128xf32, #tpu.memory_space<hbm>>
        %dma_start3A_310 = arith.constant 0 : i32
        %dma_start3A_311 = tpu.memref_slice %arg5[%add3A_255, %dma_start3A_310] : memref<10240x128xf32, #tpu.memory_space<hbm>> -> memref<128x128xf32, #tpu.memory_space<hbm>>
        tpu.enqueue_dma source(%arg10 : memref<128x128xf32, #tpu.memory_space<vmem>>) target(%dma_start3A_311 : memref<128x128xf32, #tpu.memory_space<hbm>>) target_semaphore(%run_scoped3A : memref<!tpu.dma_semaphore, #tpu.memory_space<semaphore_mem>>)
        %dma_wait3A_312 = arith.constant 0 : i32
        %dma_wait3A_313 = tpu.memref_slice %arg5[%add3A_255, %dma_wait3A_312] : memref<10240x128xf32, #tpu.memory_space<hbm>> -> memref<128x128xf32, #tpu.memory_space<hbm>>
        %dma_wait3A_314 = arith.constant 0 : i32
        %dma_wait3A_315 = tpu.memref_slice %arg5[%add3A_255, %dma_wait3A_314] : memref<10240x128xf32, #tpu.memory_space<hbm>> -> memref<128x128xf32, #tpu.memory_space<hbm>>
        tpu.wait_dma2 semaphore(%run_scoped3A : memref<!tpu.dma_semaphore, #tpu.memory_space<semaphore_mem>>) src(%arg10 : memref<128x128xf32, #tpu.memory_space<vmem>>) dst(%dma_wait3A_315 : memref<128x128xf32, #tpu.memory_space<hbm>>)
        tpu.yield
      }) : () -> ()
      %mul3A_256 = arith.constant 640 : i32
      %mul3A_257 = arith.muli %arg1, %mul3A_256 : i32
      %add3A_258 = arith.constant 256 : i32
      %add3A_259 = arith.addi %mul3A_257, %add3A_258 : i32
      %dma_wait3A_260 = arith.constant 0 : i32
      %dma_wait3A_261 = tpu.memref_slice %arg7[%add3A_259, %dma_wait3A_260] : memref<10240x128xf32, #tpu.memory_space<vmem_shared>> -> memref<128x128xf32, #tpu.memory_space<vmem_shared>>
      %dma_wait3A_262 = arith.constant 0 : i32
      %dma_wait3A_263 = tpu.memref_slice %arg7[%add3A_259, %dma_wait3A_262] : memref<10240x128xf32, #tpu.memory_space<vmem_shared>> -> memref<128x128xf32, #tpu.memory_space<vmem_shared>>
      tpu.wait_dma2 semaphore(%arg15 : memref<!tpu.dma_semaphore, #tpu.memory_space<semaphore_mem>>) src(%dma_wait3A_263 : memref<128x128xf32, #tpu.memory_space<vmem_shared>>) dst(%arg9 : memref<128x128xf32, #tpu.memory_space<vmem>>)
      %mul3A_264 = arith.constant 640 : i32
      %mul3A_265 = arith.muli %arg1, %mul3A_264 : i32
      %add3A_266 = arith.constant 384 : i32
      %add3A_267 = arith.addi %mul3A_265, %add3A_266 : i32
      %dma_start3A_268 = arith.constant 0 : i32
      %dma_start3A_269 = tpu.memref_slice %arg7[%add3A_267, %dma_start3A_268] : memref<10240x128xf32, #tpu.memory_space<vmem_shared>> -> memref<128x128xf32, #tpu.memory_space<vmem_shared>>
      %dma_start3A_270 = arith.constant 0 : i32
      %dma_start3A_271 = tpu.memref_slice %arg7[%add3A_267, %dma_start3A_270] : memref<10240x128xf32, #tpu.memory_space<vmem_shared>> -> memref<128x128xf32, #tpu.memory_space<vmem_shared>>
      tpu.enqueue_dma source(%dma_start3A_271 : memref<128x128xf32, #tpu.memory_space<vmem_shared>>) target(%arg10 : memref<128x128xf32, #tpu.memory_space<vmem>>) target_semaphore(%arg16 : memref<!tpu.dma_semaphore, #tpu.memory_space<semaphore_mem>>)
      %mul3A_272 = arith.constant 640 : i32
      %mul3A_273 = arith.muli %arg1, %mul3A_272 : i32
      %add3A_274 = arith.constant 256 : i32
      %add3A_275 = arith.addi %mul3A_273, %add3A_274 : i32
      "tpu.region"() ({
        %run_scoped3A = tpu.sem_alloc : memref<!tpu.dma_semaphore, #tpu.memory_space<semaphore_mem>>
        %dma_start3A_308 = arith.constant 0 : i32
        %dma_start3A_309 = tpu.memref_slice %arg5[%add3A_275, %dma_start3A_308] : memref<10240x128xf32, #tpu.memory_space<hbm>> -> memref<128x128xf32, #tpu.memory_space<hbm>>
        %dma_start3A_310 = arith.constant 0 : i32
        %dma_start3A_311 = tpu.memref_slice %arg5[%add3A_275, %dma_start3A_310] : memref<10240x128xf32, #tpu.memory_space<hbm>> -> memref<128x128xf32, #tpu.memory_space<hbm>>
        tpu.enqueue_dma source(%arg9 : memref<128x128xf32, #tpu.memory_space<vmem>>) target(%dma_start3A_311 : memref<128x128xf32, #tpu.memory_space<hbm>>) target_semaphore(%run_scoped3A : memref<!tpu.dma_semaphore, #tpu.memory_space<semaphore_mem>>)
        %dma_wait3A_312 = arith.constant 0 : i32
        %dma_wait3A_313 = tpu.memref_slice %arg5[%add3A_275, %dma_wait3A_312] : memref<10240x128xf32, #tpu.memory_space<hbm>> -> memref<128x128xf32, #tpu.memory_space<hbm>>
        %dma_wait3A_314 = arith.constant 0 : i32
        %dma_wait3A_315 = tpu.memref_slice %arg5[%add3A_275, %dma_wait3A_314] : memref<10240x128xf32, #tpu.memory_space<hbm>> -> memref<128x128xf32, #tpu.memory_space<hbm>>
        tpu.wait_dma2 semaphore(%run_scoped3A : memref<!tpu.dma_semaphore, #tpu.memory_space<semaphore_mem>>) src(%arg9 : memref<128x128xf32, #tpu.memory_space<vmem>>) dst(%dma_wait3A_315 : memref<128x128xf32, #tpu.memory_space<hbm>>)
        tpu.yield
      }) : () -> ()
      %mul3A_276 = arith.constant 640 : i32
      %mul3A_277 = arith.muli %arg1, %mul3A_276 : i32
      %add3A_278 = arith.constant 384 : i32
      %add3A_279 = arith.addi %mul3A_277, %add3A_278 : i32
      %dma_wait3A_280 = arith.constant 0 : i32
      %dma_wait3A_281 = tpu.memref_slice %arg7[%add3A_279, %dma_wait3A_280] : memref<10240x128xf32, #tpu.memory_space<vmem_shared>> -> memref<128x128xf32, #tpu.memory_space<vmem_shared>>
      %dma_wait3A_282 = arith.constant 0 : i32
      %dma_wait3A_283 = tpu.memref_slice %arg7[%add3A_279, %dma_wait3A_282] : memref<10240x128xf32, #tpu.memory_space<vmem_shared>> -> memref<128x128xf32, #tpu.memory_space<vmem_shared>>
      tpu.wait_dma2 semaphore(%arg16 : memref<!tpu.dma_semaphore, #tpu.memory_space<semaphore_mem>>) src(%dma_wait3A_283 : memref<128x128xf32, #tpu.memory_space<vmem_shared>>) dst(%arg10 : memref<128x128xf32, #tpu.memory_space<vmem>>)
      %mul3A_284 = arith.constant 640 : i32
      %mul3A_285 = arith.muli %arg1, %mul3A_284 : i32
      %add3A_286 = arith.constant 512 : i32
      %add3A_287 = arith.addi %mul3A_285, %add3A_286 : i32
      %dma_start3A_288 = arith.constant 0 : i32
      %dma_start3A_289 = tpu.memref_slice %arg7[%add3A_287, %dma_start3A_288] : memref<10240x128xf32, #tpu.memory_space<vmem_shared>> -> memref<128x128xf32, #tpu.memory_space<vmem_shared>>
      %dma_start3A_290 = arith.constant 0 : i32
      %dma_start3A_291 = tpu.memref_slice %arg7[%add3A_287, %dma_start3A_290] : memref<10240x128xf32, #tpu.memory_space<vmem_shared>> -> memref<128x128xf32, #tpu.memory_space<vmem_shared>>
      tpu.enqueue_dma source(%dma_start3A_291 : memref<128x128xf32, #tpu.memory_space<vmem_shared>>) target(%arg9 : memref<128x128xf32, #tpu.memory_space<vmem>>) target_semaphore(%arg15 : memref<!tpu.dma_semaphore, #tpu.memory_space<semaphore_mem>>)
      %mul3A_292 = arith.constant 640 : i32
      %mul3A_293 = arith.muli %arg1, %mul3A_292 : i32
      %add3A_294 = arith.constant 384 : i32
      %add3A_295 = arith.addi %mul3A_293, %add3A_294 : i32
      "tpu.region"() ({
        %run_scoped3A = tpu.sem_alloc : memref<!tpu.dma_semaphore, #tpu.memory_space<semaphore_mem>>
        %dma_start3A_308 = arith.constant 0 : i32
        %dma_start3A_309 = tpu.memref_slice %arg5[%add3A_295, %dma_start3A_308] : memref<10240x128xf32, #tpu.memory_space<hbm>> -> memref<128x128xf32, #tpu.memory_space<hbm>>
        %dma_start3A_310 = arith.constant 0 : i32
        %dma_start3A_311 = tpu.memref_slice %arg5[%add3A_295, %dma_start3A_310] : memref<10240x128xf32, #tpu.memory_space<hbm>> -> memref<128x128xf32, #tpu.memory_space<hbm>>
        tpu.enqueue_dma source(%arg10 : memref<128x128xf32, #tpu.memory_space<vmem>>) target(%dma_start3A_311 : memref<128x128xf32, #tpu.memory_space<hbm>>) target_semaphore(%run_scoped3A : memref<!tpu.dma_semaphore, #tpu.memory_space<semaphore_mem>>)
        %dma_wait3A_312 = arith.constant 0 : i32
        %dma_wait3A_313 = tpu.memref_slice %arg5[%add3A_295, %dma_wait3A_312] : memref<10240x128xf32, #tpu.memory_space<hbm>> -> memref<128x128xf32, #tpu.memory_space<hbm>>
        %dma_wait3A_314 = arith.constant 0 : i32
        %dma_wait3A_315 = tpu.memref_slice %arg5[%add3A_295, %dma_wait3A_314] : memref<10240x128xf32, #tpu.memory_space<hbm>> -> memref<128x128xf32, #tpu.memory_space<hbm>>
        tpu.wait_dma2 semaphore(%run_scoped3A : memref<!tpu.dma_semaphore, #tpu.memory_space<semaphore_mem>>) src(%arg10 : memref<128x128xf32, #tpu.memory_space<vmem>>) dst(%dma_wait3A_315 : memref<128x128xf32, #tpu.memory_space<hbm>>)
        tpu.yield
      }) : () -> ()
      %mul3A_296 = arith.constant 640 : i32
      %mul3A_297 = arith.muli %arg1, %mul3A_296 : i32
      %add3A_298 = arith.constant 512 : i32
      %add3A_299 = arith.addi %mul3A_297, %add3A_298 : i32
      %dma_wait3A_300 = arith.constant 0 : i32
      %dma_wait3A_301 = tpu.memref_slice %arg7[%add3A_299, %dma_wait3A_300] : memref<10240x128xf32, #tpu.memory_space<vmem_shared>> -> memref<128x128xf32, #tpu.memory_space<vmem_shared>>
      %dma_wait3A_302 = arith.constant 0 : i32
      %dma_wait3A_303 = tpu.memref_slice %arg7[%add3A_299, %dma_wait3A_302] : memref<10240x128xf32, #tpu.memory_space<vmem_shared>> -> memref<128x128xf32, #tpu.memory_space<vmem_shared>>
      tpu.wait_dma2 semaphore(%arg15 : memref<!tpu.dma_semaphore, #tpu.memory_space<semaphore_mem>>) src(%dma_wait3A_303 : memref<128x128xf32, #tpu.memory_space<vmem_shared>>) dst(%arg9 : memref<128x128xf32, #tpu.memory_space<vmem>>)
      %mul3A_304 = arith.constant 640 : i32
      %mul3A_305 = arith.muli %arg1, %mul3A_304 : i32
      %add3A_306 = arith.constant 512 : i32
      %add3A_307 = arith.addi %mul3A_305, %add3A_306 : i32
      "tpu.region"() ({
        %run_scoped3A = tpu.sem_alloc : memref<!tpu.dma_semaphore, #tpu.memory_space<semaphore_mem>>
        %dma_start3A_308 = arith.constant 0 : i32
        %dma_start3A_309 = tpu.memref_slice %arg5[%add3A_307, %dma_start3A_308] : memref<10240x128xf32, #tpu.memory_space<hbm>> -> memref<128x128xf32, #tpu.memory_space<hbm>>
        %dma_start3A_310 = arith.constant 0 : i32
        %dma_start3A_311 = tpu.memref_slice %arg5[%add3A_307, %dma_start3A_310] : memref<10240x128xf32, #tpu.memory_space<hbm>> -> memref<128x128xf32, #tpu.memory_space<hbm>>
        tpu.enqueue_dma source(%arg9 : memref<128x128xf32, #tpu.memory_space<vmem>>) target(%dma_start3A_311 : memref<128x128xf32, #tpu.memory_space<hbm>>) target_semaphore(%run_scoped3A : memref<!tpu.dma_semaphore, #tpu.memory_space<semaphore_mem>>)
        %dma_wait3A_312 = arith.constant 0 : i32
        %dma_wait3A_313 = tpu.memref_slice %arg5[%add3A_307, %dma_wait3A_312] : memref<10240x128xf32, #tpu.memory_space<hbm>> -> memref<128x128xf32, #tpu.memory_space<hbm>>
        %dma_wait3A_314 = arith.constant 0 : i32
        %dma_wait3A_315 = tpu.memref_slice %arg5[%add3A_307, %dma_wait3A_314] : memref<10240x128xf32, #tpu.memory_space<hbm>> -> memref<128x128xf32, #tpu.memory_space<hbm>>
        tpu.wait_dma2 semaphore(%run_scoped3A : memref<!tpu.dma_semaphore, #tpu.memory_space<semaphore_mem>>) src(%arg9 : memref<128x128xf32, #tpu.memory_space<vmem>>) dst(%dma_wait3A_315 : memref<128x128xf32, #tpu.memory_space<hbm>>)
        tpu.yield
      }) : () -> ()
    } else {
    }
    %eq3A_143 = arith.constant 1 : i32
    %eq3A_144 = arith.cmpi eq, %arg0, %eq3A_143 : i32
    %convert_element_type3A_145 = arith.extui %eq3A_144 : i1 to i32
    %cond3A_146 = arith.constant 0 : i32
    %cond3A_147 = arith.cmpi ne, %convert_element_type3A_145, %cond3A_146 : i32
    scf.if %cond3A_147 {
      %dma_wait3A_148 = arith.constant 0 : i32
      %dma_wait3A_149 = arith.constant 0 : i32
      %dma_wait3A_150 = arith.constant 0 : i32
      %dma_wait3A_151 = arith.constant 0 : i32
      %dma_wait3A_152 = tpu.memref_slice %arg8[%dma_wait3A_149, %dma_wait3A_150, %dma_wait3A_151] : memref<4x2x128xi32, #tpu.memory_space<vmem>> -> memref<1x2x128xi32, #tpu.memory_space<vmem>>
      %dma_wait3A_153 = tpu.memref_squeeze %dma_wait3A_152 : memref<1x2x128xi32, #tpu.memory_space<vmem>> -> memref<2x128xi32, #tpu.memory_space<vmem>>
      %dma_wait3A_154 = arith.constant 0 : i32
      %dma_wait3A_155 = arith.constant 0 : i32
      %dma_wait3A_156 = tpu.memref_slice %arg4[%dma_wait3A_148, %dma_wait3A_154, %dma_wait3A_155] : memref<1280x2x128xi32, #tpu.memory_space<hbm>> -> memref<1x2x128xi32, #tpu.memory_space<hbm>>
      %dma_wait3A_157 = tpu.memref_squeeze %dma_wait3A_156 : memref<1x2x128xi32, #tpu.memory_space<hbm>> -> memref<2x128xi32, #tpu.memory_space<hbm>>
      %dma_wait3A_158 = arith.constant 0 : i32
      %dma_wait3A_159 = arith.constant 0 : i32
      %dma_wait3A_160 = tpu.memref_slice %arg8[%dma_wait3A_149, %dma_wait3A_158, %dma_wait3A_159] : memref<4x2x128xi32, #tpu.memory_space<vmem>> -> memref<1x2x128xi32, #tpu.memory_space<vmem>>
      %dma_wait3A_161 = tpu.memref_squeeze %dma_wait3A_160 : memref<1x2x128xi32, #tpu.memory_space<vmem>> -> memref<2x128xi32, #tpu.memory_space<vmem>>
      %dma_wait3A_162 = arith.constant 0 : i32
      %dma_wait3A_163 = arith.constant 0 : i32
      %dma_wait3A_164 = tpu.memref_slice %arg4[%dma_wait3A_148, %dma_wait3A_162, %dma_wait3A_163] : memref<1280x2x128xi32, #tpu.memory_space<hbm>> -> memref<1x2x128xi32, #tpu.memory_space<hbm>>
      %dma_wait3A_165 = tpu.memref_squeeze %dma_wait3A_164 : memref<1x2x128xi32, #tpu.memory_space<hbm>> -> memref<2x128xi32, #tpu.memory_space<hbm>>
      tpu.wait_dma2 semaphore(%arg11 : memref<!tpu.dma_semaphore, #tpu.memory_space<semaphore_mem>>) src(%dma_wait3A_165 : memref<2x128xi32, #tpu.memory_space<hbm>>) dst(%dma_wait3A_161 : memref<2x128xi32, #tpu.memory_space<vmem>>)
      %dma_start3A_166 = arith.constant 0 : i32
      %dma_start3A_167 = arith.constant 0 : i32
      %dma_start3A_168 = arith.constant 0 : i32
      %dma_start3A_169 = tpu.memref_slice %arg8[%dma_start3A_166, %dma_start3A_167, %dma_start3A_168] : memref<4x2x128xi32, #tpu.memory_space<vmem>> -> memref<1x1x128xi32, #tpu.memory_space<vmem>>
      %dma_start3A_170 = tpu.memref_squeeze %dma_start3A_169 : memref<1x1x128xi32, #tpu.memory_space<vmem>> -> memref<128xi32, #tpu.memory_space<vmem>>
      %dma_start3A_171 = arith.constant 0 : i32
      %dma_start3A_172 = arith.constant 0 : i32
      %dma_start3A_173 = tpu.memref_slice %arg3[%dma_start3A_171, %dma_start3A_172] : memref<10000x128xf32, #tpu.memory_space<hbm>> -> memref<10000x128xf32, #tpu.memory_space<hbm>>
      tpu.enqueue_indirect_dma source(%dma_start3A_173 : memref<10000x128xf32, #tpu.memory_space<hbm>>) target(%arg9 : memref<128x128xf32, #tpu.memory_space<vmem>>) offsets(%dma_start3A_170 : memref<128xi32, #tpu.memory_space<vmem>>) semaphore(%arg15 : memref<!tpu.dma_semaphore, #tpu.memory_space<semaphore_mem>>)
      %dma_wait3A_174 = arith.constant 0 : i32
      %dma_wait3A_175 = arith.constant 1 : i32
      %dma_wait3A_176 = arith.constant 0 : i32
      %dma_wait3A_177 = arith.constant 0 : i32
      %dma_wait3A_178 = tpu.memref_slice %arg8[%dma_wait3A_175, %dma_wait3A_176, %dma_wait3A_177] : memref<4x2x128xi32, #tpu.memory_space<vmem>> -> memref<1x2x128xi32, #tpu.memory_space<vmem>>
      %dma_wait3A_179 = tpu.memref_squeeze %dma_wait3A_178 : memref<1x2x128xi32, #tpu.memory_space<vmem>> -> memref<2x128xi32, #tpu.memory_space<vmem>>
      %dma_wait3A_180 = arith.constant 0 : i32
      %dma_wait3A_181 = arith.constant 0 : i32
      %dma_wait3A_182 = tpu.memref_slice %arg4[%dma_wait3A_174, %dma_wait3A_180, %dma_wait3A_181] : memref<1280x2x128xi32, #tpu.memory_space<hbm>> -> memref<1x2x128xi32, #tpu.memory_space<hbm>>
      %dma_wait3A_183 = tpu.memref_squeeze %dma_wait3A_182 : memref<1x2x128xi32, #tpu.memory_space<hbm>> -> memref<2x128xi32, #tpu.memory_space<hbm>>
      %dma_wait3A_184 = arith.constant 0 : i32
      %dma_wait3A_185 = arith.constant 0 : i32
      %dma_wait3A_186 = tpu.memref_slice %arg8[%dma_wait3A_175, %dma_wait3A_184, %dma_wait3A_185] : memref<4x2x128xi32, #tpu.memory_space<vmem>> -> memref<1x2x128xi32, #tpu.memory_space<vmem>>
      %dma_wait3A_187 = tpu.memref_squeeze %dma_wait3A_186 : memref<1x2x128xi32, #tpu.memory_space<vmem>> -> memref<2x128xi32, #tpu.memory_space<vmem>>
      %dma_wait3A_188 = arith.constant 0 : i32
      %dma_wait3A_189 = arith.constant 0 : i32
      %dma_wait3A_190 = tpu.memref_slice %arg4[%dma_wait3A_174, %dma_wait3A_188, %dma_wait3A_189] : memref<1280x2x128xi32, #tpu.memory_space<hbm>> -> memref<1x2x128xi32, #tpu.memory_space<hbm>>
      %dma_wait3A_191 = tpu.memref_squeeze %dma_wait3A_190 : memref<1x2x128xi32, #tpu.memory_space<hbm>> -> memref<2x128xi32, #tpu.memory_space<hbm>>
      tpu.wait_dma2 semaphore(%arg12 : memref<!tpu.dma_semaphore, #tpu.memory_space<semaphore_mem>>) src(%dma_wait3A_191 : memref<2x128xi32, #tpu.memory_space<hbm>>) dst(%dma_wait3A_187 : memref<2x128xi32, #tpu.memory_space<vmem>>)
      %dma_start3A_192 = arith.constant 1 : i32
      %dma_start3A_193 = arith.constant 0 : i32
      %dma_start3A_194 = arith.constant 0 : i32
      %dma_start3A_195 = tpu.memref_slice %arg8[%dma_start3A_192, %dma_start3A_193, %dma_start3A_194] : memref<4x2x128xi32, #tpu.memory_space<vmem>> -> memref<1x1x128xi32, #tpu.memory_space<vmem>>
      %dma_start3A_196 = tpu.memref_squeeze %dma_start3A_195 : memref<1x1x128xi32, #tpu.memory_space<vmem>> -> memref<128xi32, #tpu.memory_space<vmem>>
      %dma_start3A_197 = arith.constant 0 : i32
      %dma_start3A_198 = arith.constant 0 : i32
      %dma_start3A_199 = tpu.memref_slice %arg3[%dma_start3A_197, %dma_start3A_198] : memref<10000x128xf32, #tpu.memory_space<hbm>> -> memref<10000x128xf32, #tpu.memory_space<hbm>>
      tpu.enqueue_indirect_dma source(%dma_start3A_199 : memref<10000x128xf32, #tpu.memory_space<hbm>>) target(%arg10 : memref<128x128xf32, #tpu.memory_space<vmem>>) offsets(%dma_start3A_196 : memref<128xi32, #tpu.memory_space<vmem>>) semaphore(%arg16 : memref<!tpu.dma_semaphore, #tpu.memory_space<semaphore_mem>>)
      %scan3A_200 = arith.constant 0 : i32
      %scan3A_201 = arith.constant 0 : i32
      %scan3A_202 = arith.constant 20 : i32
      %scan3A_203 = arith.addi %scan3A_201, %scan3A_202 : i32
      %scan3A_204 = arith.constant 1 : i32
      %scan3A_205 = scf.for %scan3A_308 = %scan3A_201 to %scan3A_203 step %scan3A_204 iter_args(%scan3A_309 = %scan3A_200) -> (i32)  : i32 {
        %mul3A_310 = arith.constant 4 : i32
        %mul3A_311 = arith.muli %mul3A_310, %scan3A_308 : i32
        %dma_wait3A_312 = arith.constant 0 : i32
        %dma_wait3A_313 = arith.constant 0 : i32
        %dma_wait3A_314 = tpu.memref_slice %arg3[%dma_wait3A_312, %dma_wait3A_313] : memref<10000x128xf32, #tpu.memory_space<hbm>> -> memref<128x128xf32, #tpu.memory_space<hbm>>
        %dma_wait3A_315 = arith.constant 0 : i32
        %dma_wait3A_316 = arith.constant 0 : i32
        %dma_wait3A_317 = tpu.memref_slice %arg3[%dma_wait3A_315, %dma_wait3A_316] : memref<10000x128xf32, #tpu.memory_space<hbm>> -> memref<128x128xf32, #tpu.memory_space<hbm>>
        tpu.wait_dma2 semaphore(%arg15 : memref<!tpu.dma_semaphore, #tpu.memory_space<semaphore_mem>>) src(%dma_wait3A_317 : memref<128x128xf32, #tpu.memory_space<hbm>>) dst(%arg9 : memref<128x128xf32, #tpu.memory_space<vmem>>)
        %run_scoped3A = arith.constant 0 : i32
        %run_scoped3A_318 = arith.constant 1 : i32
        "tpu.region"() ({
          %run_scoped3A_437 = tpu.sem_alloc : memref<!tpu.dma_semaphore, #tpu.memory_space<semaphore_mem>>
          %dma_start3A_438 = arith.constant 0 : i32
          %dma_start3A_439 = tpu.memref_slice %arg8[%run_scoped3A, %run_scoped3A_318, %dma_start3A_438] : memref<4x2x128xi32, #tpu.memory_space<vmem>> -> memref<1x1x128xi32, #tpu.memory_space<vmem>>
          %dma_start3A_440 = tpu.memref_squeeze %dma_start3A_439 : memref<1x1x128xi32, #tpu.memory_space<vmem>> -> memref<128xi32, #tpu.memory_space<vmem>>
          %dma_start3A_441 = arith.constant 0 : i32
          %dma_start3A_442 = arith.constant 0 : i32
          %dma_start3A_443 = tpu.memref_slice %arg7[%dma_start3A_441, %dma_start3A_442] : memref<10240x128xf32, #tpu.memory_space<vmem_shared>> -> memref<10240x128xf32, #tpu.memory_space<vmem_shared>>
          tpu.enqueue_indirect_dma source(%arg9 : memref<128x128xf32, #tpu.memory_space<vmem>>) target(%dma_start3A_443 : memref<10240x128xf32, #tpu.memory_space<vmem_shared>>) offsets(%dma_start3A_440 : memref<128xi32, #tpu.memory_space<vmem>>) semaphore(%run_scoped3A_437 : memref<!tpu.dma_semaphore, #tpu.memory_space<semaphore_mem>>) {add = true}
          %dma_wait3A_444 = arith.constant 0 : i32
          %dma_wait3A_445 = tpu.memref_slice %arg8[%run_scoped3A, %run_scoped3A_318, %dma_wait3A_444] : memref<4x2x128xi32, #tpu.memory_space<vmem>> -> memref<1x1x128xi32, #tpu.memory_space<vmem>>
          %dma_wait3A_446 = tpu.memref_squeeze %dma_wait3A_445 : memref<1x1x128xi32, #tpu.memory_space<vmem>> -> memref<128xi32, #tpu.memory_space<vmem>>
          %dma_wait3A_447 = arith.constant 0 : i32
          %dma_wait3A_448 = arith.constant 0 : i32
          %dma_wait3A_449 = tpu.memref_slice %arg7[%dma_wait3A_447, %dma_wait3A_448] : memref<10240x128xf32, #tpu.memory_space<vmem_shared>> -> memref<10240x128xf32, #tpu.memory_space<vmem_shared>>
          tpu.wait_indirect_dma semaphore(%run_scoped3A_437 : memref<!tpu.dma_semaphore, #tpu.memory_space<semaphore_mem>>) src(%arg9 : memref<128x128xf32, #tpu.memory_space<vmem>>) dst(%dma_wait3A_449 : memref<10240x128xf32, #tpu.memory_space<vmem_shared>>)
          tpu.yield
        }) : () -> ()
        %dma_wait3A_319 = arith.constant 0 : i32
        %dma_wait3A_320 = arith.constant 2 : i32
        %dma_wait3A_321 = arith.constant 0 : i32
        %dma_wait3A_322 = arith.constant 0 : i32
        %dma_wait3A_323 = tpu.memref_slice %arg8[%dma_wait3A_320, %dma_wait3A_321, %dma_wait3A_322] : memref<4x2x128xi32, #tpu.memory_space<vmem>> -> memref<1x2x128xi32, #tpu.memory_space<vmem>>
        %dma_wait3A_324 = tpu.memref_squeeze %dma_wait3A_323 : memref<1x2x128xi32, #tpu.memory_space<vmem>> -> memref<2x128xi32, #tpu.memory_space<vmem>>
        %dma_wait3A_325 = arith.constant 0 : i32
        %dma_wait3A_326 = arith.constant 0 : i32
        %dma_wait3A_327 = tpu.memref_slice %arg4[%dma_wait3A_319, %dma_wait3A_325, %dma_wait3A_326] : memref<1280x2x128xi32, #tpu.memory_space<hbm>> -> memref<1x2x128xi32, #tpu.memory_space<hbm>>
        %dma_wait3A_328 = tpu.memref_squeeze %dma_wait3A_327 : memref<1x2x128xi32, #tpu.memory_space<hbm>> -> memref<2x128xi32, #tpu.memory_space<hbm>>
        %dma_wait3A_329 = arith.constant 0 : i32
        %dma_wait3A_330 = arith.constant 0 : i32
        %dma_wait3A_331 = tpu.memref_slice %arg8[%dma_wait3A_320, %dma_wait3A_329, %dma_wait3A_330] : memref<4x2x128xi32, #tpu.memory_space<vmem>> -> memref<1x2x128xi32, #tpu.memory_space<vmem>>
        %dma_wait3A_332 = tpu.memref_squeeze %dma_wait3A_331 : memref<1x2x128xi32, #tpu.memory_space<vmem>> -> memref<2x128xi32, #tpu.memory_space<vmem>>
        %dma_wait3A_333 = arith.constant 0 : i32
        %dma_wait3A_334 = arith.constant 0 : i32
        %dma_wait3A_335 = tpu.memref_slice %arg4[%dma_wait3A_319, %dma_wait3A_333, %dma_wait3A_334] : memref<1280x2x128xi32, #tpu.memory_space<hbm>> -> memref<1x2x128xi32, #tpu.memory_space<hbm>>
        %dma_wait3A_336 = tpu.memref_squeeze %dma_wait3A_335 : memref<1x2x128xi32, #tpu.memory_space<hbm>> -> memref<2x128xi32, #tpu.memory_space<hbm>>
        tpu.wait_dma2 semaphore(%arg13 : memref<!tpu.dma_semaphore, #tpu.memory_space<semaphore_mem>>) src(%dma_wait3A_336 : memref<2x128xi32, #tpu.memory_space<hbm>>) dst(%dma_wait3A_332 : memref<2x128xi32, #tpu.memory_space<vmem>>)
        %dma_start3A_337 = arith.constant 2 : i32
        %dma_start3A_338 = arith.constant 0 : i32
        %dma_start3A_339 = arith.constant 0 : i32
        %dma_start3A_340 = tpu.memref_slice %arg8[%dma_start3A_337, %dma_start3A_338, %dma_start3A_339] : memref<4x2x128xi32, #tpu.memory_space<vmem>> -> memref<1x1x128xi32, #tpu.memory_space<vmem>>
        %dma_start3A_341 = tpu.memref_squeeze %dma_start3A_340 : memref<1x1x128xi32, #tpu.memory_space<vmem>> -> memref<128xi32, #tpu.memory_space<vmem>>
        %dma_start3A_342 = arith.constant 0 : i32
        %dma_start3A_343 = arith.constant 0 : i32
        %dma_start3A_344 = tpu.memref_slice %arg3[%dma_start3A_342, %dma_start3A_343] : memref<10000x128xf32, #tpu.memory_space<hbm>> -> memref<10000x128xf32, #tpu.memory_space<hbm>>
        tpu.enqueue_indirect_dma source(%dma_start3A_344 : memref<10000x128xf32, #tpu.memory_space<hbm>>) target(%arg9 : memref<128x128xf32, #tpu.memory_space<vmem>>) offsets(%dma_start3A_341 : memref<128xi32, #tpu.memory_space<vmem>>) semaphore(%arg15 : memref<!tpu.dma_semaphore, #tpu.memory_space<semaphore_mem>>)
        %add3A_345 = arith.constant 4 : i32
        %add3A_346 = arith.addi %mul3A_311, %add3A_345 : i32
        %lt3A = arith.constant 80 : i32
        %lt3A_347 = arith.cmpi slt, %add3A_346, %lt3A : i32
        %convert_element_type3A_348 = arith.extui %lt3A_347 : i1 to i32
        %cond3A_349 = arith.constant 0 : i32
        %cond3A_350 = arith.cmpi ne, %convert_element_type3A_348, %cond3A_349 : i32
        scf.if %cond3A_350 {
          %add3A_437 = arith.constant 4 : i32
          %add3A_438 = arith.addi %mul3A_311, %add3A_437 : i32
          %add3A_439 = arith.addi %mul3A_0, %add3A_438 : i32
          %dma_start3A_440 = arith.constant 0 : i32
          %dma_start3A_441 = arith.constant 0 : i32
          %dma_start3A_442 = arith.constant 0 : i32
          %dma_start3A_443 = tpu.memref_slice %arg8[%dma_start3A_440, %dma_start3A_441, %dma_start3A_442] : memref<4x2x128xi32, #tpu.memory_space<vmem>> -> memref<1x2x128xi32, #tpu.memory_space<vmem>>
          %dma_start3A_444 = tpu.memref_squeeze %dma_start3A_443 : memref<1x2x128xi32, #tpu.memory_space<vmem>> -> memref<2x128xi32, #tpu.memory_space<vmem>>
          %dma_start3A_445 = arith.constant 0 : i32
          %dma_start3A_446 = arith.constant 0 : i32
          %dma_start3A_447 = tpu.memref_slice %arg4[%add3A_439, %dma_start3A_445, %dma_start3A_446] : memref<1280x2x128xi32, #tpu.memory_space<hbm>> -> memref<1x2x128xi32, #tpu.memory_space<hbm>>
          %dma_start3A_448 = tpu.memref_squeeze %dma_start3A_447 : memref<1x2x128xi32, #tpu.memory_space<hbm>> -> memref<2x128xi32, #tpu.memory_space<hbm>>
          %dma_start3A_449 = arith.constant 0 : i32
          %dma_start3A_450 = arith.constant 0 : i32
          %dma_start3A_451 = tpu.memref_slice %arg8[%dma_start3A_440, %dma_start3A_449, %dma_start3A_450] : memref<4x2x128xi32, #tpu.memory_space<vmem>> -> memref<1x2x128xi32, #tpu.memory_space<vmem>>
          %dma_start3A_452 = tpu.memref_squeeze %dma_start3A_451 : memref<1x2x128xi32, #tpu.memory_space<vmem>> -> memref<2x128xi32, #tpu.memory_space<vmem>>
          %dma_start3A_453 = arith.constant 0 : i32
          %dma_start3A_454 = arith.constant 0 : i32
          %dma_start3A_455 = tpu.memref_slice %arg4[%add3A_439, %dma_start3A_453, %dma_start3A_454] : memref<1280x2x128xi32, #tpu.memory_space<hbm>> -> memref<1x2x128xi32, #tpu.memory_space<hbm>>
          %dma_start3A_456 = tpu.memref_squeeze %dma_start3A_455 : memref<1x2x128xi32, #tpu.memory_space<hbm>> -> memref<2x128xi32, #tpu.memory_space<hbm>>
          tpu.enqueue_dma source(%dma_start3A_456 : memref<2x128xi32, #tpu.memory_space<hbm>>) target(%dma_start3A_452 : memref<2x128xi32, #tpu.memory_space<vmem>>) target_semaphore(%arg11 : memref<!tpu.dma_semaphore, #tpu.memory_space<semaphore_mem>>)
        } else {
        }
        %dma_wait3A_351 = arith.constant 0 : i32
        %dma_wait3A_352 = arith.constant 0 : i32
        %dma_wait3A_353 = tpu.memref_slice %arg3[%dma_wait3A_351, %dma_wait3A_352] : memref<10000x128xf32, #tpu.memory_space<hbm>> -> memref<128x128xf32, #tpu.memory_space<hbm>>
        %dma_wait3A_354 = arith.constant 0 : i32
        %dma_wait3A_355 = arith.constant 0 : i32
        %dma_wait3A_356 = tpu.memref_slice %arg3[%dma_wait3A_354, %dma_wait3A_355] : memref<10000x128xf32, #tpu.memory_space<hbm>> -> memref<128x128xf32, #tpu.memory_space<hbm>>
        tpu.wait_dma2 semaphore(%arg16 : memref<!tpu.dma_semaphore, #tpu.memory_space<semaphore_mem>>) src(%dma_wait3A_356 : memref<128x128xf32, #tpu.memory_space<hbm>>) dst(%arg10 : memref<128x128xf32, #tpu.memory_space<vmem>>)
        %run_scoped3A_357 = arith.constant 1 : i32
        %run_scoped3A_358 = arith.constant 1 : i32
        "tpu.region"() ({
          %run_scoped3A_437 = tpu.sem_alloc : memref<!tpu.dma_semaphore, #tpu.memory_space<semaphore_mem>>
          %dma_start3A_438 = arith.constant 0 : i32
          %dma_start3A_439 = tpu.memref_slice %arg8[%run_scoped3A_357, %run_scoped3A_358, %dma_start3A_438] : memref<4x2x128xi32, #tpu.memory_space<vmem>> -> memref<1x1x128xi32, #tpu.memory_space<vmem>>
          %dma_start3A_440 = tpu.memref_squeeze %dma_start3A_439 : memref<1x1x128xi32, #tpu.memory_space<vmem>> -> memref<128xi32, #tpu.memory_space<vmem>>
          %dma_start3A_441 = arith.constant 0 : i32
          %dma_start3A_442 = arith.constant 0 : i32
          %dma_start3A_443 = tpu.memref_slice %arg7[%dma_start3A_441, %dma_start3A_442] : memref<10240x128xf32, #tpu.memory_space<vmem_shared>> -> memref<10240x128xf32, #tpu.memory_space<vmem_shared>>
          tpu.enqueue_indirect_dma source(%arg10 : memref<128x128xf32, #tpu.memory_space<vmem>>) target(%dma_start3A_443 : memref<10240x128xf32, #tpu.memory_space<vmem_shared>>) offsets(%dma_start3A_440 : memref<128xi32, #tpu.memory_space<vmem>>) semaphore(%run_scoped3A_437 : memref<!tpu.dma_semaphore, #tpu.memory_space<semaphore_mem>>) {add = true}
          %dma_wait3A_444 = arith.constant 0 : i32
          %dma_wait3A_445 = tpu.memref_slice %arg8[%run_scoped3A_357, %run_scoped3A_358, %dma_wait3A_444] : memref<4x2x128xi32, #tpu.memory_space<vmem>> -> memref<1x1x128xi32, #tpu.memory_space<vmem>>
          %dma_wait3A_446 = tpu.memref_squeeze %dma_wait3A_445 : memref<1x1x128xi32, #tpu.memory_space<vmem>> -> memref<128xi32, #tpu.memory_space<vmem>>
          %dma_wait3A_447 = arith.constant 0 : i32
          %dma_wait3A_448 = arith.constant 0 : i32
          %dma_wait3A_449 = tpu.memref_slice %arg7[%dma_wait3A_447, %dma_wait3A_448] : memref<10240x128xf32, #tpu.memory_space<vmem_shared>> -> memref<10240x128xf32, #tpu.memory_space<vmem_shared>>
          tpu.wait_indirect_dma semaphore(%run_scoped3A_437 : memref<!tpu.dma_semaphore, #tpu.memory_space<semaphore_mem>>) src(%arg10 : memref<128x128xf32, #tpu.memory_space<vmem>>) dst(%dma_wait3A_449 : memref<10240x128xf32, #tpu.memory_space<vmem_shared>>)
          tpu.yield
        }) : () -> ()
        %dma_wait3A_359 = arith.constant 0 : i32
        %dma_wait3A_360 = arith.constant 3 : i32
        %dma_wait3A_361 = arith.constant 0 : i32
        %dma_wait3A_362 = arith.constant 0 : i32
        %dma_wait3A_363 = tpu.memref_slice %arg8[%dma_wait3A_360, %dma_wait3A_361, %dma_wait3A_362] : memref<4x2x128xi32, #tpu.memory_space<vmem>> -> memref<1x2x128xi32, #tpu.memory_space<vmem>>
        %dma_wait3A_364 = tpu.memref_squeeze %dma_wait3A_363 : memref<1x2x128xi32, #tpu.memory_space<vmem>> -> memref<2x128xi32, #tpu.memory_space<vmem>>
        %dma_wait3A_365 = arith.constant 0 : i32
        %dma_wait3A_366 = arith.constant 0 : i32
        %dma_wait3A_367 = tpu.memref_slice %arg4[%dma_wait3A_359, %dma_wait3A_365, %dma_wait3A_366] : memref<1280x2x128xi32, #tpu.memory_space<hbm>> -> memref<1x2x128xi32, #tpu.memory_space<hbm>>
        %dma_wait3A_368 = tpu.memref_squeeze %dma_wait3A_367 : memref<1x2x128xi32, #tpu.memory_space<hbm>> -> memref<2x128xi32, #tpu.memory_space<hbm>>
        %dma_wait3A_369 = arith.constant 0 : i32
        %dma_wait3A_370 = arith.constant 0 : i32
        %dma_wait3A_371 = tpu.memref_slice %arg8[%dma_wait3A_360, %dma_wait3A_369, %dma_wait3A_370] : memref<4x2x128xi32, #tpu.memory_space<vmem>> -> memref<1x2x128xi32, #tpu.memory_space<vmem>>
        %dma_wait3A_372 = tpu.memref_squeeze %dma_wait3A_371 : memref<1x2x128xi32, #tpu.memory_space<vmem>> -> memref<2x128xi32, #tpu.memory_space<vmem>>
        %dma_wait3A_373 = arith.constant 0 : i32
        %dma_wait3A_374 = arith.constant 0 : i32
        %dma_wait3A_375 = tpu.memref_slice %arg4[%dma_wait3A_359, %dma_wait3A_373, %dma_wait3A_374] : memref<1280x2x128xi32, #tpu.memory_space<hbm>> -> memref<1x2x128xi32, #tpu.memory_space<hbm>>
        %dma_wait3A_376 = tpu.memref_squeeze %dma_wait3A_375 : memref<1x2x128xi32, #tpu.memory_space<hbm>> -> memref<2x128xi32, #tpu.memory_space<hbm>>
        tpu.wait_dma2 semaphore(%arg14 : memref<!tpu.dma_semaphore, #tpu.memory_space<semaphore_mem>>) src(%dma_wait3A_376 : memref<2x128xi32, #tpu.memory_space<hbm>>) dst(%dma_wait3A_372 : memref<2x128xi32, #tpu.memory_space<vmem>>)
        %dma_start3A_377 = arith.constant 3 : i32
        %dma_start3A_378 = arith.constant 0 : i32
        %dma_start3A_379 = arith.constant 0 : i32
        %dma_start3A_380 = tpu.memref_slice %arg8[%dma_start3A_377, %dma_start3A_378, %dma_start3A_379] : memref<4x2x128xi32, #tpu.memory_space<vmem>> -> memref<1x1x128xi32, #tpu.memory_space<vmem>>
        %dma_start3A_381 = tpu.memref_squeeze %dma_start3A_380 : memref<1x1x128xi32, #tpu.memory_space<vmem>> -> memref<128xi32, #tpu.memory_space<vmem>>
        %dma_start3A_382 = arith.constant 0 : i32
        %dma_start3A_383 = arith.constant 0 : i32
        %dma_start3A_384 = tpu.memref_slice %arg3[%dma_start3A_382, %dma_start3A_383] : memref<10000x128xf32, #tpu.memory_space<hbm>> -> memref<10000x128xf32, #tpu.memory_space<hbm>>
        tpu.enqueue_indirect_dma source(%dma_start3A_384 : memref<10000x128xf32, #tpu.memory_space<hbm>>) target(%arg10 : memref<128x128xf32, #tpu.memory_space<vmem>>) offsets(%dma_start3A_381 : memref<128xi32, #tpu.memory_space<vmem>>) semaphore(%arg16 : memref<!tpu.dma_semaphore, #tpu.memory_space<semaphore_mem>>)
        %add3A_385 = arith.constant 5 : i32
        %add3A_386 = arith.addi %mul3A_311, %add3A_385 : i32
        %lt3A_387 = arith.constant 80 : i32
        %lt3A_388 = arith.cmpi slt, %add3A_386, %lt3A_387 : i32
        %convert_element_type3A_389 = arith.extui %lt3A_388 : i1 to i32
        %cond3A_390 = arith.constant 0 : i32
        %cond3A_391 = arith.cmpi ne, %convert_element_type3A_389, %cond3A_390 : i32
        scf.if %cond3A_391 {
          %add3A_437 = arith.constant 5 : i32
          %add3A_438 = arith.addi %mul3A_311, %add3A_437 : i32
          %add3A_439 = arith.addi %mul3A_0, %add3A_438 : i32
          %dma_start3A_440 = arith.constant 1 : i32
          %dma_start3A_441 = arith.constant 0 : i32
          %dma_start3A_442 = arith.constant 0 : i32
          %dma_start3A_443 = tpu.memref_slice %arg8[%dma_start3A_440, %dma_start3A_441, %dma_start3A_442] : memref<4x2x128xi32, #tpu.memory_space<vmem>> -> memref<1x2x128xi32, #tpu.memory_space<vmem>>
          %dma_start3A_444 = tpu.memref_squeeze %dma_start3A_443 : memref<1x2x128xi32, #tpu.memory_space<vmem>> -> memref<2x128xi32, #tpu.memory_space<vmem>>
          %dma_start3A_445 = arith.constant 0 : i32
          %dma_start3A_446 = arith.constant 0 : i32
          %dma_start3A_447 = tpu.memref_slice %arg4[%add3A_439, %dma_start3A_445, %dma_start3A_446] : memref<1280x2x128xi32, #tpu.memory_space<hbm>> -> memref<1x2x128xi32, #tpu.memory_space<hbm>>
          %dma_start3A_448 = tpu.memref_squeeze %dma_start3A_447 : memref<1x2x128xi32, #tpu.memory_space<hbm>> -> memref<2x128xi32, #tpu.memory_space<hbm>>
          %dma_start3A_449 = arith.constant 0 : i32
          %dma_start3A_450 = arith.constant 0 : i32
          %dma_start3A_451 = tpu.memref_slice %arg8[%dma_start3A_440, %dma_start3A_449, %dma_start3A_450] : memref<4x2x128xi32, #tpu.memory_space<vmem>> -> memref<1x2x128xi32, #tpu.memory_space<vmem>>
          %dma_start3A_452 = tpu.memref_squeeze %dma_start3A_451 : memref<1x2x128xi32, #tpu.memory_space<vmem>> -> memref<2x128xi32, #tpu.memory_space<vmem>>
          %dma_start3A_453 = arith.constant 0 : i32
          %dma_start3A_454 = arith.constant 0 : i32
          %dma_start3A_455 = tpu.memref_slice %arg4[%add3A_439, %dma_start3A_453, %dma_start3A_454] : memref<1280x2x128xi32, #tpu.memory_space<hbm>> -> memref<1x2x128xi32, #tpu.memory_space<hbm>>
          %dma_start3A_456 = tpu.memref_squeeze %dma_start3A_455 : memref<1x2x128xi32, #tpu.memory_space<hbm>> -> memref<2x128xi32, #tpu.memory_space<hbm>>
          tpu.enqueue_dma source(%dma_start3A_456 : memref<2x128xi32, #tpu.memory_space<hbm>>) target(%dma_start3A_452 : memref<2x128xi32, #tpu.memory_space<vmem>>) target_semaphore(%arg12 : memref<!tpu.dma_semaphore, #tpu.memory_space<semaphore_mem>>)
        } else {
        }
        %dma_wait3A_392 = arith.constant 0 : i32
        %dma_wait3A_393 = arith.constant 0 : i32
        %dma_wait3A_394 = tpu.memref_slice %arg3[%dma_wait3A_392, %dma_wait3A_393] : memref<10000x128xf32, #tpu.memory_space<hbm>> -> memref<128x128xf32, #tpu.memory_space<hbm>>
        %dma_wait3A_395 = arith.constant 0 : i32
        %dma_wait3A_396 = arith.constant 0 : i32
        %dma_wait3A_397 = tpu.memref_slice %arg3[%dma_wait3A_395, %dma_wait3A_396] : memref<10000x128xf32, #tpu.memory_space<hbm>> -> memref<128x128xf32, #tpu.memory_space<hbm>>
        tpu.wait_dma2 semaphore(%arg15 : memref<!tpu.dma_semaphore, #tpu.memory_space<semaphore_mem>>) src(%dma_wait3A_397 : memref<128x128xf32, #tpu.memory_space<hbm>>) dst(%arg9 : memref<128x128xf32, #tpu.memory_space<vmem>>)
        %run_scoped3A_398 = arith.constant 2 : i32
        %run_scoped3A_399 = arith.constant 1 : i32
        "tpu.region"() ({
          %run_scoped3A_437 = tpu.sem_alloc : memref<!tpu.dma_semaphore, #tpu.memory_space<semaphore_mem>>
          %dma_start3A_438 = arith.constant 0 : i32
          %dma_start3A_439 = tpu.memref_slice %arg8[%run_scoped3A_398, %run_scoped3A_399, %dma_start3A_438] : memref<4x2x128xi32, #tpu.memory_space<vmem>> -> memref<1x1x128xi32, #tpu.memory_space<vmem>>
          %dma_start3A_440 = tpu.memref_squeeze %dma_start3A_439 : memref<1x1x128xi32, #tpu.memory_space<vmem>> -> memref<128xi32, #tpu.memory_space<vmem>>
          %dma_start3A_441 = arith.constant 0 : i32
          %dma_start3A_442 = arith.constant 0 : i32
          %dma_start3A_443 = tpu.memref_slice %arg7[%dma_start3A_441, %dma_start3A_442] : memref<10240x128xf32, #tpu.memory_space<vmem_shared>> -> memref<10240x128xf32, #tpu.memory_space<vmem_shared>>
          tpu.enqueue_indirect_dma source(%arg9 : memref<128x128xf32, #tpu.memory_space<vmem>>) target(%dma_start3A_443 : memref<10240x128xf32, #tpu.memory_space<vmem_shared>>) offsets(%dma_start3A_440 : memref<128xi32, #tpu.memory_space<vmem>>) semaphore(%run_scoped3A_437 : memref<!tpu.dma_semaphore, #tpu.memory_space<semaphore_mem>>) {add = true}
          %dma_wait3A_444 = arith.constant 0 : i32
          %dma_wait3A_445 = tpu.memref_slice %arg8[%run_scoped3A_398, %run_scoped3A_399, %dma_wait3A_444] : memref<4x2x128xi32, #tpu.memory_space<vmem>> -> memref<1x1x128xi32, #tpu.memory_space<vmem>>
          %dma_wait3A_446 = tpu.memref_squeeze %dma_wait3A_445 : memref<1x1x128xi32, #tpu.memory_space<vmem>> -> memref<128xi32, #tpu.memory_space<vmem>>
          %dma_wait3A_447 = arith.constant 0 : i32
          %dma_wait3A_448 = arith.constant 0 : i32
          %dma_wait3A_449 = tpu.memref_slice %arg7[%dma_wait3A_447, %dma_wait3A_448] : memref<10240x128xf32, #tpu.memory_space<vmem_shared>> -> memref<10240x128xf32, #tpu.memory_space<vmem_shared>>
          tpu.wait_indirect_dma semaphore(%run_scoped3A_437 : memref<!tpu.dma_semaphore, #tpu.memory_space<semaphore_mem>>) src(%arg9 : memref<128x128xf32, #tpu.memory_space<vmem>>) dst(%dma_wait3A_449 : memref<10240x128xf32, #tpu.memory_space<vmem_shared>>)
          tpu.yield
        }) : () -> ()
        %add3A_400 = arith.constant 4 : i32
        %add3A_401 = arith.addi %mul3A_311, %add3A_400 : i32
        %lt3A_402 = arith.constant 80 : i32
        %lt3A_403 = arith.cmpi slt, %add3A_401, %lt3A_402 : i32
        %convert_element_type3A_404 = arith.extui %lt3A_403 : i1 to i32
        %cond3A_405 = arith.constant 0 : i32
        %cond3A_406 = arith.cmpi ne, %convert_element_type3A_404, %cond3A_405 : i32
        scf.if %cond3A_406 {
          %dma_wait3A_437 = arith.constant 0 : i32
          %dma_wait3A_438 = arith.constant 0 : i32
          %dma_wait3A_439 = arith.constant 0 : i32
          %dma_wait3A_440 = arith.constant 0 : i32
          %dma_wait3A_441 = tpu.memref_slice %arg8[%dma_wait3A_438, %dma_wait3A_439, %dma_wait3A_440] : memref<4x2x128xi32, #tpu.memory_space<vmem>> -> memref<1x2x128xi32, #tpu.memory_space<vmem>>
          %dma_wait3A_442 = tpu.memref_squeeze %dma_wait3A_441 : memref<1x2x128xi32, #tpu.memory_space<vmem>> -> memref<2x128xi32, #tpu.memory_space<vmem>>
          %dma_wait3A_443 = arith.constant 0 : i32
          %dma_wait3A_444 = arith.constant 0 : i32
          %dma_wait3A_445 = tpu.memref_slice %arg4[%dma_wait3A_437, %dma_wait3A_443, %dma_wait3A_444] : memref<1280x2x128xi32, #tpu.memory_space<hbm>> -> memref<1x2x128xi32, #tpu.memory_space<hbm>>
          %dma_wait3A_446 = tpu.memref_squeeze %dma_wait3A_445 : memref<1x2x128xi32, #tpu.memory_space<hbm>> -> memref<2x128xi32, #tpu.memory_space<hbm>>
          %dma_wait3A_447 = arith.constant 0 : i32
          %dma_wait3A_448 = arith.constant 0 : i32
          %dma_wait3A_449 = tpu.memref_slice %arg8[%dma_wait3A_438, %dma_wait3A_447, %dma_wait3A_448] : memref<4x2x128xi32, #tpu.memory_space<vmem>> -> memref<1x2x128xi32, #tpu.memory_space<vmem>>
          %dma_wait3A_450 = tpu.memref_squeeze %dma_wait3A_449 : memref<1x2x128xi32, #tpu.memory_space<vmem>> -> memref<2x128xi32, #tpu.memory_space<vmem>>
          %dma_wait3A_451 = arith.constant 0 : i32
          %dma_wait3A_452 = arith.constant 0 : i32
          %dma_wait3A_453 = tpu.memref_slice %arg4[%dma_wait3A_437, %dma_wait3A_451, %dma_wait3A_452] : memref<1280x2x128xi32, #tpu.memory_space<hbm>> -> memref<1x2x128xi32, #tpu.memory_space<hbm>>
          %dma_wait3A_454 = tpu.memref_squeeze %dma_wait3A_453 : memref<1x2x128xi32, #tpu.memory_space<hbm>> -> memref<2x128xi32, #tpu.memory_space<hbm>>
          tpu.wait_dma2 semaphore(%arg11 : memref<!tpu.dma_semaphore, #tpu.memory_space<semaphore_mem>>) src(%dma_wait3A_454 : memref<2x128xi32, #tpu.memory_space<hbm>>) dst(%dma_wait3A_450 : memref<2x128xi32, #tpu.memory_space<vmem>>)
          %dma_start3A_455 = arith.constant 0 : i32
          %dma_start3A_456 = arith.constant 0 : i32
          %dma_start3A_457 = arith.constant 0 : i32
          %dma_start3A_458 = tpu.memref_slice %arg8[%dma_start3A_455, %dma_start3A_456, %dma_start3A_457] : memref<4x2x128xi32, #tpu.memory_space<vmem>> -> memref<1x1x128xi32, #tpu.memory_space<vmem>>
          %dma_start3A_459 = tpu.memref_squeeze %dma_start3A_458 : memref<1x1x128xi32, #tpu.memory_space<vmem>> -> memref<128xi32, #tpu.memory_space<vmem>>
          %dma_start3A_460 = arith.constant 0 : i32
          %dma_start3A_461 = arith.constant 0 : i32
          %dma_start3A_462 = tpu.memref_slice %arg3[%dma_start3A_460, %dma_start3A_461] : memref<10000x128xf32, #tpu.memory_space<hbm>> -> memref<10000x128xf32, #tpu.memory_space<hbm>>
          tpu.enqueue_indirect_dma source(%dma_start3A_462 : memref<10000x128xf32, #tpu.memory_space<hbm>>) target(%arg9 : memref<128x128xf32, #tpu.memory_space<vmem>>) offsets(%dma_start3A_459 : memref<128xi32, #tpu.memory_space<vmem>>) semaphore(%arg15 : memref<!tpu.dma_semaphore, #tpu.memory_space<semaphore_mem>>)
        } else {
        }
        %add3A_407 = arith.constant 6 : i32
        %add3A_408 = arith.addi %mul3A_311, %add3A_407 : i32
        %lt3A_409 = arith.constant 80 : i32
        %lt3A_410 = arith.cmpi slt, %add3A_408, %lt3A_409 : i32
        %convert_element_type3A_411 = arith.extui %lt3A_410 : i1 to i32
        %cond3A_412 = arith.constant 0 : i32
        %cond3A_413 = arith.cmpi ne, %convert_element_type3A_411, %cond3A_412 : i32
        scf.if %cond3A_413 {
          %add3A_437 = arith.constant 6 : i32
          %add3A_438 = arith.addi %mul3A_311, %add3A_437 : i32
          %add3A_439 = arith.addi %mul3A_0, %add3A_438 : i32
          %dma_start3A_440 = arith.constant 2 : i32
          %dma_start3A_441 = arith.constant 0 : i32
          %dma_start3A_442 = arith.constant 0 : i32
          %dma_start3A_443 = tpu.memref_slice %arg8[%dma_start3A_440, %dma_start3A_441, %dma_start3A_442] : memref<4x2x128xi32, #tpu.memory_space<vmem>> -> memref<1x2x128xi32, #tpu.memory_space<vmem>>
          %dma_start3A_444 = tpu.memref_squeeze %dma_start3A_443 : memref<1x2x128xi32, #tpu.memory_space<vmem>> -> memref<2x128xi32, #tpu.memory_space<vmem>>
          %dma_start3A_445 = arith.constant 0 : i32
          %dma_start3A_446 = arith.constant 0 : i32
          %dma_start3A_447 = tpu.memref_slice %arg4[%add3A_439, %dma_start3A_445, %dma_start3A_446] : memref<1280x2x128xi32, #tpu.memory_space<hbm>> -> memref<1x2x128xi32, #tpu.memory_space<hbm>>
          %dma_start3A_448 = tpu.memref_squeeze %dma_start3A_447 : memref<1x2x128xi32, #tpu.memory_space<hbm>> -> memref<2x128xi32, #tpu.memory_space<hbm>>
          %dma_start3A_449 = arith.constant 0 : i32
          %dma_start3A_450 = arith.constant 0 : i32
          %dma_start3A_451 = tpu.memref_slice %arg8[%dma_start3A_440, %dma_start3A_449, %dma_start3A_450] : memref<4x2x128xi32, #tpu.memory_space<vmem>> -> memref<1x2x128xi32, #tpu.memory_space<vmem>>
          %dma_start3A_452 = tpu.memref_squeeze %dma_start3A_451 : memref<1x2x128xi32, #tpu.memory_space<vmem>> -> memref<2x128xi32, #tpu.memory_space<vmem>>
          %dma_start3A_453 = arith.constant 0 : i32
          %dma_start3A_454 = arith.constant 0 : i32
          %dma_start3A_455 = tpu.memref_slice %arg4[%add3A_439, %dma_start3A_453, %dma_start3A_454] : memref<1280x2x128xi32, #tpu.memory_space<hbm>> -> memref<1x2x128xi32, #tpu.memory_space<hbm>>
          %dma_start3A_456 = tpu.memref_squeeze %dma_start3A_455 : memref<1x2x128xi32, #tpu.memory_space<hbm>> -> memref<2x128xi32, #tpu.memory_space<hbm>>
          tpu.enqueue_dma source(%dma_start3A_456 : memref<2x128xi32, #tpu.memory_space<hbm>>) target(%dma_start3A_452 : memref<2x128xi32, #tpu.memory_space<vmem>>) target_semaphore(%arg13 : memref<!tpu.dma_semaphore, #tpu.memory_space<semaphore_mem>>)
        } else {
        }
        %dma_wait3A_414 = arith.constant 0 : i32
        %dma_wait3A_415 = arith.constant 0 : i32
        %dma_wait3A_416 = tpu.memref_slice %arg3[%dma_wait3A_414, %dma_wait3A_415] : memref<10000x128xf32, #tpu.memory_space<hbm>> -> memref<128x128xf32, #tpu.memory_space<hbm>>
        %dma_wait3A_417 = arith.constant 0 : i32
        %dma_wait3A_418 = arith.constant 0 : i32
        %dma_wait3A_419 = tpu.memref_slice %arg3[%dma_wait3A_417, %dma_wait3A_418] : memref<10000x128xf32, #tpu.memory_space<hbm>> -> memref<128x128xf32, #tpu.memory_space<hbm>>
        tpu.wait_dma2 semaphore(%arg16 : memref<!tpu.dma_semaphore, #tpu.memory_space<semaphore_mem>>) src(%dma_wait3A_419 : memref<128x128xf32, #tpu.memory_space<hbm>>) dst(%arg10 : memref<128x128xf32, #tpu.memory_space<vmem>>)
        %run_scoped3A_420 = arith.constant 3 : i32
        %run_scoped3A_421 = arith.constant 1 : i32
        "tpu.region"() ({
          %run_scoped3A_437 = tpu.sem_alloc : memref<!tpu.dma_semaphore, #tpu.memory_space<semaphore_mem>>
          %dma_start3A_438 = arith.constant 0 : i32
          %dma_start3A_439 = tpu.memref_slice %arg8[%run_scoped3A_420, %run_scoped3A_421, %dma_start3A_438] : memref<4x2x128xi32, #tpu.memory_space<vmem>> -> memref<1x1x128xi32, #tpu.memory_space<vmem>>
          %dma_start3A_440 = tpu.memref_squeeze %dma_start3A_439 : memref<1x1x128xi32, #tpu.memory_space<vmem>> -> memref<128xi32, #tpu.memory_space<vmem>>
          %dma_start3A_441 = arith.constant 0 : i32
          %dma_start3A_442 = arith.constant 0 : i32
          %dma_start3A_443 = tpu.memref_slice %arg7[%dma_start3A_441, %dma_start3A_442] : memref<10240x128xf32, #tpu.memory_space<vmem_shared>> -> memref<10240x128xf32, #tpu.memory_space<vmem_shared>>
          tpu.enqueue_indirect_dma source(%arg10 : memref<128x128xf32, #tpu.memory_space<vmem>>) target(%dma_start3A_443 : memref<10240x128xf32, #tpu.memory_space<vmem_shared>>) offsets(%dma_start3A_440 : memref<128xi32, #tpu.memory_space<vmem>>) semaphore(%run_scoped3A_437 : memref<!tpu.dma_semaphore, #tpu.memory_space<semaphore_mem>>) {add = true}
          %dma_wait3A_444 = arith.constant 0 : i32
          %dma_wait3A_445 = tpu.memref_slice %arg8[%run_scoped3A_420, %run_scoped3A_421, %dma_wait3A_444] : memref<4x2x128xi32, #tpu.memory_space<vmem>> -> memref<1x1x128xi32, #tpu.memory_space<vmem>>
          %dma_wait3A_446 = tpu.memref_squeeze %dma_wait3A_445 : memref<1x1x128xi32, #tpu.memory_space<vmem>> -> memref<128xi32, #tpu.memory_space<vmem>>
          %dma_wait3A_447 = arith.constant 0 : i32
          %dma_wait3A_448 = arith.constant 0 : i32
          %dma_wait3A_449 = tpu.memref_slice %arg7[%dma_wait3A_447, %dma_wait3A_448] : memref<10240x128xf32, #tpu.memory_space<vmem_shared>> -> memref<10240x128xf32, #tpu.memory_space<vmem_shared>>
          tpu.wait_indirect_dma semaphore(%run_scoped3A_437 : memref<!tpu.dma_semaphore, #tpu.memory_space<semaphore_mem>>) src(%arg10 : memref<128x128xf32, #tpu.memory_space<vmem>>) dst(%dma_wait3A_449 : memref<10240x128xf32, #tpu.memory_space<vmem_shared>>)
          tpu.yield
        }) : () -> ()
        %add3A_422 = arith.constant 5 : i32
        %add3A_423 = arith.addi %mul3A_311, %add3A_422 : i32
        %lt3A_424 = arith.constant 80 : i32
        %lt3A_425 = arith.cmpi slt, %add3A_423, %lt3A_424 : i32
        %convert_element_type3A_426 = arith.extui %lt3A_425 : i1 to i32
        %cond3A_427 = arith.constant 0 : i32
        %cond3A_428 = arith.cmpi ne, %convert_element_type3A_426, %cond3A_427 : i32
        scf.if %cond3A_428 {
          %dma_wait3A_437 = arith.constant 0 : i32
          %dma_wait3A_438 = arith.constant 1 : i32
          %dma_wait3A_439 = arith.constant 0 : i32
          %dma_wait3A_440 = arith.constant 0 : i32
          %dma_wait3A_441 = tpu.memref_slice %arg8[%dma_wait3A_438, %dma_wait3A_439, %dma_wait3A_440] : memref<4x2x128xi32, #tpu.memory_space<vmem>> -> memref<1x2x128xi32, #tpu.memory_space<vmem>>
          %dma_wait3A_442 = tpu.memref_squeeze %dma_wait3A_441 : memref<1x2x128xi32, #tpu.memory_space<vmem>> -> memref<2x128xi32, #tpu.memory_space<vmem>>
          %dma_wait3A_443 = arith.constant 0 : i32
          %dma_wait3A_444 = arith.constant 0 : i32
          %dma_wait3A_445 = tpu.memref_slice %arg4[%dma_wait3A_437, %dma_wait3A_443, %dma_wait3A_444] : memref<1280x2x128xi32, #tpu.memory_space<hbm>> -> memref<1x2x128xi32, #tpu.memory_space<hbm>>
          %dma_wait3A_446 = tpu.memref_squeeze %dma_wait3A_445 : memref<1x2x128xi32, #tpu.memory_space<hbm>> -> memref<2x128xi32, #tpu.memory_space<hbm>>
          %dma_wait3A_447 = arith.constant 0 : i32
          %dma_wait3A_448 = arith.constant 0 : i32
          %dma_wait3A_449 = tpu.memref_slice %arg8[%dma_wait3A_438, %dma_wait3A_447, %dma_wait3A_448] : memref<4x2x128xi32, #tpu.memory_space<vmem>> -> memref<1x2x128xi32, #tpu.memory_space<vmem>>
          %dma_wait3A_450 = tpu.memref_squeeze %dma_wait3A_449 : memref<1x2x128xi32, #tpu.memory_space<vmem>> -> memref<2x128xi32, #tpu.memory_space<vmem>>
          %dma_wait3A_451 = arith.constant 0 : i32
          %dma_wait3A_452 = arith.constant 0 : i32
          %dma_wait3A_453 = tpu.memref_slice %arg4[%dma_wait3A_437, %dma_wait3A_451, %dma_wait3A_452] : memref<1280x2x128xi32, #tpu.memory_space<hbm>> -> memref<1x2x128xi32, #tpu.memory_space<hbm>>
          %dma_wait3A_454 = tpu.memref_squeeze %dma_wait3A_453 : memref<1x2x128xi32, #tpu.memory_space<hbm>> -> memref<2x128xi32, #tpu.memory_space<hbm>>
          tpu.wait_dma2 semaphore(%arg12 : memref<!tpu.dma_semaphore, #tpu.memory_space<semaphore_mem>>) src(%dma_wait3A_454 : memref<2x128xi32, #tpu.memory_space<hbm>>) dst(%dma_wait3A_450 : memref<2x128xi32, #tpu.memory_space<vmem>>)
          %dma_start3A_455 = arith.constant 1 : i32
          %dma_start3A_456 = arith.constant 0 : i32
          %dma_start3A_457 = arith.constant 0 : i32
          %dma_start3A_458 = tpu.memref_slice %arg8[%dma_start3A_455, %dma_start3A_456, %dma_start3A_457] : memref<4x2x128xi32, #tpu.memory_space<vmem>> -> memref<1x1x128xi32, #tpu.memory_space<vmem>>
          %dma_start3A_459 = tpu.memref_squeeze %dma_start3A_458 : memref<1x1x128xi32, #tpu.memory_space<vmem>> -> memref<128xi32, #tpu.memory_space<vmem>>
          %dma_start3A_460 = arith.constant 0 : i32
          %dma_start3A_461 = arith.constant 0 : i32
          %dma_start3A_462 = tpu.memref_slice %arg3[%dma_start3A_460, %dma_start3A_461] : memref<10000x128xf32, #tpu.memory_space<hbm>> -> memref<10000x128xf32, #tpu.memory_space<hbm>>
          tpu.enqueue_indirect_dma source(%dma_start3A_462 : memref<10000x128xf32, #tpu.memory_space<hbm>>) target(%arg10 : memref<128x128xf32, #tpu.memory_space<vmem>>) offsets(%dma_start3A_459 : memref<128xi32, #tpu.memory_space<vmem>>) semaphore(%arg16 : memref<!tpu.dma_semaphore, #tpu.memory_space<semaphore_mem>>)
        } else {
        }
        %add3A_429 = arith.constant 7 : i32
        %add3A_430 = arith.addi %mul3A_311, %add3A_429 : i32
        %lt3A_431 = arith.constant 80 : i32
        %lt3A_432 = arith.cmpi slt, %add3A_430, %lt3A_431 : i32
        %convert_element_type3A_433 = arith.extui %lt3A_432 : i1 to i32
        %cond3A_434 = arith.constant 0 : i32
        %cond3A_435 = arith.cmpi ne, %convert_element_type3A_433, %cond3A_434 : i32
        scf.if %cond3A_435 {
          %add3A_437 = arith.constant 7 : i32
          %add3A_438 = arith.addi %mul3A_311, %add3A_437 : i32
          %add3A_439 = arith.addi %mul3A_0, %add3A_438 : i32
          %dma_start3A_440 = arith.constant 3 : i32
          %dma_start3A_441 = arith.constant 0 : i32
          %dma_start3A_442 = arith.constant 0 : i32
          %dma_start3A_443 = tpu.memref_slice %arg8[%dma_start3A_440, %dma_start3A_441, %dma_start3A_442] : memref<4x2x128xi32, #tpu.memory_space<vmem>> -> memref<1x2x128xi32, #tpu.memory_space<vmem>>
          %dma_start3A_444 = tpu.memref_squeeze %dma_start3A_443 : memref<1x2x128xi32, #tpu.memory_space<vmem>> -> memref<2x128xi32, #tpu.memory_space<vmem>>
          %dma_start3A_445 = arith.constant 0 : i32
          %dma_start3A_446 = arith.constant 0 : i32
          %dma_start3A_447 = tpu.memref_slice %arg4[%add3A_439, %dma_start3A_445, %dma_start3A_446] : memref<1280x2x128xi32, #tpu.memory_space<hbm>> -> memref<1x2x128xi32, #tpu.memory_space<hbm>>
          %dma_start3A_448 = tpu.memref_squeeze %dma_start3A_447 : memref<1x2x128xi32, #tpu.memory_space<hbm>> -> memref<2x128xi32, #tpu.memory_space<hbm>>
          %dma_start3A_449 = arith.constant 0 : i32
          %dma_start3A_450 = arith.constant 0 : i32
          %dma_start3A_451 = tpu.memref_slice %arg8[%dma_start3A_440, %dma_start3A_449, %dma_start3A_450] : memref<4x2x128xi32, #tpu.memory_space<vmem>> -> memref<1x2x128xi32, #tpu.memory_space<vmem>>
          %dma_start3A_452 = tpu.memref_squeeze %dma_start3A_451 : memref<1x2x128xi32, #tpu.memory_space<vmem>> -> memref<2x128xi32, #tpu.memory_space<vmem>>
          %dma_start3A_453 = arith.constant 0 : i32
          %dma_start3A_454 = arith.constant 0 : i32
          %dma_start3A_455 = tpu.memref_slice %arg4[%add3A_439, %dma_start3A_453, %dma_start3A_454] : memref<1280x2x128xi32, #tpu.memory_space<hbm>> -> memref<1x2x128xi32, #tpu.memory_space<hbm>>
          %dma_start3A_456 = tpu.memref_squeeze %dma_start3A_455 : memref<1x2x128xi32, #tpu.memory_space<hbm>> -> memref<2x128xi32, #tpu.memory_space<hbm>>
          tpu.enqueue_dma source(%dma_start3A_456 : memref<2x128xi32, #tpu.memory_space<hbm>>) target(%dma_start3A_452 : memref<2x128xi32, #tpu.memory_space<vmem>>) target_semaphore(%arg14 : memref<!tpu.dma_semaphore, #tpu.memory_space<semaphore_mem>>)
        } else {
        }
        %scan3A_436 = arith.constant 0 : i32
        scf.yield %scan3A_436 : i32
      }
      %scan3A_206 = arith.constant 20 : i32
      %barrier3A_207 = arith.constant 0 : index
      tpu.barrier barrier_id(%barrier3A_207)
      %mul3A_208 = arith.constant 640 : i32
      %mul3A_209 = arith.muli %arg1, %mul3A_208 : i32
      %add3A_210 = arith.constant 0 : i32
      %add3A_211 = arith.addi %mul3A_209, %add3A_210 : i32
      %dma_start3A_212 = arith.constant 0 : i32
      %dma_start3A_213 = tpu.memref_slice %arg7[%add3A_211, %dma_start3A_212] : memref<10240x128xf32, #tpu.memory_space<vmem_shared>> -> memref<128x128xf32, #tpu.memory_space<vmem_shared>>
      %dma_start3A_214 = arith.constant 0 : i32
      %dma_start3A_215 = tpu.memref_slice %arg7[%add3A_211, %dma_start3A_214] : memref<10240x128xf32, #tpu.memory_space<vmem_shared>> -> memref<128x128xf32, #tpu.memory_space<vmem_shared>>
      tpu.enqueue_dma source(%dma_start3A_215 : memref<128x128xf32, #tpu.memory_space<vmem_shared>>) target(%arg9 : memref<128x128xf32, #tpu.memory_space<vmem>>) target_semaphore(%arg15 : memref<!tpu.dma_semaphore, #tpu.memory_space<semaphore_mem>>)
      %mul3A_216 = arith.constant 640 : i32
      %mul3A_217 = arith.muli %arg1, %mul3A_216 : i32
      %add3A_218 = arith.constant 0 : i32
      %add3A_219 = arith.addi %mul3A_217, %add3A_218 : i32
      %dma_wait3A_220 = arith.constant 0 : i32
      %dma_wait3A_221 = tpu.memref_slice %arg7[%add3A_219, %dma_wait3A_220] : memref<10240x128xf32, #tpu.memory_space<vmem_shared>> -> memref<128x128xf32, #tpu.memory_space<vmem_shared>>
      %dma_wait3A_222 = arith.constant 0 : i32
      %dma_wait3A_223 = tpu.memref_slice %arg7[%add3A_219, %dma_wait3A_222] : memref<10240x128xf32, #tpu.memory_space<vmem_shared>> -> memref<128x128xf32, #tpu.memory_space<vmem_shared>>
      tpu.wait_dma2 semaphore(%arg15 : memref<!tpu.dma_semaphore, #tpu.memory_space<semaphore_mem>>) src(%dma_wait3A_223 : memref<128x128xf32, #tpu.memory_space<vmem_shared>>) dst(%arg9 : memref<128x128xf32, #tpu.memory_space<vmem>>)
      %mul3A_224 = arith.constant 640 : i32
      %mul3A_225 = arith.muli %arg1, %mul3A_224 : i32
      %add3A_226 = arith.constant 128 : i32
      %add3A_227 = arith.addi %mul3A_225, %add3A_226 : i32
      %dma_start3A_228 = arith.constant 0 : i32
      %dma_start3A_229 = tpu.memref_slice %arg7[%add3A_227, %dma_start3A_228] : memref<10240x128xf32, #tpu.memory_space<vmem_shared>> -> memref<128x128xf32, #tpu.memory_space<vmem_shared>>
      %dma_start3A_230 = arith.constant 0 : i32
      %dma_start3A_231 = tpu.memref_slice %arg7[%add3A_227, %dma_start3A_230] : memref<10240x128xf32, #tpu.memory_space<vmem_shared>> -> memref<128x128xf32, #tpu.memory_space<vmem_shared>>
      tpu.enqueue_dma source(%dma_start3A_231 : memref<128x128xf32, #tpu.memory_space<vmem_shared>>) target(%arg10 : memref<128x128xf32, #tpu.memory_space<vmem>>) target_semaphore(%arg16 : memref<!tpu.dma_semaphore, #tpu.memory_space<semaphore_mem>>)
      %mul3A_232 = arith.constant 640 : i32
      %mul3A_233 = arith.muli %arg1, %mul3A_232 : i32
      %add3A_234 = arith.constant 0 : i32
      %add3A_235 = arith.addi %mul3A_233, %add3A_234 : i32
      "tpu.region"() ({
        %run_scoped3A = tpu.sem_alloc : memref<!tpu.dma_semaphore, #tpu.memory_space<semaphore_mem>>
        %dma_start3A_308 = arith.constant 0 : i32
        %dma_start3A_309 = tpu.memref_slice %arg6[%add3A_235, %dma_start3A_308] : memref<10240x128xf32, #tpu.memory_space<hbm>> -> memref<128x128xf32, #tpu.memory_space<hbm>>
        %dma_start3A_310 = arith.constant 0 : i32
        %dma_start3A_311 = tpu.memref_slice %arg6[%add3A_235, %dma_start3A_310] : memref<10240x128xf32, #tpu.memory_space<hbm>> -> memref<128x128xf32, #tpu.memory_space<hbm>>
        tpu.enqueue_dma source(%arg9 : memref<128x128xf32, #tpu.memory_space<vmem>>) target(%dma_start3A_311 : memref<128x128xf32, #tpu.memory_space<hbm>>) target_semaphore(%run_scoped3A : memref<!tpu.dma_semaphore, #tpu.memory_space<semaphore_mem>>)
        %dma_wait3A_312 = arith.constant 0 : i32
        %dma_wait3A_313 = tpu.memref_slice %arg6[%add3A_235, %dma_wait3A_312] : memref<10240x128xf32, #tpu.memory_space<hbm>> -> memref<128x128xf32, #tpu.memory_space<hbm>>
        %dma_wait3A_314 = arith.constant 0 : i32
        %dma_wait3A_315 = tpu.memref_slice %arg6[%add3A_235, %dma_wait3A_314] : memref<10240x128xf32, #tpu.memory_space<hbm>> -> memref<128x128xf32, #tpu.memory_space<hbm>>
        tpu.wait_dma2 semaphore(%run_scoped3A : memref<!tpu.dma_semaphore, #tpu.memory_space<semaphore_mem>>) src(%arg9 : memref<128x128xf32, #tpu.memory_space<vmem>>) dst(%dma_wait3A_315 : memref<128x128xf32, #tpu.memory_space<hbm>>)
        tpu.yield
      }) : () -> ()
      %mul3A_236 = arith.constant 640 : i32
      %mul3A_237 = arith.muli %arg1, %mul3A_236 : i32
      %add3A_238 = arith.constant 128 : i32
      %add3A_239 = arith.addi %mul3A_237, %add3A_238 : i32
      %dma_wait3A_240 = arith.constant 0 : i32
      %dma_wait3A_241 = tpu.memref_slice %arg7[%add3A_239, %dma_wait3A_240] : memref<10240x128xf32, #tpu.memory_space<vmem_shared>> -> memref<128x128xf32, #tpu.memory_space<vmem_shared>>
      %dma_wait3A_242 = arith.constant 0 : i32
      %dma_wait3A_243 = tpu.memref_slice %arg7[%add3A_239, %dma_wait3A_242] : memref<10240x128xf32, #tpu.memory_space<vmem_shared>> -> memref<128x128xf32, #tpu.memory_space<vmem_shared>>
      tpu.wait_dma2 semaphore(%arg16 : memref<!tpu.dma_semaphore, #tpu.memory_space<semaphore_mem>>) src(%dma_wait3A_243 : memref<128x128xf32, #tpu.memory_space<vmem_shared>>) dst(%arg10 : memref<128x128xf32, #tpu.memory_space<vmem>>)
      %mul3A_244 = arith.constant 640 : i32
      %mul3A_245 = arith.muli %arg1, %mul3A_244 : i32
      %add3A_246 = arith.constant 256 : i32
      %add3A_247 = arith.addi %mul3A_245, %add3A_246 : i32
      %dma_start3A_248 = arith.constant 0 : i32
      %dma_start3A_249 = tpu.memref_slice %arg7[%add3A_247, %dma_start3A_248] : memref<10240x128xf32, #tpu.memory_space<vmem_shared>> -> memref<128x128xf32, #tpu.memory_space<vmem_shared>>
      %dma_start3A_250 = arith.constant 0 : i32
      %dma_start3A_251 = tpu.memref_slice %arg7[%add3A_247, %dma_start3A_250] : memref<10240x128xf32, #tpu.memory_space<vmem_shared>> -> memref<128x128xf32, #tpu.memory_space<vmem_shared>>
      tpu.enqueue_dma source(%dma_start3A_251 : memref<128x128xf32, #tpu.memory_space<vmem_shared>>) target(%arg9 : memref<128x128xf32, #tpu.memory_space<vmem>>) target_semaphore(%arg15 : memref<!tpu.dma_semaphore, #tpu.memory_space<semaphore_mem>>)
      %mul3A_252 = arith.constant 640 : i32
      %mul3A_253 = arith.muli %arg1, %mul3A_252 : i32
      %add3A_254 = arith.constant 128 : i32
      %add3A_255 = arith.addi %mul3A_253, %add3A_254 : i32
      "tpu.region"() ({
        %run_scoped3A = tpu.sem_alloc : memref<!tpu.dma_semaphore, #tpu.memory_space<semaphore_mem>>
        %dma_start3A_308 = arith.constant 0 : i32
        %dma_start3A_309 = tpu.memref_slice %arg6[%add3A_255, %dma_start3A_308] : memref<10240x128xf32, #tpu.memory_space<hbm>> -> memref<128x128xf32, #tpu.memory_space<hbm>>
        %dma_start3A_310 = arith.constant 0 : i32
        %dma_start3A_311 = tpu.memref_slice %arg6[%add3A_255, %dma_start3A_310] : memref<10240x128xf32, #tpu.memory_space<hbm>> -> memref<128x128xf32, #tpu.memory_space<hbm>>
        tpu.enqueue_dma source(%arg10 : memref<128x128xf32, #tpu.memory_space<vmem>>) target(%dma_start3A_311 : memref<128x128xf32, #tpu.memory_space<hbm>>) target_semaphore(%run_scoped3A : memref<!tpu.dma_semaphore, #tpu.memory_space<semaphore_mem>>)
        %dma_wait3A_312 = arith.constant 0 : i32
        %dma_wait3A_313 = tpu.memref_slice %arg6[%add3A_255, %dma_wait3A_312] : memref<10240x128xf32, #tpu.memory_space<hbm>> -> memref<128x128xf32, #tpu.memory_space<hbm>>
        %dma_wait3A_314 = arith.constant 0 : i32
        %dma_wait3A_315 = tpu.memref_slice %arg6[%add3A_255, %dma_wait3A_314] : memref<10240x128xf32, #tpu.memory_space<hbm>> -> memref<128x128xf32, #tpu.memory_space<hbm>>
        tpu.wait_dma2 semaphore(%run_scoped3A : memref<!tpu.dma_semaphore, #tpu.memory_space<semaphore_mem>>) src(%arg10 : memref<128x128xf32, #tpu.memory_space<vmem>>) dst(%dma_wait3A_315 : memref<128x128xf32, #tpu.memory_space<hbm>>)
        tpu.yield
      }) : () -> ()
      %mul3A_256 = arith.constant 640 : i32
      %mul3A_257 = arith.muli %arg1, %mul3A_256 : i32
      %add3A_258 = arith.constant 256 : i32
      %add3A_259 = arith.addi %mul3A_257, %add3A_258 : i32
      %dma_wait3A_260 = arith.constant 0 : i32
      %dma_wait3A_261 = tpu.memref_slice %arg7[%add3A_259, %dma_wait3A_260] : memref<10240x128xf32, #tpu.memory_space<vmem_shared>> -> memref<128x128xf32, #tpu.memory_space<vmem_shared>>
      %dma_wait3A_262 = arith.constant 0 : i32
      %dma_wait3A_263 = tpu.memref_slice %arg7[%add3A_259, %dma_wait3A_262] : memref<10240x128xf32, #tpu.memory_space<vmem_shared>> -> memref<128x128xf32, #tpu.memory_space<vmem_shared>>
      tpu.wait_dma2 semaphore(%arg15 : memref<!tpu.dma_semaphore, #tpu.memory_space<semaphore_mem>>) src(%dma_wait3A_263 : memref<128x128xf32, #tpu.memory_space<vmem_shared>>) dst(%arg9 : memref<128x128xf32, #tpu.memory_space<vmem>>)
      %mul3A_264 = arith.constant 640 : i32
      %mul3A_265 = arith.muli %arg1, %mul3A_264 : i32
      %add3A_266 = arith.constant 384 : i32
      %add3A_267 = arith.addi %mul3A_265, %add3A_266 : i32
      %dma_start3A_268 = arith.constant 0 : i32
      %dma_start3A_269 = tpu.memref_slice %arg7[%add3A_267, %dma_start3A_268] : memref<10240x128xf32, #tpu.memory_space<vmem_shared>> -> memref<128x128xf32, #tpu.memory_space<vmem_shared>>
      %dma_start3A_270 = arith.constant 0 : i32
      %dma_start3A_271 = tpu.memref_slice %arg7[%add3A_267, %dma_start3A_270] : memref<10240x128xf32, #tpu.memory_space<vmem_shared>> -> memref<128x128xf32, #tpu.memory_space<vmem_shared>>
      tpu.enqueue_dma source(%dma_start3A_271 : memref<128x128xf32, #tpu.memory_space<vmem_shared>>) target(%arg10 : memref<128x128xf32, #tpu.memory_space<vmem>>) target_semaphore(%arg16 : memref<!tpu.dma_semaphore, #tpu.memory_space<semaphore_mem>>)
      %mul3A_272 = arith.constant 640 : i32
      %mul3A_273 = arith.muli %arg1, %mul3A_272 : i32
      %add3A_274 = arith.constant 256 : i32
      %add3A_275 = arith.addi %mul3A_273, %add3A_274 : i32
      "tpu.region"() ({
        %run_scoped3A = tpu.sem_alloc : memref<!tpu.dma_semaphore, #tpu.memory_space<semaphore_mem>>
        %dma_start3A_308 = arith.constant 0 : i32
        %dma_start3A_309 = tpu.memref_slice %arg6[%add3A_275, %dma_start3A_308] : memref<10240x128xf32, #tpu.memory_space<hbm>> -> memref<128x128xf32, #tpu.memory_space<hbm>>
        %dma_start3A_310 = arith.constant 0 : i32
        %dma_start3A_311 = tpu.memref_slice %arg6[%add3A_275, %dma_start3A_310] : memref<10240x128xf32, #tpu.memory_space<hbm>> -> memref<128x128xf32, #tpu.memory_space<hbm>>
        tpu.enqueue_dma source(%arg9 : memref<128x128xf32, #tpu.memory_space<vmem>>) target(%dma_start3A_311 : memref<128x128xf32, #tpu.memory_space<hbm>>) target_semaphore(%run_scoped3A : memref<!tpu.dma_semaphore, #tpu.memory_space<semaphore_mem>>)
        %dma_wait3A_312 = arith.constant 0 : i32
        %dma_wait3A_313 = tpu.memref_slice %arg6[%add3A_275, %dma_wait3A_312] : memref<10240x128xf32, #tpu.memory_space<hbm>> -> memref<128x128xf32, #tpu.memory_space<hbm>>
        %dma_wait3A_314 = arith.constant 0 : i32
        %dma_wait3A_315 = tpu.memref_slice %arg6[%add3A_275, %dma_wait3A_314] : memref<10240x128xf32, #tpu.memory_space<hbm>> -> memref<128x128xf32, #tpu.memory_space<hbm>>
        tpu.wait_dma2 semaphore(%run_scoped3A : memref<!tpu.dma_semaphore, #tpu.memory_space<semaphore_mem>>) src(%arg9 : memref<128x128xf32, #tpu.memory_space<vmem>>) dst(%dma_wait3A_315 : memref<128x128xf32, #tpu.memory_space<hbm>>)
        tpu.yield
      }) : () -> ()
      %mul3A_276 = arith.constant 640 : i32
      %mul3A_277 = arith.muli %arg1, %mul3A_276 : i32
      %add3A_278 = arith.constant 384 : i32
      %add3A_279 = arith.addi %mul3A_277, %add3A_278 : i32
      %dma_wait3A_280 = arith.constant 0 : i32
      %dma_wait3A_281 = tpu.memref_slice %arg7[%add3A_279, %dma_wait3A_280] : memref<10240x128xf32, #tpu.memory_space<vmem_shared>> -> memref<128x128xf32, #tpu.memory_space<vmem_shared>>
      %dma_wait3A_282 = arith.constant 0 : i32
      %dma_wait3A_283 = tpu.memref_slice %arg7[%add3A_279, %dma_wait3A_282] : memref<10240x128xf32, #tpu.memory_space<vmem_shared>> -> memref<128x128xf32, #tpu.memory_space<vmem_shared>>
      tpu.wait_dma2 semaphore(%arg16 : memref<!tpu.dma_semaphore, #tpu.memory_space<semaphore_mem>>) src(%dma_wait3A_283 : memref<128x128xf32, #tpu.memory_space<vmem_shared>>) dst(%arg10 : memref<128x128xf32, #tpu.memory_space<vmem>>)
      %mul3A_284 = arith.constant 640 : i32
      %mul3A_285 = arith.muli %arg1, %mul3A_284 : i32
      %add3A_286 = arith.constant 512 : i32
      %add3A_287 = arith.addi %mul3A_285, %add3A_286 : i32
      %dma_start3A_288 = arith.constant 0 : i32
      %dma_start3A_289 = tpu.memref_slice %arg7[%add3A_287, %dma_start3A_288] : memref<10240x128xf32, #tpu.memory_space<vmem_shared>> -> memref<128x128xf32, #tpu.memory_space<vmem_shared>>
      %dma_start3A_290 = arith.constant 0 : i32
      %dma_start3A_291 = tpu.memref_slice %arg7[%add3A_287, %dma_start3A_290] : memref<10240x128xf32, #tpu.memory_space<vmem_shared>> -> memref<128x128xf32, #tpu.memory_space<vmem_shared>>
      tpu.enqueue_dma source(%dma_start3A_291 : memref<128x128xf32, #tpu.memory_space<vmem_shared>>) target(%arg9 : memref<128x128xf32, #tpu.memory_space<vmem>>) target_semaphore(%arg15 : memref<!tpu.dma_semaphore, #tpu.memory_space<semaphore_mem>>)
      %mul3A_292 = arith.constant 640 : i32
      %mul3A_293 = arith.muli %arg1, %mul3A_292 : i32
      %add3A_294 = arith.constant 384 : i32
      %add3A_295 = arith.addi %mul3A_293, %add3A_294 : i32
      "tpu.region"() ({
        %run_scoped3A = tpu.sem_alloc : memref<!tpu.dma_semaphore, #tpu.memory_space<semaphore_mem>>
        %dma_start3A_308 = arith.constant 0 : i32
        %dma_start3A_309 = tpu.memref_slice %arg6[%add3A_295, %dma_start3A_308] : memref<10240x128xf32, #tpu.memory_space<hbm>> -> memref<128x128xf32, #tpu.memory_space<hbm>>
        %dma_start3A_310 = arith.constant 0 : i32
        %dma_start3A_311 = tpu.memref_slice %arg6[%add3A_295, %dma_start3A_310] : memref<10240x128xf32, #tpu.memory_space<hbm>> -> memref<128x128xf32, #tpu.memory_space<hbm>>
        tpu.enqueue_dma source(%arg10 : memref<128x128xf32, #tpu.memory_space<vmem>>) target(%dma_start3A_311 : memref<128x128xf32, #tpu.memory_space<hbm>>) target_semaphore(%run_scoped3A : memref<!tpu.dma_semaphore, #tpu.memory_space<semaphore_mem>>)
        %dma_wait3A_312 = arith.constant 0 : i32
        %dma_wait3A_313 = tpu.memref_slice %arg6[%add3A_295, %dma_wait3A_312] : memref<10240x128xf32, #tpu.memory_space<hbm>> -> memref<128x128xf32, #tpu.memory_space<hbm>>
        %dma_wait3A_314 = arith.constant 0 : i32
        %dma_wait3A_315 = tpu.memref_slice %arg6[%add3A_295, %dma_wait3A_314] : memref<10240x128xf32, #tpu.memory_space<hbm>> -> memref<128x128xf32, #tpu.memory_space<hbm>>
        tpu.wait_dma2 semaphore(%run_scoped3A : memref<!tpu.dma_semaphore, #tpu.memory_space<semaphore_mem>>) src(%arg10 : memref<128x128xf32, #tpu.memory_space<vmem>>) dst(%dma_wait3A_315 : memref<128x128xf32, #tpu.memory_space<hbm>>)
        tpu.yield
      }) : () -> ()
      %mul3A_296 = arith.constant 640 : i32
      %mul3A_297 = arith.muli %arg1, %mul3A_296 : i32
      %add3A_298 = arith.constant 512 : i32
      %add3A_299 = arith.addi %mul3A_297, %add3A_298 : i32
      %dma_wait3A_300 = arith.constant 0 : i32
      %dma_wait3A_301 = tpu.memref_slice %arg7[%add3A_299, %dma_wait3A_300] : memref<10240x128xf32, #tpu.memory_space<vmem_shared>> -> memref<128x128xf32, #tpu.memory_space<vmem_shared>>
      %dma_wait3A_302 = arith.constant 0 : i32
      %dma_wait3A_303 = tpu.memref_slice %arg7[%add3A_299, %dma_wait3A_302] : memref<10240x128xf32, #tpu.memory_space<vmem_shared>> -> memref<128x128xf32, #tpu.memory_space<vmem_shared>>
      tpu.wait_dma2 semaphore(%arg15 : memref<!tpu.dma_semaphore, #tpu.memory_space<semaphore_mem>>) src(%dma_wait3A_303 : memref<128x128xf32, #tpu.memory_space<vmem_shared>>) dst(%arg9 : memref<128x128xf32, #tpu.memory_space<vmem>>)
      %mul3A_304 = arith.constant 640 : i32
      %mul3A_305 = arith.muli %arg1, %mul3A_304 : i32
      %add3A_306 = arith.constant 512 : i32
      %add3A_307 = arith.addi %mul3A_305, %add3A_306 : i32
      "tpu.region"() ({
        %run_scoped3A = tpu.sem_alloc : memref<!tpu.dma_semaphore, #tpu.memory_space<semaphore_mem>>
        %dma_start3A_308 = arith.constant 0 : i32
        %dma_start3A_309 = tpu.memref_slice %arg6[%add3A_307, %dma_start3A_308] : memref<10240x128xf32, #tpu.memory_space<hbm>> -> memref<128x128xf32, #tpu.memory_space<hbm>>
        %dma_start3A_310 = arith.constant 0 : i32
        %dma_start3A_311 = tpu.memref_slice %arg6[%add3A_307, %dma_start3A_310] : memref<10240x128xf32, #tpu.memory_space<hbm>> -> memref<128x128xf32, #tpu.memory_space<hbm>>
        tpu.enqueue_dma source(%arg9 : memref<128x128xf32, #tpu.memory_space<vmem>>) target(%dma_start3A_311 : memref<128x128xf32, #tpu.memory_space<hbm>>) target_semaphore(%run_scoped3A : memref<!tpu.dma_semaphore, #tpu.memory_space<semaphore_mem>>)
        %dma_wait3A_312 = arith.constant 0 : i32
        %dma_wait3A_313 = tpu.memref_slice %arg6[%add3A_307, %dma_wait3A_312] : memref<10240x128xf32, #tpu.memory_space<hbm>> -> memref<128x128xf32, #tpu.memory_space<hbm>>
        %dma_wait3A_314 = arith.constant 0 : i32
        %dma_wait3A_315 = tpu.memref_slice %arg6[%add3A_307, %dma_wait3A_314] : memref<10240x128xf32, #tpu.memory_space<hbm>> -> memref<128x128xf32, #tpu.memory_space<hbm>>
        tpu.wait_dma2 semaphore(%run_scoped3A : memref<!tpu.dma_semaphore, #tpu.memory_space<semaphore_mem>>) src(%arg9 : memref<128x128xf32, #tpu.memory_space<vmem>>) dst(%dma_wait3A_315 : memref<128x128xf32, #tpu.memory_space<hbm>>)
        tpu.yield
      }) : () -> ()
    } else {
    }
    return
  }
}

#map = affine_map<(d0, d1) -> (0, 0)>
#map1 = affine_map<(d0, d1) -> (0, 0, 0)>
module attributes {stable_mosaic.version = 14 : i64} {
  func.func @_seg_sum_body(%arg0: i32, %arg1: i32, %arg2: memref<10000x128xf32, #tpu.memory_space<hbm>>, %arg3: memref<10000x128xf32, #tpu.memory_space<hbm>>, %arg4: memref<1280x2x128xi32, #tpu.memory_space<hbm>>, %arg5: memref<10240x128xf32, #tpu.memory_space<hbm>>, %arg6: memref<10240x128xf32, #tpu.memory_space<hbm>>, %arg7: memref<10240x128xf32, #tpu.memory_space<vmem_shared>>, %arg8: memref<4x2x128xi32, #tpu.memory_space<vmem>>, %arg9: memref<128x128xf32, #tpu.memory_space<vmem>>, %arg10: memref<128x128xf32, #tpu.memory_space<vmem>>, %arg11: memref<!tpu.dma_semaphore, #tpu.memory_space<semaphore_mem>>, %arg12: memref<!tpu.dma_semaphore, #tpu.memory_space<semaphore_mem>>, %arg13: memref<!tpu.dma_semaphore, #tpu.memory_space<semaphore_mem>>, %arg14: memref<!tpu.dma_semaphore, #tpu.memory_space<semaphore_mem>>, %arg15: memref<!tpu.dma_semaphore, #tpu.memory_space<semaphore_mem>>, %arg16: memref<!tpu.dma_semaphore, #tpu.memory_space<semaphore_mem>>) attributes {dimension_semantics = [#tpu.dimension_semantics<core_parallel>, #tpu.dimension_semantics<subcore_parallel>], iteration_bounds = array<i64: 2, 16>, scalar_prefetch = 0 : i64, scratch_operands = 10 : i64, tpu.core_type = #tpu.core_type<sc_vector_subcore>, window_params = [{transform_indices = #map}, {transform_indices = #map}, {transform_indices = #map1}, {transform_indices = #map}, {transform_indices = #map}]} {
    %mul3A = arith.constant 80 : i32
    %mul3A_0 = arith.muli %arg1, %mul3A : i32
    %add3A = arith.constant 0 : i32
    %add3A_1 = arith.addi %mul3A_0, %add3A : i32
    %dma_start3A = arith.constant 0 : i32
    %dma_start3A_2 = arith.constant 0 : i32
    %dma_start3A_3 = arith.constant 0 : i32
    %dma_start3A_4 = tpu.memref_slice %arg8[%dma_start3A, %dma_start3A_2, %dma_start3A_3] : memref<4x2x128xi32, #tpu.memory_space<vmem>> -> memref<1x2x128xi32, #tpu.memory_space<vmem>>
    %dma_start3A_5 = tpu.memref_squeeze %dma_start3A_4 : memref<1x2x128xi32, #tpu.memory_space<vmem>> -> memref<2x128xi32, #tpu.memory_space<vmem>>
    %dma_start3A_6 = arith.constant 0 : i32
    %dma_start3A_7 = arith.constant 0 : i32
    %dma_start3A_8 = tpu.memref_slice %arg4[%add3A_1, %dma_start3A_6, %dma_start3A_7] : memref<1280x2x128xi32, #tpu.memory_space<hbm>> -> memref<1x2x128xi32, #tpu.memory_space<hbm>>
    %dma_start3A_9 = tpu.memref_squeeze %dma_start3A_8 : memref<1x2x128xi32, #tpu.memory_space<hbm>> -> memref<2x128xi32, #tpu.memory_space<hbm>>
    %dma_start3A_10 = arith.constant 0 : i32
    %dma_start3A_11 = arith.constant 0 : i32
    %dma_start3A_12 = tpu.memref_slice %arg8[%dma_start3A, %dma_start3A_10, %dma_start3A_11] : memref<4x2x128xi32, #tpu.memory_space<vmem>> -> memref<1x2x128xi32, #tpu.memory_space<vmem>>
    %dma_start3A_13 = tpu.memref_squeeze %dma_start3A_12 : memref<1x2x128xi32, #tpu.memory_space<vmem>> -> memref<2x128xi32, #tpu.memory_space<vmem>>
    %dma_start3A_14 = arith.constant 0 : i32
    %dma_start3A_15 = arith.constant 0 : i32
    %dma_start3A_16 = tpu.memref_slice %arg4[%add3A_1, %dma_start3A_14, %dma_start3A_15] : memref<1280x2x128xi32, #tpu.memory_space<hbm>> -> memref<1x2x128xi32, #tpu.memory_space<hbm>>
    %dma_start3A_17 = tpu.memref_squeeze %dma_start3A_16 : memref<1x2x128xi32, #tpu.memory_space<hbm>> -> memref<2x128xi32, #tpu.memory_space<hbm>>
    tpu.enqueue_dma source(%dma_start3A_17 : memref<2x128xi32, #tpu.memory_space<hbm>>) target(%dma_start3A_13 : memref<2x128xi32, #tpu.memory_space<vmem>>) target_semaphore(%arg11 : memref<!tpu.dma_semaphore, #tpu.memory_space<semaphore_mem>>)
    %add3A_18 = arith.constant 1 : i32
    %add3A_19 = arith.addi %mul3A_0, %add3A_18 : i32
    %dma_start3A_20 = arith.constant 1 : i32
    %dma_start3A_21 = arith.constant 0 : i32
    %dma_start3A_22 = arith.constant 0 : i32
    %dma_start3A_23 = tpu.memref_slice %arg8[%dma_start3A_20, %dma_start3A_21, %dma_start3A_22] : memref<4x2x128xi32, #tpu.memory_space<vmem>> -> memref<1x2x128xi32, #tpu.memory_space<vmem>>
    %dma_start3A_24 = tpu.memref_squeeze %dma_start3A_23 : memref<1x2x128xi32, #tpu.memory_space<vmem>> -> memref<2x128xi32, #tpu.memory_space<vmem>>
    %dma_start3A_25 = arith.constant 0 : i32
    %dma_start3A_26 = arith.constant 0 : i32
    %dma_start3A_27 = tpu.memref_slice %arg4[%add3A_19, %dma_start3A_25, %dma_start3A_26] : memref<1280x2x128xi32, #tpu.memory_space<hbm>> -> memref<1x2x128xi32, #tpu.memory_space<hbm>>
    %dma_start3A_28 = tpu.memref_squeeze %dma_start3A_27 : memref<1x2x128xi32, #tpu.memory_space<hbm>> -> memref<2x128xi32, #tpu.memory_space<hbm>>
    %dma_start3A_29 = arith.constant 0 : i32
    %dma_start3A_30 = arith.constant 0 : i32
    %dma_start3A_31 = tpu.memref_slice %arg8[%dma_start3A_20, %dma_start3A_29, %dma_start3A_30] : memref<4x2x128xi32, #tpu.memory_space<vmem>> -> memref<1x2x128xi32, #tpu.memory_space<vmem>>
    %dma_start3A_32 = tpu.memref_squeeze %dma_start3A_31 : memref<1x2x128xi32, #tpu.memory_space<vmem>> -> memref<2x128xi32, #tpu.memory_space<vmem>>
    %dma_start3A_33 = arith.constant 0 : i32
    %dma_start3A_34 = arith.constant 0 : i32
    %dma_start3A_35 = tpu.memref_slice %arg4[%add3A_19, %dma_start3A_33, %dma_start3A_34] : memref<1280x2x128xi32, #tpu.memory_space<hbm>> -> memref<1x2x128xi32, #tpu.memory_space<hbm>>
    %dma_start3A_36 = tpu.memref_squeeze %dma_start3A_35 : memref<1x2x128xi32, #tpu.memory_space<hbm>> -> memref<2x128xi32, #tpu.memory_space<hbm>>
    tpu.enqueue_dma source(%dma_start3A_36 : memref<2x128xi32, #tpu.memory_space<hbm>>) target(%dma_start3A_32 : memref<2x128xi32, #tpu.memory_space<vmem>>) target_semaphore(%arg12 : memref<!tpu.dma_semaphore, #tpu.memory_space<semaphore_mem>>)
    %add3A_37 = arith.constant 2 : i32
    %add3A_38 = arith.addi %mul3A_0, %add3A_37 : i32
    %dma_start3A_39 = arith.constant 2 : i32
    %dma_start3A_40 = arith.constant 0 : i32
    %dma_start3A_41 = arith.constant 0 : i32
    %dma_start3A_42 = tpu.memref_slice %arg8[%dma_start3A_39, %dma_start3A_40, %dma_start3A_41] : memref<4x2x128xi32, #tpu.memory_space<vmem>> -> memref<1x2x128xi32, #tpu.memory_space<vmem>>
    %dma_start3A_43 = tpu.memref_squeeze %dma_start3A_42 : memref<1x2x128xi32, #tpu.memory_space<vmem>> -> memref<2x128xi32, #tpu.memory_space<vmem>>
    %dma_start3A_44 = arith.constant 0 : i32
    %dma_start3A_45 = arith.constant 0 : i32
    %dma_start3A_46 = tpu.memref_slice %arg4[%add3A_38, %dma_start3A_44, %dma_start3A_45] : memref<1280x2x128xi32, #tpu.memory_space<hbm>> -> memref<1x2x128xi32, #tpu.memory_space<hbm>>
    %dma_start3A_47 = tpu.memref_squeeze %dma_start3A_46 : memref<1x2x128xi32, #tpu.memory_space<hbm>> -> memref<2x128xi32, #tpu.memory_space<hbm>>
    %dma_start3A_48 = arith.constant 0 : i32
    %dma_start3A_49 = arith.constant 0 : i32
    %dma_start3A_50 = tpu.memref_slice %arg8[%dma_start3A_39, %dma_start3A_48, %dma_start3A_49] : memref<4x2x128xi32, #tpu.memory_space<vmem>> -> memref<1x2x128xi32, #tpu.memory_space<vmem>>
    %dma_start3A_51 = tpu.memref_squeeze %dma_start3A_50 : memref<1x2x128xi32, #tpu.memory_space<vmem>> -> memref<2x128xi32, #tpu.memory_space<vmem>>
    %dma_start3A_52 = arith.constant 0 : i32
    %dma_start3A_53 = arith.constant 0 : i32
    %dma_start3A_54 = tpu.memref_slice %arg4[%add3A_38, %dma_start3A_52, %dma_start3A_53] : memref<1280x2x128xi32, #tpu.memory_space<hbm>> -> memref<1x2x128xi32, #tpu.memory_space<hbm>>
    %dma_start3A_55 = tpu.memref_squeeze %dma_start3A_54 : memref<1x2x128xi32, #tpu.memory_space<hbm>> -> memref<2x128xi32, #tpu.memory_space<hbm>>
    tpu.enqueue_dma source(%dma_start3A_55 : memref<2x128xi32, #tpu.memory_space<hbm>>) target(%dma_start3A_51 : memref<2x128xi32, #tpu.memory_space<vmem>>) target_semaphore(%arg13 : memref<!tpu.dma_semaphore, #tpu.memory_space<semaphore_mem>>)
    %add3A_56 = arith.constant 3 : i32
    %add3A_57 = arith.addi %mul3A_0, %add3A_56 : i32
    %dma_start3A_58 = arith.constant 3 : i32
    %dma_start3A_59 = arith.constant 0 : i32
    %dma_start3A_60 = arith.constant 0 : i32
    %dma_start3A_61 = tpu.memref_slice %arg8[%dma_start3A_58, %dma_start3A_59, %dma_start3A_60] : memref<4x2x128xi32, #tpu.memory_space<vmem>> -> memref<1x2x128xi32, #tpu.memory_space<vmem>>
    %dma_start3A_62 = tpu.memref_squeeze %dma_start3A_61 : memref<1x2x128xi32, #tpu.memory_space<vmem>> -> memref<2x128xi32, #tpu.memory_space<vmem>>
    %dma_start3A_63 = arith.constant 0 : i32
    %dma_start3A_64 = arith.constant 0 : i32
    %dma_start3A_65 = tpu.memref_slice %arg4[%add3A_57, %dma_start3A_63, %dma_start3A_64] : memref<1280x2x128xi32, #tpu.memory_space<hbm>> -> memref<1x2x128xi32, #tpu.memory_space<hbm>>
    %dma_start3A_66 = tpu.memref_squeeze %dma_start3A_65 : memref<1x2x128xi32, #tpu.memory_space<hbm>> -> memref<2x128xi32, #tpu.memory_space<hbm>>
    %dma_start3A_67 = arith.constant 0 : i32
    %dma_start3A_68 = arith.constant 0 : i32
    %dma_start3A_69 = tpu.memref_slice %arg8[%dma_start3A_58, %dma_start3A_67, %dma_start3A_68] : memref<4x2x128xi32, #tpu.memory_space<vmem>> -> memref<1x2x128xi32, #tpu.memory_space<vmem>>
    %dma_start3A_70 = tpu.memref_squeeze %dma_start3A_69 : memref<1x2x128xi32, #tpu.memory_space<vmem>> -> memref<2x128xi32, #tpu.memory_space<vmem>>
    %dma_start3A_71 = arith.constant 0 : i32
    %dma_start3A_72 = arith.constant 0 : i32
    %dma_start3A_73 = tpu.memref_slice %arg4[%add3A_57, %dma_start3A_71, %dma_start3A_72] : memref<1280x2x128xi32, #tpu.memory_space<hbm>> -> memref<1x2x128xi32, #tpu.memory_space<hbm>>
    %dma_start3A_74 = tpu.memref_squeeze %dma_start3A_73 : memref<1x2x128xi32, #tpu.memory_space<hbm>> -> memref<2x128xi32, #tpu.memory_space<hbm>>
    tpu.enqueue_dma source(%dma_start3A_74 : memref<2x128xi32, #tpu.memory_space<hbm>>) target(%dma_start3A_70 : memref<2x128xi32, #tpu.memory_space<vmem>>) target_semaphore(%arg14 : memref<!tpu.dma_semaphore, #tpu.memory_space<semaphore_mem>>)
    %broadcast_in_dim3A = arith.constant 0.000000e+00 : f32
    %broadcast_in_dim3A_75 = vector.broadcast %broadcast_in_dim3A : f32 to vector<16xf32>
    %scan3A = arith.constant 0 : i32
    %scan3A_76 = arith.constant 0 : i32
    %scan3A_77 = arith.constant 128 : i32
    %scan3A_78 = arith.addi %scan3A_76, %scan3A_77 : i32
    %scan3A_79 = arith.constant 1 : i32
    %scan3A_80 = scf.for %scan3A_148 = %scan3A_76 to %scan3A_78 step %scan3A_79 iter_args(%scan3A_149 = %scan3A) -> (i32)  : i32 {
      %scan3A_150 = arith.constant 0 : i32
      %scan3A_151 = arith.constant 0 : i32
      %scan3A_152 = arith.constant 8 : i32
      %scan3A_153 = arith.addi %scan3A_151, %scan3A_152 : i32
      %scan3A_154 = arith.constant 1 : i32
      %scan3A_155 = scf.for %scan3A_157 = %scan3A_151 to %scan3A_153 step %scan3A_154 iter_args(%scan3A_158 = %scan3A_150) -> (i32)  : i32 {
        %mul3A_159 = arith.constant 16 : i32
        %mul3A_160 = arith.muli %scan3A_157, %mul3A_159 : i32
        %swap3A = arith.index_cast %scan3A_148 : i32 to index
        %swap3A_161 = arith.index_cast %mul3A_160 : i32 to index
        %swap3A_162 = tpu.vector_load %arg10[%swap3A, %swap3A_161] {strides = array<i32>} : memref<128x128xf32, #tpu.memory_space<vmem>>, vector<1x16xf32>,
        %swap3A_163 = vector.shape_cast %swap3A_162 : vector<1x16xf32> to vector<16xf32>
        %swap3A_164 = vector.shape_cast %broadcast_in_dim3A_75 : vector<16xf32> to vector<1x16xf32>
        tpu.vector_store %arg10[%swap3A, %swap3A_161], %swap3A_164 {strides = array<i32>} : memref<128x128xf32, #tpu.memory_space<vmem>>, vector<1x16xf32>,
        %scan3A_165 = arith.constant 0 : i32
        scf.yield %scan3A_165 : i32
      }
      %scan3A_156 = arith.constant 8 : i32
      scf.yield %scan3A_155 : i32
    }
    %scan3A_81 = arith.constant 128 : i32
    %mul3A_82 = arith.constant 640 : i32
    %mul3A_83 = arith.muli %arg1, %mul3A_82 : i32
    %add3A_84 = arith.constant 0 : i32
    %add3A_85 = arith.addi %mul3A_83, %add3A_84 : i32
    %dma_start3A_86 = arith.constant 0 : i32
    %dma_start3A_87 = tpu.memref_slice %arg7[%add3A_85, %dma_start3A_86] : memref<10240x128xf32, #tpu.memory_space<vmem_shared>> -> memref<128x128xf32, #tpu.memory_space<vmem_shared>>
    %dma_start3A_88 = arith.constant 0 : i32
    %dma_start3A_89 = tpu.memref_slice %arg7[%add3A_85, %dma_start3A_88] : memref<10240x128xf32, #tpu.memory_space<vmem_shared>> -> memref<128x128xf32, #tpu.memory_space<vmem_shared>>
    tpu.enqueue_dma source(%arg10 : memref<128x128xf32, #tpu.memory_space<vmem>>) target(%dma_start3A_89 : memref<128x128xf32, #tpu.memory_space<vmem_shared>>) target_semaphore(%arg16 : memref<!tpu.dma_semaphore, #tpu.memory_space<semaphore_mem>>)
    %mul3A_90 = arith.constant 640 : i32
    %mul3A_91 = arith.muli %arg1, %mul3A_90 : i32
    %add3A_92 = arith.constant 128 : i32
    %add3A_93 = arith.addi %mul3A_91, %add3A_92 : i32
    %dma_start3A_94 = arith.constant 0 : i32
    %dma_start3A_95 = tpu.memref_slice %arg7[%add3A_93, %dma_start3A_94] : memref<10240x128xf32, #tpu.memory_space<vmem_shared>> -> memref<128x128xf32, #tpu.memory_space<vmem_shared>>
    %dma_start3A_96 = arith.constant 0 : i32
    %dma_start3A_97 = tpu.memref_slice %arg7[%add3A_93, %dma_start3A_96] : memref<10240x128xf32, #tpu.memory_space<vmem_shared>> -> memref<128x128xf32, #tpu.memory_space<vmem_shared>>
    tpu.enqueue_dma source(%arg10 : memref<128x128xf32, #tpu.memory_space<vmem>>) target(%dma_start3A_97 : memref<128x128xf32, #tpu.memory_space<vmem_shared>>) target_semaphore(%arg16 : memref<!tpu.dma_semaphore, #tpu.memory_space<semaphore_mem>>)
    %mul3A_98 = arith.constant 640 : i32
    %mul3A_99 = arith.muli %arg1, %mul3A_98 : i32
    %add3A_100 = arith.constant 256 : i32
    %add3A_101 = arith.addi %mul3A_99, %add3A_100 : i32
    %dma_start3A_102 = arith.constant 0 : i32
    %dma_start3A_103 = tpu.memref_slice %arg7[%add3A_101, %dma_start3A_102] : memref<10240x128xf32, #tpu.memory_space<vmem_shared>> -> memref<128x128xf32, #tpu.memory_space<vmem_shared>>
    %dma_start3A_104 = arith.constant 0 : i32
    %dma_start3A_105 = tpu.memref_slice %arg7[%add3A_101, %dma_start3A_104] : memref<10240x128xf32, #tpu.memory_space<vmem_shared>> -> memref<128x128xf32, #tpu.memory_space<vmem_shared>>
    tpu.enqueue_dma source(%arg10 : memref<128x128xf32, #tpu.memory_space<vmem>>) target(%dma_start3A_105 : memref<128x128xf32, #tpu.memory_space<vmem_shared>>) target_semaphore(%arg16 : memref<!tpu.dma_semaphore, #tpu.memory_space<semaphore_mem>>)
    %mul3A_106 = arith.constant 640 : i32
    %mul3A_107 = arith.muli %arg1, %mul3A_106 : i32
    %add3A_108 = arith.constant 384 : i32
    %add3A_109 = arith.addi %mul3A_107, %add3A_108 : i32
    %dma_start3A_110 = arith.constant 0 : i32
    %dma_start3A_111 = tpu.memref_slice %arg7[%add3A_109, %dma_start3A_110] : memref<10240x128xf32, #tpu.memory_space<vmem_shared>> -> memref<128x128xf32, #tpu.memory_space<vmem_shared>>
    %dma_start3A_112 = arith.constant 0 : i32
    %dma_start3A_113 = tpu.memref_slice %arg7[%add3A_109, %dma_start3A_112] : memref<10240x128xf32, #tpu.memory_space<vmem_shared>> -> memref<128x128xf32, #tpu.memory_space<vmem_shared>>
    tpu.enqueue_dma source(%arg10 : memref<128x128xf32, #tpu.memory_space<vmem>>) target(%dma_start3A_113 : memref<128x128xf32, #tpu.memory_space<vmem_shared>>) target_semaphore(%arg16 : memref<!tpu.dma_semaphore, #tpu.memory_space<semaphore_mem>>)
    %mul3A_114 = arith.constant 640 : i32
    %mul3A_115 = arith.muli %arg1, %mul3A_114 : i32
    %add3A_116 = arith.constant 512 : i32
    %add3A_117 = arith.addi %mul3A_115, %add3A_116 : i32
    %dma_start3A_118 = arith.constant 0 : i32
    %dma_start3A_119 = tpu.memref_slice %arg7[%add3A_117, %dma_start3A_118] : memref<10240x128xf32, #tpu.memory_space<vmem_shared>> -> memref<128x128xf32, #tpu.memory_space<vmem_shared>>
    %dma_start3A_120 = arith.constant 0 : i32
    %dma_start3A_121 = tpu.memref_slice %arg7[%add3A_117, %dma_start3A_120] : memref<10240x128xf32, #tpu.memory_space<vmem_shared>> -> memref<128x128xf32, #tpu.memory_space<vmem_shared>>
    tpu.enqueue_dma source(%arg10 : memref<128x128xf32, #tpu.memory_space<vmem>>) target(%dma_start3A_121 : memref<128x128xf32, #tpu.memory_space<vmem_shared>>) target_semaphore(%arg16 : memref<!tpu.dma_semaphore, #tpu.memory_space<semaphore_mem>>)
    %dma_wait3A = arith.constant 0 : i32
    %dma_wait3A_122 = tpu.memref_slice %arg7[%add3A_85, %dma_wait3A] : memref<10240x128xf32, #tpu.memory_space<vmem_shared>> -> memref<128x128xf32, #tpu.memory_space<vmem_shared>>
    %dma_wait3A_123 = arith.constant 0 : i32
    %dma_wait3A_124 = tpu.memref_slice %arg7[%add3A_85, %dma_wait3A_123] : memref<10240x128xf32, #tpu.memory_space<vmem_shared>> -> memref<128x128xf32, #tpu.memory_space<vmem_shared>>
    tpu.wait_dma2 semaphore(%arg16 : memref<!tpu.dma_semaphore, #tpu.memory_space<semaphore_mem>>) src(%arg10 : memref<128x128xf32, #tpu.memory_space<vmem>>) dst(%dma_wait3A_124 : memref<128x128xf32, #tpu.memory_space<vmem_shared>>)
    %dma_wait3A_125 = arith.constant 0 : i32
    %dma_wait3A_126 = tpu.memref_slice %arg7[%add3A_93, %dma_wait3A_125] : memref<10240x128xf32, #tpu.memory_space<vmem_shared>> -> memref<128x128xf32, #tpu.memory_space<vmem_shared>>
    %dma_wait3A_127 = arith.constant 0 : i32
    %dma_wait3A_128 = tpu.memref_slice %arg7[%add3A_93, %dma_wait3A_127] : memref<10240x128xf32, #tpu.memory_space<vmem_shared>> -> memref<128x128xf32, #tpu.memory_space<vmem_shared>>
    tpu.wait_dma2 semaphore(%arg16 : memref<!tpu.dma_semaphore, #tpu.memory_space<semaphore_mem>>) src(%arg10 : memref<128x128xf32, #tpu.memory_space<vmem>>) dst(%dma_wait3A_128 : memref<128x128xf32, #tpu.memory_space<vmem_shared>>)
    %dma_wait3A_129 = arith.constant 0 : i32
    %dma_wait3A_130 = tpu.memref_slice %arg7[%add3A_101, %dma_wait3A_129] : memref<10240x128xf32, #tpu.memory_space<vmem_shared>> -> memref<128x128xf32, #tpu.memory_space<vmem_shared>>
    %dma_wait3A_131 = arith.constant 0 : i32
    %dma_wait3A_132 = tpu.memref_slice %arg7[%add3A_101, %dma_wait3A_131] : memref<10240x128xf32, #tpu.memory_space<vmem_shared>> -> memref<128x128xf32, #tpu.memory_space<vmem_shared>>
    tpu.wait_dma2 semaphore(%arg16 : memref<!tpu.dma_semaphore, #tpu.memory_space<semaphore_mem>>) src(%arg10 : memref<128x128xf32, #tpu.memory_space<vmem>>) dst(%dma_wait3A_132 : memref<128x128xf32, #tpu.memory_space<vmem_shared>>)
    %dma_wait3A_133 = arith.constant 0 : i32
    %dma_wait3A_134 = tpu.memref_slice %arg7[%add3A_109, %dma_wait3A_133] : memref<10240x128xf32, #tpu.memory_space<vmem_shared>> -> memref<128x128xf32, #tpu.memory_space<vmem_shared>>
    %dma_wait3A_135 = arith.constant 0 : i32
    %dma_wait3A_136 = tpu.memref_slice %arg7[%add3A_109, %dma_wait3A_135] : memref<10240x128xf32, #tpu.memory_space<vmem_shared>> -> memref<128x128xf32, #tpu.memory_space<vmem_shared>>
    tpu.wait_dma2 semaphore(%arg16 : memref<!tpu.dma_semaphore, #tpu.memory_space<semaphore_mem>>) src(%arg10 : memref<128x128xf32, #tpu.memory_space<vmem>>) dst(%dma_wait3A_136 : memref<128x128xf32, #tpu.memory_space<vmem_shared>>)
    %dma_wait3A_137 = arith.constant 0 : i32
    %dma_wait3A_138 = tpu.memref_slice %arg7[%add3A_117, %dma_wait3A_137] : memref<10240x128xf32, #tpu.memory_space<vmem_shared>> -> memref<128x128xf32, #tpu.memory_space<vmem_shared>>
    %dma_wait3A_139 = arith.constant 0 : i32
    %dma_wait3A_140 = tpu.memref_slice %arg7[%add3A_117, %dma_wait3A_139] : memref<10240x128xf32, #tpu.memory_space<vmem_shared>> -> memref<128x128xf32, #tpu.memory_space<vmem_shared>>
    tpu.wait_dma2 semaphore(%arg16 : memref<!tpu.dma_semaphore, #tpu.memory_space<semaphore_mem>>) src(%arg10 : memref<128x128xf32, #tpu.memory_space<vmem>>) dst(%dma_wait3A_140 : memref<128x128xf32, #tpu.memory_space<vmem_shared>>)
    %barrier3A = arith.constant 0 : index
    tpu.barrier barrier_id(%barrier3A)
    %eq3A = arith.constant 0 : i32
    %eq3A_141 = arith.cmpi eq, %arg0, %eq3A : i32
    %convert_element_type3A = arith.extui %eq3A_141 : i1 to i32
    %cond3A = arith.constant 0 : i32
    %cond3A_142 = arith.cmpi ne, %convert_element_type3A, %cond3A : i32
    scf.if %cond3A_142 {
      %dma_wait3A_148 = arith.constant 0 : i32
      %dma_wait3A_149 = arith.constant 0 : i32
      %dma_wait3A_150 = arith.constant 0 : i32
      %dma_wait3A_151 = arith.constant 0 : i32
      %dma_wait3A_152 = tpu.memref_slice %arg8[%dma_wait3A_149, %dma_wait3A_150, %dma_wait3A_151] : memref<4x2x128xi32, #tpu.memory_space<vmem>> -> memref<1x2x128xi32, #tpu.memory_space<vmem>>
      %dma_wait3A_153 = tpu.memref_squeeze %dma_wait3A_152 : memref<1x2x128xi32, #tpu.memory_space<vmem>> -> memref<2x128xi32, #tpu.memory_space<vmem>>
      %dma_wait3A_154 = arith.constant 0 : i32
      %dma_wait3A_155 = arith.constant 0 : i32
      %dma_wait3A_156 = tpu.memref_slice %arg4[%dma_wait3A_148, %dma_wait3A_154, %dma_wait3A_155] : memref<1280x2x128xi32, #tpu.memory_space<hbm>> -> memref<1x2x128xi32, #tpu.memory_space<hbm>>
      %dma_wait3A_157 = tpu.memref_squeeze %dma_wait3A_156 : memref<1x2x128xi32, #tpu.memory_space<hbm>> -> memref<2x128xi32, #tpu.memory_space<hbm>>
      %dma_wait3A_158 = arith.constant 0 : i32
      %dma_wait3A_159 = arith.constant 0 : i32
      %dma_wait3A_160 = tpu.memref_slice %arg8[%dma_wait3A_149, %dma_wait3A_158, %dma_wait3A_159] : memref<4x2x128xi32, #tpu.memory_space<vmem>> -> memref<1x2x128xi32, #tpu.memory_space<vmem>>
      %dma_wait3A_161 = tpu.memref_squeeze %dma_wait3A_160 : memref<1x2x128xi32, #tpu.memory_space<vmem>> -> memref<2x128xi32, #tpu.memory_space<vmem>>
      %dma_wait3A_162 = arith.constant 0 : i32
      %dma_wait3A_163 = arith.constant 0 : i32
      %dma_wait3A_164 = tpu.memref_slice %arg4[%dma_wait3A_148, %dma_wait3A_162, %dma_wait3A_163] : memref<1280x2x128xi32, #tpu.memory_space<hbm>> -> memref<1x2x128xi32, #tpu.memory_space<hbm>>
      %dma_wait3A_165 = tpu.memref_squeeze %dma_wait3A_164 : memref<1x2x128xi32, #tpu.memory_space<hbm>> -> memref<2x128xi32, #tpu.memory_space<hbm>>
      tpu.wait_dma2 semaphore(%arg11 : memref<!tpu.dma_semaphore, #tpu.memory_space<semaphore_mem>>) src(%dma_wait3A_165 : memref<2x128xi32, #tpu.memory_space<hbm>>) dst(%dma_wait3A_161 : memref<2x128xi32, #tpu.memory_space<vmem>>)
      %dma_start3A_166 = arith.constant 0 : i32
      %dma_start3A_167 = arith.constant 0 : i32
      %dma_start3A_168 = arith.constant 0 : i32
      %dma_start3A_169 = tpu.memref_slice %arg8[%dma_start3A_166, %dma_start3A_167, %dma_start3A_168] : memref<4x2x128xi32, #tpu.memory_space<vmem>> -> memref<1x1x128xi32, #tpu.memory_space<vmem>>
      %dma_start3A_170 = tpu.memref_squeeze %dma_start3A_169 : memref<1x1x128xi32, #tpu.memory_space<vmem>> -> memref<128xi32, #tpu.memory_space<vmem>>
      %dma_start3A_171 = arith.constant 0 : i32
      %dma_start3A_172 = arith.constant 0 : i32
      %dma_start3A_173 = tpu.memref_slice %arg2[%dma_start3A_171, %dma_start3A_172] : memref<10000x128xf32, #tpu.memory_space<hbm>> -> memref<10000x128xf32, #tpu.memory_space<hbm>>
      tpu.enqueue_indirect_dma source(%dma_start3A_173 : memref<10000x128xf32, #tpu.memory_space<hbm>>) target(%arg9 : memref<128x128xf32, #tpu.memory_space<vmem>>) offsets(%dma_start3A_170 : memref<128xi32, #tpu.memory_space<vmem>>) semaphore(%arg15 : memref<!tpu.dma_semaphore, #tpu.memory_space<semaphore_mem>>)
      %dma_wait3A_174 = arith.constant 0 : i32
      %dma_wait3A_175 = arith.constant 1 : i32
      %dma_wait3A_176 = arith.constant 0 : i32
      %dma_wait3A_177 = arith.constant 0 : i32
      %dma_wait3A_178 = tpu.memref_slice %arg8[%dma_wait3A_175, %dma_wait3A_176, %dma_wait3A_177] : memref<4x2x128xi32, #tpu.memory_space<vmem>> -> memref<1x2x128xi32, #tpu.memory_space<vmem>>
      %dma_wait3A_179 = tpu.memref_squeeze %dma_wait3A_178 : memref<1x2x128xi32, #tpu.memory_space<vmem>> -> memref<2x128xi32, #tpu.memory_space<vmem>>
      %dma_wait3A_180 = arith.constant 0 : i32
      %dma_wait3A_181 = arith.constant 0 : i32
      %dma_wait3A_182 = tpu.memref_slice %arg4[%dma_wait3A_174, %dma_wait3A_180, %dma_wait3A_181] : memref<1280x2x128xi32, #tpu.memory_space<hbm>> -> memref<1x2x128xi32, #tpu.memory_space<hbm>>
      %dma_wait3A_183 = tpu.memref_squeeze %dma_wait3A_182 : memref<1x2x128xi32, #tpu.memory_space<hbm>> -> memref<2x128xi32, #tpu.memory_space<hbm>>
      %dma_wait3A_184 = arith.constant 0 : i32
      %dma_wait3A_185 = arith.constant 0 : i32
      %dma_wait3A_186 = tpu.memref_slice %arg8[%dma_wait3A_175, %dma_wait3A_184, %dma_wait3A_185] : memref<4x2x128xi32, #tpu.memory_space<vmem>> -> memref<1x2x128xi32, #tpu.memory_space<vmem>>
      %dma_wait3A_187 = tpu.memref_squeeze %dma_wait3A_186 : memref<1x2x128xi32, #tpu.memory_space<vmem>> -> memref<2x128xi32, #tpu.memory_space<vmem>>
      %dma_wait3A_188 = arith.constant 0 : i32
      %dma_wait3A_189 = arith.constant 0 : i32
      %dma_wait3A_190 = tpu.memref_slice %arg4[%dma_wait3A_174, %dma_wait3A_188, %dma_wait3A_189] : memref<1280x2x128xi32, #tpu.memory_space<hbm>> -> memref<1x2x128xi32, #tpu.memory_space<hbm>>
      %dma_wait3A_191 = tpu.memref_squeeze %dma_wait3A_190 : memref<1x2x128xi32, #tpu.memory_space<hbm>> -> memref<2x128xi32, #tpu.memory_space<hbm>>
      tpu.wait_dma2 semaphore(%arg12 : memref<!tpu.dma_semaphore, #tpu.memory_space<semaphore_mem>>) src(%dma_wait3A_191 : memref<2x128xi32, #tpu.memory_space<hbm>>) dst(%dma_wait3A_187 : memref<2x128xi32, #tpu.memory_space<vmem>>)
      %dma_start3A_192 = arith.constant 1 : i32
      %dma_start3A_193 = arith.constant 0 : i32
      %dma_start3A_194 = arith.constant 0 : i32
      %dma_start3A_195 = tpu.memref_slice %arg8[%dma_start3A_192, %dma_start3A_193, %dma_start3A_194] : memref<4x2x128xi32, #tpu.memory_space<vmem>> -> memref<1x1x128xi32, #tpu.memory_space<vmem>>
      %dma_start3A_196 = tpu.memref_squeeze %dma_start3A_195 : memref<1x1x128xi32, #tpu.memory_space<vmem>> -> memref<128xi32, #tpu.memory_space<vmem>>
      %dma_start3A_197 = arith.constant 0 : i32
      %dma_start3A_198 = arith.constant 0 : i32
      %dma_start3A_199 = tpu.memref_slice %arg2[%dma_start3A_197, %dma_start3A_198] : memref<10000x128xf32, #tpu.memory_space<hbm>> -> memref<10000x128xf32, #tpu.memory_space<hbm>>
      tpu.enqueue_indirect_dma source(%dma_start3A_199 : memref<10000x128xf32, #tpu.memory_space<hbm>>) target(%arg10 : memref<128x128xf32, #tpu.memory_space<vmem>>) offsets(%dma_start3A_196 : memref<128xi32, #tpu.memory_space<vmem>>) semaphore(%arg16 : memref<!tpu.dma_semaphore, #tpu.memory_space<semaphore_mem>>)
      %scan3A_200 = arith.constant 0 : i32
      %scan3A_201 = arith.constant 0 : i32
      %scan3A_202 = arith.constant 20 : i32
      %scan3A_203 = arith.addi %scan3A_201, %scan3A_202 : i32
      %scan3A_204 = arith.constant 1 : i32
      %scan3A_205 = scf.for %scan3A_308 = %scan3A_201 to %scan3A_203 step %scan3A_204 iter_args(%scan3A_309 = %scan3A_200) -> (i32)  : i32 {
        %mul3A_310 = arith.constant 4 : i32
        %mul3A_311 = arith.muli %mul3A_310, %scan3A_308 : i32
        %dma_wait3A_312 = arith.constant 0 : i32
        %dma_wait3A_313 = arith.constant 0 : i32
        %dma_wait3A_314 = tpu.memref_slice %arg2[%dma_wait3A_312, %dma_wait3A_313] : memref<10000x128xf32, #tpu.memory_space<hbm>> -> memref<128x128xf32, #tpu.memory_space<hbm>>
        %dma_wait3A_315 = arith.constant 0 : i32
        %dma_wait3A_316 = arith.constant 0 : i32
        %dma_wait3A_317 = tpu.memref_slice %arg2[%dma_wait3A_315, %dma_wait3A_316] : memref<10000x128xf32, #tpu.memory_space<hbm>> -> memref<128x128xf32, #tpu.memory_space<hbm>>
        tpu.wait_dma2 semaphore(%arg15 : memref<!tpu.dma_semaphore, #tpu.memory_space<semaphore_mem>>) src(%dma_wait3A_317 : memref<128x128xf32, #tpu.memory_space<hbm>>) dst(%arg9 : memref<128x128xf32, #tpu.memory_space<vmem>>)
        %run_scoped3A = arith.constant 0 : i32
        %run_scoped3A_318 = arith.constant 1 : i32
        "tpu.region"() ({
          %run_scoped3A_437 = tpu.sem_alloc : memref<!tpu.dma_semaphore, #tpu.memory_space<semaphore_mem>>
          %dma_start3A_438 = arith.constant 0 : i32
          %dma_start3A_439 = tpu.memref_slice %arg8[%run_scoped3A, %run_scoped3A_318, %dma_start3A_438] : memref<4x2x128xi32, #tpu.memory_space<vmem>> -> memref<1x1x128xi32, #tpu.memory_space<vmem>>
          %dma_start3A_440 = tpu.memref_squeeze %dma_start3A_439 : memref<1x1x128xi32, #tpu.memory_space<vmem>> -> memref<128xi32, #tpu.memory_space<vmem>>
          %dma_start3A_441 = arith.constant 0 : i32
          %dma_start3A_442 = arith.constant 0 : i32
          %dma_start3A_443 = tpu.memref_slice %arg7[%dma_start3A_441, %dma_start3A_442] : memref<10240x128xf32, #tpu.memory_space<vmem_shared>> -> memref<10240x128xf32, #tpu.memory_space<vmem_shared>>
          tpu.enqueue_indirect_dma source(%arg9 : memref<128x128xf32, #tpu.memory_space<vmem>>) target(%dma_start3A_443 : memref<10240x128xf32, #tpu.memory_space<vmem_shared>>) offsets(%dma_start3A_440 : memref<128xi32, #tpu.memory_space<vmem>>) semaphore(%run_scoped3A_437 : memref<!tpu.dma_semaphore, #tpu.memory_space<semaphore_mem>>) {add = true}
          %dma_wait3A_444 = arith.constant 0 : i32
          %dma_wait3A_445 = tpu.memref_slice %arg8[%run_scoped3A, %run_scoped3A_318, %dma_wait3A_444] : memref<4x2x128xi32, #tpu.memory_space<vmem>> -> memref<1x1x128xi32, #tpu.memory_space<vmem>>
          %dma_wait3A_446 = tpu.memref_squeeze %dma_wait3A_445 : memref<1x1x128xi32, #tpu.memory_space<vmem>> -> memref<128xi32, #tpu.memory_space<vmem>>
          %dma_wait3A_447 = arith.constant 0 : i32
          %dma_wait3A_448 = arith.constant 0 : i32
          %dma_wait3A_449 = tpu.memref_slice %arg7[%dma_wait3A_447, %dma_wait3A_448] : memref<10240x128xf32, #tpu.memory_space<vmem_shared>> -> memref<10240x128xf32, #tpu.memory_space<vmem_shared>>
          tpu.wait_indirect_dma semaphore(%run_scoped3A_437 : memref<!tpu.dma_semaphore, #tpu.memory_space<semaphore_mem>>) src(%arg9 : memref<128x128xf32, #tpu.memory_space<vmem>>) dst(%dma_wait3A_449 : memref<10240x128xf32, #tpu.memory_space<vmem_shared>>)
          tpu.yield
        }) : () -> ()
        %dma_wait3A_319 = arith.constant 0 : i32
        %dma_wait3A_320 = arith.constant 2 : i32
        %dma_wait3A_321 = arith.constant 0 : i32
        %dma_wait3A_322 = arith.constant 0 : i32
        %dma_wait3A_323 = tpu.memref_slice %arg8[%dma_wait3A_320, %dma_wait3A_321, %dma_wait3A_322] : memref<4x2x128xi32, #tpu.memory_space<vmem>> -> memref<1x2x128xi32, #tpu.memory_space<vmem>>
        %dma_wait3A_324 = tpu.memref_squeeze %dma_wait3A_323 : memref<1x2x128xi32, #tpu.memory_space<vmem>> -> memref<2x128xi32, #tpu.memory_space<vmem>>
        %dma_wait3A_325 = arith.constant 0 : i32
        %dma_wait3A_326 = arith.constant 0 : i32
        %dma_wait3A_327 = tpu.memref_slice %arg4[%dma_wait3A_319, %dma_wait3A_325, %dma_wait3A_326] : memref<1280x2x128xi32, #tpu.memory_space<hbm>> -> memref<1x2x128xi32, #tpu.memory_space<hbm>>
        %dma_wait3A_328 = tpu.memref_squeeze %dma_wait3A_327 : memref<1x2x128xi32, #tpu.memory_space<hbm>> -> memref<2x128xi32, #tpu.memory_space<hbm>>
        %dma_wait3A_329 = arith.constant 0 : i32
        %dma_wait3A_330 = arith.constant 0 : i32
        %dma_wait3A_331 = tpu.memref_slice %arg8[%dma_wait3A_320, %dma_wait3A_329, %dma_wait3A_330] : memref<4x2x128xi32, #tpu.memory_space<vmem>> -> memref<1x2x128xi32, #tpu.memory_space<vmem>>
        %dma_wait3A_332 = tpu.memref_squeeze %dma_wait3A_331 : memref<1x2x128xi32, #tpu.memory_space<vmem>> -> memref<2x128xi32, #tpu.memory_space<vmem>>
        %dma_wait3A_333 = arith.constant 0 : i32
        %dma_wait3A_334 = arith.constant 0 : i32
        %dma_wait3A_335 = tpu.memref_slice %arg4[%dma_wait3A_319, %dma_wait3A_333, %dma_wait3A_334] : memref<1280x2x128xi32, #tpu.memory_space<hbm>> -> memref<1x2x128xi32, #tpu.memory_space<hbm>>
        %dma_wait3A_336 = tpu.memref_squeeze %dma_wait3A_335 : memref<1x2x128xi32, #tpu.memory_space<hbm>> -> memref<2x128xi32, #tpu.memory_space<hbm>>
        tpu.wait_dma2 semaphore(%arg13 : memref<!tpu.dma_semaphore, #tpu.memory_space<semaphore_mem>>) src(%dma_wait3A_336 : memref<2x128xi32, #tpu.memory_space<hbm>>) dst(%dma_wait3A_332 : memref<2x128xi32, #tpu.memory_space<vmem>>)
        %dma_start3A_337 = arith.constant 2 : i32
        %dma_start3A_338 = arith.constant 0 : i32
        %dma_start3A_339 = arith.constant 0 : i32
        %dma_start3A_340 = tpu.memref_slice %arg8[%dma_start3A_337, %dma_start3A_338, %dma_start3A_339] : memref<4x2x128xi32, #tpu.memory_space<vmem>> -> memref<1x1x128xi32, #tpu.memory_space<vmem>>
        %dma_start3A_341 = tpu.memref_squeeze %dma_start3A_340 : memref<1x1x128xi32, #tpu.memory_space<vmem>> -> memref<128xi32, #tpu.memory_space<vmem>>
        %dma_start3A_342 = arith.constant 0 : i32
        %dma_start3A_343 = arith.constant 0 : i32
        %dma_start3A_344 = tpu.memref_slice %arg2[%dma_start3A_342, %dma_start3A_343] : memref<10000x128xf32, #tpu.memory_space<hbm>> -> memref<10000x128xf32, #tpu.memory_space<hbm>>
        tpu.enqueue_indirect_dma source(%dma_start3A_344 : memref<10000x128xf32, #tpu.memory_space<hbm>>) target(%arg9 : memref<128x128xf32, #tpu.memory_space<vmem>>) offsets(%dma_start3A_341 : memref<128xi32, #tpu.memory_space<vmem>>) semaphore(%arg15 : memref<!tpu.dma_semaphore, #tpu.memory_space<semaphore_mem>>)
        %add3A_345 = arith.constant 4 : i32
        %add3A_346 = arith.addi %mul3A_311, %add3A_345 : i32
        %lt3A = arith.constant 80 : i32
        %lt3A_347 = arith.cmpi slt, %add3A_346, %lt3A : i32
        %convert_element_type3A_348 = arith.extui %lt3A_347 : i1 to i32
        %cond3A_349 = arith.constant 0 : i32
        %cond3A_350 = arith.cmpi ne, %convert_element_type3A_348, %cond3A_349 : i32
        scf.if %cond3A_350 {
          %add3A_437 = arith.constant 4 : i32
          %add3A_438 = arith.addi %mul3A_311, %add3A_437 : i32
          %add3A_439 = arith.addi %mul3A_0, %add3A_438 : i32
          %dma_start3A_440 = arith.constant 0 : i32
          %dma_start3A_441 = arith.constant 0 : i32
          %dma_start3A_442 = arith.constant 0 : i32
          %dma_start3A_443 = tpu.memref_slice %arg8[%dma_start3A_440, %dma_start3A_441, %dma_start3A_442] : memref<4x2x128xi32, #tpu.memory_space<vmem>> -> memref<1x2x128xi32, #tpu.memory_space<vmem>>
          %dma_start3A_444 = tpu.memref_squeeze %dma_start3A_443 : memref<1x2x128xi32, #tpu.memory_space<vmem>> -> memref<2x128xi32, #tpu.memory_space<vmem>>
          %dma_start3A_445 = arith.constant 0 : i32
          %dma_start3A_446 = arith.constant 0 : i32
          %dma_start3A_447 = tpu.memref_slice %arg4[%add3A_439, %dma_start3A_445, %dma_start3A_446] : memref<1280x2x128xi32, #tpu.memory_space<hbm>> -> memref<1x2x128xi32, #tpu.memory_space<hbm>>
          %dma_start3A_448 = tpu.memref_squeeze %dma_start3A_447 : memref<1x2x128xi32, #tpu.memory_space<hbm>> -> memref<2x128xi32, #tpu.memory_space<hbm>>
          %dma_start3A_449 = arith.constant 0 : i32
          %dma_start3A_450 = arith.constant 0 : i32
          %dma_start3A_451 = tpu.memref_slice %arg8[%dma_start3A_440, %dma_start3A_449, %dma_start3A_450] : memref<4x2x128xi32, #tpu.memory_space<vmem>> -> memref<1x2x128xi32, #tpu.memory_space<vmem>>
          %dma_start3A_452 = tpu.memref_squeeze %dma_start3A_451 : memref<1x2x128xi32, #tpu.memory_space<vmem>> -> memref<2x128xi32, #tpu.memory_space<vmem>>
          %dma_start3A_453 = arith.constant 0 : i32
          %dma_start3A_454 = arith.constant 0 : i32
          %dma_start3A_455 = tpu.memref_slice %arg4[%add3A_439, %dma_start3A_453, %dma_start3A_454] : memref<1280x2x128xi32, #tpu.memory_space<hbm>> -> memref<1x2x128xi32, #tpu.memory_space<hbm>>
          %dma_start3A_456 = tpu.memref_squeeze %dma_start3A_455 : memref<1x2x128xi32, #tpu.memory_space<hbm>> -> memref<2x128xi32, #tpu.memory_space<hbm>>
          tpu.enqueue_dma source(%dma_start3A_456 : memref<2x128xi32, #tpu.memory_space<hbm>>) target(%dma_start3A_452 : memref<2x128xi32, #tpu.memory_space<vmem>>) target_semaphore(%arg11 : memref<!tpu.dma_semaphore, #tpu.memory_space<semaphore_mem>>)
        } else {
        }
        %dma_wait3A_351 = arith.constant 0 : i32
        %dma_wait3A_352 = arith.constant 0 : i32
        %dma_wait3A_353 = tpu.memref_slice %arg2[%dma_wait3A_351, %dma_wait3A_352] : memref<10000x128xf32, #tpu.memory_space<hbm>> -> memref<128x128xf32, #tpu.memory_space<hbm>>
        %dma_wait3A_354 = arith.constant 0 : i32
        %dma_wait3A_355 = arith.constant 0 : i32
        %dma_wait3A_356 = tpu.memref_slice %arg2[%dma_wait3A_354, %dma_wait3A_355] : memref<10000x128xf32, #tpu.memory_space<hbm>> -> memref<128x128xf32, #tpu.memory_space<hbm>>
        tpu.wait_dma2 semaphore(%arg16 : memref<!tpu.dma_semaphore, #tpu.memory_space<semaphore_mem>>) src(%dma_wait3A_356 : memref<128x128xf32, #tpu.memory_space<hbm>>) dst(%arg10 : memref<128x128xf32, #tpu.memory_space<vmem>>)
        %run_scoped3A_357 = arith.constant 1 : i32
        %run_scoped3A_358 = arith.constant 1 : i32
        "tpu.region"() ({
          %run_scoped3A_437 = tpu.sem_alloc : memref<!tpu.dma_semaphore, #tpu.memory_space<semaphore_mem>>
          %dma_start3A_438 = arith.constant 0 : i32
          %dma_start3A_439 = tpu.memref_slice %arg8[%run_scoped3A_357, %run_scoped3A_358, %dma_start3A_438] : memref<4x2x128xi32, #tpu.memory_space<vmem>> -> memref<1x1x128xi32, #tpu.memory_space<vmem>>
          %dma_start3A_440 = tpu.memref_squeeze %dma_start3A_439 : memref<1x1x128xi32, #tpu.memory_space<vmem>> -> memref<128xi32, #tpu.memory_space<vmem>>
          %dma_start3A_441 = arith.constant 0 : i32
          %dma_start3A_442 = arith.constant 0 : i32
          %dma_start3A_443 = tpu.memref_slice %arg7[%dma_start3A_441, %dma_start3A_442] : memref<10240x128xf32, #tpu.memory_space<vmem_shared>> -> memref<10240x128xf32, #tpu.memory_space<vmem_shared>>
          tpu.enqueue_indirect_dma source(%arg10 : memref<128x128xf32, #tpu.memory_space<vmem>>) target(%dma_start3A_443 : memref<10240x128xf32, #tpu.memory_space<vmem_shared>>) offsets(%dma_start3A_440 : memref<128xi32, #tpu.memory_space<vmem>>) semaphore(%run_scoped3A_437 : memref<!tpu.dma_semaphore, #tpu.memory_space<semaphore_mem>>) {add = true}
          %dma_wait3A_444 = arith.constant 0 : i32
          %dma_wait3A_445 = tpu.memref_slice %arg8[%run_scoped3A_357, %run_scoped3A_358, %dma_wait3A_444] : memref<4x2x128xi32, #tpu.memory_space<vmem>> -> memref<1x1x128xi32, #tpu.memory_space<vmem>>
          %dma_wait3A_446 = tpu.memref_squeeze %dma_wait3A_445 : memref<1x1x128xi32, #tpu.memory_space<vmem>> -> memref<128xi32, #tpu.memory_space<vmem>>
          %dma_wait3A_447 = arith.constant 0 : i32
          %dma_wait3A_448 = arith.constant 0 : i32
          %dma_wait3A_449 = tpu.memref_slice %arg7[%dma_wait3A_447, %dma_wait3A_448] : memref<10240x128xf32, #tpu.memory_space<vmem_shared>> -> memref<10240x128xf32, #tpu.memory_space<vmem_shared>>
          tpu.wait_indirect_dma semaphore(%run_scoped3A_437 : memref<!tpu.dma_semaphore, #tpu.memory_space<semaphore_mem>>) src(%arg10 : memref<128x128xf32, #tpu.memory_space<vmem>>) dst(%dma_wait3A_449 : memref<10240x128xf32, #tpu.memory_space<vmem_shared>>)
          tpu.yield
        }) : () -> ()
        %dma_wait3A_359 = arith.constant 0 : i32
        %dma_wait3A_360 = arith.constant 3 : i32
        %dma_wait3A_361 = arith.constant 0 : i32
        %dma_wait3A_362 = arith.constant 0 : i32
        %dma_wait3A_363 = tpu.memref_slice %arg8[%dma_wait3A_360, %dma_wait3A_361, %dma_wait3A_362] : memref<4x2x128xi32, #tpu.memory_space<vmem>> -> memref<1x2x128xi32, #tpu.memory_space<vmem>>
        %dma_wait3A_364 = tpu.memref_squeeze %dma_wait3A_363 : memref<1x2x128xi32, #tpu.memory_space<vmem>> -> memref<2x128xi32, #tpu.memory_space<vmem>>
        %dma_wait3A_365 = arith.constant 0 : i32
        %dma_wait3A_366 = arith.constant 0 : i32
        %dma_wait3A_367 = tpu.memref_slice %arg4[%dma_wait3A_359, %dma_wait3A_365, %dma_wait3A_366] : memref<1280x2x128xi32, #tpu.memory_space<hbm>> -> memref<1x2x128xi32, #tpu.memory_space<hbm>>
        %dma_wait3A_368 = tpu.memref_squeeze %dma_wait3A_367 : memref<1x2x128xi32, #tpu.memory_space<hbm>> -> memref<2x128xi32, #tpu.memory_space<hbm>>
        %dma_wait3A_369 = arith.constant 0 : i32
        %dma_wait3A_370 = arith.constant 0 : i32
        %dma_wait3A_371 = tpu.memref_slice %arg8[%dma_wait3A_360, %dma_wait3A_369, %dma_wait3A_370] : memref<4x2x128xi32, #tpu.memory_space<vmem>> -> memref<1x2x128xi32, #tpu.memory_space<vmem>>
        %dma_wait3A_372 = tpu.memref_squeeze %dma_wait3A_371 : memref<1x2x128xi32, #tpu.memory_space<vmem>> -> memref<2x128xi32, #tpu.memory_space<vmem>>
        %dma_wait3A_373 = arith.constant 0 : i32
        %dma_wait3A_374 = arith.constant 0 : i32
        %dma_wait3A_375 = tpu.memref_slice %arg4[%dma_wait3A_359, %dma_wait3A_373, %dma_wait3A_374] : memref<1280x2x128xi32, #tpu.memory_space<hbm>> -> memref<1x2x128xi32, #tpu.memory_space<hbm>>
        %dma_wait3A_376 = tpu.memref_squeeze %dma_wait3A_375 : memref<1x2x128xi32, #tpu.memory_space<hbm>> -> memref<2x128xi32, #tpu.memory_space<hbm>>
        tpu.wait_dma2 semaphore(%arg14 : memref<!tpu.dma_semaphore, #tpu.memory_space<semaphore_mem>>) src(%dma_wait3A_376 : memref<2x128xi32, #tpu.memory_space<hbm>>) dst(%dma_wait3A_372 : memref<2x128xi32, #tpu.memory_space<vmem>>)
        %dma_start3A_377 = arith.constant 3 : i32
        %dma_start3A_378 = arith.constant 0 : i32
        %dma_start3A_379 = arith.constant 0 : i32
        %dma_start3A_380 = tpu.memref_slice %arg8[%dma_start3A_377, %dma_start3A_378, %dma_start3A_379] : memref<4x2x128xi32, #tpu.memory_space<vmem>> -> memref<1x1x128xi32, #tpu.memory_space<vmem>>
        %dma_start3A_381 = tpu.memref_squeeze %dma_start3A_380 : memref<1x1x128xi32, #tpu.memory_space<vmem>> -> memref<128xi32, #tpu.memory_space<vmem>>
        %dma_start3A_382 = arith.constant 0 : i32
        %dma_start3A_383 = arith.constant 0 : i32
        %dma_start3A_384 = tpu.memref_slice %arg2[%dma_start3A_382, %dma_start3A_383] : memref<10000x128xf32, #tpu.memory_space<hbm>> -> memref<10000x128xf32, #tpu.memory_space<hbm>>
        tpu.enqueue_indirect_dma source(%dma_start3A_384 : memref<10000x128xf32, #tpu.memory_space<hbm>>) target(%arg10 : memref<128x128xf32, #tpu.memory_space<vmem>>) offsets(%dma_start3A_381 : memref<128xi32, #tpu.memory_space<vmem>>) semaphore(%arg16 : memref<!tpu.dma_semaphore, #tpu.memory_space<semaphore_mem>>)
        %add3A_385 = arith.constant 5 : i32
        %add3A_386 = arith.addi %mul3A_311, %add3A_385 : i32
        %lt3A_387 = arith.constant 80 : i32
        %lt3A_388 = arith.cmpi slt, %add3A_386, %lt3A_387 : i32
        %convert_element_type3A_389 = arith.extui %lt3A_388 : i1 to i32
        %cond3A_390 = arith.constant 0 : i32
        %cond3A_391 = arith.cmpi ne, %convert_element_type3A_389, %cond3A_390 : i32
        scf.if %cond3A_391 {
          %add3A_437 = arith.constant 5 : i32
          %add3A_438 = arith.addi %mul3A_311, %add3A_437 : i32
          %add3A_439 = arith.addi %mul3A_0, %add3A_438 : i32
          %dma_start3A_440 = arith.constant 1 : i32
          %dma_start3A_441 = arith.constant 0 : i32
          %dma_start3A_442 = arith.constant 0 : i32
          %dma_start3A_443 = tpu.memref_slice %arg8[%dma_start3A_440, %dma_start3A_441, %dma_start3A_442] : memref<4x2x128xi32, #tpu.memory_space<vmem>> -> memref<1x2x128xi32, #tpu.memory_space<vmem>>
          %dma_start3A_444 = tpu.memref_squeeze %dma_start3A_443 : memref<1x2x128xi32, #tpu.memory_space<vmem>> -> memref<2x128xi32, #tpu.memory_space<vmem>>
          %dma_start3A_445 = arith.constant 0 : i32
          %dma_start3A_446 = arith.constant 0 : i32
          %dma_start3A_447 = tpu.memref_slice %arg4[%add3A_439, %dma_start3A_445, %dma_start3A_446] : memref<1280x2x128xi32, #tpu.memory_space<hbm>> -> memref<1x2x128xi32, #tpu.memory_space<hbm>>
          %dma_start3A_448 = tpu.memref_squeeze %dma_start3A_447 : memref<1x2x128xi32, #tpu.memory_space<hbm>> -> memref<2x128xi32, #tpu.memory_space<hbm>>
          %dma_start3A_449 = arith.constant 0 : i32
          %dma_start3A_450 = arith.constant 0 : i32
          %dma_start3A_451 = tpu.memref_slice %arg8[%dma_start3A_440, %dma_start3A_449, %dma_start3A_450] : memref<4x2x128xi32, #tpu.memory_space<vmem>> -> memref<1x2x128xi32, #tpu.memory_space<vmem>>
          %dma_start3A_452 = tpu.memref_squeeze %dma_start3A_451 : memref<1x2x128xi32, #tpu.memory_space<vmem>> -> memref<2x128xi32, #tpu.memory_space<vmem>>
          %dma_start3A_453 = arith.constant 0 : i32
          %dma_start3A_454 = arith.constant 0 : i32
          %dma_start3A_455 = tpu.memref_slice %arg4[%add3A_439, %dma_start3A_453, %dma_start3A_454] : memref<1280x2x128xi32, #tpu.memory_space<hbm>> -> memref<1x2x128xi32, #tpu.memory_space<hbm>>
          %dma_start3A_456 = tpu.memref_squeeze %dma_start3A_455 : memref<1x2x128xi32, #tpu.memory_space<hbm>> -> memref<2x128xi32, #tpu.memory_space<hbm>>
          tpu.enqueue_dma source(%dma_start3A_456 : memref<2x128xi32, #tpu.memory_space<hbm>>) target(%dma_start3A_452 : memref<2x128xi32, #tpu.memory_space<vmem>>) target_semaphore(%arg12 : memref<!tpu.dma_semaphore, #tpu.memory_space<semaphore_mem>>)
        } else {
        }
        %dma_wait3A_392 = arith.constant 0 : i32
        %dma_wait3A_393 = arith.constant 0 : i32
        %dma_wait3A_394 = tpu.memref_slice %arg2[%dma_wait3A_392, %dma_wait3A_393] : memref<10000x128xf32, #tpu.memory_space<hbm>> -> memref<128x128xf32, #tpu.memory_space<hbm>>
        %dma_wait3A_395 = arith.constant 0 : i32
        %dma_wait3A_396 = arith.constant 0 : i32
        %dma_wait3A_397 = tpu.memref_slice %arg2[%dma_wait3A_395, %dma_wait3A_396] : memref<10000x128xf32, #tpu.memory_space<hbm>> -> memref<128x128xf32, #tpu.memory_space<hbm>>
        tpu.wait_dma2 semaphore(%arg15 : memref<!tpu.dma_semaphore, #tpu.memory_space<semaphore_mem>>) src(%dma_wait3A_397 : memref<128x128xf32, #tpu.memory_space<hbm>>) dst(%arg9 : memref<128x128xf32, #tpu.memory_space<vmem>>)
        %run_scoped3A_398 = arith.constant 2 : i32
        %run_scoped3A_399 = arith.constant 1 : i32
        "tpu.region"() ({
          %run_scoped3A_437 = tpu.sem_alloc : memref<!tpu.dma_semaphore, #tpu.memory_space<semaphore_mem>>
          %dma_start3A_438 = arith.constant 0 : i32
          %dma_start3A_439 = tpu.memref_slice %arg8[%run_scoped3A_398, %run_scoped3A_399, %dma_start3A_438] : memref<4x2x128xi32, #tpu.memory_space<vmem>> -> memref<1x1x128xi32, #tpu.memory_space<vmem>>
          %dma_start3A_440 = tpu.memref_squeeze %dma_start3A_439 : memref<1x1x128xi32, #tpu.memory_space<vmem>> -> memref<128xi32, #tpu.memory_space<vmem>>
          %dma_start3A_441 = arith.constant 0 : i32
          %dma_start3A_442 = arith.constant 0 : i32
          %dma_start3A_443 = tpu.memref_slice %arg7[%dma_start3A_441, %dma_start3A_442] : memref<10240x128xf32, #tpu.memory_space<vmem_shared>> -> memref<10240x128xf32, #tpu.memory_space<vmem_shared>>
          tpu.enqueue_indirect_dma source(%arg9 : memref<128x128xf32, #tpu.memory_space<vmem>>) target(%dma_start3A_443 : memref<10240x128xf32, #tpu.memory_space<vmem_shared>>) offsets(%dma_start3A_440 : memref<128xi32, #tpu.memory_space<vmem>>) semaphore(%run_scoped3A_437 : memref<!tpu.dma_semaphore, #tpu.memory_space<semaphore_mem>>) {add = true}
          %dma_wait3A_444 = arith.constant 0 : i32
          %dma_wait3A_445 = tpu.memref_slice %arg8[%run_scoped3A_398, %run_scoped3A_399, %dma_wait3A_444] : memref<4x2x128xi32, #tpu.memory_space<vmem>> -> memref<1x1x128xi32, #tpu.memory_space<vmem>>
          %dma_wait3A_446 = tpu.memref_squeeze %dma_wait3A_445 : memref<1x1x128xi32, #tpu.memory_space<vmem>> -> memref<128xi32, #tpu.memory_space<vmem>>
          %dma_wait3A_447 = arith.constant 0 : i32
          %dma_wait3A_448 = arith.constant 0 : i32
          %dma_wait3A_449 = tpu.memref_slice %arg7[%dma_wait3A_447, %dma_wait3A_448] : memref<10240x128xf32, #tpu.memory_space<vmem_shared>> -> memref<10240x128xf32, #tpu.memory_space<vmem_shared>>
          tpu.wait_indirect_dma semaphore(%run_scoped3A_437 : memref<!tpu.dma_semaphore, #tpu.memory_space<semaphore_mem>>) src(%arg9 : memref<128x128xf32, #tpu.memory_space<vmem>>) dst(%dma_wait3A_449 : memref<10240x128xf32, #tpu.memory_space<vmem_shared>>)
          tpu.yield
        }) : () -> ()
        %add3A_400 = arith.constant 4 : i32
        %add3A_401 = arith.addi %mul3A_311, %add3A_400 : i32
        %lt3A_402 = arith.constant 80 : i32
        %lt3A_403 = arith.cmpi slt, %add3A_401, %lt3A_402 : i32
        %convert_element_type3A_404 = arith.extui %lt3A_403 : i1 to i32
        %cond3A_405 = arith.constant 0 : i32
        %cond3A_406 = arith.cmpi ne, %convert_element_type3A_404, %cond3A_405 : i32
        scf.if %cond3A_406 {
          %dma_wait3A_437 = arith.constant 0 : i32
          %dma_wait3A_438 = arith.constant 0 : i32
          %dma_wait3A_439 = arith.constant 0 : i32
          %dma_wait3A_440 = arith.constant 0 : i32
          %dma_wait3A_441 = tpu.memref_slice %arg8[%dma_wait3A_438, %dma_wait3A_439, %dma_wait3A_440] : memref<4x2x128xi32, #tpu.memory_space<vmem>> -> memref<1x2x128xi32, #tpu.memory_space<vmem>>
          %dma_wait3A_442 = tpu.memref_squeeze %dma_wait3A_441 : memref<1x2x128xi32, #tpu.memory_space<vmem>> -> memref<2x128xi32, #tpu.memory_space<vmem>>
          %dma_wait3A_443 = arith.constant 0 : i32
          %dma_wait3A_444 = arith.constant 0 : i32
          %dma_wait3A_445 = tpu.memref_slice %arg4[%dma_wait3A_437, %dma_wait3A_443, %dma_wait3A_444] : memref<1280x2x128xi32, #tpu.memory_space<hbm>> -> memref<1x2x128xi32, #tpu.memory_space<hbm>>
          %dma_wait3A_446 = tpu.memref_squeeze %dma_wait3A_445 : memref<1x2x128xi32, #tpu.memory_space<hbm>> -> memref<2x128xi32, #tpu.memory_space<hbm>>
          %dma_wait3A_447 = arith.constant 0 : i32
          %dma_wait3A_448 = arith.constant 0 : i32
          %dma_wait3A_449 = tpu.memref_slice %arg8[%dma_wait3A_438, %dma_wait3A_447, %dma_wait3A_448] : memref<4x2x128xi32, #tpu.memory_space<vmem>> -> memref<1x2x128xi32, #tpu.memory_space<vmem>>
          %dma_wait3A_450 = tpu.memref_squeeze %dma_wait3A_449 : memref<1x2x128xi32, #tpu.memory_space<vmem>> -> memref<2x128xi32, #tpu.memory_space<vmem>>
          %dma_wait3A_451 = arith.constant 0 : i32
          %dma_wait3A_452 = arith.constant 0 : i32
          %dma_wait3A_453 = tpu.memref_slice %arg4[%dma_wait3A_437, %dma_wait3A_451, %dma_wait3A_452] : memref<1280x2x128xi32, #tpu.memory_space<hbm>> -> memref<1x2x128xi32, #tpu.memory_space<hbm>>
          %dma_wait3A_454 = tpu.memref_squeeze %dma_wait3A_453 : memref<1x2x128xi32, #tpu.memory_space<hbm>> -> memref<2x128xi32, #tpu.memory_space<hbm>>
          tpu.wait_dma2 semaphore(%arg11 : memref<!tpu.dma_semaphore, #tpu.memory_space<semaphore_mem>>) src(%dma_wait3A_454 : memref<2x128xi32, #tpu.memory_space<hbm>>) dst(%dma_wait3A_450 : memref<2x128xi32, #tpu.memory_space<vmem>>)
          %dma_start3A_455 = arith.constant 0 : i32
          %dma_start3A_456 = arith.constant 0 : i32
          %dma_start3A_457 = arith.constant 0 : i32
          %dma_start3A_458 = tpu.memref_slice %arg8[%dma_start3A_455, %dma_start3A_456, %dma_start3A_457] : memref<4x2x128xi32, #tpu.memory_space<vmem>> -> memref<1x1x128xi32, #tpu.memory_space<vmem>>
          %dma_start3A_459 = tpu.memref_squeeze %dma_start3A_458 : memref<1x1x128xi32, #tpu.memory_space<vmem>> -> memref<128xi32, #tpu.memory_space<vmem>>
          %dma_start3A_460 = arith.constant 0 : i32
          %dma_start3A_461 = arith.constant 0 : i32
          %dma_start3A_462 = tpu.memref_slice %arg2[%dma_start3A_460, %dma_start3A_461] : memref<10000x128xf32, #tpu.memory_space<hbm>> -> memref<10000x128xf32, #tpu.memory_space<hbm>>
          tpu.enqueue_indirect_dma source(%dma_start3A_462 : memref<10000x128xf32, #tpu.memory_space<hbm>>) target(%arg9 : memref<128x128xf32, #tpu.memory_space<vmem>>) offsets(%dma_start3A_459 : memref<128xi32, #tpu.memory_space<vmem>>) semaphore(%arg15 : memref<!tpu.dma_semaphore, #tpu.memory_space<semaphore_mem>>)
        } else {
        }
        %add3A_407 = arith.constant 6 : i32
        %add3A_408 = arith.addi %mul3A_311, %add3A_407 : i32
        %lt3A_409 = arith.constant 80 : i32
        %lt3A_410 = arith.cmpi slt, %add3A_408, %lt3A_409 : i32
        %convert_element_type3A_411 = arith.extui %lt3A_410 : i1 to i32
        %cond3A_412 = arith.constant 0 : i32
        %cond3A_413 = arith.cmpi ne, %convert_element_type3A_411, %cond3A_412 : i32
        scf.if %cond3A_413 {
          %add3A_437 = arith.constant 6 : i32
          %add3A_438 = arith.addi %mul3A_311, %add3A_437 : i32
          %add3A_439 = arith.addi %mul3A_0, %add3A_438 : i32
          %dma_start3A_440 = arith.constant 2 : i32
          %dma_start3A_441 = arith.constant 0 : i32
          %dma_start3A_442 = arith.constant 0 : i32
          %dma_start3A_443 = tpu.memref_slice %arg8[%dma_start3A_440, %dma_start3A_441, %dma_start3A_442] : memref<4x2x128xi32, #tpu.memory_space<vmem>> -> memref<1x2x128xi32, #tpu.memory_space<vmem>>
          %dma_start3A_444 = tpu.memref_squeeze %dma_start3A_443 : memref<1x2x128xi32, #tpu.memory_space<vmem>> -> memref<2x128xi32, #tpu.memory_space<vmem>>
          %dma_start3A_445 = arith.constant 0 : i32
          %dma_start3A_446 = arith.constant 0 : i32
          %dma_start3A_447 = tpu.memref_slice %arg4[%add3A_439, %dma_start3A_445, %dma_start3A_446] : memref<1280x2x128xi32, #tpu.memory_space<hbm>> -> memref<1x2x128xi32, #tpu.memory_space<hbm>>
          %dma_start3A_448 = tpu.memref_squeeze %dma_start3A_447 : memref<1x2x128xi32, #tpu.memory_space<hbm>> -> memref<2x128xi32, #tpu.memory_space<hbm>>
          %dma_start3A_449 = arith.constant 0 : i32
          %dma_start3A_450 = arith.constant 0 : i32
          %dma_start3A_451 = tpu.memref_slice %arg8[%dma_start3A_440, %dma_start3A_449, %dma_start3A_450] : memref<4x2x128xi32, #tpu.memory_space<vmem>> -> memref<1x2x128xi32, #tpu.memory_space<vmem>>
          %dma_start3A_452 = tpu.memref_squeeze %dma_start3A_451 : memref<1x2x128xi32, #tpu.memory_space<vmem>> -> memref<2x128xi32, #tpu.memory_space<vmem>>
          %dma_start3A_453 = arith.constant 0 : i32
          %dma_start3A_454 = arith.constant 0 : i32
          %dma_start3A_455 = tpu.memref_slice %arg4[%add3A_439, %dma_start3A_453, %dma_start3A_454] : memref<1280x2x128xi32, #tpu.memory_space<hbm>> -> memref<1x2x128xi32, #tpu.memory_space<hbm>>
          %dma_start3A_456 = tpu.memref_squeeze %dma_start3A_455 : memref<1x2x128xi32, #tpu.memory_space<hbm>> -> memref<2x128xi32, #tpu.memory_space<hbm>>
          tpu.enqueue_dma source(%dma_start3A_456 : memref<2x128xi32, #tpu.memory_space<hbm>>) target(%dma_start3A_452 : memref<2x128xi32, #tpu.memory_space<vmem>>) target_semaphore(%arg13 : memref<!tpu.dma_semaphore, #tpu.memory_space<semaphore_mem>>)
        } else {
        }
        %dma_wait3A_414 = arith.constant 0 : i32
        %dma_wait3A_415 = arith.constant 0 : i32
        %dma_wait3A_416 = tpu.memref_slice %arg2[%dma_wait3A_414, %dma_wait3A_415] : memref<10000x128xf32, #tpu.memory_space<hbm>> -> memref<128x128xf32, #tpu.memory_space<hbm>>
        %dma_wait3A_417 = arith.constant 0 : i32
        %dma_wait3A_418 = arith.constant 0 : i32
        %dma_wait3A_419 = tpu.memref_slice %arg2[%dma_wait3A_417, %dma_wait3A_418] : memref<10000x128xf32, #tpu.memory_space<hbm>> -> memref<128x128xf32, #tpu.memory_space<hbm>>
        tpu.wait_dma2 semaphore(%arg16 : memref<!tpu.dma_semaphore, #tpu.memory_space<semaphore_mem>>) src(%dma_wait3A_419 : memref<128x128xf32, #tpu.memory_space<hbm>>) dst(%arg10 : memref<128x128xf32, #tpu.memory_space<vmem>>)
        %run_scoped3A_420 = arith.constant 3 : i32
        %run_scoped3A_421 = arith.constant 1 : i32
        "tpu.region"() ({
          %run_scoped3A_437 = tpu.sem_alloc : memref<!tpu.dma_semaphore, #tpu.memory_space<semaphore_mem>>
          %dma_start3A_438 = arith.constant 0 : i32
          %dma_start3A_439 = tpu.memref_slice %arg8[%run_scoped3A_420, %run_scoped3A_421, %dma_start3A_438] : memref<4x2x128xi32, #tpu.memory_space<vmem>> -> memref<1x1x128xi32, #tpu.memory_space<vmem>>
          %dma_start3A_440 = tpu.memref_squeeze %dma_start3A_439 : memref<1x1x128xi32, #tpu.memory_space<vmem>> -> memref<128xi32, #tpu.memory_space<vmem>>
          %dma_start3A_441 = arith.constant 0 : i32
          %dma_start3A_442 = arith.constant 0 : i32
          %dma_start3A_443 = tpu.memref_slice %arg7[%dma_start3A_441, %dma_start3A_442] : memref<10240x128xf32, #tpu.memory_space<vmem_shared>> -> memref<10240x128xf32, #tpu.memory_space<vmem_shared>>
          tpu.enqueue_indirect_dma source(%arg10 : memref<128x128xf32, #tpu.memory_space<vmem>>) target(%dma_start3A_443 : memref<10240x128xf32, #tpu.memory_space<vmem_shared>>) offsets(%dma_start3A_440 : memref<128xi32, #tpu.memory_space<vmem>>) semaphore(%run_scoped3A_437 : memref<!tpu.dma_semaphore, #tpu.memory_space<semaphore_mem>>) {add = true}
          %dma_wait3A_444 = arith.constant 0 : i32
          %dma_wait3A_445 = tpu.memref_slice %arg8[%run_scoped3A_420, %run_scoped3A_421, %dma_wait3A_444] : memref<4x2x128xi32, #tpu.memory_space<vmem>> -> memref<1x1x128xi32, #tpu.memory_space<vmem>>
          %dma_wait3A_446 = tpu.memref_squeeze %dma_wait3A_445 : memref<1x1x128xi32, #tpu.memory_space<vmem>> -> memref<128xi32, #tpu.memory_space<vmem>>
          %dma_wait3A_447 = arith.constant 0 : i32
          %dma_wait3A_448 = arith.constant 0 : i32
          %dma_wait3A_449 = tpu.memref_slice %arg7[%dma_wait3A_447, %dma_wait3A_448] : memref<10240x128xf32, #tpu.memory_space<vmem_shared>> -> memref<10240x128xf32, #tpu.memory_space<vmem_shared>>
          tpu.wait_indirect_dma semaphore(%run_scoped3A_437 : memref<!tpu.dma_semaphore, #tpu.memory_space<semaphore_mem>>) src(%arg10 : memref<128x128xf32, #tpu.memory_space<vmem>>) dst(%dma_wait3A_449 : memref<10240x128xf32, #tpu.memory_space<vmem_shared>>)
          tpu.yield
        }) : () -> ()
        %add3A_422 = arith.constant 5 : i32
        %add3A_423 = arith.addi %mul3A_311, %add3A_422 : i32
        %lt3A_424 = arith.constant 80 : i32
        %lt3A_425 = arith.cmpi slt, %add3A_423, %lt3A_424 : i32
        %convert_element_type3A_426 = arith.extui %lt3A_425 : i1 to i32
        %cond3A_427 = arith.constant 0 : i32
        %cond3A_428 = arith.cmpi ne, %convert_element_type3A_426, %cond3A_427 : i32
        scf.if %cond3A_428 {
          %dma_wait3A_437 = arith.constant 0 : i32
          %dma_wait3A_438 = arith.constant 1 : i32
          %dma_wait3A_439 = arith.constant 0 : i32
          %dma_wait3A_440 = arith.constant 0 : i32
          %dma_wait3A_441 = tpu.memref_slice %arg8[%dma_wait3A_438, %dma_wait3A_439, %dma_wait3A_440] : memref<4x2x128xi32, #tpu.memory_space<vmem>> -> memref<1x2x128xi32, #tpu.memory_space<vmem>>
          %dma_wait3A_442 = tpu.memref_squeeze %dma_wait3A_441 : memref<1x2x128xi32, #tpu.memory_space<vmem>> -> memref<2x128xi32, #tpu.memory_space<vmem>>
          %dma_wait3A_443 = arith.constant 0 : i32
          %dma_wait3A_444 = arith.constant 0 : i32
          %dma_wait3A_445 = tpu.memref_slice %arg4[%dma_wait3A_437, %dma_wait3A_443, %dma_wait3A_444] : memref<1280x2x128xi32, #tpu.memory_space<hbm>> -> memref<1x2x128xi32, #tpu.memory_space<hbm>>
          %dma_wait3A_446 = tpu.memref_squeeze %dma_wait3A_445 : memref<1x2x128xi32, #tpu.memory_space<hbm>> -> memref<2x128xi32, #tpu.memory_space<hbm>>
          %dma_wait3A_447 = arith.constant 0 : i32
          %dma_wait3A_448 = arith.constant 0 : i32
          %dma_wait3A_449 = tpu.memref_slice %arg8[%dma_wait3A_438, %dma_wait3A_447, %dma_wait3A_448] : memref<4x2x128xi32, #tpu.memory_space<vmem>> -> memref<1x2x128xi32, #tpu.memory_space<vmem>>
          %dma_wait3A_450 = tpu.memref_squeeze %dma_wait3A_449 : memref<1x2x128xi32, #tpu.memory_space<vmem>> -> memref<2x128xi32, #tpu.memory_space<vmem>>
          %dma_wait3A_451 = arith.constant 0 : i32
          %dma_wait3A_452 = arith.constant 0 : i32
          %dma_wait3A_453 = tpu.memref_slice %arg4[%dma_wait3A_437, %dma_wait3A_451, %dma_wait3A_452] : memref<1280x2x128xi32, #tpu.memory_space<hbm>> -> memref<1x2x128xi32, #tpu.memory_space<hbm>>
          %dma_wait3A_454 = tpu.memref_squeeze %dma_wait3A_453 : memref<1x2x128xi32, #tpu.memory_space<hbm>> -> memref<2x128xi32, #tpu.memory_space<hbm>>
          tpu.wait_dma2 semaphore(%arg12 : memref<!tpu.dma_semaphore, #tpu.memory_space<semaphore_mem>>) src(%dma_wait3A_454 : memref<2x128xi32, #tpu.memory_space<hbm>>) dst(%dma_wait3A_450 : memref<2x128xi32, #tpu.memory_space<vmem>>)
          %dma_start3A_455 = arith.constant 1 : i32
          %dma_start3A_456 = arith.constant 0 : i32
          %dma_start3A_457 = arith.constant 0 : i32
          %dma_start3A_458 = tpu.memref_slice %arg8[%dma_start3A_455, %dma_start3A_456, %dma_start3A_457] : memref<4x2x128xi32, #tpu.memory_space<vmem>> -> memref<1x1x128xi32, #tpu.memory_space<vmem>>
          %dma_start3A_459 = tpu.memref_squeeze %dma_start3A_458 : memref<1x1x128xi32, #tpu.memory_space<vmem>> -> memref<128xi32, #tpu.memory_space<vmem>>
          %dma_start3A_460 = arith.constant 0 : i32
          %dma_start3A_461 = arith.constant 0 : i32
          %dma_start3A_462 = tpu.memref_slice %arg2[%dma_start3A_460, %dma_start3A_461] : memref<10000x128xf32, #tpu.memory_space<hbm>> -> memref<10000x128xf32, #tpu.memory_space<hbm>>
          tpu.enqueue_indirect_dma source(%dma_start3A_462 : memref<10000x128xf32, #tpu.memory_space<hbm>>) target(%arg10 : memref<128x128xf32, #tpu.memory_space<vmem>>) offsets(%dma_start3A_459 : memref<128xi32, #tpu.memory_space<vmem>>) semaphore(%arg16 : memref<!tpu.dma_semaphore, #tpu.memory_space<semaphore_mem>>)
        } else {
        }
        %add3A_429 = arith.constant 7 : i32
        %add3A_430 = arith.addi %mul3A_311, %add3A_429 : i32
        %lt3A_431 = arith.constant 80 : i32
        %lt3A_432 = arith.cmpi slt, %add3A_430, %lt3A_431 : i32
        %convert_element_type3A_433 = arith.extui %lt3A_432 : i1 to i32
        %cond3A_434 = arith.constant 0 : i32
        %cond3A_435 = arith.cmpi ne, %convert_element_type3A_433, %cond3A_434 : i32
        scf.if %cond3A_435 {
          %add3A_437 = arith.constant 7 : i32
          %add3A_438 = arith.addi %mul3A_311, %add3A_437 : i32
          %add3A_439 = arith.addi %mul3A_0, %add3A_438 : i32
          %dma_start3A_440 = arith.constant 3 : i32
          %dma_start3A_441 = arith.constant 0 : i32
          %dma_start3A_442 = arith.constant 0 : i32
          %dma_start3A_443 = tpu.memref_slice %arg8[%dma_start3A_440, %dma_start3A_441, %dma_start3A_442] : memref<4x2x128xi32, #tpu.memory_space<vmem>> -> memref<1x2x128xi32, #tpu.memory_space<vmem>>
          %dma_start3A_444 = tpu.memref_squeeze %dma_start3A_443 : memref<1x2x128xi32, #tpu.memory_space<vmem>> -> memref<2x128xi32, #tpu.memory_space<vmem>>
          %dma_start3A_445 = arith.constant 0 : i32
          %dma_start3A_446 = arith.constant 0 : i32
          %dma_start3A_447 = tpu.memref_slice %arg4[%add3A_439, %dma_start3A_445, %dma_start3A_446] : memref<1280x2x128xi32, #tpu.memory_space<hbm>> -> memref<1x2x128xi32, #tpu.memory_space<hbm>>
          %dma_start3A_448 = tpu.memref_squeeze %dma_start3A_447 : memref<1x2x128xi32, #tpu.memory_space<hbm>> -> memref<2x128xi32, #tpu.memory_space<hbm>>
          %dma_start3A_449 = arith.constant 0 : i32
          %dma_start3A_450 = arith.constant 0 : i32
          %dma_start3A_451 = tpu.memref_slice %arg8[%dma_start3A_440, %dma_start3A_449, %dma_start3A_450] : memref<4x2x128xi32, #tpu.memory_space<vmem>> -> memref<1x2x128xi32, #tpu.memory_space<vmem>>
          %dma_start3A_452 = tpu.memref_squeeze %dma_start3A_451 : memref<1x2x128xi32, #tpu.memory_space<vmem>> -> memref<2x128xi32, #tpu.memory_space<vmem>>
          %dma_start3A_453 = arith.constant 0 : i32
          %dma_start3A_454 = arith.constant 0 : i32
          %dma_start3A_455 = tpu.memref_slice %arg4[%add3A_439, %dma_start3A_453, %dma_start3A_454] : memref<1280x2x128xi32, #tpu.memory_space<hbm>> -> memref<1x2x128xi32, #tpu.memory_space<hbm>>
          %dma_start3A_456 = tpu.memref_squeeze %dma_start3A_455 : memref<1x2x128xi32, #tpu.memory_space<hbm>> -> memref<2x128xi32, #tpu.memory_space<hbm>>
          tpu.enqueue_dma source(%dma_start3A_456 : memref<2x128xi32, #tpu.memory_space<hbm>>) target(%dma_start3A_452 : memref<2x128xi32, #tpu.memory_space<vmem>>) target_semaphore(%arg14 : memref<!tpu.dma_semaphore, #tpu.memory_space<semaphore_mem>>)
        } else {
        }
        %scan3A_436 = arith.constant 0 : i32
        scf.yield %scan3A_436 : i32
      }
      %scan3A_206 = arith.constant 20 : i32
      %barrier3A_207 = arith.constant 0 : index
      tpu.barrier barrier_id(%barrier3A_207)
      %mul3A_208 = arith.constant 640 : i32
      %mul3A_209 = arith.muli %arg1, %mul3A_208 : i32
      %add3A_210 = arith.constant 0 : i32
      %add3A_211 = arith.addi %mul3A_209, %add3A_210 : i32
      %dma_start3A_212 = arith.constant 0 : i32
      %dma_start3A_213 = tpu.memref_slice %arg7[%add3A_211, %dma_start3A_212] : memref<10240x128xf32, #tpu.memory_space<vmem_shared>> -> memref<128x128xf32, #tpu.memory_space<vmem_shared>>
      %dma_start3A_214 = arith.constant 0 : i32
      %dma_start3A_215 = tpu.memref_slice %arg7[%add3A_211, %dma_start3A_214] : memref<10240x128xf32, #tpu.memory_space<vmem_shared>> -> memref<128x128xf32, #tpu.memory_space<vmem_shared>>
      tpu.enqueue_dma source(%dma_start3A_215 : memref<128x128xf32, #tpu.memory_space<vmem_shared>>) target(%arg9 : memref<128x128xf32, #tpu.memory_space<vmem>>) target_semaphore(%arg15 : memref<!tpu.dma_semaphore, #tpu.memory_space<semaphore_mem>>)
      %mul3A_216 = arith.constant 640 : i32
      %mul3A_217 = arith.muli %arg1, %mul3A_216 : i32
      %add3A_218 = arith.constant 0 : i32
      %add3A_219 = arith.addi %mul3A_217, %add3A_218 : i32
      %dma_wait3A_220 = arith.constant 0 : i32
      %dma_wait3A_221 = tpu.memref_slice %arg7[%add3A_219, %dma_wait3A_220] : memref<10240x128xf32, #tpu.memory_space<vmem_shared>> -> memref<128x128xf32, #tpu.memory_space<vmem_shared>>
      %dma_wait3A_222 = arith.constant 0 : i32
      %dma_wait3A_223 = tpu.memref_slice %arg7[%add3A_219, %dma_wait3A_222] : memref<10240x128xf32, #tpu.memory_space<vmem_shared>> -> memref<128x128xf32, #tpu.memory_space<vmem_shared>>
      tpu.wait_dma2 semaphore(%arg15 : memref<!tpu.dma_semaphore, #tpu.memory_space<semaphore_mem>>) src(%dma_wait3A_223 : memref<128x128xf32, #tpu.memory_space<vmem_shared>>) dst(%arg9 : memref<128x128xf32, #tpu.memory_space<vmem>>)
      %mul3A_224 = arith.constant 640 : i32
      %mul3A_225 = arith.muli %arg1, %mul3A_224 : i32
      %add3A_226 = arith.constant 128 : i32
      %add3A_227 = arith.addi %mul3A_225, %add3A_226 : i32
      %dma_start3A_228 = arith.constant 0 : i32
      %dma_start3A_229 = tpu.memref_slice %arg7[%add3A_227, %dma_start3A_228] : memref<10240x128xf32, #tpu.memory_space<vmem_shared>> -> memref<128x128xf32, #tpu.memory_space<vmem_shared>>
      %dma_start3A_230 = arith.constant 0 : i32
      %dma_start3A_231 = tpu.memref_slice %arg7[%add3A_227, %dma_start3A_230] : memref<10240x128xf32, #tpu.memory_space<vmem_shared>> -> memref<128x128xf32, #tpu.memory_space<vmem_shared>>
      tpu.enqueue_dma source(%dma_start3A_231 : memref<128x128xf32, #tpu.memory_space<vmem_shared>>) target(%arg10 : memref<128x128xf32, #tpu.memory_space<vmem>>) target_semaphore(%arg16 : memref<!tpu.dma_semaphore, #tpu.memory_space<semaphore_mem>>)
      %mul3A_232 = arith.constant 640 : i32
      %mul3A_233 = arith.muli %arg1, %mul3A_232 : i32
      %add3A_234 = arith.constant 0 : i32
      %add3A_235 = arith.addi %mul3A_233, %add3A_234 : i32
      "tpu.region"() ({
        %run_scoped3A = tpu.sem_alloc : memref<!tpu.dma_semaphore, #tpu.memory_space<semaphore_mem>>
        %dma_start3A_308 = arith.constant 0 : i32
        %dma_start3A_309 = tpu.memref_slice %arg5[%add3A_235, %dma_start3A_308] : memref<10240x128xf32, #tpu.memory_space<hbm>> -> memref<128x128xf32, #tpu.memory_space<hbm>>
        %dma_start3A_310 = arith.constant 0 : i32
        %dma_start3A_311 = tpu.memref_slice %arg5[%add3A_235, %dma_start3A_310] : memref<10240x128xf32, #tpu.memory_space<hbm>> -> memref<128x128xf32, #tpu.memory_space<hbm>>
        tpu.enqueue_dma source(%arg9 : memref<128x128xf32, #tpu.memory_space<vmem>>) target(%dma_start3A_311 : memref<128x128xf32, #tpu.memory_space<hbm>>) target_semaphore(%run_scoped3A : memref<!tpu.dma_semaphore, #tpu.memory_space<semaphore_mem>>)
        %dma_wait3A_312 = arith.constant 0 : i32
        %dma_wait3A_313 = tpu.memref_slice %arg5[%add3A_235, %dma_wait3A_312] : memref<10240x128xf32, #tpu.memory_space<hbm>> -> memref<128x128xf32, #tpu.memory_space<hbm>>
        %dma_wait3A_314 = arith.constant 0 : i32
        %dma_wait3A_315 = tpu.memref_slice %arg5[%add3A_235, %dma_wait3A_314] : memref<10240x128xf32, #tpu.memory_space<hbm>> -> memref<128x128xf32, #tpu.memory_space<hbm>>
        tpu.wait_dma2 semaphore(%run_scoped3A : memref<!tpu.dma_semaphore, #tpu.memory_space<semaphore_mem>>) src(%arg9 : memref<128x128xf32, #tpu.memory_space<vmem>>) dst(%dma_wait3A_315 : memref<128x128xf32, #tpu.memory_space<hbm>>)
        tpu.yield
      }) : () -> ()
      %mul3A_236 = arith.constant 640 : i32
      %mul3A_237 = arith.muli %arg1, %mul3A_236 : i32
      %add3A_238 = arith.constant 128 : i32
      %add3A_239 = arith.addi %mul3A_237, %add3A_238 : i32
      %dma_wait3A_240 = arith.constant 0 : i32
      %dma_wait3A_241 = tpu.memref_slice %arg7[%add3A_239, %dma_wait3A_240] : memref<10240x128xf32, #tpu.memory_space<vmem_shared>> -> memref<128x128xf32, #tpu.memory_space<vmem_shared>>
      %dma_wait3A_242 = arith.constant 0 : i32
      %dma_wait3A_243 = tpu.memref_slice %arg7[%add3A_239, %dma_wait3A_242] : memref<10240x128xf32, #tpu.memory_space<vmem_shared>> -> memref<128x128xf32, #tpu.memory_space<vmem_shared>>
      tpu.wait_dma2 semaphore(%arg16 : memref<!tpu.dma_semaphore, #tpu.memory_space<semaphore_mem>>) src(%dma_wait3A_243 : memref<128x128xf32, #tpu.memory_space<vmem_shared>>) dst(%arg10 : memref<128x128xf32, #tpu.memory_space<vmem>>)
      %mul3A_244 = arith.constant 640 : i32
      %mul3A_245 = arith.muli %arg1, %mul3A_244 : i32
      %add3A_246 = arith.constant 256 : i32
      %add3A_247 = arith.addi %mul3A_245, %add3A_246 : i32
      %dma_start3A_248 = arith.constant 0 : i32
      %dma_start3A_249 = tpu.memref_slice %arg7[%add3A_247, %dma_start3A_248] : memref<10240x128xf32, #tpu.memory_space<vmem_shared>> -> memref<128x128xf32, #tpu.memory_space<vmem_shared>>
      %dma_start3A_250 = arith.constant 0 : i32
      %dma_start3A_251 = tpu.memref_slice %arg7[%add3A_247, %dma_start3A_250] : memref<10240x128xf32, #tpu.memory_space<vmem_shared>> -> memref<128x128xf32, #tpu.memory_space<vmem_shared>>
      tpu.enqueue_dma source(%dma_start3A_251 : memref<128x128xf32, #tpu.memory_space<vmem_shared>>) target(%arg9 : memref<128x128xf32, #tpu.memory_space<vmem>>) target_semaphore(%arg15 : memref<!tpu.dma_semaphore, #tpu.memory_space<semaphore_mem>>)
      %mul3A_252 = arith.constant 640 : i32
      %mul3A_253 = arith.muli %arg1, %mul3A_252 : i32
      %add3A_254 = arith.constant 128 : i32
      %add3A_255 = arith.addi %mul3A_253, %add3A_254 : i32
      "tpu.region"() ({
        %run_scoped3A = tpu.sem_alloc : memref<!tpu.dma_semaphore, #tpu.memory_space<semaphore_mem>>
        %dma_start3A_308 = arith.constant 0 : i32
        %dma_start3A_309 = tpu.memref_slice %arg5[%add3A_255, %dma_start3A_308] : memref<10240x128xf32, #tpu.memory_space<hbm>> -> memref<128x128xf32, #tpu.memory_space<hbm>>
        %dma_start3A_310 = arith.constant 0 : i32
        %dma_start3A_311 = tpu.memref_slice %arg5[%add3A_255, %dma_start3A_310] : memref<10240x128xf32, #tpu.memory_space<hbm>> -> memref<128x128xf32, #tpu.memory_space<hbm>>
        tpu.enqueue_dma source(%arg10 : memref<128x128xf32, #tpu.memory_space<vmem>>) target(%dma_start3A_311 : memref<128x128xf32, #tpu.memory_space<hbm>>) target_semaphore(%run_scoped3A : memref<!tpu.dma_semaphore, #tpu.memory_space<semaphore_mem>>)
        %dma_wait3A_312 = arith.constant 0 : i32
        %dma_wait3A_313 = tpu.memref_slice %arg5[%add3A_255, %dma_wait3A_312] : memref<10240x128xf32, #tpu.memory_space<hbm>> -> memref<128x128xf32, #tpu.memory_space<hbm>>
        %dma_wait3A_314 = arith.constant 0 : i32
        %dma_wait3A_315 = tpu.memref_slice %arg5[%add3A_255, %dma_wait3A_314] : memref<10240x128xf32, #tpu.memory_space<hbm>> -> memref<128x128xf32, #tpu.memory_space<hbm>>
        tpu.wait_dma2 semaphore(%run_scoped3A : memref<!tpu.dma_semaphore, #tpu.memory_space<semaphore_mem>>) src(%arg10 : memref<128x128xf32, #tpu.memory_space<vmem>>) dst(%dma_wait3A_315 : memref<128x128xf32, #tpu.memory_space<hbm>>)
        tpu.yield
      }) : () -> ()
      %mul3A_256 = arith.constant 640 : i32
      %mul3A_257 = arith.muli %arg1, %mul3A_256 : i32
      %add3A_258 = arith.constant 256 : i32
      %add3A_259 = arith.addi %mul3A_257, %add3A_258 : i32
      %dma_wait3A_260 = arith.constant 0 : i32
      %dma_wait3A_261 = tpu.memref_slice %arg7[%add3A_259, %dma_wait3A_260] : memref<10240x128xf32, #tpu.memory_space<vmem_shared>> -> memref<128x128xf32, #tpu.memory_space<vmem_shared>>
      %dma_wait3A_262 = arith.constant 0 : i32
      %dma_wait3A_263 = tpu.memref_slice %arg7[%add3A_259, %dma_wait3A_262] : memref<10240x128xf32, #tpu.memory_space<vmem_shared>> -> memref<128x128xf32, #tpu.memory_space<vmem_shared>>
      tpu.wait_dma2 semaphore(%arg15 : memref<!tpu.dma_semaphore, #tpu.memory_space<semaphore_mem>>) src(%dma_wait3A_263 : memref<128x128xf32, #tpu.memory_space<vmem_shared>>) dst(%arg9 : memref<128x128xf32, #tpu.memory_space<vmem>>)
      %mul3A_264 = arith.constant 640 : i32
      %mul3A_265 = arith.muli %arg1, %mul3A_264 : i32
      %add3A_266 = arith.constant 384 : i32
      %add3A_267 = arith.addi %mul3A_265, %add3A_266 : i32
      %dma_start3A_268 = arith.constant 0 : i32
      %dma_start3A_269 = tpu.memref_slice %arg7[%add3A_267, %dma_start3A_268] : memref<10240x128xf32, #tpu.memory_space<vmem_shared>> -> memref<128x128xf32, #tpu.memory_space<vmem_shared>>
      %dma_start3A_270 = arith.constant 0 : i32
      %dma_start3A_271 = tpu.memref_slice %arg7[%add3A_267, %dma_start3A_270] : memref<10240x128xf32, #tpu.memory_space<vmem_shared>> -> memref<128x128xf32, #tpu.memory_space<vmem_shared>>
      tpu.enqueue_dma source(%dma_start3A_271 : memref<128x128xf32, #tpu.memory_space<vmem_shared>>) target(%arg10 : memref<128x128xf32, #tpu.memory_space<vmem>>) target_semaphore(%arg16 : memref<!tpu.dma_semaphore, #tpu.memory_space<semaphore_mem>>)
      %mul3A_272 = arith.constant 640 : i32
      %mul3A_273 = arith.muli %arg1, %mul3A_272 : i32
      %add3A_274 = arith.constant 256 : i32
      %add3A_275 = arith.addi %mul3A_273, %add3A_274 : i32
      "tpu.region"() ({
        %run_scoped3A = tpu.sem_alloc : memref<!tpu.dma_semaphore, #tpu.memory_space<semaphore_mem>>
        %dma_start3A_308 = arith.constant 0 : i32
        %dma_start3A_309 = tpu.memref_slice %arg5[%add3A_275, %dma_start3A_308] : memref<10240x128xf32, #tpu.memory_space<hbm>> -> memref<128x128xf32, #tpu.memory_space<hbm>>
        %dma_start3A_310 = arith.constant 0 : i32
        %dma_start3A_311 = tpu.memref_slice %arg5[%add3A_275, %dma_start3A_310] : memref<10240x128xf32, #tpu.memory_space<hbm>> -> memref<128x128xf32, #tpu.memory_space<hbm>>
        tpu.enqueue_dma source(%arg9 : memref<128x128xf32, #tpu.memory_space<vmem>>) target(%dma_start3A_311 : memref<128x128xf32, #tpu.memory_space<hbm>>) target_semaphore(%run_scoped3A : memref<!tpu.dma_semaphore, #tpu.memory_space<semaphore_mem>>)
        %dma_wait3A_312 = arith.constant 0 : i32
        %dma_wait3A_313 = tpu.memref_slice %arg5[%add3A_275, %dma_wait3A_312] : memref<10240x128xf32, #tpu.memory_space<hbm>> -> memref<128x128xf32, #tpu.memory_space<hbm>>
        %dma_wait3A_314 = arith.constant 0 : i32
        %dma_wait3A_315 = tpu.memref_slice %arg5[%add3A_275, %dma_wait3A_314] : memref<10240x128xf32, #tpu.memory_space<hbm>> -> memref<128x128xf32, #tpu.memory_space<hbm>>
        tpu.wait_dma2 semaphore(%run_scoped3A : memref<!tpu.dma_semaphore, #tpu.memory_space<semaphore_mem>>) src(%arg9 : memref<128x128xf32, #tpu.memory_space<vmem>>) dst(%dma_wait3A_315 : memref<128x128xf32, #tpu.memory_space<hbm>>)
        tpu.yield
      }) : () -> ()
      %mul3A_276 = arith.constant 640 : i32
      %mul3A_277 = arith.muli %arg1, %mul3A_276 : i32
      %add3A_278 = arith.constant 384 : i32
      %add3A_279 = arith.addi %mul3A_277, %add3A_278 : i32
      %dma_wait3A_280 = arith.constant 0 : i32
      %dma_wait3A_281 = tpu.memref_slice %arg7[%add3A_279, %dma_wait3A_280] : memref<10240x128xf32, #tpu.memory_space<vmem_shared>> -> memref<128x128xf32, #tpu.memory_space<vmem_shared>>
      %dma_wait3A_282 = arith.constant 0 : i32
      %dma_wait3A_283 = tpu.memref_slice %arg7[%add3A_279, %dma_wait3A_282] : memref<10240x128xf32, #tpu.memory_space<vmem_shared>> -> memref<128x128xf32, #tpu.memory_space<vmem_shared>>
      tpu.wait_dma2 semaphore(%arg16 : memref<!tpu.dma_semaphore, #tpu.memory_space<semaphore_mem>>) src(%dma_wait3A_283 : memref<128x128xf32, #tpu.memory_space<vmem_shared>>) dst(%arg10 : memref<128x128xf32, #tpu.memory_space<vmem>>)
      %mul3A_284 = arith.constant 640 : i32
      %mul3A_285 = arith.muli %arg1, %mul3A_284 : i32
      %add3A_286 = arith.constant 512 : i32
      %add3A_287 = arith.addi %mul3A_285, %add3A_286 : i32
      %dma_start3A_288 = arith.constant 0 : i32
      %dma_start3A_289 = tpu.memref_slice %arg7[%add3A_287, %dma_start3A_288] : memref<10240x128xf32, #tpu.memory_space<vmem_shared>> -> memref<128x128xf32, #tpu.memory_space<vmem_shared>>
      %dma_start3A_290 = arith.constant 0 : i32
      %dma_start3A_291 = tpu.memref_slice %arg7[%add3A_287, %dma_start3A_290] : memref<10240x128xf32, #tpu.memory_space<vmem_shared>> -> memref<128x128xf32, #tpu.memory_space<vmem_shared>>
      tpu.enqueue_dma source(%dma_start3A_291 : memref<128x128xf32, #tpu.memory_space<vmem_shared>>) target(%arg9 : memref<128x128xf32, #tpu.memory_space<vmem>>) target_semaphore(%arg15 : memref<!tpu.dma_semaphore, #tpu.memory_space<semaphore_mem>>)
      %mul3A_292 = arith.constant 640 : i32
      %mul3A_293 = arith.muli %arg1, %mul3A_292 : i32
      %add3A_294 = arith.constant 384 : i32
      %add3A_295 = arith.addi %mul3A_293, %add3A_294 : i32
      "tpu.region"() ({
        %run_scoped3A = tpu.sem_alloc : memref<!tpu.dma_semaphore, #tpu.memory_space<semaphore_mem>>
        %dma_start3A_308 = arith.constant 0 : i32
        %dma_start3A_309 = tpu.memref_slice %arg5[%add3A_295, %dma_start3A_308] : memref<10240x128xf32, #tpu.memory_space<hbm>> -> memref<128x128xf32, #tpu.memory_space<hbm>>
        %dma_start3A_310 = arith.constant 0 : i32
        %dma_start3A_311 = tpu.memref_slice %arg5[%add3A_295, %dma_start3A_310] : memref<10240x128xf32, #tpu.memory_space<hbm>> -> memref<128x128xf32, #tpu.memory_space<hbm>>
        tpu.enqueue_dma source(%arg10 : memref<128x128xf32, #tpu.memory_space<vmem>>) target(%dma_start3A_311 : memref<128x128xf32, #tpu.memory_space<hbm>>) target_semaphore(%run_scoped3A : memref<!tpu.dma_semaphore, #tpu.memory_space<semaphore_mem>>)
        %dma_wait3A_312 = arith.constant 0 : i32
        %dma_wait3A_313 = tpu.memref_slice %arg5[%add3A_295, %dma_wait3A_312] : memref<10240x128xf32, #tpu.memory_space<hbm>> -> memref<128x128xf32, #tpu.memory_space<hbm>>
        %dma_wait3A_314 = arith.constant 0 : i32
        %dma_wait3A_315 = tpu.memref_slice %arg5[%add3A_295, %dma_wait3A_314] : memref<10240x128xf32, #tpu.memory_space<hbm>> -> memref<128x128xf32, #tpu.memory_space<hbm>>
        tpu.wait_dma2 semaphore(%run_scoped3A : memref<!tpu.dma_semaphore, #tpu.memory_space<semaphore_mem>>) src(%arg10 : memref<128x128xf32, #tpu.memory_space<vmem>>) dst(%dma_wait3A_315 : memref<128x128xf32, #tpu.memory_space<hbm>>)
        tpu.yield
      }) : () -> ()
      %mul3A_296 = arith.constant 640 : i32
      %mul3A_297 = arith.muli %arg1, %mul3A_296 : i32
      %add3A_298 = arith.constant 512 : i32
      %add3A_299 = arith.addi %mul3A_297, %add3A_298 : i32
      %dma_wait3A_300 = arith.constant 0 : i32
      %dma_wait3A_301 = tpu.memref_slice %arg7[%add3A_299, %dma_wait3A_300] : memref<10240x128xf32, #tpu.memory_space<vmem_shared>> -> memref<128x128xf32, #tpu.memory_space<vmem_shared>>
      %dma_wait3A_302 = arith.constant 0 : i32
      %dma_wait3A_303 = tpu.memref_slice %arg7[%add3A_299, %dma_wait3A_302] : memref<10240x128xf32, #tpu.memory_space<vmem_shared>> -> memref<128x128xf32, #tpu.memory_space<vmem_shared>>
      tpu.wait_dma2 semaphore(%arg15 : memref<!tpu.dma_semaphore, #tpu.memory_space<semaphore_mem>>) src(%dma_wait3A_303 : memref<128x128xf32, #tpu.memory_space<vmem_shared>>) dst(%arg9 : memref<128x128xf32, #tpu.memory_space<vmem>>)
      %mul3A_304 = arith.constant 640 : i32
      %mul3A_305 = arith.muli %arg1, %mul3A_304 : i32
      %add3A_306 = arith.constant 512 : i32
      %add3A_307 = arith.addi %mul3A_305, %add3A_306 : i32
      "tpu.region"() ({
        %run_scoped3A = tpu.sem_alloc : memref<!tpu.dma_semaphore, #tpu.memory_space<semaphore_mem>>
        %dma_start3A_308 = arith.constant 0 : i32
        %dma_start3A_309 = tpu.memref_slice %arg5[%add3A_307, %dma_start3A_308] : memref<10240x128xf32, #tpu.memory_space<hbm>> -> memref<128x128xf32, #tpu.memory_space<hbm>>
        %dma_start3A_310 = arith.constant 0 : i32
        %dma_start3A_311 = tpu.memref_slice %arg5[%add3A_307, %dma_start3A_310] : memref<10240x128xf32, #tpu.memory_space<hbm>> -> memref<128x128xf32, #tpu.memory_space<hbm>>
        tpu.enqueue_dma source(%arg9 : memref<128x128xf32, #tpu.memory_space<vmem>>) target(%dma_start3A_311 : memref<128x128xf32, #tpu.memory_space<hbm>>) target_semaphore(%run_scoped3A : memref<!tpu.dma_semaphore, #tpu.memory_space<semaphore_mem>>)
        %dma_wait3A_312 = arith.constant 0 : i32
        %dma_wait3A_313 = tpu.memref_slice %arg5[%add3A_307, %dma_wait3A_312] : memref<10240x128xf32, #tpu.memory_space<hbm>> -> memref<128x128xf32, #tpu.memory_space<hbm>>
        %dma_wait3A_314 = arith.constant 0 : i32
        %dma_wait3A_315 = tpu.memref_slice %arg5[%add3A_307, %dma_wait3A_314] : memref<10240x128xf32, #tpu.memory_space<hbm>> -> memref<128x128xf32, #tpu.memory_space<hbm>>
        tpu.wait_dma2 semaphore(%run_scoped3A : memref<!tpu.dma_semaphore, #tpu.memory_space<semaphore_mem>>) src(%arg9 : memref<128x128xf32, #tpu.memory_space<vmem>>) dst(%dma_wait3A_315 : memref<128x128xf32, #tpu.memory_space<hbm>>)
        tpu.yield
      }) : () -> ()
    } else {
    }
    %eq3A_143 = arith.constant 1 : i32
    %eq3A_144 = arith.cmpi eq, %arg0, %eq3A_143 : i32
    %convert_element_type3A_145 = arith.extui %eq3A_144 : i1 to i32
    %cond3A_146 = arith.constant 0 : i32
    %cond3A_147 = arith.cmpi ne, %convert_element_type3A_145, %cond3A_146 : i32
    scf.if %cond3A_147 {
      %dma_wait3A_148 = arith.constant 0 : i32
      %dma_wait3A_149 = arith.constant 0 : i32
      %dma_wait3A_150 = arith.constant 0 : i32
      %dma_wait3A_151 = arith.constant 0 : i32
      %dma_wait3A_152 = tpu.memref_slice %arg8[%dma_wait3A_149, %dma_wait3A_150, %dma_wait3A_151] : memref<4x2x128xi32, #tpu.memory_space<vmem>> -> memref<1x2x128xi32, #tpu.memory_space<vmem>>
      %dma_wait3A_153 = tpu.memref_squeeze %dma_wait3A_152 : memref<1x2x128xi32, #tpu.memory_space<vmem>> -> memref<2x128xi32, #tpu.memory_space<vmem>>
      %dma_wait3A_154 = arith.constant 0 : i32
      %dma_wait3A_155 = arith.constant 0 : i32
      %dma_wait3A_156 = tpu.memref_slice %arg4[%dma_wait3A_148, %dma_wait3A_154, %dma_wait3A_155] : memref<1280x2x128xi32, #tpu.memory_space<hbm>> -> memref<1x2x128xi32, #tpu.memory_space<hbm>>
      %dma_wait3A_157 = tpu.memref_squeeze %dma_wait3A_156 : memref<1x2x128xi32, #tpu.memory_space<hbm>> -> memref<2x128xi32, #tpu.memory_space<hbm>>
      %dma_wait3A_158 = arith.constant 0 : i32
      %dma_wait3A_159 = arith.constant 0 : i32
      %dma_wait3A_160 = tpu.memref_slice %arg8[%dma_wait3A_149, %dma_wait3A_158, %dma_wait3A_159] : memref<4x2x128xi32, #tpu.memory_space<vmem>> -> memref<1x2x128xi32, #tpu.memory_space<vmem>>
      %dma_wait3A_161 = tpu.memref_squeeze %dma_wait3A_160 : memref<1x2x128xi32, #tpu.memory_space<vmem>> -> memref<2x128xi32, #tpu.memory_space<vmem>>
      %dma_wait3A_162 = arith.constant 0 : i32
      %dma_wait3A_163 = arith.constant 0 : i32
      %dma_wait3A_164 = tpu.memref_slice %arg4[%dma_wait3A_148, %dma_wait3A_162, %dma_wait3A_163] : memref<1280x2x128xi32, #tpu.memory_space<hbm>> -> memref<1x2x128xi32, #tpu.memory_space<hbm>>
      %dma_wait3A_165 = tpu.memref_squeeze %dma_wait3A_164 : memref<1x2x128xi32, #tpu.memory_space<hbm>> -> memref<2x128xi32, #tpu.memory_space<hbm>>
      tpu.wait_dma2 semaphore(%arg11 : memref<!tpu.dma_semaphore, #tpu.memory_space<semaphore_mem>>) src(%dma_wait3A_165 : memref<2x128xi32, #tpu.memory_space<hbm>>) dst(%dma_wait3A_161 : memref<2x128xi32, #tpu.memory_space<vmem>>)
      %dma_start3A_166 = arith.constant 0 : i32
      %dma_start3A_167 = arith.constant 0 : i32
      %dma_start3A_168 = arith.constant 0 : i32
      %dma_start3A_169 = tpu.memref_slice %arg8[%dma_start3A_166, %dma_start3A_167, %dma_start3A_168] : memref<4x2x128xi32, #tpu.memory_space<vmem>> -> memref<1x1x128xi32, #tpu.memory_space<vmem>>
      %dma_start3A_170 = tpu.memref_squeeze %dma_start3A_169 : memref<1x1x128xi32, #tpu.memory_space<vmem>> -> memref<128xi32, #tpu.memory_space<vmem>>
      %dma_start3A_171 = arith.constant 0 : i32
      %dma_start3A_172 = arith.constant 0 : i32
      %dma_start3A_173 = tpu.memref_slice %arg3[%dma_start3A_171, %dma_start3A_172] : memref<10000x128xf32, #tpu.memory_space<hbm>> -> memref<10000x128xf32, #tpu.memory_space<hbm>>
      tpu.enqueue_indirect_dma source(%dma_start3A_173 : memref<10000x128xf32, #tpu.memory_space<hbm>>) target(%arg9 : memref<128x128xf32, #tpu.memory_space<vmem>>) offsets(%dma_start3A_170 : memref<128xi32, #tpu.memory_space<vmem>>) semaphore(%arg15 : memref<!tpu.dma_semaphore, #tpu.memory_space<semaphore_mem>>)
      %dma_wait3A_174 = arith.constant 0 : i32
      %dma_wait3A_175 = arith.constant 1 : i32
      %dma_wait3A_176 = arith.constant 0 : i32
      %dma_wait3A_177 = arith.constant 0 : i32
      %dma_wait3A_178 = tpu.memref_slice %arg8[%dma_wait3A_175, %dma_wait3A_176, %dma_wait3A_177] : memref<4x2x128xi32, #tpu.memory_space<vmem>> -> memref<1x2x128xi32, #tpu.memory_space<vmem>>
      %dma_wait3A_179 = tpu.memref_squeeze %dma_wait3A_178 : memref<1x2x128xi32, #tpu.memory_space<vmem>> -> memref<2x128xi32, #tpu.memory_space<vmem>>
      %dma_wait3A_180 = arith.constant 0 : i32
      %dma_wait3A_181 = arith.constant 0 : i32
      %dma_wait3A_182 = tpu.memref_slice %arg4[%dma_wait3A_174, %dma_wait3A_180, %dma_wait3A_181] : memref<1280x2x128xi32, #tpu.memory_space<hbm>> -> memref<1x2x128xi32, #tpu.memory_space<hbm>>
      %dma_wait3A_183 = tpu.memref_squeeze %dma_wait3A_182 : memref<1x2x128xi32, #tpu.memory_space<hbm>> -> memref<2x128xi32, #tpu.memory_space<hbm>>
      %dma_wait3A_184 = arith.constant 0 : i32
      %dma_wait3A_185 = arith.constant 0 : i32
      %dma_wait3A_186 = tpu.memref_slice %arg8[%dma_wait3A_175, %dma_wait3A_184, %dma_wait3A_185] : memref<4x2x128xi32, #tpu.memory_space<vmem>> -> memref<1x2x128xi32, #tpu.memory_space<vmem>>
      %dma_wait3A_187 = tpu.memref_squeeze %dma_wait3A_186 : memref<1x2x128xi32, #tpu.memory_space<vmem>> -> memref<2x128xi32, #tpu.memory_space<vmem>>
      %dma_wait3A_188 = arith.constant 0 : i32
      %dma_wait3A_189 = arith.constant 0 : i32
      %dma_wait3A_190 = tpu.memref_slice %arg4[%dma_wait3A_174, %dma_wait3A_188, %dma_wait3A_189] : memref<1280x2x128xi32, #tpu.memory_space<hbm>> -> memref<1x2x128xi32, #tpu.memory_space<hbm>>
      %dma_wait3A_191 = tpu.memref_squeeze %dma_wait3A_190 : memref<1x2x128xi32, #tpu.memory_space<hbm>> -> memref<2x128xi32, #tpu.memory_space<hbm>>
      tpu.wait_dma2 semaphore(%arg12 : memref<!tpu.dma_semaphore, #tpu.memory_space<semaphore_mem>>) src(%dma_wait3A_191 : memref<2x128xi32, #tpu.memory_space<hbm>>) dst(%dma_wait3A_187 : memref<2x128xi32, #tpu.memory_space<vmem>>)
      %dma_start3A_192 = arith.constant 1 : i32
      %dma_start3A_193 = arith.constant 0 : i32
      %dma_start3A_194 = arith.constant 0 : i32
      %dma_start3A_195 = tpu.memref_slice %arg8[%dma_start3A_192, %dma_start3A_193, %dma_start3A_194] : memref<4x2x128xi32, #tpu.memory_space<vmem>> -> memref<1x1x128xi32, #tpu.memory_space<vmem>>
      %dma_start3A_196 = tpu.memref_squeeze %dma_start3A_195 : memref<1x1x128xi32, #tpu.memory_space<vmem>> -> memref<128xi32, #tpu.memory_space<vmem>>
      %dma_start3A_197 = arith.constant 0 : i32
      %dma_start3A_198 = arith.constant 0 : i32
      %dma_start3A_199 = tpu.memref_slice %arg3[%dma_start3A_197, %dma_start3A_198] : memref<10000x128xf32, #tpu.memory_space<hbm>> -> memref<10000x128xf32, #tpu.memory_space<hbm>>
      tpu.enqueue_indirect_dma source(%dma_start3A_199 : memref<10000x128xf32, #tpu.memory_space<hbm>>) target(%arg10 : memref<128x128xf32, #tpu.memory_space<vmem>>) offsets(%dma_start3A_196 : memref<128xi32, #tpu.memory_space<vmem>>) semaphore(%arg16 : memref<!tpu.dma_semaphore, #tpu.memory_space<semaphore_mem>>)
      %scan3A_200 = arith.constant 0 : i32
      %scan3A_201 = arith.constant 0 : i32
      %scan3A_202 = arith.constant 20 : i32
      %scan3A_203 = arith.addi %scan3A_201, %scan3A_202 : i32
      %scan3A_204 = arith.constant 1 : i32
      %scan3A_205 = scf.for %scan3A_308 = %scan3A_201 to %scan3A_203 step %scan3A_204 iter_args(%scan3A_309 = %scan3A_200) -> (i32)  : i32 {
        %mul3A_310 = arith.constant 4 : i32
        %mul3A_311 = arith.muli %mul3A_310, %scan3A_308 : i32
        %dma_wait3A_312 = arith.constant 0 : i32
        %dma_wait3A_313 = arith.constant 0 : i32
        %dma_wait3A_314 = tpu.memref_slice %arg3[%dma_wait3A_312, %dma_wait3A_313] : memref<10000x128xf32, #tpu.memory_space<hbm>> -> memref<128x128xf32, #tpu.memory_space<hbm>>
        %dma_wait3A_315 = arith.constant 0 : i32
        %dma_wait3A_316 = arith.constant 0 : i32
        %dma_wait3A_317 = tpu.memref_slice %arg3[%dma_wait3A_315, %dma_wait3A_316] : memref<10000x128xf32, #tpu.memory_space<hbm>> -> memref<128x128xf32, #tpu.memory_space<hbm>>
        tpu.wait_dma2 semaphore(%arg15 : memref<!tpu.dma_semaphore, #tpu.memory_space<semaphore_mem>>) src(%dma_wait3A_317 : memref<128x128xf32, #tpu.memory_space<hbm>>) dst(%arg9 : memref<128x128xf32, #tpu.memory_space<vmem>>)
        %run_scoped3A = arith.constant 0 : i32
        %run_scoped3A_318 = arith.constant 1 : i32
        "tpu.region"() ({
          %run_scoped3A_437 = tpu.sem_alloc : memref<!tpu.dma_semaphore, #tpu.memory_space<semaphore_mem>>
          %dma_start3A_438 = arith.constant 0 : i32
          %dma_start3A_439 = tpu.memref_slice %arg8[%run_scoped3A, %run_scoped3A_318, %dma_start3A_438] : memref<4x2x128xi32, #tpu.memory_space<vmem>> -> memref<1x1x128xi32, #tpu.memory_space<vmem>>
          %dma_start3A_440 = tpu.memref_squeeze %dma_start3A_439 : memref<1x1x128xi32, #tpu.memory_space<vmem>> -> memref<128xi32, #tpu.memory_space<vmem>>
          %dma_start3A_441 = arith.constant 0 : i32
          %dma_start3A_442 = arith.constant 0 : i32
          %dma_start3A_443 = tpu.memref_slice %arg7[%dma_start3A_441, %dma_start3A_442] : memref<10240x128xf32, #tpu.memory_space<vmem_shared>> -> memref<10240x128xf32, #tpu.memory_space<vmem_shared>>
          tpu.enqueue_indirect_dma source(%arg9 : memref<128x128xf32, #tpu.memory_space<vmem>>) target(%dma_start3A_443 : memref<10240x128xf32, #tpu.memory_space<vmem_shared>>) offsets(%dma_start3A_440 : memref<128xi32, #tpu.memory_space<vmem>>) semaphore(%run_scoped3A_437 : memref<!tpu.dma_semaphore, #tpu.memory_space<semaphore_mem>>) {add = true}
          %dma_wait3A_444 = arith.constant 0 : i32
          %dma_wait3A_445 = tpu.memref_slice %arg8[%run_scoped3A, %run_scoped3A_318, %dma_wait3A_444] : memref<4x2x128xi32, #tpu.memory_space<vmem>> -> memref<1x1x128xi32, #tpu.memory_space<vmem>>
          %dma_wait3A_446 = tpu.memref_squeeze %dma_wait3A_445 : memref<1x1x128xi32, #tpu.memory_space<vmem>> -> memref<128xi32, #tpu.memory_space<vmem>>
          %dma_wait3A_447 = arith.constant 0 : i32
          %dma_wait3A_448 = arith.constant 0 : i32
          %dma_wait3A_449 = tpu.memref_slice %arg7[%dma_wait3A_447, %dma_wait3A_448] : memref<10240x128xf32, #tpu.memory_space<vmem_shared>> -> memref<10240x128xf32, #tpu.memory_space<vmem_shared>>
          tpu.wait_indirect_dma semaphore(%run_scoped3A_437 : memref<!tpu.dma_semaphore, #tpu.memory_space<semaphore_mem>>) src(%arg9 : memref<128x128xf32, #tpu.memory_space<vmem>>) dst(%dma_wait3A_449 : memref<10240x128xf32, #tpu.memory_space<vmem_shared>>)
          tpu.yield
        }) : () -> ()
        %dma_wait3A_319 = arith.constant 0 : i32
        %dma_wait3A_320 = arith.constant 2 : i32
        %dma_wait3A_321 = arith.constant 0 : i32
        %dma_wait3A_322 = arith.constant 0 : i32
        %dma_wait3A_323 = tpu.memref_slice %arg8[%dma_wait3A_320, %dma_wait3A_321, %dma_wait3A_322] : memref<4x2x128xi32, #tpu.memory_space<vmem>> -> memref<1x2x128xi32, #tpu.memory_space<vmem>>
        %dma_wait3A_324 = tpu.memref_squeeze %dma_wait3A_323 : memref<1x2x128xi32, #tpu.memory_space<vmem>> -> memref<2x128xi32, #tpu.memory_space<vmem>>
        %dma_wait3A_325 = arith.constant 0 : i32
        %dma_wait3A_326 = arith.constant 0 : i32
        %dma_wait3A_327 = tpu.memref_slice %arg4[%dma_wait3A_319, %dma_wait3A_325, %dma_wait3A_326] : memref<1280x2x128xi32, #tpu.memory_space<hbm>> -> memref<1x2x128xi32, #tpu.memory_space<hbm>>
        %dma_wait3A_328 = tpu.memref_squeeze %dma_wait3A_327 : memref<1x2x128xi32, #tpu.memory_space<hbm>> -> memref<2x128xi32, #tpu.memory_space<hbm>>
        %dma_wait3A_329 = arith.constant 0 : i32
        %dma_wait3A_330 = arith.constant 0 : i32
        %dma_wait3A_331 = tpu.memref_slice %arg8[%dma_wait3A_320, %dma_wait3A_329, %dma_wait3A_330] : memref<4x2x128xi32, #tpu.memory_space<vmem>> -> memref<1x2x128xi32, #tpu.memory_space<vmem>>
        %dma_wait3A_332 = tpu.memref_squeeze %dma_wait3A_331 : memref<1x2x128xi32, #tpu.memory_space<vmem>> -> memref<2x128xi32, #tpu.memory_space<vmem>>
        %dma_wait3A_333 = arith.constant 0 : i32
        %dma_wait3A_334 = arith.constant 0 : i32
        %dma_wait3A_335 = tpu.memref_slice %arg4[%dma_wait3A_319, %dma_wait3A_333, %dma_wait3A_334] : memref<1280x2x128xi32, #tpu.memory_space<hbm>> -> memref<1x2x128xi32, #tpu.memory_space<hbm>>
        %dma_wait3A_336 = tpu.memref_squeeze %dma_wait3A_335 : memref<1x2x128xi32, #tpu.memory_space<hbm>> -> memref<2x128xi32, #tpu.memory_space<hbm>>
        tpu.wait_dma2 semaphore(%arg13 : memref<!tpu.dma_semaphore, #tpu.memory_space<semaphore_mem>>) src(%dma_wait3A_336 : memref<2x128xi32, #tpu.memory_space<hbm>>) dst(%dma_wait3A_332 : memref<2x128xi32, #tpu.memory_space<vmem>>)
        %dma_start3A_337 = arith.constant 2 : i32
        %dma_start3A_338 = arith.constant 0 : i32
        %dma_start3A_339 = arith.constant 0 : i32
        %dma_start3A_340 = tpu.memref_slice %arg8[%dma_start3A_337, %dma_start3A_338, %dma_start3A_339] : memref<4x2x128xi32, #tpu.memory_space<vmem>> -> memref<1x1x128xi32, #tpu.memory_space<vmem>>
        %dma_start3A_341 = tpu.memref_squeeze %dma_start3A_340 : memref<1x1x128xi32, #tpu.memory_space<vmem>> -> memref<128xi32, #tpu.memory_space<vmem>>
        %dma_start3A_342 = arith.constant 0 : i32
        %dma_start3A_343 = arith.constant 0 : i32
        %dma_start3A_344 = tpu.memref_slice %arg3[%dma_start3A_342, %dma_start3A_343] : memref<10000x128xf32, #tpu.memory_space<hbm>> -> memref<10000x128xf32, #tpu.memory_space<hbm>>
        tpu.enqueue_indirect_dma source(%dma_start3A_344 : memref<10000x128xf32, #tpu.memory_space<hbm>>) target(%arg9 : memref<128x128xf32, #tpu.memory_space<vmem>>) offsets(%dma_start3A_341 : memref<128xi32, #tpu.memory_space<vmem>>) semaphore(%arg15 : memref<!tpu.dma_semaphore, #tpu.memory_space<semaphore_mem>>)
        %add3A_345 = arith.constant 4 : i32
        %add3A_346 = arith.addi %mul3A_311, %add3A_345 : i32
        %lt3A = arith.constant 80 : i32
        %lt3A_347 = arith.cmpi slt, %add3A_346, %lt3A : i32
        %convert_element_type3A_348 = arith.extui %lt3A_347 : i1 to i32
        %cond3A_349 = arith.constant 0 : i32
        %cond3A_350 = arith.cmpi ne, %convert_element_type3A_348, %cond3A_349 : i32
        scf.if %cond3A_350 {
          %add3A_437 = arith.constant 4 : i32
          %add3A_438 = arith.addi %mul3A_311, %add3A_437 : i32
          %add3A_439 = arith.addi %mul3A_0, %add3A_438 : i32
          %dma_start3A_440 = arith.constant 0 : i32
          %dma_start3A_441 = arith.constant 0 : i32
          %dma_start3A_442 = arith.constant 0 : i32
          %dma_start3A_443 = tpu.memref_slice %arg8[%dma_start3A_440, %dma_start3A_441, %dma_start3A_442] : memref<4x2x128xi32, #tpu.memory_space<vmem>> -> memref<1x2x128xi32, #tpu.memory_space<vmem>>
          %dma_start3A_444 = tpu.memref_squeeze %dma_start3A_443 : memref<1x2x128xi32, #tpu.memory_space<vmem>> -> memref<2x128xi32, #tpu.memory_space<vmem>>
          %dma_start3A_445 = arith.constant 0 : i32
          %dma_start3A_446 = arith.constant 0 : i32
          %dma_start3A_447 = tpu.memref_slice %arg4[%add3A_439, %dma_start3A_445, %dma_start3A_446] : memref<1280x2x128xi32, #tpu.memory_space<hbm>> -> memref<1x2x128xi32, #tpu.memory_space<hbm>>
          %dma_start3A_448 = tpu.memref_squeeze %dma_start3A_447 : memref<1x2x128xi32, #tpu.memory_space<hbm>> -> memref<2x128xi32, #tpu.memory_space<hbm>>
          %dma_start3A_449 = arith.constant 0 : i32
          %dma_start3A_450 = arith.constant 0 : i32
          %dma_start3A_451 = tpu.memref_slice %arg8[%dma_start3A_440, %dma_start3A_449, %dma_start3A_450] : memref<4x2x128xi32, #tpu.memory_space<vmem>> -> memref<1x2x128xi32, #tpu.memory_space<vmem>>
          %dma_start3A_452 = tpu.memref_squeeze %dma_start3A_451 : memref<1x2x128xi32, #tpu.memory_space<vmem>> -> memref<2x128xi32, #tpu.memory_space<vmem>>
          %dma_start3A_453 = arith.constant 0 : i32
          %dma_start3A_454 = arith.constant 0 : i32
          %dma_start3A_455 = tpu.memref_slice %arg4[%add3A_439, %dma_start3A_453, %dma_start3A_454] : memref<1280x2x128xi32, #tpu.memory_space<hbm>> -> memref<1x2x128xi32, #tpu.memory_space<hbm>>
          %dma_start3A_456 = tpu.memref_squeeze %dma_start3A_455 : memref<1x2x128xi32, #tpu.memory_space<hbm>> -> memref<2x128xi32, #tpu.memory_space<hbm>>
          tpu.enqueue_dma source(%dma_start3A_456 : memref<2x128xi32, #tpu.memory_space<hbm>>) target(%dma_start3A_452 : memref<2x128xi32, #tpu.memory_space<vmem>>) target_semaphore(%arg11 : memref<!tpu.dma_semaphore, #tpu.memory_space<semaphore_mem>>)
        } else {
        }
        %dma_wait3A_351 = arith.constant 0 : i32
        %dma_wait3A_352 = arith.constant 0 : i32
        %dma_wait3A_353 = tpu.memref_slice %arg3[%dma_wait3A_351, %dma_wait3A_352] : memref<10000x128xf32, #tpu.memory_space<hbm>> -> memref<128x128xf32, #tpu.memory_space<hbm>>
        %dma_wait3A_354 = arith.constant 0 : i32
        %dma_wait3A_355 = arith.constant 0 : i32
        %dma_wait3A_356 = tpu.memref_slice %arg3[%dma_wait3A_354, %dma_wait3A_355] : memref<10000x128xf32, #tpu.memory_space<hbm>> -> memref<128x128xf32, #tpu.memory_space<hbm>>
        tpu.wait_dma2 semaphore(%arg16 : memref<!tpu.dma_semaphore, #tpu.memory_space<semaphore_mem>>) src(%dma_wait3A_356 : memref<128x128xf32, #tpu.memory_space<hbm>>) dst(%arg10 : memref<128x128xf32, #tpu.memory_space<vmem>>)
        %run_scoped3A_357 = arith.constant 1 : i32
        %run_scoped3A_358 = arith.constant 1 : i32
        "tpu.region"() ({
          %run_scoped3A_437 = tpu.sem_alloc : memref<!tpu.dma_semaphore, #tpu.memory_space<semaphore_mem>>
          %dma_start3A_438 = arith.constant 0 : i32
          %dma_start3A_439 = tpu.memref_slice %arg8[%run_scoped3A_357, %run_scoped3A_358, %dma_start3A_438] : memref<4x2x128xi32, #tpu.memory_space<vmem>> -> memref<1x1x128xi32, #tpu.memory_space<vmem>>
          %dma_start3A_440 = tpu.memref_squeeze %dma_start3A_439 : memref<1x1x128xi32, #tpu.memory_space<vmem>> -> memref<128xi32, #tpu.memory_space<vmem>>
          %dma_start3A_441 = arith.constant 0 : i32
          %dma_start3A_442 = arith.constant 0 : i32
          %dma_start3A_443 = tpu.memref_slice %arg7[%dma_start3A_441, %dma_start3A_442] : memref<10240x128xf32, #tpu.memory_space<vmem_shared>> -> memref<10240x128xf32, #tpu.memory_space<vmem_shared>>
          tpu.enqueue_indirect_dma source(%arg10 : memref<128x128xf32, #tpu.memory_space<vmem>>) target(%dma_start3A_443 : memref<10240x128xf32, #tpu.memory_space<vmem_shared>>) offsets(%dma_start3A_440 : memref<128xi32, #tpu.memory_space<vmem>>) semaphore(%run_scoped3A_437 : memref<!tpu.dma_semaphore, #tpu.memory_space<semaphore_mem>>) {add = true}
          %dma_wait3A_444 = arith.constant 0 : i32
          %dma_wait3A_445 = tpu.memref_slice %arg8[%run_scoped3A_357, %run_scoped3A_358, %dma_wait3A_444] : memref<4x2x128xi32, #tpu.memory_space<vmem>> -> memref<1x1x128xi32, #tpu.memory_space<vmem>>
          %dma_wait3A_446 = tpu.memref_squeeze %dma_wait3A_445 : memref<1x1x128xi32, #tpu.memory_space<vmem>> -> memref<128xi32, #tpu.memory_space<vmem>>
          %dma_wait3A_447 = arith.constant 0 : i32
          %dma_wait3A_448 = arith.constant 0 : i32
          %dma_wait3A_449 = tpu.memref_slice %arg7[%dma_wait3A_447, %dma_wait3A_448] : memref<10240x128xf32, #tpu.memory_space<vmem_shared>> -> memref<10240x128xf32, #tpu.memory_space<vmem_shared>>
          tpu.wait_indirect_dma semaphore(%run_scoped3A_437 : memref<!tpu.dma_semaphore, #tpu.memory_space<semaphore_mem>>) src(%arg10 : memref<128x128xf32, #tpu.memory_space<vmem>>) dst(%dma_wait3A_449 : memref<10240x128xf32, #tpu.memory_space<vmem_shared>>)
          tpu.yield
        }) : () -> ()
        %dma_wait3A_359 = arith.constant 0 : i32
        %dma_wait3A_360 = arith.constant 3 : i32
        %dma_wait3A_361 = arith.constant 0 : i32
        %dma_wait3A_362 = arith.constant 0 : i32
        %dma_wait3A_363 = tpu.memref_slice %arg8[%dma_wait3A_360, %dma_wait3A_361, %dma_wait3A_362] : memref<4x2x128xi32, #tpu.memory_space<vmem>> -> memref<1x2x128xi32, #tpu.memory_space<vmem>>
        %dma_wait3A_364 = tpu.memref_squeeze %dma_wait3A_363 : memref<1x2x128xi32, #tpu.memory_space<vmem>> -> memref<2x128xi32, #tpu.memory_space<vmem>>
        %dma_wait3A_365 = arith.constant 0 : i32
        %dma_wait3A_366 = arith.constant 0 : i32
        %dma_wait3A_367 = tpu.memref_slice %arg4[%dma_wait3A_359, %dma_wait3A_365, %dma_wait3A_366] : memref<1280x2x128xi32, #tpu.memory_space<hbm>> -> memref<1x2x128xi32, #tpu.memory_space<hbm>>
        %dma_wait3A_368 = tpu.memref_squeeze %dma_wait3A_367 : memref<1x2x128xi32, #tpu.memory_space<hbm>> -> memref<2x128xi32, #tpu.memory_space<hbm>>
        %dma_wait3A_369 = arith.constant 0 : i32
        %dma_wait3A_370 = arith.constant 0 : i32
        %dma_wait3A_371 = tpu.memref_slice %arg8[%dma_wait3A_360, %dma_wait3A_369, %dma_wait3A_370] : memref<4x2x128xi32, #tpu.memory_space<vmem>> -> memref<1x2x128xi32, #tpu.memory_space<vmem>>
        %dma_wait3A_372 = tpu.memref_squeeze %dma_wait3A_371 : memref<1x2x128xi32, #tpu.memory_space<vmem>> -> memref<2x128xi32, #tpu.memory_space<vmem>>
        %dma_wait3A_373 = arith.constant 0 : i32
        %dma_wait3A_374 = arith.constant 0 : i32
        %dma_wait3A_375 = tpu.memref_slice %arg4[%dma_wait3A_359, %dma_wait3A_373, %dma_wait3A_374] : memref<1280x2x128xi32, #tpu.memory_space<hbm>> -> memref<1x2x128xi32, #tpu.memory_space<hbm>>
        %dma_wait3A_376 = tpu.memref_squeeze %dma_wait3A_375 : memref<1x2x128xi32, #tpu.memory_space<hbm>> -> memref<2x128xi32, #tpu.memory_space<hbm>>
        tpu.wait_dma2 semaphore(%arg14 : memref<!tpu.dma_semaphore, #tpu.memory_space<semaphore_mem>>) src(%dma_wait3A_376 : memref<2x128xi32, #tpu.memory_space<hbm>>) dst(%dma_wait3A_372 : memref<2x128xi32, #tpu.memory_space<vmem>>)
        %dma_start3A_377 = arith.constant 3 : i32
        %dma_start3A_378 = arith.constant 0 : i32
        %dma_start3A_379 = arith.constant 0 : i32
        %dma_start3A_380 = tpu.memref_slice %arg8[%dma_start3A_377, %dma_start3A_378, %dma_start3A_379] : memref<4x2x128xi32, #tpu.memory_space<vmem>> -> memref<1x1x128xi32, #tpu.memory_space<vmem>>
        %dma_start3A_381 = tpu.memref_squeeze %dma_start3A_380 : memref<1x1x128xi32, #tpu.memory_space<vmem>> -> memref<128xi32, #tpu.memory_space<vmem>>
        %dma_start3A_382 = arith.constant 0 : i32
        %dma_start3A_383 = arith.constant 0 : i32
        %dma_start3A_384 = tpu.memref_slice %arg3[%dma_start3A_382, %dma_start3A_383] : memref<10000x128xf32, #tpu.memory_space<hbm>> -> memref<10000x128xf32, #tpu.memory_space<hbm>>
        tpu.enqueue_indirect_dma source(%dma_start3A_384 : memref<10000x128xf32, #tpu.memory_space<hbm>>) target(%arg10 : memref<128x128xf32, #tpu.memory_space<vmem>>) offsets(%dma_start3A_381 : memref<128xi32, #tpu.memory_space<vmem>>) semaphore(%arg16 : memref<!tpu.dma_semaphore, #tpu.memory_space<semaphore_mem>>)
        %add3A_385 = arith.constant 5 : i32
        %add3A_386 = arith.addi %mul3A_311, %add3A_385 : i32
        %lt3A_387 = arith.constant 80 : i32
        %lt3A_388 = arith.cmpi slt, %add3A_386, %lt3A_387 : i32
        %convert_element_type3A_389 = arith.extui %lt3A_388 : i1 to i32
        %cond3A_390 = arith.constant 0 : i32
        %cond3A_391 = arith.cmpi ne, %convert_element_type3A_389, %cond3A_390 : i32
        scf.if %cond3A_391 {
          %add3A_437 = arith.constant 5 : i32
          %add3A_438 = arith.addi %mul3A_311, %add3A_437 : i32
          %add3A_439 = arith.addi %mul3A_0, %add3A_438 : i32
          %dma_start3A_440 = arith.constant 1 : i32
          %dma_start3A_441 = arith.constant 0 : i32
          %dma_start3A_442 = arith.constant 0 : i32
          %dma_start3A_443 = tpu.memref_slice %arg8[%dma_start3A_440, %dma_start3A_441, %dma_start3A_442] : memref<4x2x128xi32, #tpu.memory_space<vmem>> -> memref<1x2x128xi32, #tpu.memory_space<vmem>>
          %dma_start3A_444 = tpu.memref_squeeze %dma_start3A_443 : memref<1x2x128xi32, #tpu.memory_space<vmem>> -> memref<2x128xi32, #tpu.memory_space<vmem>>
          %dma_start3A_445 = arith.constant 0 : i32
          %dma_start3A_446 = arith.constant 0 : i32
          %dma_start3A_447 = tpu.memref_slice %arg4[%add3A_439, %dma_start3A_445, %dma_start3A_446] : memref<1280x2x128xi32, #tpu.memory_space<hbm>> -> memref<1x2x128xi32, #tpu.memory_space<hbm>>
          %dma_start3A_448 = tpu.memref_squeeze %dma_start3A_447 : memref<1x2x128xi32, #tpu.memory_space<hbm>> -> memref<2x128xi32, #tpu.memory_space<hbm>>
          %dma_start3A_449 = arith.constant 0 : i32
          %dma_start3A_450 = arith.constant 0 : i32
          %dma_start3A_451 = tpu.memref_slice %arg8[%dma_start3A_440, %dma_start3A_449, %dma_start3A_450] : memref<4x2x128xi32, #tpu.memory_space<vmem>> -> memref<1x2x128xi32, #tpu.memory_space<vmem>>
          %dma_start3A_452 = tpu.memref_squeeze %dma_start3A_451 : memref<1x2x128xi32, #tpu.memory_space<vmem>> -> memref<2x128xi32, #tpu.memory_space<vmem>>
          %dma_start3A_453 = arith.constant 0 : i32
          %dma_start3A_454 = arith.constant 0 : i32
          %dma_start3A_455 = tpu.memref_slice %arg4[%add3A_439, %dma_start3A_453, %dma_start3A_454] : memref<1280x2x128xi32, #tpu.memory_space<hbm>> -> memref<1x2x128xi32, #tpu.memory_space<hbm>>
          %dma_start3A_456 = tpu.memref_squeeze %dma_start3A_455 : memref<1x2x128xi32, #tpu.memory_space<hbm>> -> memref<2x128xi32, #tpu.memory_space<hbm>>
          tpu.enqueue_dma source(%dma_start3A_456 : memref<2x128xi32, #tpu.memory_space<hbm>>) target(%dma_start3A_452 : memref<2x128xi32, #tpu.memory_space<vmem>>) target_semaphore(%arg12 : memref<!tpu.dma_semaphore, #tpu.memory_space<semaphore_mem>>)
        } else {
        }
        %dma_wait3A_392 = arith.constant 0 : i32
        %dma_wait3A_393 = arith.constant 0 : i32
        %dma_wait3A_394 = tpu.memref_slice %arg3[%dma_wait3A_392, %dma_wait3A_393] : memref<10000x128xf32, #tpu.memory_space<hbm>> -> memref<128x128xf32, #tpu.memory_space<hbm>>
        %dma_wait3A_395 = arith.constant 0 : i32
        %dma_wait3A_396 = arith.constant 0 : i32
        %dma_wait3A_397 = tpu.memref_slice %arg3[%dma_wait3A_395, %dma_wait3A_396] : memref<10000x128xf32, #tpu.memory_space<hbm>> -> memref<128x128xf32, #tpu.memory_space<hbm>>
        tpu.wait_dma2 semaphore(%arg15 : memref<!tpu.dma_semaphore, #tpu.memory_space<semaphore_mem>>) src(%dma_wait3A_397 : memref<128x128xf32, #tpu.memory_space<hbm>>) dst(%arg9 : memref<128x128xf32, #tpu.memory_space<vmem>>)
        %run_scoped3A_398 = arith.constant 2 : i32
        %run_scoped3A_399 = arith.constant 1 : i32
        "tpu.region"() ({
          %run_scoped3A_437 = tpu.sem_alloc : memref<!tpu.dma_semaphore, #tpu.memory_space<semaphore_mem>>
          %dma_start3A_438 = arith.constant 0 : i32
          %dma_start3A_439 = tpu.memref_slice %arg8[%run_scoped3A_398, %run_scoped3A_399, %dma_start3A_438] : memref<4x2x128xi32, #tpu.memory_space<vmem>> -> memref<1x1x128xi32, #tpu.memory_space<vmem>>
          %dma_start3A_440 = tpu.memref_squeeze %dma_start3A_439 : memref<1x1x128xi32, #tpu.memory_space<vmem>> -> memref<128xi32, #tpu.memory_space<vmem>>
          %dma_start3A_441 = arith.constant 0 : i32
          %dma_start3A_442 = arith.constant 0 : i32
          %dma_start3A_443 = tpu.memref_slice %arg7[%dma_start3A_441, %dma_start3A_442] : memref<10240x128xf32, #tpu.memory_space<vmem_shared>> -> memref<10240x128xf32, #tpu.memory_space<vmem_shared>>
          tpu.enqueue_indirect_dma source(%arg9 : memref<128x128xf32, #tpu.memory_space<vmem>>) target(%dma_start3A_443 : memref<10240x128xf32, #tpu.memory_space<vmem_shared>>) offsets(%dma_start3A_440 : memref<128xi32, #tpu.memory_space<vmem>>) semaphore(%run_scoped3A_437 : memref<!tpu.dma_semaphore, #tpu.memory_space<semaphore_mem>>) {add = true}
          %dma_wait3A_444 = arith.constant 0 : i32
          %dma_wait3A_445 = tpu.memref_slice %arg8[%run_scoped3A_398, %run_scoped3A_399, %dma_wait3A_444] : memref<4x2x128xi32, #tpu.memory_space<vmem>> -> memref<1x1x128xi32, #tpu.memory_space<vmem>>
          %dma_wait3A_446 = tpu.memref_squeeze %dma_wait3A_445 : memref<1x1x128xi32, #tpu.memory_space<vmem>> -> memref<128xi32, #tpu.memory_space<vmem>>
          %dma_wait3A_447 = arith.constant 0 : i32
          %dma_wait3A_448 = arith.constant 0 : i32
          %dma_wait3A_449 = tpu.memref_slice %arg7[%dma_wait3A_447, %dma_wait3A_448] : memref<10240x128xf32, #tpu.memory_space<vmem_shared>> -> memref<10240x128xf32, #tpu.memory_space<vmem_shared>>
          tpu.wait_indirect_dma semaphore(%run_scoped3A_437 : memref<!tpu.dma_semaphore, #tpu.memory_space<semaphore_mem>>) src(%arg9 : memref<128x128xf32, #tpu.memory_space<vmem>>) dst(%dma_wait3A_449 : memref<10240x128xf32, #tpu.memory_space<vmem_shared>>)
          tpu.yield
        }) : () -> ()
        %add3A_400 = arith.constant 4 : i32
        %add3A_401 = arith.addi %mul3A_311, %add3A_400 : i32
        %lt3A_402 = arith.constant 80 : i32
        %lt3A_403 = arith.cmpi slt, %add3A_401, %lt3A_402 : i32
        %convert_element_type3A_404 = arith.extui %lt3A_403 : i1 to i32
        %cond3A_405 = arith.constant 0 : i32
        %cond3A_406 = arith.cmpi ne, %convert_element_type3A_404, %cond3A_405 : i32
        scf.if %cond3A_406 {
          %dma_wait3A_437 = arith.constant 0 : i32
          %dma_wait3A_438 = arith.constant 0 : i32
          %dma_wait3A_439 = arith.constant 0 : i32
          %dma_wait3A_440 = arith.constant 0 : i32
          %dma_wait3A_441 = tpu.memref_slice %arg8[%dma_wait3A_438, %dma_wait3A_439, %dma_wait3A_440] : memref<4x2x128xi32, #tpu.memory_space<vmem>> -> memref<1x2x128xi32, #tpu.memory_space<vmem>>
          %dma_wait3A_442 = tpu.memref_squeeze %dma_wait3A_441 : memref<1x2x128xi32, #tpu.memory_space<vmem>> -> memref<2x128xi32, #tpu.memory_space<vmem>>
          %dma_wait3A_443 = arith.constant 0 : i32
          %dma_wait3A_444 = arith.constant 0 : i32
          %dma_wait3A_445 = tpu.memref_slice %arg4[%dma_wait3A_437, %dma_wait3A_443, %dma_wait3A_444] : memref<1280x2x128xi32, #tpu.memory_space<hbm>> -> memref<1x2x128xi32, #tpu.memory_space<hbm>>
          %dma_wait3A_446 = tpu.memref_squeeze %dma_wait3A_445 : memref<1x2x128xi32, #tpu.memory_space<hbm>> -> memref<2x128xi32, #tpu.memory_space<hbm>>
          %dma_wait3A_447 = arith.constant 0 : i32
          %dma_wait3A_448 = arith.constant 0 : i32
          %dma_wait3A_449 = tpu.memref_slice %arg8[%dma_wait3A_438, %dma_wait3A_447, %dma_wait3A_448] : memref<4x2x128xi32, #tpu.memory_space<vmem>> -> memref<1x2x128xi32, #tpu.memory_space<vmem>>
          %dma_wait3A_450 = tpu.memref_squeeze %dma_wait3A_449 : memref<1x2x128xi32, #tpu.memory_space<vmem>> -> memref<2x128xi32, #tpu.memory_space<vmem>>
          %dma_wait3A_451 = arith.constant 0 : i32
          %dma_wait3A_452 = arith.constant 0 : i32
          %dma_wait3A_453 = tpu.memref_slice %arg4[%dma_wait3A_437, %dma_wait3A_451, %dma_wait3A_452] : memref<1280x2x128xi32, #tpu.memory_space<hbm>> -> memref<1x2x128xi32, #tpu.memory_space<hbm>>
          %dma_wait3A_454 = tpu.memref_squeeze %dma_wait3A_453 : memref<1x2x128xi32, #tpu.memory_space<hbm>> -> memref<2x128xi32, #tpu.memory_space<hbm>>
          tpu.wait_dma2 semaphore(%arg11 : memref<!tpu.dma_semaphore, #tpu.memory_space<semaphore_mem>>) src(%dma_wait3A_454 : memref<2x128xi32, #tpu.memory_space<hbm>>) dst(%dma_wait3A_450 : memref<2x128xi32, #tpu.memory_space<vmem>>)
          %dma_start3A_455 = arith.constant 0 : i32
          %dma_start3A_456 = arith.constant 0 : i32
          %dma_start3A_457 = arith.constant 0 : i32
          %dma_start3A_458 = tpu.memref_slice %arg8[%dma_start3A_455, %dma_start3A_456, %dma_start3A_457] : memref<4x2x128xi32, #tpu.memory_space<vmem>> -> memref<1x1x128xi32, #tpu.memory_space<vmem>>
          %dma_start3A_459 = tpu.memref_squeeze %dma_start3A_458 : memref<1x1x128xi32, #tpu.memory_space<vmem>> -> memref<128xi32, #tpu.memory_space<vmem>>
          %dma_start3A_460 = arith.constant 0 : i32
          %dma_start3A_461 = arith.constant 0 : i32
          %dma_start3A_462 = tpu.memref_slice %arg3[%dma_start3A_460, %dma_start3A_461] : memref<10000x128xf32, #tpu.memory_space<hbm>> -> memref<10000x128xf32, #tpu.memory_space<hbm>>
          tpu.enqueue_indirect_dma source(%dma_start3A_462 : memref<10000x128xf32, #tpu.memory_space<hbm>>) target(%arg9 : memref<128x128xf32, #tpu.memory_space<vmem>>) offsets(%dma_start3A_459 : memref<128xi32, #tpu.memory_space<vmem>>) semaphore(%arg15 : memref<!tpu.dma_semaphore, #tpu.memory_space<semaphore_mem>>)
        } else {
        }
        %add3A_407 = arith.constant 6 : i32
        %add3A_408 = arith.addi %mul3A_311, %add3A_407 : i32
        %lt3A_409 = arith.constant 80 : i32
        %lt3A_410 = arith.cmpi slt, %add3A_408, %lt3A_409 : i32
        %convert_element_type3A_411 = arith.extui %lt3A_410 : i1 to i32
        %cond3A_412 = arith.constant 0 : i32
        %cond3A_413 = arith.cmpi ne, %convert_element_type3A_411, %cond3A_412 : i32
        scf.if %cond3A_413 {
          %add3A_437 = arith.constant 6 : i32
          %add3A_438 = arith.addi %mul3A_311, %add3A_437 : i32
          %add3A_439 = arith.addi %mul3A_0, %add3A_438 : i32
          %dma_start3A_440 = arith.constant 2 : i32
          %dma_start3A_441 = arith.constant 0 : i32
          %dma_start3A_442 = arith.constant 0 : i32
          %dma_start3A_443 = tpu.memref_slice %arg8[%dma_start3A_440, %dma_start3A_441, %dma_start3A_442] : memref<4x2x128xi32, #tpu.memory_space<vmem>> -> memref<1x2x128xi32, #tpu.memory_space<vmem>>
          %dma_start3A_444 = tpu.memref_squeeze %dma_start3A_443 : memref<1x2x128xi32, #tpu.memory_space<vmem>> -> memref<2x128xi32, #tpu.memory_space<vmem>>
          %dma_start3A_445 = arith.constant 0 : i32
          %dma_start3A_446 = arith.constant 0 : i32
          %dma_start3A_447 = tpu.memref_slice %arg4[%add3A_439, %dma_start3A_445, %dma_start3A_446] : memref<1280x2x128xi32, #tpu.memory_space<hbm>> -> memref<1x2x128xi32, #tpu.memory_space<hbm>>
          %dma_start3A_448 = tpu.memref_squeeze %dma_start3A_447 : memref<1x2x128xi32, #tpu.memory_space<hbm>> -> memref<2x128xi32, #tpu.memory_space<hbm>>
          %dma_start3A_449 = arith.constant 0 : i32
          %dma_start3A_450 = arith.constant 0 : i32
          %dma_start3A_451 = tpu.memref_slice %arg8[%dma_start3A_440, %dma_start3A_449, %dma_start3A_450] : memref<4x2x128xi32, #tpu.memory_space<vmem>> -> memref<1x2x128xi32, #tpu.memory_space<vmem>>
          %dma_start3A_452 = tpu.memref_squeeze %dma_start3A_451 : memref<1x2x128xi32, #tpu.memory_space<vmem>> -> memref<2x128xi32, #tpu.memory_space<vmem>>
          %dma_start3A_453 = arith.constant 0 : i32
          %dma_start3A_454 = arith.constant 0 : i32
          %dma_start3A_455 = tpu.memref_slice %arg4[%add3A_439, %dma_start3A_453, %dma_start3A_454] : memref<1280x2x128xi32, #tpu.memory_space<hbm>> -> memref<1x2x128xi32, #tpu.memory_space<hbm>>
          %dma_start3A_456 = tpu.memref_squeeze %dma_start3A_455 : memref<1x2x128xi32, #tpu.memory_space<hbm>> -> memref<2x128xi32, #tpu.memory_space<hbm>>
          tpu.enqueue_dma source(%dma_start3A_456 : memref<2x128xi32, #tpu.memory_space<hbm>>) target(%dma_start3A_452 : memref<2x128xi32, #tpu.memory_space<vmem>>) target_semaphore(%arg13 : memref<!tpu.dma_semaphore, #tpu.memory_space<semaphore_mem>>)
        } else {
        }
        %dma_wait3A_414 = arith.constant 0 : i32
        %dma_wait3A_415 = arith.constant 0 : i32
        %dma_wait3A_416 = tpu.memref_slice %arg3[%dma_wait3A_414, %dma_wait3A_415] : memref<10000x128xf32, #tpu.memory_space<hbm>> -> memref<128x128xf32, #tpu.memory_space<hbm>>
        %dma_wait3A_417 = arith.constant 0 : i32
        %dma_wait3A_418 = arith.constant 0 : i32
        %dma_wait3A_419 = tpu.memref_slice %arg3[%dma_wait3A_417, %dma_wait3A_418] : memref<10000x128xf32, #tpu.memory_space<hbm>> -> memref<128x128xf32, #tpu.memory_space<hbm>>
        tpu.wait_dma2 semaphore(%arg16 : memref<!tpu.dma_semaphore, #tpu.memory_space<semaphore_mem>>) src(%dma_wait3A_419 : memref<128x128xf32, #tpu.memory_space<hbm>>) dst(%arg10 : memref<128x128xf32, #tpu.memory_space<vmem>>)
        %run_scoped3A_420 = arith.constant 3 : i32
        %run_scoped3A_421 = arith.constant 1 : i32
        "tpu.region"() ({
          %run_scoped3A_437 = tpu.sem_alloc : memref<!tpu.dma_semaphore, #tpu.memory_space<semaphore_mem>>
          %dma_start3A_438 = arith.constant 0 : i32
          %dma_start3A_439 = tpu.memref_slice %arg8[%run_scoped3A_420, %run_scoped3A_421, %dma_start3A_438] : memref<4x2x128xi32, #tpu.memory_space<vmem>> -> memref<1x1x128xi32, #tpu.memory_space<vmem>>
          %dma_start3A_440 = tpu.memref_squeeze %dma_start3A_439 : memref<1x1x128xi32, #tpu.memory_space<vmem>> -> memref<128xi32, #tpu.memory_space<vmem>>
          %dma_start3A_441 = arith.constant 0 : i32
          %dma_start3A_442 = arith.constant 0 : i32
          %dma_start3A_443 = tpu.memref_slice %arg7[%dma_start3A_441, %dma_start3A_442] : memref<10240x128xf32, #tpu.memory_space<vmem_shared>> -> memref<10240x128xf32, #tpu.memory_space<vmem_shared>>
          tpu.enqueue_indirect_dma source(%arg10 : memref<128x128xf32, #tpu.memory_space<vmem>>) target(%dma_start3A_443 : memref<10240x128xf32, #tpu.memory_space<vmem_shared>>) offsets(%dma_start3A_440 : memref<128xi32, #tpu.memory_space<vmem>>) semaphore(%run_scoped3A_437 : memref<!tpu.dma_semaphore, #tpu.memory_space<semaphore_mem>>) {add = true}
          %dma_wait3A_444 = arith.constant 0 : i32
          %dma_wait3A_445 = tpu.memref_slice %arg8[%run_scoped3A_420, %run_scoped3A_421, %dma_wait3A_444] : memref<4x2x128xi32, #tpu.memory_space<vmem>> -> memref<1x1x128xi32, #tpu.memory_space<vmem>>
          %dma_wait3A_446 = tpu.memref_squeeze %dma_wait3A_445 : memref<1x1x128xi32, #tpu.memory_space<vmem>> -> memref<128xi32, #tpu.memory_space<vmem>>
          %dma_wait3A_447 = arith.constant 0 : i32
          %dma_wait3A_448 = arith.constant 0 : i32
          %dma_wait3A_449 = tpu.memref_slice %arg7[%dma_wait3A_447, %dma_wait3A_448] : memref<10240x128xf32, #tpu.memory_space<vmem_shared>> -> memref<10240x128xf32, #tpu.memory_space<vmem_shared>>
          tpu.wait_indirect_dma semaphore(%run_scoped3A_437 : memref<!tpu.dma_semaphore, #tpu.memory_space<semaphore_mem>>) src(%arg10 : memref<128x128xf32, #tpu.memory_space<vmem>>) dst(%dma_wait3A_449 : memref<10240x128xf32, #tpu.memory_space<vmem_shared>>)
          tpu.yield
        }) : () -> ()
        %add3A_422 = arith.constant 5 : i32
        %add3A_423 = arith.addi %mul3A_311, %add3A_422 : i32
        %lt3A_424 = arith.constant 80 : i32
        %lt3A_425 = arith.cmpi slt, %add3A_423, %lt3A_424 : i32
        %convert_element_type3A_426 = arith.extui %lt3A_425 : i1 to i32
        %cond3A_427 = arith.constant 0 : i32
        %cond3A_428 = arith.cmpi ne, %convert_element_type3A_426, %cond3A_427 : i32
        scf.if %cond3A_428 {
          %dma_wait3A_437 = arith.constant 0 : i32
          %dma_wait3A_438 = arith.constant 1 : i32
          %dma_wait3A_439 = arith.constant 0 : i32
          %dma_wait3A_440 = arith.constant 0 : i32
          %dma_wait3A_441 = tpu.memref_slice %arg8[%dma_wait3A_438, %dma_wait3A_439, %dma_wait3A_440] : memref<4x2x128xi32, #tpu.memory_space<vmem>> -> memref<1x2x128xi32, #tpu.memory_space<vmem>>
          %dma_wait3A_442 = tpu.memref_squeeze %dma_wait3A_441 : memref<1x2x128xi32, #tpu.memory_space<vmem>> -> memref<2x128xi32, #tpu.memory_space<vmem>>
          %dma_wait3A_443 = arith.constant 0 : i32
          %dma_wait3A_444 = arith.constant 0 : i32
          %dma_wait3A_445 = tpu.memref_slice %arg4[%dma_wait3A_437, %dma_wait3A_443, %dma_wait3A_444] : memref<1280x2x128xi32, #tpu.memory_space<hbm>> -> memref<1x2x128xi32, #tpu.memory_space<hbm>>
          %dma_wait3A_446 = tpu.memref_squeeze %dma_wait3A_445 : memref<1x2x128xi32, #tpu.memory_space<hbm>> -> memref<2x128xi32, #tpu.memory_space<hbm>>
          %dma_wait3A_447 = arith.constant 0 : i32
          %dma_wait3A_448 = arith.constant 0 : i32
          %dma_wait3A_449 = tpu.memref_slice %arg8[%dma_wait3A_438, %dma_wait3A_447, %dma_wait3A_448] : memref<4x2x128xi32, #tpu.memory_space<vmem>> -> memref<1x2x128xi32, #tpu.memory_space<vmem>>
          %dma_wait3A_450 = tpu.memref_squeeze %dma_wait3A_449 : memref<1x2x128xi32, #tpu.memory_space<vmem>> -> memref<2x128xi32, #tpu.memory_space<vmem>>
          %dma_wait3A_451 = arith.constant 0 : i32
          %dma_wait3A_452 = arith.constant 0 : i32
          %dma_wait3A_453 = tpu.memref_slice %arg4[%dma_wait3A_437, %dma_wait3A_451, %dma_wait3A_452] : memref<1280x2x128xi32, #tpu.memory_space<hbm>> -> memref<1x2x128xi32, #tpu.memory_space<hbm>>
          %dma_wait3A_454 = tpu.memref_squeeze %dma_wait3A_453 : memref<1x2x128xi32, #tpu.memory_space<hbm>> -> memref<2x128xi32, #tpu.memory_space<hbm>>
          tpu.wait_dma2 semaphore(%arg12 : memref<!tpu.dma_semaphore, #tpu.memory_space<semaphore_mem>>) src(%dma_wait3A_454 : memref<2x128xi32, #tpu.memory_space<hbm>>) dst(%dma_wait3A_450 : memref<2x128xi32, #tpu.memory_space<vmem>>)
          %dma_start3A_455 = arith.constant 1 : i32
          %dma_start3A_456 = arith.constant 0 : i32
          %dma_start3A_457 = arith.constant 0 : i32
          %dma_start3A_458 = tpu.memref_slice %arg8[%dma_start3A_455, %dma_start3A_456, %dma_start3A_457] : memref<4x2x128xi32, #tpu.memory_space<vmem>> -> memref<1x1x128xi32, #tpu.memory_space<vmem>>
          %dma_start3A_459 = tpu.memref_squeeze %dma_start3A_458 : memref<1x1x128xi32, #tpu.memory_space<vmem>> -> memref<128xi32, #tpu.memory_space<vmem>>
          %dma_start3A_460 = arith.constant 0 : i32
          %dma_start3A_461 = arith.constant 0 : i32
          %dma_start3A_462 = tpu.memref_slice %arg3[%dma_start3A_460, %dma_start3A_461] : memref<10000x128xf32, #tpu.memory_space<hbm>> -> memref<10000x128xf32, #tpu.memory_space<hbm>>
          tpu.enqueue_indirect_dma source(%dma_start3A_462 : memref<10000x128xf32, #tpu.memory_space<hbm>>) target(%arg10 : memref<128x128xf32, #tpu.memory_space<vmem>>) offsets(%dma_start3A_459 : memref<128xi32, #tpu.memory_space<vmem>>) semaphore(%arg16 : memref<!tpu.dma_semaphore, #tpu.memory_space<semaphore_mem>>)
        } else {
        }
        %add3A_429 = arith.constant 7 : i32
        %add3A_430 = arith.addi %mul3A_311, %add3A_429 : i32
        %lt3A_431 = arith.constant 80 : i32
        %lt3A_432 = arith.cmpi slt, %add3A_430, %lt3A_431 : i32
        %convert_element_type3A_433 = arith.extui %lt3A_432 : i1 to i32
        %cond3A_434 = arith.constant 0 : i32
        %cond3A_435 = arith.cmpi ne, %convert_element_type3A_433, %cond3A_434 : i32
        scf.if %cond3A_435 {
          %add3A_437 = arith.constant 7 : i32
          %add3A_438 = arith.addi %mul3A_311, %add3A_437 : i32
          %add3A_439 = arith.addi %mul3A_0, %add3A_438 : i32
          %dma_start3A_440 = arith.constant 3 : i32
          %dma_start3A_441 = arith.constant 0 : i32
          %dma_start3A_442 = arith.constant 0 : i32
          %dma_start3A_443 = tpu.memref_slice %arg8[%dma_start3A_440, %dma_start3A_441, %dma_start3A_442] : memref<4x2x128xi32, #tpu.memory_space<vmem>> -> memref<1x2x128xi32, #tpu.memory_space<vmem>>
          %dma_start3A_444 = tpu.memref_squeeze %dma_start3A_443 : memref<1x2x128xi32, #tpu.memory_space<vmem>> -> memref<2x128xi32, #tpu.memory_space<vmem>>
          %dma_start3A_445 = arith.constant 0 : i32
          %dma_start3A_446 = arith.constant 0 : i32
          %dma_start3A_447 = tpu.memref_slice %arg4[%add3A_439, %dma_start3A_445, %dma_start3A_446] : memref<1280x2x128xi32, #tpu.memory_space<hbm>> -> memref<1x2x128xi32, #tpu.memory_space<hbm>>
          %dma_start3A_448 = tpu.memref_squeeze %dma_start3A_447 : memref<1x2x128xi32, #tpu.memory_space<hbm>> -> memref<2x128xi32, #tpu.memory_space<hbm>>
          %dma_start3A_449 = arith.constant 0 : i32
          %dma_start3A_450 = arith.constant 0 : i32
          %dma_start3A_451 = tpu.memref_slice %arg8[%dma_start3A_440, %dma_start3A_449, %dma_start3A_450] : memref<4x2x128xi32, #tpu.memory_space<vmem>> -> memref<1x2x128xi32, #tpu.memory_space<vmem>>
          %dma_start3A_452 = tpu.memref_squeeze %dma_start3A_451 : memref<1x2x128xi32, #tpu.memory_space<vmem>> -> memref<2x128xi32, #tpu.memory_space<vmem>>
          %dma_start3A_453 = arith.constant 0 : i32
          %dma_start3A_454 = arith.constant 0 : i32
          %dma_start3A_455 = tpu.memref_slice %arg4[%add3A_439, %dma_start3A_453, %dma_start3A_454] : memref<1280x2x128xi32, #tpu.memory_space<hbm>> -> memref<1x2x128xi32, #tpu.memory_space<hbm>>
          %dma_start3A_456 = tpu.memref_squeeze %dma_start3A_455 : memref<1x2x128xi32, #tpu.memory_space<hbm>> -> memref<2x128xi32, #tpu.memory_space<hbm>>
          tpu.enqueue_dma source(%dma_start3A_456 : memref<2x128xi32, #tpu.memory_space<hbm>>) target(%dma_start3A_452 : memref<2x128xi32, #tpu.memory_space<vmem>>) target_semaphore(%arg14 : memref<!tpu.dma_semaphore, #tpu.memory_space<semaphore_mem>>)
        } else {
        }
        %scan3A_436 = arith.constant 0 : i32
        scf.yield %scan3A_436 : i32
      }
      %scan3A_206 = arith.constant 20 : i32
      %barrier3A_207 = arith.constant 0 : index
      tpu.barrier barrier_id(%barrier3A_207)
      %mul3A_208 = arith.constant 640 : i32
      %mul3A_209 = arith.muli %arg1, %mul3A_208 : i32
      %add3A_210 = arith.constant 0 : i32
      %add3A_211 = arith.addi %mul3A_209, %add3A_210 : i32
      %dma_start3A_212 = arith.constant 0 : i32
      %dma_start3A_213 = tpu.memref_slice %arg7[%add3A_211, %dma_start3A_212] : memref<10240x128xf32, #tpu.memory_space<vmem_shared>> -> memref<128x128xf32, #tpu.memory_space<vmem_shared>>
      %dma_start3A_214 = arith.constant 0 : i32
      %dma_start3A_215 = tpu.memref_slice %arg7[%add3A_211, %dma_start3A_214] : memref<10240x128xf32, #tpu.memory_space<vmem_shared>> -> memref<128x128xf32, #tpu.memory_space<vmem_shared>>
      tpu.enqueue_dma source(%dma_start3A_215 : memref<128x128xf32, #tpu.memory_space<vmem_shared>>) target(%arg9 : memref<128x128xf32, #tpu.memory_space<vmem>>) target_semaphore(%arg15 : memref<!tpu.dma_semaphore, #tpu.memory_space<semaphore_mem>>)
      %mul3A_216 = arith.constant 640 : i32
      %mul3A_217 = arith.muli %arg1, %mul3A_216 : i32
      %add3A_218 = arith.constant 0 : i32
      %add3A_219 = arith.addi %mul3A_217, %add3A_218 : i32
      %dma_wait3A_220 = arith.constant 0 : i32
      %dma_wait3A_221 = tpu.memref_slice %arg7[%add3A_219, %dma_wait3A_220] : memref<10240x128xf32, #tpu.memory_space<vmem_shared>> -> memref<128x128xf32, #tpu.memory_space<vmem_shared>>
      %dma_wait3A_222 = arith.constant 0 : i32
      %dma_wait3A_223 = tpu.memref_slice %arg7[%add3A_219, %dma_wait3A_222] : memref<10240x128xf32, #tpu.memory_space<vmem_shared>> -> memref<128x128xf32, #tpu.memory_space<vmem_shared>>
      tpu.wait_dma2 semaphore(%arg15 : memref<!tpu.dma_semaphore, #tpu.memory_space<semaphore_mem>>) src(%dma_wait3A_223 : memref<128x128xf32, #tpu.memory_space<vmem_shared>>) dst(%arg9 : memref<128x128xf32, #tpu.memory_space<vmem>>)
      %mul3A_224 = arith.constant 640 : i32
      %mul3A_225 = arith.muli %arg1, %mul3A_224 : i32
      %add3A_226 = arith.constant 128 : i32
      %add3A_227 = arith.addi %mul3A_225, %add3A_226 : i32
      %dma_start3A_228 = arith.constant 0 : i32
      %dma_start3A_229 = tpu.memref_slice %arg7[%add3A_227, %dma_start3A_228] : memref<10240x128xf32, #tpu.memory_space<vmem_shared>> -> memref<128x128xf32, #tpu.memory_space<vmem_shared>>
      %dma_start3A_230 = arith.constant 0 : i32
      %dma_start3A_231 = tpu.memref_slice %arg7[%add3A_227, %dma_start3A_230] : memref<10240x128xf32, #tpu.memory_space<vmem_shared>> -> memref<128x128xf32, #tpu.memory_space<vmem_shared>>
      tpu.enqueue_dma source(%dma_start3A_231 : memref<128x128xf32, #tpu.memory_space<vmem_shared>>) target(%arg10 : memref<128x128xf32, #tpu.memory_space<vmem>>) target_semaphore(%arg16 : memref<!tpu.dma_semaphore, #tpu.memory_space<semaphore_mem>>)
      %mul3A_232 = arith.constant 640 : i32
      %mul3A_233 = arith.muli %arg1, %mul3A_232 : i32
      %add3A_234 = arith.constant 0 : i32
      %add3A_235 = arith.addi %mul3A_233, %add3A_234 : i32
      "tpu.region"() ({
        %run_scoped3A = tpu.sem_alloc : memref<!tpu.dma_semaphore, #tpu.memory_space<semaphore_mem>>
        %dma_start3A_308 = arith.constant 0 : i32
        %dma_start3A_309 = tpu.memref_slice %arg6[%add3A_235, %dma_start3A_308] : memref<10240x128xf32, #tpu.memory_space<hbm>> -> memref<128x128xf32, #tpu.memory_space<hbm>>
        %dma_start3A_310 = arith.constant 0 : i32
        %dma_start3A_311 = tpu.memref_slice %arg6[%add3A_235, %dma_start3A_310] : memref<10240x128xf32, #tpu.memory_space<hbm>> -> memref<128x128xf32, #tpu.memory_space<hbm>>
        tpu.enqueue_dma source(%arg9 : memref<128x128xf32, #tpu.memory_space<vmem>>) target(%dma_start3A_311 : memref<128x128xf32, #tpu.memory_space<hbm>>) target_semaphore(%run_scoped3A : memref<!tpu.dma_semaphore, #tpu.memory_space<semaphore_mem>>)
        %dma_wait3A_312 = arith.constant 0 : i32
        %dma_wait3A_313 = tpu.memref_slice %arg6[%add3A_235, %dma_wait3A_312] : memref<10240x128xf32, #tpu.memory_space<hbm>> -> memref<128x128xf32, #tpu.memory_space<hbm>>
        %dma_wait3A_314 = arith.constant 0 : i32
        %dma_wait3A_315 = tpu.memref_slice %arg6[%add3A_235, %dma_wait3A_314] : memref<10240x128xf32, #tpu.memory_space<hbm>> -> memref<128x128xf32, #tpu.memory_space<hbm>>
        tpu.wait_dma2 semaphore(%run_scoped3A : memref<!tpu.dma_semaphore, #tpu.memory_space<semaphore_mem>>) src(%arg9 : memref<128x128xf32, #tpu.memory_space<vmem>>) dst(%dma_wait3A_315 : memref<128x128xf32, #tpu.memory_space<hbm>>)
        tpu.yield
      }) : () -> ()
      %mul3A_236 = arith.constant 640 : i32
      %mul3A_237 = arith.muli %arg1, %mul3A_236 : i32
      %add3A_238 = arith.constant 128 : i32
      %add3A_239 = arith.addi %mul3A_237, %add3A_238 : i32
      %dma_wait3A_240 = arith.constant 0 : i32
      %dma_wait3A_241 = tpu.memref_slice %arg7[%add3A_239, %dma_wait3A_240] : memref<10240x128xf32, #tpu.memory_space<vmem_shared>> -> memref<128x128xf32, #tpu.memory_space<vmem_shared>>
      %dma_wait3A_242 = arith.constant 0 : i32
      %dma_wait3A_243 = tpu.memref_slice %arg7[%add3A_239, %dma_wait3A_242] : memref<10240x128xf32, #tpu.memory_space<vmem_shared>> -> memref<128x128xf32, #tpu.memory_space<vmem_shared>>
      tpu.wait_dma2 semaphore(%arg16 : memref<!tpu.dma_semaphore, #tpu.memory_space<semaphore_mem>>) src(%dma_wait3A_243 : memref<128x128xf32, #tpu.memory_space<vmem_shared>>) dst(%arg10 : memref<128x128xf32, #tpu.memory_space<vmem>>)
      %mul3A_244 = arith.constant 640 : i32
      %mul3A_245 = arith.muli %arg1, %mul3A_244 : i32
      %add3A_246 = arith.constant 256 : i32
      %add3A_247 = arith.addi %mul3A_245, %add3A_246 : i32
      %dma_start3A_248 = arith.constant 0 : i32
      %dma_start3A_249 = tpu.memref_slice %arg7[%add3A_247, %dma_start3A_248] : memref<10240x128xf32, #tpu.memory_space<vmem_shared>> -> memref<128x128xf32, #tpu.memory_space<vmem_shared>>
      %dma_start3A_250 = arith.constant 0 : i32
      %dma_start3A_251 = tpu.memref_slice %arg7[%add3A_247, %dma_start3A_250] : memref<10240x128xf32, #tpu.memory_space<vmem_shared>> -> memref<128x128xf32, #tpu.memory_space<vmem_shared>>
      tpu.enqueue_dma source(%dma_start3A_251 : memref<128x128xf32, #tpu.memory_space<vmem_shared>>) target(%arg9 : memref<128x128xf32, #tpu.memory_space<vmem>>) target_semaphore(%arg15 : memref<!tpu.dma_semaphore, #tpu.memory_space<semaphore_mem>>)
      %mul3A_252 = arith.constant 640 : i32
      %mul3A_253 = arith.muli %arg1, %mul3A_252 : i32
      %add3A_254 = arith.constant 128 : i32
      %add3A_255 = arith.addi %mul3A_253, %add3A_254 : i32
      "tpu.region"() ({
        %run_scoped3A = tpu.sem_alloc : memref<!tpu.dma_semaphore, #tpu.memory_space<semaphore_mem>>
        %dma_start3A_308 = arith.constant 0 : i32
        %dma_start3A_309 = tpu.memref_slice %arg6[%add3A_255, %dma_start3A_308] : memref<10240x128xf32, #tpu.memory_space<hbm>> -> memref<128x128xf32, #tpu.memory_space<hbm>>
        %dma_start3A_310 = arith.constant 0 : i32
        %dma_start3A_311 = tpu.memref_slice %arg6[%add3A_255, %dma_start3A_310] : memref<10240x128xf32, #tpu.memory_space<hbm>> -> memref<128x128xf32, #tpu.memory_space<hbm>>
        tpu.enqueue_dma source(%arg10 : memref<128x128xf32, #tpu.memory_space<vmem>>) target(%dma_start3A_311 : memref<128x128xf32, #tpu.memory_space<hbm>>) target_semaphore(%run_scoped3A : memref<!tpu.dma_semaphore, #tpu.memory_space<semaphore_mem>>)
        %dma_wait3A_312 = arith.constant 0 : i32
        %dma_wait3A_313 = tpu.memref_slice %arg6[%add3A_255, %dma_wait3A_312] : memref<10240x128xf32, #tpu.memory_space<hbm>> -> memref<128x128xf32, #tpu.memory_space<hbm>>
        %dma_wait3A_314 = arith.constant 0 : i32
        %dma_wait3A_315 = tpu.memref_slice %arg6[%add3A_255, %dma_wait3A_314] : memref<10240x128xf32, #tpu.memory_space<hbm>> -> memref<128x128xf32, #tpu.memory_space<hbm>>
        tpu.wait_dma2 semaphore(%run_scoped3A : memref<!tpu.dma_semaphore, #tpu.memory_space<semaphore_mem>>) src(%arg10 : memref<128x128xf32, #tpu.memory_space<vmem>>) dst(%dma_wait3A_315 : memref<128x128xf32, #tpu.memory_space<hbm>>)
        tpu.yield
      }) : () -> ()
      %mul3A_256 = arith.constant 640 : i32
      %mul3A_257 = arith.muli %arg1, %mul3A_256 : i32
      %add3A_258 = arith.constant 256 : i32
      %add3A_259 = arith.addi %mul3A_257, %add3A_258 : i32
      %dma_wait3A_260 = arith.constant 0 : i32
      %dma_wait3A_261 = tpu.memref_slice %arg7[%add3A_259, %dma_wait3A_260] : memref<10240x128xf32, #tpu.memory_space<vmem_shared>> -> memref<128x128xf32, #tpu.memory_space<vmem_shared>>
      %dma_wait3A_262 = arith.constant 0 : i32
      %dma_wait3A_263 = tpu.memref_slice %arg7[%add3A_259, %dma_wait3A_262] : memref<10240x128xf32, #tpu.memory_space<vmem_shared>> -> memref<128x128xf32, #tpu.memory_space<vmem_shared>>
      tpu.wait_dma2 semaphore(%arg15 : memref<!tpu.dma_semaphore, #tpu.memory_space<semaphore_mem>>) src(%dma_wait3A_263 : memref<128x128xf32, #tpu.memory_space<vmem_shared>>) dst(%arg9 : memref<128x128xf32, #tpu.memory_space<vmem>>)
      %mul3A_264 = arith.constant 640 : i32
      %mul3A_265 = arith.muli %arg1, %mul3A_264 : i32
      %add3A_266 = arith.constant 384 : i32
      %add3A_267 = arith.addi %mul3A_265, %add3A_266 : i32
      %dma_start3A_268 = arith.constant 0 : i32
      %dma_start3A_269 = tpu.memref_slice %arg7[%add3A_267, %dma_start3A_268] : memref<10240x128xf32, #tpu.memory_space<vmem_shared>> -> memref<128x128xf32, #tpu.memory_space<vmem_shared>>
      %dma_start3A_270 = arith.constant 0 : i32
      %dma_start3A_271 = tpu.memref_slice %arg7[%add3A_267, %dma_start3A_270] : memref<10240x128xf32, #tpu.memory_space<vmem_shared>> -> memref<128x128xf32, #tpu.memory_space<vmem_shared>>
      tpu.enqueue_dma source(%dma_start3A_271 : memref<128x128xf32, #tpu.memory_space<vmem_shared>>) target(%arg10 : memref<128x128xf32, #tpu.memory_space<vmem>>) target_semaphore(%arg16 : memref<!tpu.dma_semaphore, #tpu.memory_space<semaphore_mem>>)
      %mul3A_272 = arith.constant 640 : i32
      %mul3A_273 = arith.muli %arg1, %mul3A_272 : i32
      %add3A_274 = arith.constant 256 : i32
      %add3A_275 = arith.addi %mul3A_273, %add3A_274 : i32
      "tpu.region"() ({
        %run_scoped3A = tpu.sem_alloc : memref<!tpu.dma_semaphore, #tpu.memory_space<semaphore_mem>>
        %dma_start3A_308 = arith.constant 0 : i32
        %dma_start3A_309 = tpu.memref_slice %arg6[%add3A_275, %dma_start3A_308] : memref<10240x128xf32, #tpu.memory_space<hbm>> -> memref<128x128xf32, #tpu.memory_space<hbm>>
        %dma_start3A_310 = arith.constant 0 : i32
        %dma_start3A_311 = tpu.memref_slice %arg6[%add3A_275, %dma_start3A_310] : memref<10240x128xf32, #tpu.memory_space<hbm>> -> memref<128x128xf32, #tpu.memory_space<hbm>>
        tpu.enqueue_dma source(%arg9 : memref<128x128xf32, #tpu.memory_space<vmem>>) target(%dma_start3A_311 : memref<128x128xf32, #tpu.memory_space<hbm>>) target_semaphore(%run_scoped3A : memref<!tpu.dma_semaphore, #tpu.memory_space<semaphore_mem>>)
        %dma_wait3A_312 = arith.constant 0 : i32
        %dma_wait3A_313 = tpu.memref_slice %arg6[%add3A_275, %dma_wait3A_312] : memref<10240x128xf32, #tpu.memory_space<hbm>> -> memref<128x128xf32, #tpu.memory_space<hbm>>
        %dma_wait3A_314 = arith.constant 0 : i32
        %dma_wait3A_315 = tpu.memref_slice %arg6[%add3A_275, %dma_wait3A_314] : memref<10240x128xf32, #tpu.memory_space<hbm>> -> memref<128x128xf32, #tpu.memory_space<hbm>>
        tpu.wait_dma2 semaphore(%run_scoped3A : memref<!tpu.dma_semaphore, #tpu.memory_space<semaphore_mem>>) src(%arg9 : memref<128x128xf32, #tpu.memory_space<vmem>>) dst(%dma_wait3A_315 : memref<128x128xf32, #tpu.memory_space<hbm>>)
        tpu.yield
      }) : () -> ()
      %mul3A_276 = arith.constant 640 : i32
      %mul3A_277 = arith.muli %arg1, %mul3A_276 : i32
      %add3A_278 = arith.constant 384 : i32
      %add3A_279 = arith.addi %mul3A_277, %add3A_278 : i32
      %dma_wait3A_280 = arith.constant 0 : i32
      %dma_wait3A_281 = tpu.memref_slice %arg7[%add3A_279, %dma_wait3A_280] : memref<10240x128xf32, #tpu.memory_space<vmem_shared>> -> memref<128x128xf32, #tpu.memory_space<vmem_shared>>
      %dma_wait3A_282 = arith.constant 0 : i32
      %dma_wait3A_283 = tpu.memref_slice %arg7[%add3A_279, %dma_wait3A_282] : memref<10240x128xf32, #tpu.memory_space<vmem_shared>> -> memref<128x128xf32, #tpu.memory_space<vmem_shared>>
      tpu.wait_dma2 semaphore(%arg16 : memref<!tpu.dma_semaphore, #tpu.memory_space<semaphore_mem>>) src(%dma_wait3A_283 : memref<128x128xf32, #tpu.memory_space<vmem_shared>>) dst(%arg10 : memref<128x128xf32, #tpu.memory_space<vmem>>)
      %mul3A_284 = arith.constant 640 : i32
      %mul3A_285 = arith.muli %arg1, %mul3A_284 : i32
      %add3A_286 = arith.constant 512 : i32
      %add3A_287 = arith.addi %mul3A_285, %add3A_286 : i32
      %dma_start3A_288 = arith.constant 0 : i32
      %dma_start3A_289 = tpu.memref_slice %arg7[%add3A_287, %dma_start3A_288] : memref<10240x128xf32, #tpu.memory_space<vmem_shared>> -> memref<128x128xf32, #tpu.memory_space<vmem_shared>>
      %dma_start3A_290 = arith.constant 0 : i32
      %dma_start3A_291 = tpu.memref_slice %arg7[%add3A_287, %dma_start3A_290] : memref<10240x128xf32, #tpu.memory_space<vmem_shared>> -> memref<128x128xf32, #tpu.memory_space<vmem_shared>>
      tpu.enqueue_dma source(%dma_start3A_291 : memref<128x128xf32, #tpu.memory_space<vmem_shared>>) target(%arg9 : memref<128x128xf32, #tpu.memory_space<vmem>>) target_semaphore(%arg15 : memref<!tpu.dma_semaphore, #tpu.memory_space<semaphore_mem>>)
      %mul3A_292 = arith.constant 640 : i32
      %mul3A_293 = arith.muli %arg1, %mul3A_292 : i32
      %add3A_294 = arith.constant 384 : i32
      %add3A_295 = arith.addi %mul3A_293, %add3A_294 : i32
      "tpu.region"() ({
        %run_scoped3A = tpu.sem_alloc : memref<!tpu.dma_semaphore, #tpu.memory_space<semaphore_mem>>
        %dma_start3A_308 = arith.constant 0 : i32
        %dma_start3A_309 = tpu.memref_slice %arg6[%add3A_295, %dma_start3A_308] : memref<10240x128xf32, #tpu.memory_space<hbm>> -> memref<128x128xf32, #tpu.memory_space<hbm>>
        %dma_start3A_310 = arith.constant 0 : i32
        %dma_start3A_311 = tpu.memref_slice %arg6[%add3A_295, %dma_start3A_310] : memref<10240x128xf32, #tpu.memory_space<hbm>> -> memref<128x128xf32, #tpu.memory_space<hbm>>
        tpu.enqueue_dma source(%arg10 : memref<128x128xf32, #tpu.memory_space<vmem>>) target(%dma_start3A_311 : memref<128x128xf32, #tpu.memory_space<hbm>>) target_semaphore(%run_scoped3A : memref<!tpu.dma_semaphore, #tpu.memory_space<semaphore_mem>>)
        %dma_wait3A_312 = arith.constant 0 : i32
        %dma_wait3A_313 = tpu.memref_slice %arg6[%add3A_295, %dma_wait3A_312] : memref<10240x128xf32, #tpu.memory_space<hbm>> -> memref<128x128xf32, #tpu.memory_space<hbm>>
        %dma_wait3A_314 = arith.constant 0 : i32
        %dma_wait3A_315 = tpu.memref_slice %arg6[%add3A_295, %dma_wait3A_314] : memref<10240x128xf32, #tpu.memory_space<hbm>> -> memref<128x128xf32, #tpu.memory_space<hbm>>
        tpu.wait_dma2 semaphore(%run_scoped3A : memref<!tpu.dma_semaphore, #tpu.memory_space<semaphore_mem>>) src(%arg10 : memref<128x128xf32, #tpu.memory_space<vmem>>) dst(%dma_wait3A_315 : memref<128x128xf32, #tpu.memory_space<hbm>>)
        tpu.yield
      }) : () -> ()
      %mul3A_296 = arith.constant 640 : i32
      %mul3A_297 = arith.muli %arg1, %mul3A_296 : i32
      %add3A_298 = arith.constant 512 : i32
      %add3A_299 = arith.addi %mul3A_297, %add3A_298 : i32
      %dma_wait3A_300 = arith.constant 0 : i32
      %dma_wait3A_301 = tpu.memref_slice %arg7[%add3A_299, %dma_wait3A_300] : memref<10240x128xf32, #tpu.memory_space<vmem_shared>> -> memref<128x128xf32, #tpu.memory_space<vmem_shared>>
      %dma_wait3A_302 = arith.constant 0 : i32
      %dma_wait3A_303 = tpu.memref_slice %arg7[%add3A_299, %dma_wait3A_302] : memref<10240x128xf32, #tpu.memory_space<vmem_shared>> -> memref<128x128xf32, #tpu.memory_space<vmem_shared>>
      tpu.wait_dma2 semaphore(%arg15 : memref<!tpu.dma_semaphore, #tpu.memory_space<semaphore_mem>>) src(%dma_wait3A_303 : memref<128x128xf32, #tpu.memory_space<vmem_shared>>) dst(%arg9 : memref<128x128xf32, #tpu.memory_space<vmem>>)
      %mul3A_304 = arith.constant 640 : i32
      %mul3A_305 = arith.muli %arg1, %mul3A_304 : i32
      %add3A_306 = arith.constant 512 : i32
      %add3A_307 = arith.addi %mul3A_305, %add3A_306 : i32
      "tpu.region"() ({
        %run_scoped3A = tpu.sem_alloc : memref<!tpu.dma_semaphore, #tpu.memory_space<semaphore_mem>>
        %dma_start3A_308 = arith.constant 0 : i32
        %dma_start3A_309 = tpu.memref_slice %arg6[%add3A_307, %dma_start3A_308] : memref<10240x128xf32, #tpu.memory_space<hbm>> -> memref<128x128xf32, #tpu.memory_space<hbm>>
        %dma_start3A_310 = arith.constant 0 : i32
        %dma_start3A_311 = tpu.memref_slice %arg6[%add3A_307, %dma_start3A_310] : memref<10240x128xf32, #tpu.memory_space<hbm>> -> memref<128x128xf32, #tpu.memory_space<hbm>>
        tpu.enqueue_dma source(%arg9 : memref<128x128xf32, #tpu.memory_space<vmem>>) target(%dma_start3A_311 : memref<128x128xf32, #tpu.memory_space<hbm>>) target_semaphore(%run_scoped3A : memref<!tpu.dma_semaphore, #tpu.memory_space<semaphore_mem>>)
        %dma_wait3A_312 = arith.constant 0 : i32
        %dma_wait3A_313 = tpu.memref_slice %arg6[%add3A_307, %dma_wait3A_312] : memref<10240x128xf32, #tpu.memory_space<hbm>> -> memref<128x128xf32, #tpu.memory_space<hbm>>
        %dma_wait3A_314 = arith.constant 0 : i32
        %dma_wait3A_315 = tpu.memref_slice %arg6[%add3A_307, %dma_wait3A_314] : memref<10240x128xf32, #tpu.memory_space<hbm>> -> memref<128x128xf32, #tpu.memory_space<hbm>>
        tpu.wait_dma2 semaphore(%run_scoped3A : memref<!tpu.dma_semaphore, #tpu.memory_space<semaphore_mem>>) src(%arg9 : memref<128x128xf32, #tpu.memory_space<vmem>>) dst(%dma_wait3A_315 : memref<128x128xf32, #tpu.memory_space<hbm>>)
        tpu.yield
      }) : () -> ()
    } else {
    }
    return
  }
}

module attributes {stable_mosaic.version = 14 : i64} {
  func.func @_pre1_body(%arg0: i32, %arg1: memref<2000x256xf32, #tpu.memory_space<vmem>>, %arg2: memref<256x256xf32, #tpu.memory_space<vmem>>, %arg3: memref<1x256xf32, #tpu.memory_space<vmem>>, %arg4: memref<2000x128xf32, #tpu.memory_space<vmem>>, %arg5: memref<2000x128xf32, #tpu.memory_space<vmem>>) attributes {dimension_semantics = [#tpu.dimension_semantics<arbitrary>], iteration_bounds = array<i64: 5>, scalar_prefetch = 0 : i64, scratch_operands = 0 : i64, tpu.core_type = #tpu.core_type<tc>, window_params = [{transform_indices = @transform_0, window_bounds = array<i64: 2000, 256>}, {pipeline_mode = #tpu.pipeline_mode<synchronous>, transform_indices = @transform_1, window_bounds = array<i64: 256, 256>}, {pipeline_mode = #tpu.pipeline_mode<synchronous>, transform_indices = @transform_2, window_bounds = array<i64: 1, 256>}, {transform_indices = @transform_3, window_bounds = array<i64: 2000, 128>}, {transform_indices = @transform_4, window_bounds = array<i64: 2000, 128>}]} {
    %get3A = arith.constant 0 : index
    %get3A_0 = arith.constant 0 : index
    %get3A_1 = vector.load %arg1[%get3A, %get3A_0] : memref<2000x256xf32, #tpu.memory_space<vmem>>, vector<2000x256xf32>
    %mul3A = arith.mulf %get3A_1, %get3A_1 : vector<2000x256xf32>
    %reduce_sum3A = arith.constant dense<0.000000e+00> : vector<2000xf32>
    %reduce_sum3A_2 = vector.multi_reduction <add>, %mul3A, %reduce_sum3A [1] : vector<2000x256xf32> to vector<2000xf32>
    %broadcast_in_dim3A = vector.shape_cast %reduce_sum3A_2 : vector<2000xf32> to vector<2000x1xf32>
    %sqrt3A = math.sqrt %broadcast_in_dim3A : vector<2000x1xf32>
    %jit3A = arith.constant 1.000000e-15 : f32
    %max3A = vector.broadcast %jit3A : f32 to vector<2000x1xf32>
    %max3A_3 = arith.maximumf %max3A, %sqrt3A : vector<2000x1xf32>
    %tanh3A = math.tanh %max3A_3 : vector<2000x1xf32>
    %min3A = arith.constant 0.995999991 : f32
    %min3A_4 = vector.broadcast %min3A : f32 to vector<2000x1xf32>
    %min3A_5 = arith.minimumf %tanh3A, %min3A_4 : vector<2000x1xf32>
    %div3A = arith.divf %min3A_5, %max3A_3 : vector<2000x1xf32>
    %mul3A_6 = vector.broadcast %div3A : vector<2000x1xf32> to vector<2000x256xf32>
    %mul3A_7 = arith.mulf %get3A_1, %mul3A_6 : vector<2000x256xf32>
    %get3A_8 = arith.constant 0 : index
    %get3A_9 = arith.constant 0 : index
    %get3A_10 = vector.load %arg2[%get3A_8, %get3A_9] : memref<256x256xf32, #tpu.memory_space<vmem>>, vector<256x256xf32>
    %get3A_11 = arith.constant 0 : index
    %get3A_12 = arith.constant 0 : index
    %get3A_13 = vector.load %arg3[%get3A_11, %get3A_12] : memref<1x256xf32, #tpu.memory_space<vmem>>, vector<1x256xf32>
    %dot_general3A = arith.constant dense<0.000000e+00> : vector<2000x256xf32>
    %dot_general3A_14 = tpu.matmul %mul3A_7, %get3A_10, %dot_general3A {dimension_numbers = #tpu.dot_dimension_numbers<[1], [1], [0], [0], [0, 0, 1, 0], [], []>, transpose_lhs_hint = false} : vector<2000x256xf32>, vector<256x256xf32>, vector<2000x256xf32> -> vector<2000x256xf32>
    %mul3A_15 = arith.mulf %dot_general3A_14, %dot_general3A_14 : vector<2000x256xf32>
    %reduce_sum3A_16 = arith.constant dense<0.000000e+00> : vector<2000xf32>
    %reduce_sum3A_17 = vector.multi_reduction <add>, %mul3A_15, %reduce_sum3A_16 [1] : vector<2000x256xf32> to vector<2000xf32>
    %broadcast_in_dim3A_18 = vector.shape_cast %reduce_sum3A_17 : vector<2000xf32> to vector<2000x1xf32>
    %sqrt3A_19 = math.sqrt %broadcast_in_dim3A_18 : vector<2000x1xf32>
    %jit3A_20 = arith.constant 1.000000e-15 : f32
    %max3A_21 = vector.broadcast %jit3A_20 : f32 to vector<2000x1xf32>
    %max3A_22 = arith.maximumf %max3A_21, %sqrt3A_19 : vector<2000x1xf32>
    %div3A_23 = arith.divf %max3A_22, %min3A_5 : vector<2000x1xf32>
    %jit3A_24 = arith.constant -0.99999988 : f32
    %jit3A_25 = arith.constant 0.99999988 : f32
    %max3A_26 = vector.broadcast %jit3A_24 : f32 to vector<2000x1xf32>
    %max3A_27 = arith.maximumf %max3A_26, %min3A_5 : vector<2000x1xf32>
    %min3A_28 = vector.broadcast %jit3A_25 : f32 to vector<2000x1xf32>
    %min3A_29 = arith.minimumf %min3A_28, %max3A_27 : vector<2000x1xf32>
    %add3A = arith.constant 1.000000e+00 : f32
    %add3A_30 = vector.broadcast %add3A : f32 to vector<2000x1xf32>
    %add3A_31 = arith.addf %add3A_30, %min3A_29 : vector<2000x1xf32>
    %sub3A = arith.constant 1.000000e+00 : f32
    %sub3A_32 = vector.broadcast %sub3A : f32 to vector<2000x1xf32>
    %sub3A_33 = arith.subf %sub3A_32, %min3A_29 : vector<2000x1xf32>
    %div3A_34 = arith.divf %add3A_31, %sub3A_33 : vector<2000x1xf32>
    %log3A = math.log %div3A_34 : vector<2000x1xf32>
    %mul3A_35 = arith.constant 5.000000e-01 : f32
    %mul3A_36 = vector.broadcast %mul3A_35 : f32 to vector<2000x1xf32>
    %mul3A_37 = arith.mulf %mul3A_36, %log3A : vector<2000x1xf32>
    %mul3A_38 = arith.mulf %div3A_23, %mul3A_37 : vector<2000x1xf32>
    %tanh3A_39 = math.tanh %mul3A_38 : vector<2000x1xf32>
    %min3A_40 = arith.constant 0.995999991 : f32
    %min3A_41 = vector.broadcast %min3A_40 : f32 to vector<2000x1xf32>
    %min3A_42 = arith.minimumf %tanh3A_39, %min3A_41 : vector<2000x1xf32>
    %div3A_43 = arith.divf %min3A_42, %max3A_22 : vector<2000x1xf32>
    %mul3A_44 = vector.broadcast %div3A_43 : vector<2000x1xf32> to vector<2000x256xf32>
    %mul3A_45 = arith.mulf %dot_general3A_14, %mul3A_44 : vector<2000x256xf32>
    %mul3A_46 = arith.mulf %get3A_13, %get3A_13 : vector<1x256xf32>
    %reduce_sum3A_47 = arith.constant dense<0.000000e+00> : vector<1xf32>
    %reduce_sum3A_48 = vector.multi_reduction <add>, %mul3A_46, %reduce_sum3A_47 [1] : vector<1x256xf32> to vector<1xf32>
    %broadcast_in_dim3A_49 = vector.shape_cast %reduce_sum3A_48 : vector<1xf32> to vector<1x1xf32>
    %sqrt3A_50 = math.sqrt %broadcast_in_dim3A_49 : vector<1x1xf32>
    %jit3A_51 = arith.constant 1.000000e-15 : f32
    %max3A_52 = vector.broadcast %jit3A_51 : f32 to vector<1x1xf32>
    %max3A_53 = arith.maximumf %max3A_52, %sqrt3A_50 : vector<1x1xf32>
    %tanh3A_54 = math.tanh %max3A_53 : vector<1x1xf32>
    %min3A_55 = arith.constant 0.995999991 : f32
    %min3A_56 = vector.broadcast %min3A_55 : f32 to vector<1x1xf32>
    %min3A_57 = arith.minimumf %tanh3A_54, %min3A_56 : vector<1x1xf32>
    %div3A_58 = arith.divf %min3A_57, %max3A_53 : vector<1x1xf32>
    %mul3A_59 = vector.broadcast %div3A_58 : vector<1x1xf32> to vector<1x256xf32>
    %mul3A_60 = arith.mulf %get3A_13, %mul3A_59 : vector<1x256xf32>
    %mul3A_61 = arith.mulf %mul3A_45, %mul3A_45 : vector<2000x256xf32>
    %reduce_sum3A_62 = arith.constant dense<0.000000e+00> : vector<2000xf32>
    %reduce_sum3A_63 = vector.multi_reduction <add>, %mul3A_61, %reduce_sum3A_62 [1] : vector<2000x256xf32> to vector<2000xf32>
    %broadcast_in_dim3A_64 = vector.shape_cast %reduce_sum3A_63 : vector<2000xf32> to vector<2000x1xf32>
    %mul3A_65 = arith.mulf %mul3A_60, %mul3A_60 : vector<1x256xf32>
    %reduce_sum3A_66 = arith.constant dense<0.000000e+00> : vector<1xf32>
    %reduce_sum3A_67 = vector.multi_reduction <add>, %mul3A_65, %reduce_sum3A_66 [1] : vector<1x256xf32> to vector<1xf32>
    %broadcast_in_dim3A_68 = vector.shape_cast %reduce_sum3A_67 : vector<1xf32> to vector<1x1xf32>
    %mul3A_69 = vector.broadcast %mul3A_60 : vector<1x256xf32> to vector<2000x256xf32>
    %mul3A_70 = arith.mulf %mul3A_45, %mul3A_69 : vector<2000x256xf32>
    %reduce_sum3A_71 = arith.constant dense<0.000000e+00> : vector<2000xf32>
    %reduce_sum3A_72 = vector.multi_reduction <add>, %mul3A_70, %reduce_sum3A_71 [1] : vector<2000x256xf32> to vector<2000xf32>
    %broadcast_in_dim3A_73 = vector.shape_cast %reduce_sum3A_72 : vector<2000xf32> to vector<2000x1xf32>
    %mul3A_74 = arith.constant 2.000000e+00 : f32
    %mul3A_75 = vector.broadcast %mul3A_74 : f32 to vector<2000x1xf32>
    %mul3A_76 = arith.mulf %mul3A_75, %broadcast_in_dim3A_73 : vector<2000x1xf32>
    %add3A_77 = arith.constant 1.000000e+00 : f32
    %add3A_78 = vector.broadcast %add3A_77 : f32 to vector<2000x1xf32>
    %add3A_79 = arith.addf %add3A_78, %mul3A_76 : vector<2000x1xf32>
    %add3A_80 = vector.broadcast %broadcast_in_dim3A_68 : vector<1x1xf32> to vector<2000x1xf32>
    %add3A_81 = arith.addf %add3A_79, %add3A_80 : vector<2000x1xf32>
    %mul3A_82 = vector.broadcast %add3A_81 : vector<2000x1xf32> to vector<2000x256xf32>
    %mul3A_83 = arith.mulf %mul3A_82, %mul3A_45 : vector<2000x256xf32>
    %sub3A_84 = arith.constant 1.000000e+00 : f32
    %sub3A_85 = vector.broadcast %sub3A_84 : f32 to vector<2000x1xf32>
    %sub3A_86 = arith.subf %sub3A_85, %broadcast_in_dim3A_64 : vector<2000x1xf32>
    %mul3A_87 = vector.broadcast %sub3A_86 : vector<2000x1xf32> to vector<2000x256xf32>
    %mul3A_88 = vector.broadcast %mul3A_60 : vector<1x256xf32> to vector<2000x256xf32>
    %mul3A_89 = arith.mulf %mul3A_87, %mul3A_88 : vector<2000x256xf32>
    %add3A_90 = arith.addf %mul3A_83, %mul3A_89 : vector<2000x256xf32>
    %mul3A_91 = arith.constant 2.000000e+00 : f32
    %mul3A_92 = vector.broadcast %mul3A_91 : f32 to vector<2000x1xf32>
    %mul3A_93 = arith.mulf %mul3A_92, %broadcast_in_dim3A_73 : vector<2000x1xf32>
    %add3A_94 = arith.constant 1.000000e+00 : f32
    %add3A_95 = vector.broadcast %add3A_94 : f32 to vector<2000x1xf32>
    %add3A_96 = arith.addf %add3A_95, %mul3A_93 : vector<2000x1xf32>
    %mul3A_97 = vector.broadcast %broadcast_in_dim3A_68 : vector<1x1xf32> to vector<2000x1xf32>
    %mul3A_98 = arith.mulf %broadcast_in_dim3A_64, %mul3A_97 : vector<2000x1xf32>
    %add3A_99 = arith.addf %add3A_96, %mul3A_98 : vector<2000x1xf32>
    %jit3A_100 = arith.constant 1.000000e-15 : f32
    %max3A_101 = vector.broadcast %jit3A_100 : f32 to vector<2000x1xf32>
    %max3A_102 = arith.maximumf %max3A_101, %add3A_99 : vector<2000x1xf32>
    %div3A_103 = vector.broadcast %max3A_102 : vector<2000x1xf32> to vector<2000x256xf32>
    %div3A_104 = arith.divf %add3A_90, %div3A_103 : vector<2000x256xf32>
    %mul3A_105 = arith.mulf %div3A_104, %div3A_104 : vector<2000x256xf32>
    %reduce_sum3A_106 = arith.constant dense<0.000000e+00> : vector<2000xf32>
    %reduce_sum3A_107 = vector.multi_reduction <add>, %mul3A_105, %reduce_sum3A_106 [1] : vector<2000x256xf32> to vector<2000xf32>
    %broadcast_in_dim3A_108 = vector.shape_cast %reduce_sum3A_107 : vector<2000xf32> to vector<2000x1xf32>
    %sqrt3A_109 = math.sqrt %broadcast_in_dim3A_108 : vector<2000x1xf32>
    %jit3A_110 = arith.constant 1.000000e-15 : f32
    %max3A_111 = vector.broadcast %jit3A_110 : f32 to vector<2000x1xf32>
    %max3A_112 = arith.maximumf %max3A_111, %sqrt3A_109 : vector<2000x1xf32>
    %gt3A = arith.constant 0.995999991 : f32
    %gt3A_113 = vector.broadcast %gt3A : f32 to vector<2000x1xf32>
    %gt3A_114 = arith.cmpf ogt, %max3A_112, %gt3A_113 : vector<2000x1xf32>
    %div3A_115 = vector.broadcast %max3A_112 : vector<2000x1xf32> to vector<2000x256xf32>
    %div3A_116 = arith.divf %div3A_104, %div3A_115 : vector<2000x256xf32>
    %mul3A_117 = arith.constant 0.995999991 : f32
    %mul3A_118 = vector.broadcast %mul3A_117 : f32 to vector<2000x256xf32>
    %mul3A_119 = arith.mulf %div3A_116, %mul3A_118 : vector<2000x256xf32>
    %broadcast_in_dim3A_120 = vector.shape_cast %gt3A_114 : vector<2000x1xi1> to vector<2000x1xi1>
    %broadcast_in_dim3A_121 = vector.broadcast %broadcast_in_dim3A_120 : vector<2000x1xi1> to vector<2000x256xi1>
    %select_n3A = arith.select %broadcast_in_dim3A_121, %mul3A_119, %div3A_104 : vector<2000x256xi1>, vector<2000x256xf32>
    %mul3A_122 = arith.mulf %select_n3A, %select_n3A : vector<2000x256xf32>
    %reduce_sum3A_123 = arith.constant dense<0.000000e+00> : vector<2000xf32>
    %reduce_sum3A_124 = vector.multi_reduction <add>, %mul3A_122, %reduce_sum3A_123 [1] : vector<2000x256xf32> to vector<2000xf32>
    %broadcast_in_dim3A_125 = vector.shape_cast %reduce_sum3A_124 : vector<2000xf32> to vector<2000x1xf32>
    %sqrt3A_126 = math.sqrt %broadcast_in_dim3A_125 : vector<2000x1xf32>
    %jit3A_127 = arith.constant 1.000000e-15 : f32
    %max3A_128 = vector.broadcast %jit3A_127 : f32 to vector<2000x1xf32>
    %max3A_129 = arith.maximumf %max3A_128, %sqrt3A_126 : vector<2000x1xf32>
    %jit3A_130 = arith.constant -0.99999988 : f32
    %jit3A_131 = arith.constant 0.99999988 : f32
    %max3A_132 = vector.broadcast %jit3A_130 : f32 to vector<2000x1xf32>
    %max3A_133 = arith.maximumf %max3A_132, %max3A_129 : vector<2000x1xf32>
    %min3A_134 = vector.broadcast %jit3A_131 : f32 to vector<2000x1xf32>
    %min3A_135 = arith.minimumf %min3A_134, %max3A_133 : vector<2000x1xf32>
    %add3A_136 = arith.constant 1.000000e+00 : f32
    %add3A_137 = vector.broadcast %add3A_136 : f32 to vector<2000x1xf32>
    %add3A_138 = arith.addf %add3A_137, %min3A_135 : vector<2000x1xf32>
    %sub3A_139 = arith.constant 1.000000e+00 : f32
    %sub3A_140 = vector.broadcast %sub3A_139 : f32 to vector<2000x1xf32>
    %sub3A_141 = arith.subf %sub3A_140, %min3A_135 : vector<2000x1xf32>
    %div3A_142 = arith.divf %add3A_138, %sub3A_141 : vector<2000x1xf32>
    %log3A_143 = math.log %div3A_142 : vector<2000x1xf32>
    %mul3A_144 = arith.constant 5.000000e-01 : f32
    %mul3A_145 = vector.broadcast %mul3A_144 : f32 to vector<2000x1xf32>
    %mul3A_146 = arith.mulf %mul3A_145, %log3A_143 : vector<2000x1xf32>
    %mul3A_147 = vector.broadcast %mul3A_146 : vector<2000x1xf32> to vector<2000x256xf32>
    %mul3A_148 = arith.mulf %mul3A_147, %select_n3A : vector<2000x256xf32>
    %div3A_149 = vector.broadcast %max3A_129 : vector<2000x1xf32> to vector<2000x256xf32>
    %div3A_150 = arith.divf %mul3A_148, %div3A_149 : vector<2000x256xf32>
    %slice3A = vector.extract_strided_slice %div3A_150 {offsets = [0, 0], sizes = [2000, 128], strides = [1, 1]} : vector<2000x256xf32> to vector<2000x128xf32>
    %swap3A = arith.constant 0 : index
    %swap3A_151 = arith.constant 0 : index
    %swap3A_152 = vector.load %arg4[%swap3A, %swap3A_151] : memref<2000x128xf32, #tpu.memory_space<vmem>>, vector<2000x128xf32>
    tpu.vector_store %arg4[%swap3A, %swap3A_151], %slice3A {strides = array<i32>} : memref<2000x128xf32, #tpu.memory_space<vmem>>, vector<2000x128xf32>,
    %slice3A_153 = vector.extract_strided_slice %div3A_150 {offsets = [0, 128], sizes = [2000, 128], strides = [1, 1]} : vector<2000x256xf32> to vector<2000x128xf32>
    %swap3A_154 = arith.constant 0 : index
    %swap3A_155 = arith.constant 0 : index
    %swap3A_156 = vector.load %arg5[%swap3A_154, %swap3A_155] : memref<2000x128xf32, #tpu.memory_space<vmem>>, vector<2000x128xf32>
    tpu.vector_store %arg5[%swap3A_154, %swap3A_155], %slice3A_153 {strides = array<i32>} : memref<2000x128xf32, #tpu.memory_space<vmem>>, vector<2000x128xf32>,
    return
  }
  func.func @transform_0(%arg0: i32) -> (i32, i32) {
    %c0_i32 = arith.constant 0 : i32
    %c0_i32_0 = arith.constant 0 : i32
    return %arg0, %c0_i32 : i32, i32
  }
  func.func @transform_1(%arg0: i32) -> (i32, i32) {
    %c0_i32 = arith.constant 0 : i32
    %c0_i32_0 = arith.constant 0 : i32
    %c0_i32_1 = arith.constant 0 : i32
    return %c0_i32, %c0_i32_0 : i32, i32
  }
  func.func @transform_2(%arg0: i32) -> (i32, i32) {
    %c0_i32 = arith.constant 0 : i32
    %c0_i32_0 = arith.constant 0 : i32
    %c0_i32_1 = arith.constant 0 : i32
    return %c0_i32, %c0_i32_0 : i32, i32
  }
  func.func @transform_3(%arg0: i32) -> (i32, i32) {
    %c0_i32 = arith.constant 0 : i32
    %c0_i32_0 = arith.constant 0 : i32
    return %arg0, %c0_i32 : i32, i32
  }
  func.func @transform_4(%arg0: i32) -> (i32, i32) {
    %c0_i32 = arith.constant 0 : i32
    %c0_i32_0 = arith.constant 0 : i32
    return %arg0, %c0_i32 : i32, i32
  }
}

module attributes {stable_mosaic.version = 14 : i64} {
  func.func @_mid_body(%arg0: i32, %arg1: memref<2000x128xf32, #tpu.memory_space<vmem>>, %arg2: memref<2000x128xf32, #tpu.memory_space<vmem>>, %arg3: memref<256x256xf32, #tpu.memory_space<vmem>>, %arg4: memref<1x256xf32, #tpu.memory_space<vmem>>, %arg5: memref<2000x128xf32, #tpu.memory_space<vmem>>, %arg6: memref<2000x128xf32, #tpu.memory_space<vmem>>) attributes {dimension_semantics = [#tpu.dimension_semantics<arbitrary>], iteration_bounds = array<i64: 5>, scalar_prefetch = 0 : i64, scratch_operands = 0 : i64, tpu.core_type = #tpu.core_type<tc>, window_params = [{transform_indices = @transform_0, window_bounds = array<i64: 2000, 128>}, {transform_indices = @transform_1, window_bounds = array<i64: 2000, 128>}, {pipeline_mode = #tpu.pipeline_mode<synchronous>, transform_indices = @transform_2, window_bounds = array<i64: 256, 256>}, {pipeline_mode = #tpu.pipeline_mode<synchronous>, transform_indices = @transform_3, window_bounds = array<i64: 1, 256>}, {transform_indices = @transform_4, window_bounds = array<i64: 2000, 128>}, {transform_indices = @transform_5, window_bounds = array<i64: 2000, 128>}]} {
    %get3A = arith.constant 0 : index
    %get3A_0 = arith.constant 0 : index
    %get3A_1 = vector.load %arg1[%get3A, %get3A_0] : memref<2000x128xf32, #tpu.memory_space<vmem>>, vector<2000x128xf32>
    %get3A_2 = arith.constant 0 : index
    %get3A_3 = arith.constant 0 : index
    %get3A_4 = vector.load %arg2[%get3A_2, %get3A_3] : memref<2000x128xf32, #tpu.memory_space<vmem>>, vector<2000x128xf32>
    %concatenate3A = tpu.concatenate %get3A_1, %get3A_4 in 1 : vector<2000x128xf32>, vector<2000x128xf32> -> vector<2000x256xf32>
    %mul3A = arith.mulf %concatenate3A, %concatenate3A : vector<2000x256xf32>
    %reduce_sum3A = arith.constant dense<0.000000e+00> : vector<2000xf32>
    %reduce_sum3A_5 = vector.multi_reduction <add>, %mul3A, %reduce_sum3A [1] : vector<2000x256xf32> to vector<2000xf32>
    %broadcast_in_dim3A = vector.shape_cast %reduce_sum3A_5 : vector<2000xf32> to vector<2000x1xf32>
    %sqrt3A = math.sqrt %broadcast_in_dim3A : vector<2000x1xf32>
    %jit3A = arith.constant 1.000000e-15 : f32
    %max3A = vector.broadcast %jit3A : f32 to vector<2000x1xf32>
    %max3A_6 = arith.maximumf %max3A, %sqrt3A : vector<2000x1xf32>
    %min3A = arith.constant 3.10630202 : f32
    %min3A_7 = vector.broadcast %min3A : f32 to vector<2000x1xf32>
    %min3A_8 = arith.minimumf %max3A_6, %min3A_7 : vector<2000x1xf32>
    %div3A = arith.divf %min3A_8, %max3A_6 : vector<2000x1xf32>
    %mul3A_9 = vector.broadcast %div3A : vector<2000x1xf32> to vector<2000x256xf32>
    %mul3A_10 = arith.mulf %concatenate3A, %mul3A_9 : vector<2000x256xf32>
    %max3A_11 = arith.constant 0.000000e+00 : f32
    %max3A_12 = vector.broadcast %max3A_11 : f32 to vector<2000x256xf32>
    %max3A_13 = arith.maximumf %mul3A_10, %max3A_12 : vector<2000x256xf32>
    %mul3A_14 = arith.mulf %max3A_13, %max3A_13 : vector<2000x256xf32>
    %reduce_sum3A_15 = arith.constant dense<0.000000e+00> : vector<2000xf32>
    %reduce_sum3A_16 = vector.multi_reduction <add>, %mul3A_14, %reduce_sum3A_15 [1] : vector<2000x256xf32> to vector<2000xf32>
    %broadcast_in_dim3A_17 = vector.shape_cast %reduce_sum3A_16 : vector<2000xf32> to vector<2000x1xf32>
    %sqrt3A_18 = math.sqrt %broadcast_in_dim3A_17 : vector<2000x1xf32>
    %jit3A_19 = arith.constant 1.000000e-15 : f32
    %max3A_20 = vector.broadcast %jit3A_19 : f32 to vector<2000x1xf32>
    %max3A_21 = arith.maximumf %max3A_20, %sqrt3A_18 : vector<2000x1xf32>
    %tanh3A = math.tanh %max3A_21 : vector<2000x1xf32>
    %min3A_22 = arith.constant 0.995999991 : f32
    %min3A_23 = vector.broadcast %min3A_22 : f32 to vector<2000x1xf32>
    %min3A_24 = arith.minimumf %tanh3A, %min3A_23 : vector<2000x1xf32>
    %div3A_25 = arith.divf %min3A_24, %max3A_21 : vector<2000x1xf32>
    %mul3A_26 = vector.broadcast %div3A_25 : vector<2000x1xf32> to vector<2000x256xf32>
    %mul3A_27 = arith.mulf %max3A_13, %mul3A_26 : vector<2000x256xf32>
    %get3A_28 = arith.constant 0 : index
    %get3A_29 = arith.constant 0 : index
    %get3A_30 = vector.load %arg3[%get3A_28, %get3A_29] : memref<256x256xf32, #tpu.memory_space<vmem>>, vector<256x256xf32>
    %get3A_31 = arith.constant 0 : index
    %get3A_32 = arith.constant 0 : index
    %get3A_33 = vector.load %arg4[%get3A_31, %get3A_32] : memref<1x256xf32, #tpu.memory_space<vmem>>, vector<1x256xf32>
    %dot_general3A = arith.constant dense<0.000000e+00> : vector<2000x256xf32>
    %dot_general3A_34 = tpu.matmul %mul3A_27, %get3A_30, %dot_general3A {dimension_numbers = #tpu.dot_dimension_numbers<[1], [1], [0], [0], [0, 0, 1, 0], [], []>, transpose_lhs_hint = false} : vector<2000x256xf32>, vector<256x256xf32>, vector<2000x256xf32> -> vector<2000x256xf32>
    %mul3A_35 = arith.mulf %dot_general3A_34, %dot_general3A_34 : vector<2000x256xf32>
    %reduce_sum3A_36 = arith.constant dense<0.000000e+00> : vector<2000xf32>
    %reduce_sum3A_37 = vector.multi_reduction <add>, %mul3A_35, %reduce_sum3A_36 [1] : vector<2000x256xf32> to vector<2000xf32>
    %broadcast_in_dim3A_38 = vector.shape_cast %reduce_sum3A_37 : vector<2000xf32> to vector<2000x1xf32>
    %sqrt3A_39 = math.sqrt %broadcast_in_dim3A_38 : vector<2000x1xf32>
    %jit3A_40 = arith.constant 1.000000e-15 : f32
    %max3A_41 = vector.broadcast %jit3A_40 : f32 to vector<2000x1xf32>
    %max3A_42 = arith.maximumf %max3A_41, %sqrt3A_39 : vector<2000x1xf32>
    %div3A_43 = arith.divf %max3A_42, %min3A_24 : vector<2000x1xf32>
    %jit3A_44 = arith.constant -0.99999988 : f32
    %jit3A_45 = arith.constant 0.99999988 : f32
    %max3A_46 = vector.broadcast %jit3A_44 : f32 to vector<2000x1xf32>
    %max3A_47 = arith.maximumf %max3A_46, %min3A_24 : vector<2000x1xf32>
    %min3A_48 = vector.broadcast %jit3A_45 : f32 to vector<2000x1xf32>
    %min3A_49 = arith.minimumf %min3A_48, %max3A_47 : vector<2000x1xf32>
    %add3A = arith.constant 1.000000e+00 : f32
    %add3A_50 = vector.broadcast %add3A : f32 to vector<2000x1xf32>
    %add3A_51 = arith.addf %add3A_50, %min3A_49 : vector<2000x1xf32>
    %sub3A = arith.constant 1.000000e+00 : f32
    %sub3A_52 = vector.broadcast %sub3A : f32 to vector<2000x1xf32>
    %sub3A_53 = arith.subf %sub3A_52, %min3A_49 : vector<2000x1xf32>
    %div3A_54 = arith.divf %add3A_51, %sub3A_53 : vector<2000x1xf32>
    %log3A = math.log %div3A_54 : vector<2000x1xf32>
    %mul3A_55 = arith.constant 5.000000e-01 : f32
    %mul3A_56 = vector.broadcast %mul3A_55 : f32 to vector<2000x1xf32>
    %mul3A_57 = arith.mulf %mul3A_56, %log3A : vector<2000x1xf32>
    %mul3A_58 = arith.mulf %div3A_43, %mul3A_57 : vector<2000x1xf32>
    %tanh3A_59 = math.tanh %mul3A_58 : vector<2000x1xf32>
    %min3A_60 = arith.constant 0.995999991 : f32
    %min3A_61 = vector.broadcast %min3A_60 : f32 to vector<2000x1xf32>
    %min3A_62 = arith.minimumf %tanh3A_59, %min3A_61 : vector<2000x1xf32>
    %div3A_63 = arith.divf %min3A_62, %max3A_42 : vector<2000x1xf32>
    %mul3A_64 = vector.broadcast %div3A_63 : vector<2000x1xf32> to vector<2000x256xf32>
    %mul3A_65 = arith.mulf %dot_general3A_34, %mul3A_64 : vector<2000x256xf32>
    %mul3A_66 = arith.mulf %get3A_33, %get3A_33 : vector<1x256xf32>
    %reduce_sum3A_67 = arith.constant dense<0.000000e+00> : vector<1xf32>
    %reduce_sum3A_68 = vector.multi_reduction <add>, %mul3A_66, %reduce_sum3A_67 [1] : vector<1x256xf32> to vector<1xf32>
    %broadcast_in_dim3A_69 = vector.shape_cast %reduce_sum3A_68 : vector<1xf32> to vector<1x1xf32>
    %sqrt3A_70 = math.sqrt %broadcast_in_dim3A_69 : vector<1x1xf32>
    %jit3A_71 = arith.constant 1.000000e-15 : f32
    %max3A_72 = vector.broadcast %jit3A_71 : f32 to vector<1x1xf32>
    %max3A_73 = arith.maximumf %max3A_72, %sqrt3A_70 : vector<1x1xf32>
    %tanh3A_74 = math.tanh %max3A_73 : vector<1x1xf32>
    %min3A_75 = arith.constant 0.995999991 : f32
    %min3A_76 = vector.broadcast %min3A_75 : f32 to vector<1x1xf32>
    %min3A_77 = arith.minimumf %tanh3A_74, %min3A_76 : vector<1x1xf32>
    %div3A_78 = arith.divf %min3A_77, %max3A_73 : vector<1x1xf32>
    %mul3A_79 = vector.broadcast %div3A_78 : vector<1x1xf32> to vector<1x256xf32>
    %mul3A_80 = arith.mulf %get3A_33, %mul3A_79 : vector<1x256xf32>
    %mul3A_81 = arith.mulf %mul3A_65, %mul3A_65 : vector<2000x256xf32>
    %reduce_sum3A_82 = arith.constant dense<0.000000e+00> : vector<2000xf32>
    %reduce_sum3A_83 = vector.multi_reduction <add>, %mul3A_81, %reduce_sum3A_82 [1] : vector<2000x256xf32> to vector<2000xf32>
    %broadcast_in_dim3A_84 = vector.shape_cast %reduce_sum3A_83 : vector<2000xf32> to vector<2000x1xf32>
    %mul3A_85 = arith.mulf %mul3A_80, %mul3A_80 : vector<1x256xf32>
    %reduce_sum3A_86 = arith.constant dense<0.000000e+00> : vector<1xf32>
    %reduce_sum3A_87 = vector.multi_reduction <add>, %mul3A_85, %reduce_sum3A_86 [1] : vector<1x256xf32> to vector<1xf32>
    %broadcast_in_dim3A_88 = vector.shape_cast %reduce_sum3A_87 : vector<1xf32> to vector<1x1xf32>
    %mul3A_89 = vector.broadcast %mul3A_80 : vector<1x256xf32> to vector<2000x256xf32>
    %mul3A_90 = arith.mulf %mul3A_65, %mul3A_89 : vector<2000x256xf32>
    %reduce_sum3A_91 = arith.constant dense<0.000000e+00> : vector<2000xf32>
    %reduce_sum3A_92 = vector.multi_reduction <add>, %mul3A_90, %reduce_sum3A_91 [1] : vector<2000x256xf32> to vector<2000xf32>
    %broadcast_in_dim3A_93 = vector.shape_cast %reduce_sum3A_92 : vector<2000xf32> to vector<2000x1xf32>
    %mul3A_94 = arith.constant 2.000000e+00 : f32
    %mul3A_95 = vector.broadcast %mul3A_94 : f32 to vector<2000x1xf32>
    %mul3A_96 = arith.mulf %mul3A_95, %broadcast_in_dim3A_93 : vector<2000x1xf32>
    %add3A_97 = arith.constant 1.000000e+00 : f32
    %add3A_98 = vector.broadcast %add3A_97 : f32 to vector<2000x1xf32>
    %add3A_99 = arith.addf %add3A_98, %mul3A_96 : vector<2000x1xf32>
    %add3A_100 = vector.broadcast %broadcast_in_dim3A_88 : vector<1x1xf32> to vector<2000x1xf32>
    %add3A_101 = arith.addf %add3A_99, %add3A_100 : vector<2000x1xf32>
    %mul3A_102 = vector.broadcast %add3A_101 : vector<2000x1xf32> to vector<2000x256xf32>
    %mul3A_103 = arith.mulf %mul3A_102, %mul3A_65 : vector<2000x256xf32>
    %sub3A_104 = arith.constant 1.000000e+00 : f32
    %sub3A_105 = vector.broadcast %sub3A_104 : f32 to vector<2000x1xf32>
    %sub3A_106 = arith.subf %sub3A_105, %broadcast_in_dim3A_84 : vector<2000x1xf32>
    %mul3A_107 = vector.broadcast %sub3A_106 : vector<2000x1xf32> to vector<2000x256xf32>
    %mul3A_108 = vector.broadcast %mul3A_80 : vector<1x256xf32> to vector<2000x256xf32>
    %mul3A_109 = arith.mulf %mul3A_107, %mul3A_108 : vector<2000x256xf32>
    %add3A_110 = arith.addf %mul3A_103, %mul3A_109 : vector<2000x256xf32>
    %mul3A_111 = arith.constant 2.000000e+00 : f32
    %mul3A_112 = vector.broadcast %mul3A_111 : f32 to vector<2000x1xf32>
    %mul3A_113 = arith.mulf %mul3A_112, %broadcast_in_dim3A_93 : vector<2000x1xf32>
    %add3A_114 = arith.constant 1.000000e+00 : f32
    %add3A_115 = vector.broadcast %add3A_114 : f32 to vector<2000x1xf32>
    %add3A_116 = arith.addf %add3A_115, %mul3A_113 : vector<2000x1xf32>
    %mul3A_117 = vector.broadcast %broadcast_in_dim3A_88 : vector<1x1xf32> to vector<2000x1xf32>
    %mul3A_118 = arith.mulf %broadcast_in_dim3A_84, %mul3A_117 : vector<2000x1xf32>
    %add3A_119 = arith.addf %add3A_116, %mul3A_118 : vector<2000x1xf32>
    %jit3A_120 = arith.constant 1.000000e-15 : f32
    %max3A_121 = vector.broadcast %jit3A_120 : f32 to vector<2000x1xf32>
    %max3A_122 = arith.maximumf %max3A_121, %add3A_119 : vector<2000x1xf32>
    %div3A_123 = vector.broadcast %max3A_122 : vector<2000x1xf32> to vector<2000x256xf32>
    %div3A_124 = arith.divf %add3A_110, %div3A_123 : vector<2000x256xf32>
    %mul3A_125 = arith.mulf %div3A_124, %div3A_124 : vector<2000x256xf32>
    %reduce_sum3A_126 = arith.constant dense<0.000000e+00> : vector<2000xf32>
    %reduce_sum3A_127 = vector.multi_reduction <add>, %mul3A_125, %reduce_sum3A_126 [1] : vector<2000x256xf32> to vector<2000xf32>
    %broadcast_in_dim3A_128 = vector.shape_cast %reduce_sum3A_127 : vector<2000xf32> to vector<2000x1xf32>
    %sqrt3A_129 = math.sqrt %broadcast_in_dim3A_128 : vector<2000x1xf32>
    %jit3A_130 = arith.constant 1.000000e-15 : f32
    %max3A_131 = vector.broadcast %jit3A_130 : f32 to vector<2000x1xf32>
    %max3A_132 = arith.maximumf %max3A_131, %sqrt3A_129 : vector<2000x1xf32>
    %gt3A = arith.constant 0.995999991 : f32
    %gt3A_133 = vector.broadcast %gt3A : f32 to vector<2000x1xf32>
    %gt3A_134 = arith.cmpf ogt, %max3A_132, %gt3A_133 : vector<2000x1xf32>
    %div3A_135 = vector.broadcast %max3A_132 : vector<2000x1xf32> to vector<2000x256xf32>
    %div3A_136 = arith.divf %div3A_124, %div3A_135 : vector<2000x256xf32>
    %mul3A_137 = arith.constant 0.995999991 : f32
    %mul3A_138 = vector.broadcast %mul3A_137 : f32 to vector<2000x256xf32>
    %mul3A_139 = arith.mulf %div3A_136, %mul3A_138 : vector<2000x256xf32>
    %broadcast_in_dim3A_140 = vector.shape_cast %gt3A_134 : vector<2000x1xi1> to vector<2000x1xi1>
    %broadcast_in_dim3A_141 = vector.broadcast %broadcast_in_dim3A_140 : vector<2000x1xi1> to vector<2000x256xi1>
    %select_n3A = arith.select %broadcast_in_dim3A_141, %mul3A_139, %div3A_124 : vector<2000x256xi1>, vector<2000x256xf32>
    %mul3A_142 = arith.mulf %select_n3A, %select_n3A : vector<2000x256xf32>
    %reduce_sum3A_143 = arith.constant dense<0.000000e+00> : vector<2000xf32>
    %reduce_sum3A_144 = vector.multi_reduction <add>, %mul3A_142, %reduce_sum3A_143 [1] : vector<2000x256xf32> to vector<2000xf32>
    %broadcast_in_dim3A_145 = vector.shape_cast %reduce_sum3A_144 : vector<2000xf32> to vector<2000x1xf32>
    %sqrt3A_146 = math.sqrt %broadcast_in_dim3A_145 : vector<2000x1xf32>
    %jit3A_147 = arith.constant 1.000000e-15 : f32
    %max3A_148 = vector.broadcast %jit3A_147 : f32 to vector<2000x1xf32>
    %max3A_149 = arith.maximumf %max3A_148, %sqrt3A_146 : vector<2000x1xf32>
    %jit3A_150 = arith.constant -0.99999988 : f32
    %jit3A_151 = arith.constant 0.99999988 : f32
    %max3A_152 = vector.broadcast %jit3A_150 : f32 to vector<2000x1xf32>
    %max3A_153 = arith.maximumf %max3A_152, %max3A_149 : vector<2000x1xf32>
    %min3A_154 = vector.broadcast %jit3A_151 : f32 to vector<2000x1xf32>
    %min3A_155 = arith.minimumf %min3A_154, %max3A_153 : vector<2000x1xf32>
    %add3A_156 = arith.constant 1.000000e+00 : f32
    %add3A_157 = vector.broadcast %add3A_156 : f32 to vector<2000x1xf32>
    %add3A_158 = arith.addf %add3A_157, %min3A_155 : vector<2000x1xf32>
    %sub3A_159 = arith.constant 1.000000e+00 : f32
    %sub3A_160 = vector.broadcast %sub3A_159 : f32 to vector<2000x1xf32>
    %sub3A_161 = arith.subf %sub3A_160, %min3A_155 : vector<2000x1xf32>
    %div3A_162 = arith.divf %add3A_158, %sub3A_161 : vector<2000x1xf32>
    %log3A_163 = math.log %div3A_162 : vector<2000x1xf32>
    %mul3A_164 = arith.constant 5.000000e-01 : f32
    %mul3A_165 = vector.broadcast %mul3A_164 : f32 to vector<2000x1xf32>
    %mul3A_166 = arith.mulf %mul3A_165, %log3A_163 : vector<2000x1xf32>
    %mul3A_167 = vector.broadcast %mul3A_166 : vector<2000x1xf32> to vector<2000x256xf32>
    %mul3A_168 = arith.mulf %mul3A_167, %select_n3A : vector<2000x256xf32>
    %div3A_169 = vector.broadcast %max3A_149 : vector<2000x1xf32> to vector<2000x256xf32>
    %div3A_170 = arith.divf %mul3A_168, %div3A_169 : vector<2000x256xf32>
    %slice3A = vector.extract_strided_slice %div3A_170 {offsets = [0, 0], sizes = [2000, 128], strides = [1, 1]} : vector<2000x256xf32> to vector<2000x128xf32>
    %swap3A = arith.constant 0 : index
    %swap3A_171 = arith.constant 0 : index
    %swap3A_172 = vector.load %arg5[%swap3A, %swap3A_171] : memref<2000x128xf32, #tpu.memory_space<vmem>>, vector<2000x128xf32>
    tpu.vector_store %arg5[%swap3A, %swap3A_171], %slice3A {strides = array<i32>} : memref<2000x128xf32, #tpu.memory_space<vmem>>, vector<2000x128xf32>,
    %slice3A_173 = vector.extract_strided_slice %div3A_170 {offsets = [0, 128], sizes = [2000, 128], strides = [1, 1]} : vector<2000x256xf32> to vector<2000x128xf32>
    %swap3A_174 = arith.constant 0 : index
    %swap3A_175 = arith.constant 0 : index
    %swap3A_176 = vector.load %arg6[%swap3A_174, %swap3A_175] : memref<2000x128xf32, #tpu.memory_space<vmem>>, vector<2000x128xf32>
    tpu.vector_store %arg6[%swap3A_174, %swap3A_175], %slice3A_173 {strides = array<i32>} : memref<2000x128xf32, #tpu.memory_space<vmem>>, vector<2000x128xf32>,
    return
  }
  func.func @transform_0(%arg0: i32) -> (i32, i32) {
    %c0_i32 = arith.constant 0 : i32
    %c0_i32_0 = arith.constant 0 : i32
    return %arg0, %c0_i32 : i32, i32
  }
  func.func @transform_1(%arg0: i32) -> (i32, i32) {
    %c0_i32 = arith.constant 0 : i32
    %c0_i32_0 = arith.constant 0 : i32
    return %arg0, %c0_i32 : i32, i32
  }
  func.func @transform_2(%arg0: i32) -> (i32, i32) {
    %c0_i32 = arith.constant 0 : i32
    %c0_i32_0 = arith.constant 0 : i32
    %c0_i32_1 = arith.constant 0 : i32
    return %c0_i32, %c0_i32_0 : i32, i32
  }
  func.func @transform_3(%arg0: i32) -> (i32, i32) {
    %c0_i32 = arith.constant 0 : i32
    %c0_i32_0 = arith.constant 0 : i32
    %c0_i32_1 = arith.constant 0 : i32
    return %c0_i32, %c0_i32_0 : i32, i32
  }
  func.func @transform_4(%arg0: i32) -> (i32, i32) {
    %c0_i32 = arith.constant 0 : i32
    %c0_i32_0 = arith.constant 0 : i32
    return %arg0, %c0_i32 : i32, i32
  }
  func.func @transform_5(%arg0: i32) -> (i32, i32) {
    %c0_i32 = arith.constant 0 : i32
    %c0_i32_0 = arith.constant 0 : i32
    return %arg0, %c0_i32 : i32, i32
  }
}

module attributes {stable_mosaic.version = 14 : i64} {
  func.func @_final_body(%arg0: i32, %arg1: memref<2000x128xf32, #tpu.memory_space<vmem>>, %arg2: memref<2000x128xf32, #tpu.memory_space<vmem>>, %arg3: memref<2000x256xf32, #tpu.memory_space<vmem>>) attributes {dimension_semantics = [#tpu.dimension_semantics<arbitrary>], iteration_bounds = array<i64: 5>, scalar_prefetch = 0 : i64, scratch_operands = 0 : i64, tpu.core_type = #tpu.core_type<tc>, window_params = [{transform_indices = @transform_0, window_bounds = array<i64: 2000, 128>}, {transform_indices = @transform_1, window_bounds = array<i64: 2000, 128>}, {transform_indices = @transform_2, window_bounds = array<i64: 2000, 256>}]} {
    %get3A = arith.constant 0 : index
    %get3A_0 = arith.constant 0 : index
    %get3A_1 = vector.load %arg1[%get3A, %get3A_0] : memref<2000x128xf32, #tpu.memory_space<vmem>>, vector<2000x128xf32>
    %get3A_2 = arith.constant 0 : index
    %get3A_3 = arith.constant 0 : index
    %get3A_4 = vector.load %arg2[%get3A_2, %get3A_3] : memref<2000x128xf32, #tpu.memory_space<vmem>>, vector<2000x128xf32>
    %concatenate3A = tpu.concatenate %get3A_1, %get3A_4 in 1 : vector<2000x128xf32>, vector<2000x128xf32> -> vector<2000x256xf32>
    %mul3A = arith.mulf %concatenate3A, %concatenate3A : vector<2000x256xf32>
    %reduce_sum3A = arith.constant dense<0.000000e+00> : vector<2000xf32>
    %reduce_sum3A_5 = vector.multi_reduction <add>, %mul3A, %reduce_sum3A [1] : vector<2000x256xf32> to vector<2000xf32>
    %broadcast_in_dim3A = vector.shape_cast %reduce_sum3A_5 : vector<2000xf32> to vector<2000x1xf32>
    %sqrt3A = math.sqrt %broadcast_in_dim3A : vector<2000x1xf32>
    %jit3A = arith.constant 1.000000e-15 : f32
    %max3A = vector.broadcast %jit3A : f32 to vector<2000x1xf32>
    %max3A_6 = arith.maximumf %max3A, %sqrt3A : vector<2000x1xf32>
    %min3A = arith.constant 3.10630202 : f32
    %min3A_7 = vector.broadcast %min3A : f32 to vector<2000x1xf32>
    %min3A_8 = arith.minimumf %max3A_6, %min3A_7 : vector<2000x1xf32>
    %div3A = arith.divf %min3A_8, %max3A_6 : vector<2000x1xf32>
    %mul3A_9 = vector.broadcast %div3A : vector<2000x1xf32> to vector<2000x256xf32>
    %mul3A_10 = arith.mulf %concatenate3A, %mul3A_9 : vector<2000x256xf32>
    %max3A_11 = arith.constant 0.000000e+00 : f32
    %max3A_12 = vector.broadcast %max3A_11 : f32 to vector<2000x256xf32>
    %max3A_13 = arith.maximumf %mul3A_10, %max3A_12 : vector<2000x256xf32>
    %mul3A_14 = arith.mulf %max3A_13, %max3A_13 : vector<2000x256xf32>
    %reduce_sum3A_15 = arith.constant dense<0.000000e+00> : vector<2000xf32>
    %reduce_sum3A_16 = vector.multi_reduction <add>, %mul3A_14, %reduce_sum3A_15 [1] : vector<2000x256xf32> to vector<2000xf32>
    %broadcast_in_dim3A_17 = vector.shape_cast %reduce_sum3A_16 : vector<2000xf32> to vector<2000x1xf32>
    %sqrt3A_18 = math.sqrt %broadcast_in_dim3A_17 : vector<2000x1xf32>
    %jit3A_19 = arith.constant 1.000000e-15 : f32
    %max3A_20 = vector.broadcast %jit3A_19 : f32 to vector<2000x1xf32>
    %max3A_21 = arith.maximumf %max3A_20, %sqrt3A_18 : vector<2000x1xf32>
    %tanh3A = math.tanh %max3A_21 : vector<2000x1xf32>
    %min3A_22 = arith.constant 0.995999991 : f32
    %min3A_23 = vector.broadcast %min3A_22 : f32 to vector<2000x1xf32>
    %min3A_24 = arith.minimumf %tanh3A, %min3A_23 : vector<2000x1xf32>
    %div3A_25 = arith.divf %min3A_24, %max3A_21 : vector<2000x1xf32>
    %mul3A_26 = vector.broadcast %div3A_25 : vector<2000x1xf32> to vector<2000x256xf32>
    %mul3A_27 = arith.mulf %max3A_13, %mul3A_26 : vector<2000x256xf32>
    %swap3A = arith.constant 0 : index
    %swap3A_28 = arith.constant 0 : index
    %swap3A_29 = vector.load %arg3[%swap3A, %swap3A_28] : memref<2000x256xf32, #tpu.memory_space<vmem>>, vector<2000x256xf32>
    tpu.vector_store %arg3[%swap3A, %swap3A_28], %mul3A_27 {strides = array<i32>} : memref<2000x256xf32, #tpu.memory_space<vmem>>, vector<2000x256xf32>,
    return
  }
  func.func @transform_0(%arg0: i32) -> (i32, i32) {
    %c0_i32 = arith.constant 0 : i32
    %c0_i32_0 = arith.constant 0 : i32
    return %arg0, %c0_i32 : i32, i32
  }
  func.func @transform_1(%arg0: i32) -> (i32, i32) {
    %c0_i32 = arith.constant 0 : i32
    %c0_i32_0 = arith.constant 0 : i32
    return %arg0, %c0_i32 : i32, i32
  }
  func.func @transform_2(%arg0: i32) -> (i32, i32) {
    %c0_i32 = arith.constant 0 : i32
    %c0_i32_0 = arith.constant 0 : i32
    return %arg0, %c0_i32 : i32, i32
  }
}

</mosaic_0001>

<sc_bundles>
// kernel: kernel.10.cloned.1.call-start
scs
__scs_entry_jumppad:
0x0: {  	(pc) =	sbr.rel $0x88, $3  }
0x1: {  	(tag) =	ssettag $0x0;
	lr =	simm.s32 $0x1  }
0x2: {  	[smem:$0x3F9B] =	sst lr;
	_ =	strace $0xD0000000  }
0x3: {  	_ = 	snop  }
0x4: {  	_ = 	snop  }
0x5: {  	_ = 	snop  }
0x6: {  	_ = 	snop  }
0x7: {  	_ = 	snop  }
__scs_overlays_trampoline_lowered:
0x8: {  	[smem:$0x3FAA] =	sst s0  }
0x9: {  	[smem:$0x3FAB] =	sst s1  }
0xa: {  	[smem:$0x3FAC] =	sst s2  }
0xb: {  	[smem:$0x3FAD] =	sst s3  }
0xc: {  	[smem:$0x3FAE] =	sst s4  }
0xd: {  	[smem:$0x3FAF] =	sst s5  }
0xe: {  	[smem:$0x3FB0] =	sst s6  }
0xf: {  	[smem:$0x3FB1] =	sst s7  }
0x10: {  	[smem:$0x3FB2] =	sst s8  }
0x11: {  	[smem:$0x3FB3] =	sst s9;
	s0 =	simm.s32 @!p0 $0x0  }
0x12: {  	s1 =	sld [smem:$0x3F99];
	s0 =	simm.s32 @p0 $0x1  }
0x13: {  	[smem:$0x3FB4] =	sst s0;
	s0 =	simm.s32 @!p1 $0x0  }
0x14: {  	s2 =	sld [smem:$0x3F98];
	s0 =	simm.s32 @p1 $0x1  }
0x15: {  	[smem:$0x3FB5] =	sst s0;
	s0 =	simm.s32 @!p2 $0x0  }
0x16: {  	s3 =	sld [smem:$0x3FDB];
	s0 =	simm.s32 @p2 $0x1  }
0x17: {  	s4 =	simm.s32 $0x1BF5;
	[smem:$0x3FB7] =	sst s0  }
0x18: {  	s0 =	sld [smem:$0x3F9A];
	_ =	swait.ge [sflag:s4], $0x0  }
0x19: {  	s7 =	sld [smem:$0x3F9B]  }
0x1a: {  	s8 =	sadd.s32 $0xFFFFE003, lr  }
0x1b: {  	s9 =	sadd.s32 $0xFFFFFEF7, lr;
	s5 =	simm.s32 $0xFFFFFFFF;
	p2 =	slt.u32 s8, $0xFFFFF086  }
0x1c: {  	p1 =	slt.u32 s9, $0xF7A;
	s5 =	simm.s32 @!p2 $0x0  }
0x1d: {  	s5 =	simm.s32 @p1 $0x1;
	p0 =	seq.s32 s7, s2  }
0x1e: {  	s7 =	smul.u32 @!p0 $0xF7A, s2;
	p2 =	seq.s32 @!p0 s5, $0x0  }
0x1f: {  	s9 =	smul.u32 $0xF7A, s1;
	s8 =	simm.s32 @!p0 $0x1BF5;
	p2 =	por !p2, p0  }
0x20: {  	[sflag:s8] =	ssyncset.s32 @!p0 $0xFFFFF086;
	s6 =	sadd.s32 @!p0 s3, s7;
	s7 =	simm.s32 @!p0 $0x108  }
0x21: {  	s3 =	sadd.s32 s3, s9;
	s6 =	sadd.s32 @!p0 $0x88, s6;
	s7 =	simm.s32 @p2 $0x1082  }
0x22: {  	[simem:s7], [sflag:s8] =	dma.local @!p0 [hbm:s6], $0xF7A  }
0x23: {  	s9 =	sor.u32 $0xD0000000, s2;
	s6 =	simm.s32 $0x108;
	_ =	swait.ge @!p0 [sflag:s8], $0x0  }
0x24: {  	s3 =	sadd.s32 $0x88, s3;
	s6 =	simm.s32 @!p1 $0x1082;
	[sflag:s4] =	ssyncset.s32 $0xFFFFF086  }
0x25: {  	[simem:s6], [sflag:s4] =	dma.local [hbm:s3], $0xF7A  }
0x26: {  	[smem:$0x3F9B] =	sst s1;
	(tag) =	ssettag s2;
	_ =	strace s9  }
0x27: {  	s1 =	sld [smem:$0x3FAB]  }
0x28: {  	s2 =	sld [smem:$0x3FAC]  }
0x29: {  	s4 =	sld [smem:$0x3FAE]  }
0x2a: {  	p0 =	seq.s32 s5, $0x0;
	s5 =	sld [smem:$0x3FAF]  }
0x2b: {  	s6 =	sld [smem:$0x3FB0]  }
0x2c: {  	s7 =	sld [smem:$0x3FB1]  }
0x2d: {  	s3 =	simm.s32 $0x108;
	s8 =	sld [smem:$0x3FB2]  }
0x2e: {  	s3 =	simm.s32 @!p0 $0x1082;
	s9 =	sld [smem:$0x3FB3]  }
0x2f: {  	lr =	sadd.s32 s0, s3;
	s0 =	sld [smem:$0x3FAA]  }
0x30: {  	s3 =	sld [smem:$0x3FAD]  }
0x31: {  	[smem:$0x3FB6] =	sst s10  }
0x32: {  	s10 =	sld [smem:$0x3FB4];
	_ =	sdelay $0x3  }
0x33: {  	p0 =	seq.s32 s10, $0x1;
	s10 =	sld [smem:$0x3FB6];
	_ =	sdelay $0x3  }
0x34: {  	[smem:$0x3FB6] =	sst s10  }
0x35: {  	s10 =	sld [smem:$0x3FB5];
	_ =	sdelay $0x3  }
0x36: {  	p1 =	seq.s32 s10, $0x1;
	s10 =	sld [smem:$0x3FB6];
	_ =	sdelay $0x3  }
0x37: {  	[smem:$0x3FB6] =	sst s10  }
0x38: {  	s10 =	sld [smem:$0x3FB7]  }
0x39: {  	_ = 	snop;
	(pc) =	sbr.ind lr, $3  }
0x3a: {  	_ = 	snop  }
0x3b: {  	_ = 	snop  }
0x3c: {  	p2 =	seq.s32 s10, $0x1;
	s10 =	sld [smem:$0x3FB6]  }
0x3d: {  	_ =	shalt  }
0x3e: {  	_ =	shalt  }
0x3f: {  	_ =	shalt  }
0x40: {  	_ =	shalt  }
0x41: {  	_ =	shalt  }
0x42: {  	_ =	shalt  }
0x43: {  	_ =	shalt  }
0x44: {  	_ =	shalt  }
0x45: {  	_ =	shalt  }
0x46: {  	_ =	shalt  }
0x47: {  	_ =	shalt  }
0x48: {  	_ =	shalt  }
0x49: {  	_ =	shalt  }
0x4a: {  	_ =	shalt  }
0x4b: {  	_ =	shalt  }
0x4c: {  	_ =	shalt  }
0x4d: {  	_ =	shalt  }
0x4e: {  	_ =	shalt  }
0x4f: {  	_ =	shalt  }
0x50: {  	_ =	shalt  }
0x51: {  	_ =	shalt  }
0x52: {  	_ =	shalt  }
0x53: {  	_ =	shalt  }
0x54: {  	_ =	shalt  }
0x55: {  	_ =	shalt  }
0x56: {  	_ =	shalt  }
0x57: {  	_ =	shalt  }
0x58: {  	_ =	shalt  }
0x59: {  	_ =	shalt  }
0x5a: {  	_ =	shalt  }
0x5b: {  	_ =	shalt  }
0x5c: {  	_ =	shalt  }
0x5d: {  	_ =	shalt  }
0x5e: {  	_ =	shalt  }
0x5f: {  	_ =	shalt  }
0x60: {  	_ =	shalt  }
0x61: {  	_ =	shalt  }
0x62: {  	_ =	shalt  }
0x63: {  	_ =	shalt  }
0x64: {  	_ =	shalt  }
0x65: {  	_ =	shalt  }
0x66: {  	_ =	shalt  }
0x67: {  	_ =	shalt  }
0x68: {  	_ =	shalt  }
0x69: {  	_ =	shalt  }
0x6a: {  	_ =	shalt  }
0x6b: {  	_ =	shalt  }
0x6c: {  	_ =	shalt  }
0x6d: {  	_ =	shalt  }
0x6e: {  	_ =	shalt  }
0x6f: {  	_ =	shalt  }
0x70: {  	_ =	shalt  }
0x71: {  	_ =	shalt  }
0x72: {  	_ =	shalt  }
0x73: {  	_ =	shalt  }
0x74: {  	_ =	shalt  }
0x75: {  	_ =	shalt  }
0x76: {  	_ =	shalt  }
0x77: {  	_ =	shalt  }
0x78: {  	_ =	shalt  }
0x79: {  	_ =	shalt  }
0x7a: {  	_ =	shalt  }
0x7b: {  	_ =	shalt  }
0x7c: {  	_ =	shalt  }
0x7d: {  	_ =	shalt  }
0x7e: {  	_ =	shalt  }
0x7f: {  	_ =	shalt  }
0x80: {  	_ =	shalt  }
0x81: {  	_ =	shalt  }
0x82: {  	_ =	shalt  }
0x83: {  	_ =	shalt  }
0x84: {  	_ =	shalt  }
0x85: {  	_ =	shalt  }
0x86: {  	_ =	shalt  }
0x87: {  	_ =	shalt  }
.Lfunc_end0:
.L_simem_size_0:
called_computation.1_lowered:
.L_overlay_start_0:
0x88: {  	s2 =	sld [smem:$0x3FD9]  }
0x89: {  	s3 =	sld [smem:$0x3FFE];
	_ =	sdelay $0x1  }
0x8a: {  	s1 =	srdreg.scid  }
0x8b: {  	s0 =	sand.u32 $0x1, s1  }
0x8c: {  	s17 =	sshll.u32 s0, $0xA;
	s2 =	sadd.s32 s3, s2  }
0x8d: {  	s2 =	sadd.s32 s2, s17  }
0x8e: {  	[smem:$0x3FC2] =	sst s2  }
0x8f: {  	_ = 	snop  }
0x90: {  	s2 =	sld [smem:$0x3FD0];
	(tm) =	ssettm $0x1  }
0x91: {  	s18 =	sld [smem:$0x3FFB];
	_ =	sdelay $0x3  }
0x92: {  	_ =	strace s18  }
0x93: {  	s3 =	sld [smem:$0x3FFC];
	_ =	sdelay $0x3  }
0x94: {  	_ =	strace s3  }
0x95: {  	s3 =	sld [smem:$0x3FFD];
	_ =	sdelay $0x3  }
0x96: {  	_ =	strace s3  }
0x97: {  	_ =	strace $0x8FFFFFFF  }
0x98: {  	s19 =	sld [smem:$0x3FDB];
	_ =	sdelay $0x1  }
0x99: {  	s4 =	simm.s32 $_scs_section_size  }
0x9a: {  	s5 =	simm.s32 $_size__tile_overlayer_lowered;
	s6 =	simm.s32 $_tile_overlayer_lowered  }
0x9b: {  	s22 =	simm.s32 $0x1BFF;
	s21 =	sshll.u32 s6, $0x1;
	s3 =	sadd.s32 s4, s19  }
0x9c: {  	s7 =	simm.s32 $0x0;
	s20 =	sshll.u32 s5, $0x1;
	s5 =	sadd.s32 s21, s3  }
0x9d: {  	[timem:s7], [sflag:s22] =	dma.local [hbm:s5], s20  }
0x9e: {  	_ =	swait.ge [sflag:s22], s20  }
0x9f: {  	s4 =	ssub.s32 $0x0, s20;
	[sflag:s22] =	ssyncset.done $0x0  }
0xa0: {  	[sflag:s22] =	ssyncadd.s32 s4;
	_ =	sdelay $0x1  }
0xa1: {  	s23 =	simm.s32 $0x1B8B  }
0xa2: {  	_ =	swait.ge [sflag:s23], $0x1  }
0xa3: {  	[sflag:s23] =	ssyncset.done $0x0  }
0xa4: {  	s25 =	simm.s32 $0x1B8E;
	s24 =	sld [smem:$0x3FFE];
	[sflag:s23] =	ssyncadd.s32 $0xFFFFFFFF  }
0xa5: {  	s26 =	simm.s32 $execute0_lowered;
	[smem:$0x3FD2] =	sst s25  }
0xa6: {  	s5 =	sshll.u32 s26, $0x1;
	_ =	strace $0x80000049;
	[dreg:$0x1] =	wrdreg $0xFFFFFFFF  }
0xa7: {  	s28 =	simm.s32 $_size_execute0_lowered;
	s3 =	sadd.s32 s3, s5;
	[dreg:$0x0] =	wrdreg $0x0  }
0xa8: {  	s5 =	sshll.u32 s28, $0x1;
	[dreg:$0x2] =	wrdreg s3  }
0xa9: {  	[dreg:$0x3] =	wrdreg s5  }
0xaa: {  	[dreg:$0x4] =	wrdreg $0xC0  }
0xab: {  	_ =	task [dreg:s7], $0x5FFFF  }
0xac: {  	[dreg:$0x1] =	wrdreg $0xFFFFFFFF  }
0xad: {  	[dreg:$0x0] =	wrdreg $0x60  }
0xae: {  	[dreg:$0x2] =	wrdreg s24  }
0xaf: {  	[dreg:$0x3] =	wrdreg s2  }
0xb0: {  	[dreg:$0x4] =	wrdreg $0x0  }
0xb1: {  	[dreg:$0x5] =	wrdreg $0x9  }
0xb2: {  	_ =	task.clear_ibuf [dreg:s7], $0x6FFFF;
	_ =	strace $0x90000049  }
0xb3: {  	s29 =	simm.s32 $0x9;
	_ =	strace $0x8000004B  }
0xb4: {  	_ =	swait.ge [sflag:s29], $0x1  }
0xb5: {  	[sflag:s29] =	ssyncadd.s32 $0xFFFFFFFF  }
0xb6: {  	_ =	strace $0x9000004B  }
0xb7: {  	_ =	sfence  }
0xb8: {  	s30 =	sld [smem:$0x0];
	_ =	sdelay $0x2  }
0xb9: {  	s31 =	sshll.u32 s1, $0xD;
	s1 =	sshrl.u32 s1, $0x2  }
0xba: {  	s3 =	sand.u32 $0x4000, s31;
	s1 =	sadd.s32 s1, s30  }
0xbb: {  	s0 =	sor.u32 s3, s0;
	s1 =	sshll.u32 s1, $0x11  }
0xbc: {  	s0 =	sor.u32 s1, s0  }
0xbd: {  	s0 =	sadd.s32 $0x8F2B, s0  }
0xbe: {  	[sflag:s0] =	ssyncadd.remote.s32 $0x1  }
0xbf: {  	_ =	sfence.sel $0xFFFF  }
0xc0: {  	[dreg:$0x0] =	wrdreg $0xFFFFFFFF;
	(pc) =	sbr.abs _section_cstart, $3  }
0xc1: {  	[dreg:$0x1] =	wrdreg $0xFFFFFFFF  }
0xc2: {  	_ =	task.clear_ibuf [dreg:s7], $0x2FFFF;
	_ =	strace $0x9FFFFFFF  }
0xc3: {  	(tm) =	ssettm $0x7FFFFFFF  }
tec
execute0_lowered:
.L_overlay_start_1:
0x0: {  	(tag) =	ssettag $0x1  }
0x1: {  	s0 =	rddreg [dreg:$0x0]  }
0x2: {  	s3 =	rddreg [dreg:$0x2];
	s4 =	simm.s32 $0x0  }
0x3: {  	s12 =	stileid.u32;
	s2 =	srdreg.scid;
	s28 =	simm.s32 $0x18400  }
0x4: {  	s29 =	simm.s32 $0x6;
	s31 =	simm.s32 $0x80;
	s1 =	smul.u32 $0xA00, s12  }
0x5: {  	[smem:$0x7FF] =	sst s4;
	s5 =	sadd.s32 $0xC800, s0;
	s9 =	smul.u32 $0x280, s12  }
0x6: {  	s2 =	sand.u32 $0x1, s2;
	s6 =	sadd.s32 $0x33A00, s0;
	s11 =	smul.u32 $0x50000, s12  }
0x7: {  	s23 =	smul.u32 $0x2800, s12;
	_ =	strace $0x8000004A;
	s7 =	ssub.s32 $0x2, s2  }
0x8: {  	p0 =	seq.s32 s2, $0x1;
	s2 =	simm.s32 $0x2;
	s1 =	sadd.s32 s1, s0  }
0x9: {  	s0 =	sadd.s32 $0x5AC00, s0;
	s10 =	sshrl.u32 s7, $0x1;
	s14 =	sadd.s32 $0x80, s9  }
0xa: {  	s15 =	sshrl.u32 s11, $0x2;
	s17 =	sadd.s32 $0x100, s9;
	s11 =	sadd.s32 $0x180, s9  }
0xb: {  	s9 =	sadd.s32 $0x200, s9;
	[dreg:$0xa] =	wrdreg s23;
	s23 =	simm.s32 $0x14380  }
0xc: {  	[dreg:$0x4] =	wrdreg s0;
	s0 =	ssub.s32 s7, s10;
	s8 =	sadd.s32 $0x2800, s1  }
0xd: {  	s10 =	sadd.s32 $0x2820, s1;
	s13 =	sadd.s32 $0x2840, s1;
	s1 =	sadd.s32 $0x2860, s1  }
0xe: {  	s16 =	sshll.u32 s14, $0x7;
	s18 =	sshll.u32 s17, $0x7;
	s19 =	sshll.u32 s11, $0x7  }
0xf: {  	s24 =	sshll.u32 s14, $0x4;
	s25 =	sshll.u32 s11, $0x4;
	[dreg:$0x5] =	wrdreg s10  }
0x10: {  	s26 =	sshll.u32 s9, $0x4;
	s7 =	simm.s32 $0x14080;
	[dreg:$0x6] =	wrdreg s13  }
0x11: {  	s11 =	simm.s32 $0x14180;
	[dreg:$0x7] =	wrdreg s1;
	s13 =	sadd.s32 s15, s3  }
0x12: {  	s21 =	sadd.s32 s16, s3;
	s22 =	sadd.s32 s18, s3;
	[dreg:$0xb] =	wrdreg s24  }
0x13: {  	s16 =	sshll.u32 s9, $0x7;
	s30 =	sadd.s32 s19, s3;
	[dreg:$0xd] =	wrdreg s25  }
0x14: {  	s1 =	sshll.u32 s17, $0x4;
	[dreg:$0xe] =	wrdreg s26;
	s0 =	smax.u32 s0, $0x1  }
.Ltmp0:
0x15: {  	s24 =	simm.s32 $0x14100;
	s25 =	simm.s32 $0x14200;
	(pc) =	sbr.rel .LBB2_1-.Ltmp0, $4  }
0x16: {  	s26 =	simm.s32 $0x14300;
	s9 =	simm.s32 $0x7;
	[dreg:$0xc] =	wrdreg s1  }
0x17: {  	s10 =	simm.s32 $0x3;
	s17 =	simm.s32 $0x4;
	[dreg:$0xf] =	wrdreg s0  }
0x18: {  	s18 =	simm.s32 $0x0;
	s20 =	sadd.s32 s16, s3;
	[dreg:$0x8] =	wrdreg s13  }
0x19: {  	v0 =	vimm.f32 $0.0e+00;
	s0 =	simm.s32 $0x14400;
	s1 =	simm.s32 $0x5;
	[dreg:$0x9] =	wrdreg s20  }
.LBB2_10:
0x1a: {  	s19 =	rddreg [dreg:$0x4]  }
0x1b: {  	s13 =	rddreg [dreg:$0x8]  }
0x1c: {  	s21 =	smov.u32 s15;
	s22 =	smov.u32 s16;
	s30 =	smov.u32 s14  }
.LBB2_11:
0x1d: {  	[bflag:$0x0] =	sbarrier.arrive $0xFFFF  }
0x1e: {  	[tilespmem:s0], [sflag:$0x5] =	stream.linear.gather [spmem:s13], $0x4000, $0x38;
	[tilespmem:$0x1C400] =	vst v63  }
0x1f: {  	_ =	swait.ge [sflag:s1], $0x4000  }
0x20: {  	[sflag:s1] =	ssyncset.done $0x0  }
0x21: {  	s12 =	rddreg [dreg:$0xa];
	[sflag:s1] =	ssyncadd.s32 $0xFFFFC000  }
0x22: {  	[tilespmem:s28], [sflag:$0x6] =	stream.linear.gather [spmem:s21], $0x4000, $0x38;
	[tilespmem:$0x1C400] =	vst v63  }
0x23: {  	s12 =	sadd.s32 s19, s12  }
0x24: {  	[hbm4b:s12+s4] =	stream.linear.scatter [tilespmem:s0], [sflag:$0x7], $0x4000, $0x38;
	[tilespmem:$0x1C400] =	vst v63  }
0x25: {  	_ =	swait.ge [sflag:s9], $0x4000  }
0x26: {  	[sflag:s9] =	ssyncset.done $0x0  }
0x27: {  	[sflag:s9] =	ssyncadd.s32 $0xFFFFC000  }
0x28: {  	_ =	swait.ge [sflag:s29], $0x4000  }
0x29: {  	[sflag:s29] =	ssyncset.done $0x0  }
0x2a: {  	s16 =	rddreg [dreg:$0xb];
	[sflag:s29] =	ssyncadd.s32 $0xFFFFC000  }
0x2b: {  	[tilespmem:s0], [sflag:$0x5] =	stream.linear.gather [spmem:s22], $0x4000, $0x38;
	[tilespmem:$0x1C400] =	vst v63  }
0x2c: {  	s12 =	sadd.s32 s19, s16  }
0x2d: {  	[hbm4b:s12+s4] =	stream.linear.scatter [tilespmem:s28], [sflag:$0x7], $0x4000, $0x38;
	[tilespmem:$0x1C400] =	vst v63  }
0x2e: {  	_ =	swait.ge [sflag:s9], $0x4000  }
0x2f: {  	[sflag:s9] =	ssyncset.done $0x0  }
0x30: {  	[sflag:s9] =	ssyncadd.s32 $0xFFFFC000  }
0x31: {  	_ =	swait.ge [sflag:s1], $0x4000  }
0x32: {  	[sflag:s1] =	ssyncset.done $0x0  }
0x33: {  	s20 =	rddreg [dreg:$0xc];
	[sflag:s1] =	ssyncadd.s32 $0xFFFFC000  }
0x34: {  	[tilespmem:s28], [sflag:$0x6] =	stream.linear.gather [spmem:s30], $0x4000, $0x38;
	[tilespmem:$0x1C400] =	vst v63  }
0x35: {  	s12 =	sadd.s32 s19, s20  }
0x36: {  	[hbm4b:s12+s4] =	stream.linear.scatter [tilespmem:s0], [sflag:$0x7], $0x4000, $0x38;
	[tilespmem:$0x1C400] =	vst v63  }
0x37: {  	_ =	swait.ge [sflag:s9], $0x4000  }
0x38: {  	[sflag:s9] =	ssyncset.done $0x0  }
0x39: {  	[sflag:s9] =	ssyncadd.s32 $0xFFFFC000  }
0x3a: {  	_ =	swait.ge [sflag:s29], $0x4000  }
0x3b: {  	[sflag:s29] =	ssyncset.done $0x0;
	s14 =	rddreg [dreg:$0x9]  }
0x3c: {  	s15 =	rddreg [dreg:$0xd];
	[sflag:s29] =	ssyncadd.s32 $0xFFFFC000  }
0x3d: {  	[tilespmem:s0], [sflag:$0x5] =	stream.linear.gather [spmem:s14], $0x4000, $0x38;
	[tilespmem:$0x1C400] =	vst v63  }
0x3e: {  	s12 =	sadd.s32 s19, s15  }
0x3f: {  	[hbm4b:s12+s4] =	stream.linear.scatter [tilespmem:s28], [sflag:$0x7], $0x4000, $0x38;
	[tilespmem:$0x1C400] =	vst v63  }
0x40: {  	_ =	swait.ge [sflag:s9], $0x4000  }
0x41: {  	[sflag:s9] =	ssyncset.done $0x0  }
0x42: {  	[sflag:s9] =	ssyncadd.s32 $0xFFFFC000  }
0x43: {  	_ =	swait.ge [sflag:s1], $0x4000  }
0x44: {  	[sflag:s1] =	ssyncset.done $0x0;
	s16 =	rddreg [dreg:$0xe]  }
0x45: {  	s12 =	sadd.s32 s19, s16;
	[sflag:s1] =	ssyncadd.s32 $0xFFFFC000  }
0x46: {  	[hbm4b:s12+s4] =	stream.linear.scatter [tilespmem:s0], [sflag:$0x7], $0x4000, $0x38;
	[tilespmem:$0x1C400] =	vst v63  }
0x47: {  	_ =	swait.ge [sflag:s9], $0x4000  }
0x48: {  	s18 =	sadd.s32 $0x1, s18;
	s20 =	rddreg [dreg:$0xf]  }
0x49: {  	p1 =	sne.s32 s18, s20  }
.Ltmp1:
0x4a: {  	_ = 	snop;
	(pc) =	sbr.rel @!p1 .LBB2_12-.Ltmp1, $3  }
0x4b: {  	_ =	sdelay $0x1  }
0x4c: {  	[sflag:s9] =	ssyncset.done $0x0  }
0x4d: {  	[sflag:s9] =	ssyncadd.s32 $0xFFFFC000  }
.LBB2_1:
0x4e: {  	s12 =	simm.s32 $0x14000  }
0x4f: {  	[tilespmem:s12], [sflag:$0x1] =	stream.linear.gather [hbm4b:s8+s4], $0x100, $0x38;
	[tilespmem:$0x1C400] =	vst v63  }
0x50: {  	s16 =	rddreg [dreg:$0x5]  }
0x51: {  	[tilespmem:s24], [sflag:$0x2] =	stream.linear.gather [hbm4b:s16+s4], $0x100, $0x38;
	[tilespmem:$0x1C400] =	vst v63  }
0x52: {  	s19 =	rddreg [dreg:$0x6]  }
0x53: {  	[tilespmem:s25], [sflag:$0x3] =	stream.linear.gather [hbm4b:s19+s4], $0x100, $0x38;
	[tilespmem:$0x1C400] =	vst v63  }
0x54: {  	s20 =	rddreg [dreg:$0x7]  }
0x55: {  	[tilespmem:s26], [sflag:$0x4] =	stream.linear.gather [hbm4b:s20+s4], $0x100, $0x38;
	[tilespmem:$0x1C400] =	vst v63  }
0x56: {  	s19 =	simm.s32 $0x0;
	s20 =	simm.s32 $0x200  }
.LBB2_2:
0x57: {  	p1 =	sne.s32 s20, $0xFE00;
	[tilespmem:s19+$0x18470] =	vst v0  }
0x58: {  	[tilespmem:s19+$0x18400] =	vst v0  }
0x59: {  	[tilespmem:s19+$0x18410] =	vst v0  }
.Ltmp2:
0x5a: {  	[tilespmem:s19+$0x18420] =	vst v0;
	(pc) =	sbr.rel @p1 .LBB2_2-.Ltmp2, $4  }
0x5b: {  	[tilespmem:s19+$0x18430] =	vst v0  }
0x5c: {  	[tilespmem:s19+$0x18440] =	vst v0  }
0x5d: {  	[tilespmem:s19+$0x18450] =	vst v0  }
0x5e: {  	[tilespmem:s19+$0x18460] =	vst v0;
	s19 =	sshra.s32 s20, $0x2;
	s20 =	sadd.s32 $0x200, s20  }
0x5f: {  	[tilespmem:s19+$0x18470] =	vst v0  }
0x60: {  	[tilespmem:s19+$0x18400] =	vst v0  }
0x61: {  	[tilespmem:s19+$0x18410] =	vst v0  }
0x62: {  	[tilespmem:s19+$0x18420] =	vst v0  }
0x63: {  	[tilespmem:s19+$0x18430] =	vst v0  }
0x64: {  	[tilespmem:s19+$0x18440] =	vst v0  }
0x65: {  	[tilespmem:s19+$0x18450] =	vst v0  }
0x66: {  	[tilespmem:s19+$0x18460] =	vst v0  }
0x67: {  	[spmem:s13] =	stream.linear.scatter [tilespmem:s28], [sflag:$0x6], $0x4000, $0x38;
	[tilespmem:$0x1C400] =	vst v63  }
0x68: {  	_ = 	snop  }
0x69: {  	[spmem:s21] =	stream.linear.scatter [tilespmem:s28], [sflag:$0x6], $0x4000, $0x38;
	[tilespmem:$0x1C400] =	vst v63  }
0x6a: {  	_ = 	snop  }
0x6b: {  	[spmem:s22] =	stream.linear.scatter [tilespmem:s28], [sflag:$0x6], $0x4000, $0x38;
	[tilespmem:$0x1C400] =	vst v63  }
0x6c: {  	_ = 	snop  }
0x6d: {  	[spmem:s30] =	stream.linear.scatter [tilespmem:s28], [sflag:$0x6], $0x4000, $0x38;
	[tilespmem:$0x1C400] =	vst v63  }
0x6e: {  	s12 =	rddreg [dreg:$0x9]  }
0x6f: {  	[spmem:s12] =	stream.linear.scatter [tilespmem:s28], [sflag:$0x6], $0x4000, $0x38;
	[tilespmem:$0x1C400] =	vst v63  }
0x70: {  	_ =	swait.ge [sflag:s29], $0x4000  }
0x71: {  	[sflag:s29] =	ssyncset.done $0x0  }
0x72: {  	[sflag:s29] =	ssyncadd.s32 $0xFFFFC000  }
0x73: {  	_ =	swait.ge [sflag:s29], $0x4000  }
0x74: {  	[sflag:s29] =	ssyncset.done $0x0  }
0x75: {  	[sflag:s29] =	ssyncadd.s32 $0xFFFFC000  }
0x76: {  	_ =	swait.ge [sflag:s29], $0x4000  }
0x77: {  	[sflag:s29] =	ssyncset.done $0x0  }
0x78: {  	[sflag:s29] =	ssyncadd.s32 $0xFFFFC000  }
0x79: {  	_ =	swait.ge [sflag:s29], $0x4000  }
0x7a: {  	[sflag:s29] =	ssyncset.done $0x0  }
0x7b: {  	[sflag:s29] =	ssyncadd.s32 $0xFFFFC000  }
0x7c: {  	_ =	swait.ge [sflag:s29], $0x4000  }
0x7d: {  	[sflag:s29] =	ssyncset.done $0x0  }
.Ltmp3:
0x7e: {  	[sflag:s29] =	ssyncadd.s32 $0xFFFFC000;
	(pc) =	sbr.rel @!p0 .LBB2_4-.Ltmp3, $4  }
0x7f: {  	s14 =	smov.u32 s30;
	s30 =	simm.s32 $0x1;
	[bflag:$0x0] =	sbarrier.arrive $0xFFFF  }
0x80: {  	_ =	swait.ge [sflag:s30], $0x100  }
0x81: {  	s15 =	smov.u32 s21;
	[sflag:s30] =	ssyncset.done $0x0  }
0x82: {  	s16 =	smov.u32 s22;
	s12 =	simm.s32 $0x14000;
	[sflag:s30] =	ssyncadd.s32 $0xFFFFFF00  }
0x83: {  	[tilespmem:s0], [sflag:$0x5] =	stream.indirect.gather [hbm4b:s6+s31], $0x80, s12, s31, $0xb8;
	[tilespmem:$0x1C400] =	vst v63  }
0x84: {  	_ =	swait.ge [sflag:s2], $0x100  }
0x85: {  	[sflag:s2] =	ssyncset.done $0x0  }
0x86: {  	s19 =	simm.s32 $0xFFFFF680;
	[sflag:s2] =	ssyncadd.s32 $0xFFFFFF00  }
0x87: {  	[tilespmem:s28], [sflag:$0x6] =	stream.indirect.gather [hbm4b:s6+s31], $0x80, s24, s31, $0xb8;
	[tilespmem:$0x1C400] =	vst v63  }
.LBB2_9:
0x88: {  	_ =	swait.ge [sflag:s1], $0x4000  }
0x89: {  	[sflag:s1] =	ssyncset.done $0x0  }
0x8a: {  	[sflag:s1] =	ssyncadd.s32 $0xFFFFC000  }
0x8b: {  	[spmem:s3] =	stream.indirect.scatter.add.f32 [tilespmem:s0], [sflag:$0x7], $0x80, s7, s31, $0xb8;
	[tilespmem:$0x1C400] =	vst v63  }
0x8c: {  	_ =	swait.ge [sflag:s9], $0x4000  }
0x8d: {  	[sflag:s9] =	ssyncset.done $0x0  }
0x8e: {  	[sflag:s9] =	ssyncadd.s32 $0xFFFFC000  }
0x8f: {  	_ =	swait.ge [sflag:s10], $0x100  }
0x90: {  	p1 =	seq.s32 s19, $0x0;
	[sflag:s10] =	ssyncset.done $0x0  }
0x91: {  	s12 =	sadd.s32 @!p1 s19, s8;
	[sflag:s10] =	ssyncadd.s32 $0xFFFFFF00  }
0x92: {  	[tilespmem:s0], [sflag:$0x5] =	stream.indirect.gather [hbm4b:s6+s31], $0x80, s25, s31, $0xb8;
	[tilespmem:$0x1C400] =	vst v63  }
0x93: {  	s20 =	simm.s32 @!p1 $0x0;
	s21 =	simm.s32 @!p1 $0x14000;
	s13 =	sadd.s32 @!p1 $0xA00, s12  }
0x94: {  	[tilespmem:s21], [sflag:$0x1] =	stream.linear.gather @!p1 [hbm4b:s13+s20], $0x100, $0x38;
	[tilespmem:$0x1C400] =	vst v63  }
0x95: {  	_ =	swait.ge [sflag:s29], $0x4000  }
0x96: {  	[sflag:s29] =	ssyncset.done $0x0  }
0x97: {  	[sflag:s29] =	ssyncadd.s32 $0xFFFFC000  }
0x98: {  	[spmem:s3] =	stream.indirect.scatter.add.f32 [tilespmem:s28], [sflag:$0x7], $0x80, s11, s31, $0xb8;
	[tilespmem:$0x1C400] =	vst v63  }
0x99: {  	_ =	swait.ge [sflag:s9], $0x4000  }
0x9a: {  	[sflag:s9] =	ssyncset.done $0x0  }
0x9b: {  	[sflag:s9] =	ssyncadd.s32 $0xFFFFC000  }
0x9c: {  	_ =	swait.ge [sflag:s17], $0x100  }
0x9d: {  	[sflag:s17] =	ssyncset.done $0x0  }
0x9e: {  	s13 =	simm.s32 @p1 $0x5;
	[sflag:s17] =	ssyncadd.s32 $0xFFFFFF00  }
0x9f: {  	[tilespmem:s28], [sflag:$0x6] =	stream.indirect.gather [hbm4b:s6+s31], $0x80, s26, s31, $0xb8;
	[tilespmem:$0x1C400] =	vst v63  }
0xa0: {  	_ =	swait.ge @p1 [sflag:s13], $0x4000  }
0xa1: {  	s22 =	simm.s32 @p1 $0x14280;
	[sflag:s13] =	ssyncset.done @p1 $0x0  }
0xa2: {  	s30 =	simm.s32 @p1 $0x14400;
	[sflag:s13] =	ssyncadd.s32 @p1 $0xFFFFC000;
	s13 =	simm.s32 @p1 $0x80  }
0xa3: {  	[spmem:s3] =	stream.indirect.scatter.add.f32 @p1 [tilespmem:s30], [sflag:$0x7], $0x80, s22, s13, $0xb8;
	[tilespmem:$0x1C400] =	vst v63  }
0xa4: {  	s13 =	simm.s32 @p1 $0x7  }
0xa5: {  	_ =	swait.ge @p1 [sflag:s13], $0x4000  }
0xa6: {  	[sflag:s13] =	ssyncset.done @p1 $0x0  }
0xa7: {  	s22 =	simm.s32 @!p1 $0x14100;
	[sflag:s13] =	ssyncadd.s32 @p1 $0xFFFFC000;
	s13 =	sadd.s32 @!p1 $0xA20, s12  }
0xa8: {  	[tilespmem:s22], [sflag:$0x2] =	stream.linear.gather @!p1 [hbm4b:s13+s20], $0x100, $0x38;
	[tilespmem:$0x1C400] =	vst v63  }
0xa9: {  	s13 =	simm.s32 @!p1 $0x5  }
0xaa: {  	_ =	swait.ge @!p1 [sflag:s13], $0x4000  }
0xab: {  	s30 =	simm.s32 @!p1 $0x14400;
	[sflag:s13] =	ssyncset.done @!p1 $0x0  }
0xac: {  	s22 =	simm.s32 @!p1 $0x14280;
	[sflag:s13] =	ssyncadd.s32 @!p1 $0xFFFFC000;
	s13 =	simm.s32 @!p1 $0x80  }
0xad: {  	[spmem:s3] =	stream.indirect.scatter.add.f32 @!p1 [tilespmem:s30], [sflag:$0x7], $0x80, s22, s13, $0xb8;
	[tilespmem:$0x1C400] =	vst v63  }
0xae: {  	s22 =	simm.s32 @!p1 $0x7  }
0xaf: {  	_ =	swait.ge @!p1 [sflag:s22], $0x4000  }
0xb0: {  	[sflag:s22] =	ssyncset.done @!p1 $0x0  }
0xb1: {  	[sflag:s22] =	ssyncadd.s32 @!p1 $0xFFFFC000;
	s22 =	simm.s32 @!p1 $0x1  }
0xb2: {  	_ =	swait.ge @!p1 [sflag:s22], $0x100  }
0xb3: {  	[sflag:s22] =	ssyncset.done @!p1 $0x0  }
0xb4: {  	[sflag:s22] =	ssyncadd.s32 @!p1 $0xFFFFFF00  }
0xb5: {  	[tilespmem:s30], [sflag:$0x5] =	stream.indirect.gather @!p1 [hbm4b:s6+s13], $0x80, s21, s13, $0xb8;
	[tilespmem:$0x1C400] =	vst v63  }
0xb6: {  	s12 =	sadd.s32 @!p1 $0xA40, s12;
	s13 =	simm.s32 @!p1 $0x14200  }
0xb7: {  	[tilespmem:s13], [sflag:$0x3] =	stream.linear.gather @!p1 [hbm4b:s12+s20], $0x100, $0x38;
	[tilespmem:$0x1C400] =	vst v63  }
0xb8: {  	_ =	swait.ge [sflag:s29], $0x4000  }
0xb9: {  	[sflag:s29] =	ssyncset.done $0x0  }
.Ltmp4:
0xba: {  	[sflag:s29] =	ssyncadd.s32 $0xFFFFC000;
	(pc) =	sbr.rel @p1 .LBB2_10-.Ltmp4, $4  }
0xbb: {  	[spmem:s3] =	stream.indirect.scatter.add.f32 [tilespmem:s28], [sflag:$0x7], $0x80, s23, s31, $0xb8;
	[tilespmem:$0x1C400] =	vst v63  }
0xbc: {  	_ =	swait.ge [sflag:s9], $0x4000  }
0xbd: {  	[sflag:s9] =	ssyncset.done $0x0  }
0xbe: {  	[sflag:s9] =	ssyncadd.s32 $0xFFFFC000  }
0xbf: {  	_ =	swait.ge [sflag:s2], $0x100  }
.Ltmp5:
0xc0: {  	[sflag:s2] =	ssyncset.done $0x0;
	(pc) =	sbr.rel .LBB2_9-.Ltmp5, $4  }
0xc1: {  	s12 =	sadd.s32 s19, s8;
	[sflag:s2] =	ssyncadd.s32 $0xFFFFFF00  }
0xc2: {  	[tilespmem:s28], [sflag:$0x6] =	stream.indirect.gather [hbm4b:s6+s31], $0x80, s24, s31, $0xb8;
	[tilespmem:$0x1C400] =	vst v63  }
0xc3: {  	s19 =	sadd.s32 $0x80, s19;
	s12 =	sadd.s32 $0xA60, s12  }
0xc4: {  	[tilespmem:s26], [sflag:$0x4] =	stream.linear.gather [hbm4b:s12+s4], $0x100, $0x38;
	[tilespmem:$0x1C400] =	vst v63  }
.LBB2_4:
0xc5: {  	[tilespmem:s0], [sflag:$0x5] =	stream.indirect.gather [hbm4b:s5+s31], $0x80, s12, s31, $0xb8;
	[tilespmem:$0x1C400] =	vst v63  }
0xc6: {  	_ =	swait.ge [sflag:s2], $0x100  }
0xc7: {  	[sflag:s2] =	ssyncset.done $0x0  }
0xc8: {  	s19 =	simm.s32 $0xFFFFF680;
	[sflag:s2] =	ssyncadd.s32 $0xFFFFFF00  }
0xc9: {  	[tilespmem:s28], [sflag:$0x6] =	stream.indirect.gather [hbm4b:s5+s31], $0x80, s24, s31, $0xb8;
	[tilespmem:$0x1C400] =	vst v63  }
.LBB2_5:
0xca: {  	_ =	swait.ge [sflag:s1], $0x4000  }
0xcb: {  	[sflag:s1] =	ssyncset.done $0x0  }
0xcc: {  	[sflag:s1] =	ssyncadd.s32 $0xFFFFC000  }
0xcd: {  	[spmem:s3] =	stream.indirect.scatter.add.f32 [tilespmem:s0], [sflag:$0x7], $0x80, s7, s31, $0xb8;
	[tilespmem:$0x1C400] =	vst v63  }
0xce: {  	_ =	swait.ge [sflag:s9], $0x4000  }
0xcf: {  	[sflag:s9] =	ssyncset.done $0x0  }
0xd0: {  	[sflag:s9] =	ssyncadd.s32 $0xFFFFC000  }
0xd1: {  	_ =	swait.ge [sflag:s10], $0x100  }
0xd2: {  	p1 =	seq.s32 s19, $0x0;
	[sflag:s10] =	ssyncset.done $0x0  }
0xd3: {  	s20 =	sadd.s32 @!p1 s19, s8;
	[sflag:s10] =	ssyncadd.s32 $0xFFFFFF00  }
0xd4: {  	[tilespmem:s0], [sflag:$0x5] =	stream.indirect.gather [hbm4b:s5+s31], $0x80, s25, s31, $0xb8;
	[tilespmem:$0x1C400] =	vst v63  }
0xd5: {  	s22 =	simm.s32 @!p1 $0x0;
	s30 =	simm.s32 @!p1 $0x14000;
	s21 =	sadd.s32 @!p1 $0xA00, s20  }
0xd6: {  	[tilespmem:s30], [sflag:$0x1] =	stream.linear.gather @!p1 [hbm4b:s21+s22], $0x100, $0x38;
	[tilespmem:$0x1C400] =	vst v63  }
0xd7: {  	_ =	swait.ge [sflag:s29], $0x4000  }
0xd8: {  	[sflag:s29] =	ssyncset.done $0x0  }
0xd9: {  	[sflag:s29] =	ssyncadd.s32 $0xFFFFC000  }
0xda: {  	[spmem:s3] =	stream.indirect.scatter.add.f32 [tilespmem:s28], [sflag:$0x7], $0x80, s11, s31, $0xb8;
	[tilespmem:$0x1C400] =	vst v63  }
0xdb: {  	_ =	swait.ge [sflag:s9], $0x4000  }
0xdc: {  	[sflag:s9] =	ssyncset.done $0x0  }
0xdd: {  	[sflag:s9] =	ssyncadd.s32 $0xFFFFC000  }
0xde: {  	_ =	swait.ge [sflag:s17], $0x100  }
0xdf: {  	[sflag:s17] =	ssyncset.done $0x0  }
0xe0: {  	s21 =	simm.s32 @p1 $0x5;
	[sflag:s17] =	ssyncadd.s32 $0xFFFFFF00  }
0xe1: {  	[tilespmem:s28], [sflag:$0x6] =	stream.indirect.gather [hbm4b:s5+s31], $0x80, s26, s31, $0xb8;
	[tilespmem:$0x1C400] =	vst v63  }
0xe2: {  	_ =	swait.ge @p1 [sflag:s21], $0x4000  }
0xe3: {  	s12 =	simm.s32 @p1 $0x14280;
	[sflag:s21] =	ssyncset.done @p1 $0x0  }
0xe4: {  	s13 =	simm.s32 @p1 $0x14400;
	[sflag:s21] =	ssyncadd.s32 @p1 $0xFFFFC000;
	s21 =	simm.s32 @p1 $0x80  }
0xe5: {  	[spmem:s3] =	stream.indirect.scatter.add.f32 @p1 [tilespmem:s13], [sflag:$0x7], $0x80, s12, s21, $0xb8;
	[tilespmem:$0x1C400] =	vst v63  }
0xe6: {  	s12 =	simm.s32 @p1 $0x7  }
0xe7: {  	_ =	swait.ge @p1 [sflag:s12], $0x4000  }
0xe8: {  	[sflag:s12] =	ssyncset.done @p1 $0x0  }
0xe9: {  	s13 =	simm.s32 @!p1 $0x14100;
	[sflag:s12] =	ssyncadd.s32 @p1 $0xFFFFC000;
	s12 =	sadd.s32 @!p1 $0xA20, s20  }
0xea: {  	[tilespmem:s13], [sflag:$0x2] =	stream.linear.gather @!p1 [hbm4b:s12+s22], $0x100, $0x38;
	[tilespmem:$0x1C400] =	vst v63  }
0xeb: {  	s12 =	simm.s32 @!p1 $0x5  }
0xec: {  	_ =	swait.ge @!p1 [sflag:s12], $0x4000  }
0xed: {  	s21 =	simm.s32 @!p1 $0x14400;
	[sflag:s12] =	ssyncset.done @!p1 $0x0  }
0xee: {  	s13 =	simm.s32 @!p1 $0x14280;
	[sflag:s12] =	ssyncadd.s32 @!p1 $0xFFFFC000;
	s12 =	simm.s32 @!p1 $0x80  }
0xef: {  	[spmem:s3] =	stream.indirect.scatter.add.f32 @!p1 [tilespmem:s21], [sflag:$0x7], $0x80, s13, s12, $0xb8;
	[tilespmem:$0x1C400] =	vst v63  }
0xf0: {  	s13 =	simm.s32 @!p1 $0x7  }
0xf1: {  	_ =	swait.ge @!p1 [sflag:s13], $0x4000  }
0xf2: {  	[sflag:s13] =	ssyncset.done @!p1 $0x0  }
0xf3: {  	[sflag:s13] =	ssyncadd.s32 @!p1 $0xFFFFC000;
	s13 =	simm.s32 @!p1 $0x1  }
0xf4: {  	_ =	swait.ge @!p1 [sflag:s13], $0x100  }
0xf5: {  	[sflag:s13] =	ssyncset.done @!p1 $0x0  }
0xf6: {  	[sflag:s13] =	ssyncadd.s32 @!p1 $0xFFFFFF00  }
0xf7: {  	[tilespmem:s21], [sflag:$0x5] =	stream.indirect.gather @!p1 [hbm4b:s5+s12], $0x80, s30, s12, $0xb8;
	[tilespmem:$0x1C400] =	vst v63  }
0xf8: {  	s13 =	simm.s32 @!p1 $0x14200;
	s12 =	sadd.s32 @!p1 $0xA40, s20  }
0xf9: {  	[tilespmem:s13], [sflag:$0x3] =	stream.linear.gather @!p1 [hbm4b:s12+s22], $0x100, $0x38;
	[tilespmem:$0x1C400] =	vst v63  }
0xfa: {  	_ =	swait.ge [sflag:s29], $0x4000  }
0xfb: {  	[sflag:s29] =	ssyncset.done $0x0  }
.Ltmp6:
0xfc: {  	[sflag:s29] =	ssyncadd.s32 $0xFFFFC000;
	(pc) =	sbr.rel @p1 .LBB2_6-.Ltmp6, $4  }
0xfd: {  	[spmem:s3] =	stream.indirect.scatter.add.f32 [tilespmem:s28], [sflag:$0x7], $0x80, s23, s31, $0xb8;
	[tilespmem:$0x1C400] =	vst v63  }
0xfe: {  	_ =	swait.ge [sflag:s9], $0x4000  }
0xff: {  	[sflag:s9] =	ssyncset.done $0x0  }
0x100: {  	[sflag:s9] =	ssyncadd.s32 $0xFFFFC000  }
0x101: {  	_ =	swait.ge [sflag:s2], $0x100  }
.Ltmp7:
0x102: {  	[sflag:s2] =	ssyncset.done $0x0;
	(pc) =	sbr.rel .LBB2_5-.Ltmp7, $4  }
0x103: {  	s12 =	sadd.s32 s19, s8;
	[sflag:s2] =	ssyncadd.s32 $0xFFFFFF00  }
0x104: {  	[tilespmem:s28], [sflag:$0x6] =	stream.indirect.gather [hbm4b:s5+s31], $0x80, s24, s31, $0xb8;
	[tilespmem:$0x1C400] =	vst v63  }
0x105: {  	s19 =	sadd.s32 $0x80, s19;
	s12 =	sadd.s32 $0xA60, s12  }
0x106: {  	[tilespmem:s26], [sflag:$0x4] =	stream.linear.gather [hbm4b:s12+s4], $0x100, $0x38;
	[tilespmem:$0x1C400] =	vst v63  }
.LBB2_6:
.Ltmp8:
0x107: {  	(pc) =	sbr.rel .LBB2_11-.Ltmp8, $4  }
0x108: {  	_ = 	snop  }
0x109: {  	s19 =	rddreg [dreg:$0x1]  }
0x10a: {  	s13 =	rddreg [dreg:$0x8]  }
0x10b: {  	s21 =	smov.u32 s15;
	s22 =	smov.u32 s16;
	s30 =	smov.u32 s14  }
.LBB2_12:
0x10c: {  	_ =	sfence.sel $0x180000  }
0x10d: {  	[bflag:$0x0] =	sbarrier.arrive $0xFFFF  }
0x10e: {  	_ =	strace $0x9000004A  }
0x10f: {  	s0 =	stileid.u32;
	[bflag:$0x2] =	sbarrier.arrive $0xFFFF  }
0x110: {  	p0 =	sne.s32 s0, $0x0;
	s0 =	rddreg [dreg:$0x3]  }
0x111: {  	s0 =	sadd.s32 @!p0 $0x100000, s0  }
0x112: {  	[sflag:s0] =	ssyncadd.tile.s32 @!p0 $0x1;
	_ =	shalt  }
.Lfunc_end2:
_tile_overlayer_lowered:
.L_overlay_start_2:
0x113: {  	(tag) =	ssettag $0x2  }
0x114: {  	s0 =	rddreg [dreg:$0x0];
	s2 =	stileid.u32  }
0x115: {  	s1 =	rddreg [dreg:$0x1];
	p0 =	sne.s32 s2, $0x0  }
0x116: {  	s3 =	rddreg [dreg:$0x2];
	[bflag:$0x3] =	sbarrier.arrive $0xFFFF;
	s2 =	simm.s32 @!p0 $0x1C07  }
0x117: {  	[timem:s3], [sflag:s2] =	dma.local @!p0 [hbm:s0], s1  }
0x118: {  	s0 =	simm.s32 @!p0 $0x7  }
0x119: {  	_ =	swait.ge @!p0 [sflag:s0], s1  }
0x11a: {  	s1 =	ssub.s32 @!p0 $0x0, s1;
	[sflag:s0] =	ssyncset.done @!p0 $0x0  }
0x11b: {  	[sflag:s0] =	ssyncadd.s32 @!p0 s1  }
0x11c: {  	[bflag:$0x3] =	sbarrier.arrive $0xFFFF  }
0x11d: {  	_ =	shalt  }

// kernel: kernel.7.cloned.1.call-start
scs
__scs_entry_jumppad:
0x0: {  	(pc) =	sbr.rel $0x88, $3  }
0x1: {  	(tag) =	ssettag $0x0;
	lr =	simm.s32 $0x1  }
0x2: {  	[smem:$0x3F9B] =	sst lr;
	_ =	strace $0xD0000000  }
0x3: {  	_ = 	snop  }
0x4: {  	_ = 	snop  }
0x5: {  	_ = 	snop  }
0x6: {  	_ = 	snop  }
0x7: {  	_ = 	snop  }
__scs_overlays_trampoline_lowered:
0x8: {  	[smem:$0x3FAA] =	sst s0  }
0x9: {  	[smem:$0x3FAB] =	sst s1  }
0xa: {  	[smem:$0x3FAC] =	sst s2  }
0xb: {  	[smem:$0x3FAD] =	sst s3  }
0xc: {  	[smem:$0x3FAE] =	sst s4  }
0xd: {  	[smem:$0x3FAF] =	sst s5  }
0xe: {  	[smem:$0x3FB0] =	sst s6  }
0xf: {  	[smem:$0x3FB1] =	sst s7  }
0x10: {  	[smem:$0x3FB2] =	sst s8  }
0x11: {  	[smem:$0x3FB3] =	sst s9;
	s0 =	simm.s32 @!p0 $0x0  }
0x12: {  	s1 =	sld [smem:$0x3F99];
	s0 =	simm.s32 @p0 $0x1  }
0x13: {  	[smem:$0x3FB4] =	sst s0;
	s0 =	simm.s32 @!p1 $0x0  }
0x14: {  	s2 =	sld [smem:$0x3F98];
	s0 =	simm.s32 @p1 $0x1  }
0x15: {  	[smem:$0x3FB5] =	sst s0;
	s0 =	simm.s32 @!p2 $0x0  }
0x16: {  	s3 =	sld [smem:$0x3FDB];
	s0 =	simm.s32 @p2 $0x1  }
0x17: {  	s4 =	simm.s32 $0x1BF5;
	[smem:$0x3FB7] =	sst s0  }
0x18: {  	s0 =	sld [smem:$0x3F9A];
	_ =	swait.ge [sflag:s4], $0x0  }
0x19: {  	s7 =	sld [smem:$0x3F9B]  }
0x1a: {  	s8 =	sadd.s32 $0xFFFFE003, lr  }
0x1b: {  	s9 =	sadd.s32 $0xFFFFFEF7, lr;
	s5 =	simm.s32 $0xFFFFFFFF;
	p2 =	slt.u32 s8, $0xFFFFF086  }
0x1c: {  	p1 =	slt.u32 s9, $0xF7A;
	s5 =	simm.s32 @!p2 $0x0  }
0x1d: {  	s5 =	simm.s32 @p1 $0x1;
	p0 =	seq.s32 s7, s2  }
0x1e: {  	s7 =	smul.u32 @!p0 $0xF7A, s2;
	p2 =	seq.s32 @!p0 s5, $0x0  }
0x1f: {  	s9 =	smul.u32 $0xF7A, s1;
	s8 =	simm.s32 @!p0 $0x1BF5;
	p2 =	por !p2, p0  }
0x20: {  	[sflag:s8] =	ssyncset.s32 @!p0 $0xFFFFF086;
	s6 =	sadd.s32 @!p0 s3, s7;
	s7 =	simm.s32 @!p0 $0x108  }
0x21: {  	s3 =	sadd.s32 s3, s9;
	s6 =	sadd.s32 @!p0 $0x88, s6;
	s7 =	simm.s32 @p2 $0x1082  }
0x22: {  	[simem:s7], [sflag:s8] =	dma.local @!p0 [hbm:s6], $0xF7A  }
0x23: {  	s9 =	sor.u32 $0xD0000000, s2;
	s6 =	simm.s32 $0x108;
	_ =	swait.ge @!p0 [sflag:s8], $0x0  }
0x24: {  	s3 =	sadd.s32 $0x88, s3;
	s6 =	simm.s32 @!p1 $0x1082;
	[sflag:s4] =	ssyncset.s32 $0xFFFFF086  }
0x25: {  	[simem:s6], [sflag:s4] =	dma.local [hbm:s3], $0xF7A  }
0x26: {  	[smem:$0x3F9B] =	sst s1;
	(tag) =	ssettag s2;
	_ =	strace s9  }
0x27: {  	s1 =	sld [smem:$0x3FAB]  }
0x28: {  	s2 =	sld [smem:$0x3FAC]  }
0x29: {  	s4 =	sld [smem:$0x3FAE]  }
0x2a: {  	p0 =	seq.s32 s5, $0x0;
	s5 =	sld [smem:$0x3FAF]  }
0x2b: {  	s6 =	sld [smem:$0x3FB0]  }
0x2c: {  	s7 =	sld [smem:$0x3FB1]  }
0x2d: {  	s3 =	simm.s32 $0x108;
	s8 =	sld [smem:$0x3FB2]  }
0x2e: {  	s3 =	simm.s32 @!p0 $0x1082;
	s9 =	sld [smem:$0x3FB3]  }
0x2f: {  	lr =	sadd.s32 s0, s3;
	s0 =	sld [smem:$0x3FAA]  }
0x30: {  	s3 =	sld [smem:$0x3FAD]  }
0x31: {  	[smem:$0x3FB6] =	sst s10  }
0x32: {  	s10 =	sld [smem:$0x3FB4];
	_ =	sdelay $0x3  }
0x33: {  	p0 =	seq.s32 s10, $0x1;
	s10 =	sld [smem:$0x3FB6];
	_ =	sdelay $0x3  }
0x34: {  	[smem:$0x3FB6] =	sst s10  }
0x35: {  	s10 =	sld [smem:$0x3FB5];
	_ =	sdelay $0x3  }
0x36: {  	p1 =	seq.s32 s10, $0x1;
	s10 =	sld [smem:$0x3FB6];
	_ =	sdelay $0x3  }
0x37: {  	[smem:$0x3FB6] =	sst s10  }
0x38: {  	s10 =	sld [smem:$0x3FB7]  }
0x39: {  	_ = 	snop;
	(pc) =	sbr.ind lr, $3  }
0x3a: {  	_ = 	snop  }
0x3b: {  	_ = 	snop  }
0x3c: {  	p2 =	seq.s32 s10, $0x1;
	s10 =	sld [smem:$0x3FB6]  }
0x3d: {  	_ =	shalt  }
0x3e: {  	_ =	shalt  }
0x3f: {  	_ =	shalt  }
0x40: {  	_ =	shalt  }
0x41: {  	_ =	shalt  }
0x42: {  	_ =	shalt  }
0x43: {  	_ =	shalt  }
0x44: {  	_ =	shalt  }
0x45: {  	_ =	shalt  }
0x46: {  	_ =	shalt  }
0x47: {  	_ =	shalt  }
0x48: {  	_ =	shalt  }
0x49: {  	_ =	shalt  }
0x4a: {  	_ =	shalt  }
0x4b: {  	_ =	shalt  }
0x4c: {  	_ =	shalt  }
0x4d: {  	_ =	shalt  }
0x4e: {  	_ =	shalt  }
0x4f: {  	_ =	shalt  }
0x50: {  	_ =	shalt  }
0x51: {  	_ =	shalt  }
0x52: {  	_ =	shalt  }
0x53: {  	_ =	shalt  }
0x54: {  	_ =	shalt  }
0x55: {  	_ =	shalt  }
0x56: {  	_ =	shalt  }
0x57: {  	_ =	shalt  }
0x58: {  	_ =	shalt  }
0x59: {  	_ =	shalt  }
0x5a: {  	_ =	shalt  }
0x5b: {  	_ =	shalt  }
0x5c: {  	_ =	shalt  }
0x5d: {  	_ =	shalt  }
0x5e: {  	_ =	shalt  }
0x5f: {  	_ =	shalt  }
0x60: {  	_ =	shalt  }
0x61: {  	_ =	shalt  }
0x62: {  	_ =	shalt  }
0x63: {  	_ =	shalt  }
0x64: {  	_ =	shalt  }
0x65: {  	_ =	shalt  }
0x66: {  	_ =	shalt  }
0x67: {  	_ =	shalt  }
0x68: {  	_ =	shalt  }
0x69: {  	_ =	shalt  }
0x6a: {  	_ =	shalt  }
0x6b: {  	_ =	shalt  }
0x6c: {  	_ =	shalt  }
0x6d: {  	_ =	shalt  }
0x6e: {  	_ =	shalt  }
0x6f: {  	_ =	shalt  }
0x70: {  	_ =	shalt  }
0x71: {  	_ =	shalt  }
0x72: {  	_ =	shalt  }
0x73: {  	_ =	shalt  }
0x74: {  	_ =	shalt  }
0x75: {  	_ =	shalt  }
0x76: {  	_ =	shalt  }
0x77: {  	_ =	shalt  }
0x78: {  	_ =	shalt  }
0x79: {  	_ =	shalt  }
0x7a: {  	_ =	shalt  }
0x7b: {  	_ =	shalt  }
0x7c: {  	_ =	shalt  }
0x7d: {  	_ =	shalt  }
0x7e: {  	_ =	shalt  }
0x7f: {  	_ =	shalt  }
0x80: {  	_ =	shalt  }
0x81: {  	_ =	shalt  }
0x82: {  	_ =	shalt  }
0x83: {  	_ =	shalt  }
0x84: {  	_ =	shalt  }
0x85: {  	_ =	shalt  }
0x86: {  	_ =	shalt  }
0x87: {  	_ =	shalt  }
.Lfunc_end0:
.L_simem_size_0:
called_computation_lowered:
.L_overlay_start_0:
0x88: {  	s2 =	sld [smem:$0x3FD9]  }
0x89: {  	s3 =	sld [smem:$0x3FFE];
	_ =	sdelay $0x1  }
0x8a: {  	s1 =	srdreg.scid  }
0x8b: {  	s0 =	sand.u32 $0x1, s1  }
0x8c: {  	s17 =	sshll.u32 s0, $0xA;
	s2 =	sadd.s32 s3, s2  }
0x8d: {  	s2 =	sadd.s32 s2, s17  }
0x8e: {  	[smem:$0x3FC2] =	sst s2  }
0x8f: {  	_ = 	snop  }
0x90: {  	s2 =	sld [smem:$0x3FD0];
	(tm) =	ssettm $0x1  }
0x91: {  	s18 =	sld [smem:$0x3FFB];
	_ =	sdelay $0x3  }
0x92: {  	_ =	strace s18  }
0x93: {  	s3 =	sld [smem:$0x3FFC];
	_ =	sdelay $0x3  }
0x94: {  	_ =	strace s3  }
0x95: {  	s3 =	sld [smem:$0x3FFD];
	_ =	sdelay $0x3  }
0x96: {  	_ =	strace s3  }
0x97: {  	_ =	strace $0x8FFFFFFF  }
0x98: {  	s19 =	sld [smem:$0x3FDB];
	_ =	sdelay $0x1  }
0x99: {  	s4 =	simm.s32 $_scs_section_size  }
0x9a: {  	s5 =	simm.s32 $_size__tile_overlayer_lowered;
	s6 =	simm.s32 $_tile_overlayer_lowered  }
0x9b: {  	s22 =	simm.s32 $0x1BFF;
	s21 =	sshll.u32 s6, $0x1;
	s3 =	sadd.s32 s4, s19  }
0x9c: {  	s7 =	simm.s32 $0x0;
	s20 =	sshll.u32 s5, $0x1;
	s5 =	sadd.s32 s21, s3  }
0x9d: {  	[timem:s7], [sflag:s22] =	dma.local [hbm:s5], s20  }
0x9e: {  	_ =	swait.ge [sflag:s22], s20  }
0x9f: {  	s4 =	ssub.s32 $0x0, s20;
	[sflag:s22] =	ssyncset.done $0x0  }
0xa0: {  	[sflag:s22] =	ssyncadd.s32 s4;
	_ =	sdelay $0x1  }
0xa1: {  	s23 =	simm.s32 $0x1B8B  }
0xa2: {  	_ =	swait.ge [sflag:s23], $0x1  }
0xa3: {  	[sflag:s23] =	ssyncset.done $0x0  }
0xa4: {  	s25 =	simm.s32 $0x1B8E;
	s24 =	sld [smem:$0x3FFE];
	[sflag:s23] =	ssyncadd.s32 $0xFFFFFFFF  }
0xa5: {  	s26 =	simm.s32 $execute0_lowered;
	[smem:$0x3FD2] =	sst s25  }
0xa6: {  	s5 =	sshll.u32 s26, $0x1;
	_ =	strace $0x80000046;
	[dreg:$0x1] =	wrdreg $0xFFFFFFFF  }
0xa7: {  	s28 =	simm.s32 $_size_execute0_lowered;
	s3 =	sadd.s32 s3, s5;
	[dreg:$0x0] =	wrdreg $0x0  }
0xa8: {  	s5 =	sshll.u32 s28, $0x1;
	[dreg:$0x2] =	wrdreg s3  }
0xa9: {  	[dreg:$0x3] =	wrdreg s5  }
0xaa: {  	[dreg:$0x4] =	wrdreg $0xC0  }
0xab: {  	_ =	task [dreg:s7], $0x5FFFF  }
0xac: {  	[dreg:$0x1] =	wrdreg $0xFFFFFFFF  }
0xad: {  	[dreg:$0x0] =	wrdreg $0x60  }
0xae: {  	[dreg:$0x2] =	wrdreg s24  }
0xaf: {  	[dreg:$0x3] =	wrdreg s2  }
0xb0: {  	[dreg:$0x4] =	wrdreg $0x0  }
0xb1: {  	[dreg:$0x5] =	wrdreg $0x9  }
0xb2: {  	_ =	task.clear_ibuf [dreg:s7], $0x6FFFF;
	_ =	strace $0x90000046  }
0xb3: {  	s29 =	simm.s32 $0x9;
	_ =	strace $0x80000048  }
0xb4: {  	_ =	swait.ge [sflag:s29], $0x1  }
0xb5: {  	[sflag:s29] =	ssyncadd.s32 $0xFFFFFFFF  }
0xb6: {  	_ =	strace $0x90000048  }
0xb7: {  	_ =	sfence  }
0xb8: {  	s30 =	sld [smem:$0x0];
	_ =	sdelay $0x2  }
0xb9: {  	s31 =	sshll.u32 s1, $0xD;
	s1 =	sshrl.u32 s1, $0x2  }
0xba: {  	s3 =	sand.u32 $0x4000, s31;
	s1 =	sadd.s32 s1, s30  }
0xbb: {  	s0 =	sor.u32 s3, s0;
	s1 =	sshll.u32 s1, $0x11  }
0xbc: {  	s0 =	sor.u32 s1, s0  }
0xbd: {  	s0 =	sadd.s32 $0x8F2B, s0  }
0xbe: {  	[sflag:s0] =	ssyncadd.remote.s32 $0x1  }
0xbf: {  	_ =	sfence.sel $0xFFFF  }
0xc0: {  	[dreg:$0x0] =	wrdreg $0xFFFFFFFF;
	(pc) =	sbr.abs _section_cstart, $3  }
0xc1: {  	[dreg:$0x1] =	wrdreg $0xFFFFFFFF  }
0xc2: {  	_ =	task.clear_ibuf [dreg:s7], $0x2FFFF;
	_ =	strace $0x9FFFFFFF  }
0xc3: {  	(tm) =	ssettm $0x7FFFFFFF  }
tec
execute0_lowered:
.L_overlay_start_1:
0x0: {  	(tag) =	ssettag $0x1  }
0x1: {  	s0 =	rddreg [dreg:$0x0]  }
0x2: {  	s3 =	rddreg [dreg:$0x2];
	s4 =	simm.s32 $0x0  }
0x3: {  	s12 =	stileid.u32;
	s2 =	srdreg.scid;
	s28 =	simm.s32 $0x18400  }
0x4: {  	s29 =	simm.s32 $0x6;
	s31 =	simm.s32 $0x80;
	s1 =	smul.u32 $0xA00, s12  }
0x5: {  	[smem:$0x7FF] =	sst s4;
	s5 =	sadd.s32 $0xC800, s0;
	s9 =	smul.u32 $0x280, s12  }
0x6: {  	s2 =	sand.u32 $0x1, s2;
	s6 =	sadd.s32 $0x33A00, s0;
	s11 =	smul.u32 $0x50000, s12  }
0x7: {  	s23 =	smul.u32 $0x2800, s12;
	_ =	strace $0x80000047;
	s7 =	ssub.s32 $0x2, s2  }
0x8: {  	p0 =	seq.s32 s2, $0x1;
	s2 =	simm.s32 $0x2;
	s1 =	sadd.s32 s1, s0  }
0x9: {  	s0 =	sadd.s32 $0x5AC00, s0;
	s10 =	sshrl.u32 s7, $0x1;
	s14 =	sadd.s32 $0x80, s9  }
0xa: {  	s15 =	sshrl.u32 s11, $0x2;
	s17 =	sadd.s32 $0x100, s9;
	s11 =	sadd.s32 $0x180, s9  }
0xb: {  	s9 =	sadd.s32 $0x200, s9;
	[dreg:$0xa] =	wrdreg s23;
	s23 =	simm.s32 $0x14380  }
0xc: {  	[dreg:$0x4] =	wrdreg s0;
	s0 =	ssub.s32 s7, s10;
	s8 =	sadd.s32 $0x2800, s1  }
0xd: {  	s10 =	sadd.s32 $0x2820, s1;
	s13 =	sadd.s32 $0x2840, s1;
	s1 =	sadd.s32 $0x2860, s1  }
0xe: {  	s16 =	sshll.u32 s14, $0x7;
	s18 =	sshll.u32 s17, $0x7;
	s19 =	sshll.u32 s11, $0x7  }
0xf: {  	s24 =	sshll.u32 s14, $0x4;
	s25 =	sshll.u32 s11, $0x4;
	[dreg:$0x5] =	wrdreg s10  }
0x10: {  	s26 =	sshll.u32 s9, $0x4;
	s7 =	simm.s32 $0x14080;
	[dreg:$0x6] =	wrdreg s13  }
0x11: {  	s11 =	simm.s32 $0x14180;
	[dreg:$0x7] =	wrdreg s1;
	s13 =	sadd.s32 s15, s3  }
0x12: {  	s21 =	sadd.s32 s16, s3;
	s22 =	sadd.s32 s18, s3;
	[dreg:$0xb] =	wrdreg s24  }
0x13: {  	s16 =	sshll.u32 s9, $0x7;
	s30 =	sadd.s32 s19, s3;
	[dreg:$0xd] =	wrdreg s25  }
0x14: {  	s1 =	sshll.u32 s17, $0x4;
	[dreg:$0xe] =	wrdreg s26;
	s0 =	smax.u32 s0, $0x1  }
.Ltmp0:
0x15: {  	s24 =	simm.s32 $0x14100;
	s25 =	simm.s32 $0x14200;
	(pc) =	sbr.rel .LBB2_1-.Ltmp0, $4  }
0x16: {  	s26 =	simm.s32 $0x14300;
	s9 =	simm.s32 $0x7;
	[dreg:$0xc] =	wrdreg s1  }
0x17: {  	s10 =	simm.s32 $0x3;
	s17 =	simm.s32 $0x4;
	[dreg:$0xf] =	wrdreg s0  }
0x18: {  	s18 =	simm.s32 $0x0;
	s20 =	sadd.s32 s16, s3;
	[dreg:$0x8] =	wrdreg s13  }
0x19: {  	v0 =	vimm.f32 $0.0e+00;
	s0 =	simm.s32 $0x14400;
	s1 =	simm.s32 $0x5;
	[dreg:$0x9] =	wrdreg s20  }
.LBB2_10:
0x1a: {  	s19 =	rddreg [dreg:$0x4]  }
0x1b: {  	s13 =	rddreg [dreg:$0x8]  }
0x1c: {  	s21 =	smov.u32 s15;
	s22 =	smov.u32 s16;
	s30 =	smov.u32 s14  }
.LBB2_11:
0x1d: {  	[bflag:$0x0] =	sbarrier.arrive $0xFFFF  }
0x1e: {  	[tilespmem:s0], [sflag:$0x5] =	stream.linear.gather [spmem:s13], $0x4000, $0x38;
	[tilespmem:$0x1C400] =	vst v63  }
0x1f: {  	_ =	swait.ge [sflag:s1], $0x4000  }
0x20: {  	[sflag:s1] =	ssyncset.done $0x0  }
0x21: {  	s12 =	rddreg [dreg:$0xa];
	[sflag:s1] =	ssyncadd.s32 $0xFFFFC000  }
0x22: {  	[tilespmem:s28], [sflag:$0x6] =	stream.linear.gather [spmem:s21], $0x4000, $0x38;
	[tilespmem:$0x1C400] =	vst v63  }
0x23: {  	s12 =	sadd.s32 s19, s12  }
0x24: {  	[hbm4b:s12+s4] =	stream.linear.scatter [tilespmem:s0], [sflag:$0x7], $0x4000, $0x38;
	[tilespmem:$0x1C400] =	vst v63  }
0x25: {  	_ =	swait.ge [sflag:s9], $0x4000  }
0x26: {  	[sflag:s9] =	ssyncset.done $0x0  }
0x27: {  	[sflag:s9] =	ssyncadd.s32 $0xFFFFC000  }
0x28: {  	_ =	swait.ge [sflag:s29], $0x4000  }
0x29: {  	[sflag:s29] =	ssyncset.done $0x0  }
0x2a: {  	s16 =	rddreg [dreg:$0xb];
	[sflag:s29] =	ssyncadd.s32 $0xFFFFC000  }
0x2b: {  	[tilespmem:s0], [sflag:$0x5] =	stream.linear.gather [spmem:s22], $0x4000, $0x38;
	[tilespmem:$0x1C400] =	vst v63  }
0x2c: {  	s12 =	sadd.s32 s19, s16  }
0x2d: {  	[hbm4b:s12+s4] =	stream.linear.scatter [tilespmem:s28], [sflag:$0x7], $0x4000, $0x38;
	[tilespmem:$0x1C400] =	vst v63  }
0x2e: {  	_ =	swait.ge [sflag:s9], $0x4000  }
0x2f: {  	[sflag:s9] =	ssyncset.done $0x0  }
0x30: {  	[sflag:s9] =	ssyncadd.s32 $0xFFFFC000  }
0x31: {  	_ =	swait.ge [sflag:s1], $0x4000  }
0x32: {  	[sflag:s1] =	ssyncset.done $0x0  }
0x33: {  	s20 =	rddreg [dreg:$0xc];
	[sflag:s1] =	ssyncadd.s32 $0xFFFFC000  }
0x34: {  	[tilespmem:s28], [sflag:$0x6] =	stream.linear.gather [spmem:s30], $0x4000, $0x38;
	[tilespmem:$0x1C400] =	vst v63  }
0x35: {  	s12 =	sadd.s32 s19, s20  }
0x36: {  	[hbm4b:s12+s4] =	stream.linear.scatter [tilespmem:s0], [sflag:$0x7], $0x4000, $0x38;
	[tilespmem:$0x1C400] =	vst v63  }
0x37: {  	_ =	swait.ge [sflag:s9], $0x4000  }
0x38: {  	[sflag:s9] =	ssyncset.done $0x0  }
0x39: {  	[sflag:s9] =	ssyncadd.s32 $0xFFFFC000  }
0x3a: {  	_ =	swait.ge [sflag:s29], $0x4000  }
0x3b: {  	[sflag:s29] =	ssyncset.done $0x0;
	s14 =	rddreg [dreg:$0x9]  }
0x3c: {  	s15 =	rddreg [dreg:$0xd];
	[sflag:s29] =	ssyncadd.s32 $0xFFFFC000  }
0x3d: {  	[tilespmem:s0], [sflag:$0x5] =	stream.linear.gather [spmem:s14], $0x4000, $0x38;
	[tilespmem:$0x1C400] =	vst v63  }
0x3e: {  	s12 =	sadd.s32 s19, s15  }
0x3f: {  	[hbm4b:s12+s4] =	stream.linear.scatter [tilespmem:s28], [sflag:$0x7], $0x4000, $0x38;
	[tilespmem:$0x1C400] =	vst v63  }
0x40: {  	_ =	swait.ge [sflag:s9], $0x4000  }
0x41: {  	[sflag:s9] =	ssyncset.done $0x0  }
0x42: {  	[sflag:s9] =	ssyncadd.s32 $0xFFFFC000  }
0x43: {  	_ =	swait.ge [sflag:s1], $0x4000  }
0x44: {  	[sflag:s1] =	ssyncset.done $0x0;
	s16 =	rddreg [dreg:$0xe]  }
0x45: {  	s12 =	sadd.s32 s19, s16;
	[sflag:s1] =	ssyncadd.s32 $0xFFFFC000  }
0x46: {  	[hbm4b:s12+s4] =	stream.linear.scatter [tilespmem:s0], [sflag:$0x7], $0x4000, $0x38;
	[tilespmem:$0x1C400] =	vst v63  }
0x47: {  	_ =	swait.ge [sflag:s9], $0x4000  }
0x48: {  	s18 =	sadd.s32 $0x1, s18;
	s20 =	rddreg [dreg:$0xf]  }
0x49: {  	p1 =	sne.s32 s18, s20  }
.Ltmp1:
0x4a: {  	_ = 	snop;
	(pc) =	sbr.rel @!p1 .LBB2_12-.Ltmp1, $3  }
0x4b: {  	_ =	sdelay $0x1  }
0x4c: {  	[sflag:s9] =	ssyncset.done $0x0  }
0x4d: {  	[sflag:s9] =	ssyncadd.s32 $0xFFFFC000  }
.LBB2_1:
0x4e: {  	s12 =	simm.s32 $0x14000  }
0x4f: {  	[tilespmem:s12], [sflag:$0x1] =	stream.linear.gather [hbm4b:s8+s4], $0x100, $0x38;
	[tilespmem:$0x1C400] =	vst v63  }
0x50: {  	s16 =	rddreg [dreg:$0x5]  }
0x51: {  	[tilespmem:s24], [sflag:$0x2] =	stream.linear.gather [hbm4b:s16+s4], $0x100, $0x38;
	[tilespmem:$0x1C400] =	vst v63  }
0x52: {  	s19 =	rddreg [dreg:$0x6]  }
0x53: {  	[tilespmem:s25], [sflag:$0x3] =	stream.linear.gather [hbm4b:s19+s4], $0x100, $0x38;
	[tilespmem:$0x1C400] =	vst v63  }
0x54: {  	s20 =	rddreg [dreg:$0x7]  }
0x55: {  	[tilespmem:s26], [sflag:$0x4] =	stream.linear.gather [hbm4b:s20+s4], $0x100, $0x38;
	[tilespmem:$0x1C400] =	vst v63  }
0x56: {  	s19 =	simm.s32 $0x0;
	s20 =	simm.s32 $0x200  }
.LBB2_2:
0x57: {  	p1 =	sne.s32 s20, $0xFE00;
	[tilespmem:s19+$0x18470] =	vst v0  }
0x58: {  	[tilespmem:s19+$0x18400] =	vst v0  }
0x59: {  	[tilespmem:s19+$0x18410] =	vst v0  }
.Ltmp2:
0x5a: {  	[tilespmem:s19+$0x18420] =	vst v0;
	(pc) =	sbr.rel @p1 .LBB2_2-.Ltmp2, $4  }
0x5b: {  	[tilespmem:s19+$0x18430] =	vst v0  }
0x5c: {  	[tilespmem:s19+$0x18440] =	vst v0  }
0x5d: {  	[tilespmem:s19+$0x18450] =	vst v0  }
0x5e: {  	[tilespmem:s19+$0x18460] =	vst v0;
	s19 =	sshra.s32 s20, $0x2;
	s20 =	sadd.s32 $0x200, s20  }
0x5f: {  	[tilespmem:s19+$0x18470] =	vst v0  }
0x60: {  	[tilespmem:s19+$0x18400] =	vst v0  }
0x61: {  	[tilespmem:s19+$0x18410] =	vst v0  }
0x62: {  	[tilespmem:s19+$0x18420] =	vst v0  }
0x63: {  	[tilespmem:s19+$0x18430] =	vst v0  }
0x64: {  	[tilespmem:s19+$0x18440] =	vst v0  }
0x65: {  	[tilespmem:s19+$0x18450] =	vst v0  }
0x66: {  	[tilespmem:s19+$0x18460] =	vst v0  }
0x67: {  	[spmem:s13] =	stream.linear.scatter [tilespmem:s28], [sflag:$0x6], $0x4000, $0x38;
	[tilespmem:$0x1C400] =	vst v63  }
0x68: {  	_ = 	snop  }
0x69: {  	[spmem:s21] =	stream.linear.scatter [tilespmem:s28], [sflag:$0x6], $0x4000, $0x38;
	[tilespmem:$0x1C400] =	vst v63  }
0x6a: {  	_ = 	snop  }
0x6b: {  	[spmem:s22] =	stream.linear.scatter [tilespmem:s28], [sflag:$0x6], $0x4000, $0x38;
	[tilespmem:$0x1C400] =	vst v63  }
0x6c: {  	_ = 	snop  }
0x6d: {  	[spmem:s30] =	stream.linear.scatter [tilespmem:s28], [sflag:$0x6], $0x4000, $0x38;
	[tilespmem:$0x1C400] =	vst v63  }
0x6e: {  	s12 =	rddreg [dreg:$0x9]  }
0x6f: {  	[spmem:s12] =	stream.linear.scatter [tilespmem:s28], [sflag:$0x6], $0x4000, $0x38;
	[tilespmem:$0x1C400] =	vst v63  }
0x70: {  	_ =	swait.ge [sflag:s29], $0x4000  }
0x71: {  	[sflag:s29] =	ssyncset.done $0x0  }
0x72: {  	[sflag:s29] =	ssyncadd.s32 $0xFFFFC000  }
0x73: {  	_ =	swait.ge [sflag:s29], $0x4000  }
0x74: {  	[sflag:s29] =	ssyncset.done $0x0  }
0x75: {  	[sflag:s29] =	ssyncadd.s32 $0xFFFFC000  }
0x76: {  	_ =	swait.ge [sflag:s29], $0x4000  }
0x77: {  	[sflag:s29] =	ssyncset.done $0x0  }
0x78: {  	[sflag:s29] =	ssyncadd.s32 $0xFFFFC000  }
0x79: {  	_ =	swait.ge [sflag:s29], $0x4000  }
0x7a: {  	[sflag:s29] =	ssyncset.done $0x0  }
0x7b: {  	[sflag:s29] =	ssyncadd.s32 $0xFFFFC000  }
0x7c: {  	_ =	swait.ge [sflag:s29], $0x4000  }
0x7d: {  	[sflag:s29] =	ssyncset.done $0x0  }
.Ltmp3:
0x7e: {  	[sflag:s29] =	ssyncadd.s32 $0xFFFFC000;
	(pc) =	sbr.rel @!p0 .LBB2_4-.Ltmp3, $4  }
0x7f: {  	s14 =	smov.u32 s30;
	s30 =	simm.s32 $0x1;
	[bflag:$0x0] =	sbarrier.arrive $0xFFFF  }
0x80: {  	_ =	swait.ge [sflag:s30], $0x100  }
0x81: {  	s15 =	smov.u32 s21;
	[sflag:s30] =	ssyncset.done $0x0  }
0x82: {  	s16 =	smov.u32 s22;
	s12 =	simm.s32 $0x14000;
	[sflag:s30] =	ssyncadd.s32 $0xFFFFFF00  }
0x83: {  	[tilespmem:s0], [sflag:$0x5] =	stream.indirect.gather [hbm4b:s6+s31], $0x80, s12, s31, $0xb8;
	[tilespmem:$0x1C400] =	vst v63  }
0x84: {  	_ =	swait.ge [sflag:s2], $0x100  }
0x85: {  	[sflag:s2] =	ssyncset.done $0x0  }
0x86: {  	s19 =	simm.s32 $0xFFFFF680;
	[sflag:s2] =	ssyncadd.s32 $0xFFFFFF00  }
0x87: {  	[tilespmem:s28], [sflag:$0x6] =	stream.indirect.gather [hbm4b:s6+s31], $0x80, s24, s31, $0xb8;
	[tilespmem:$0x1C400] =	vst v63  }
.LBB2_9:
0x88: {  	_ =	swait.ge [sflag:s1], $0x4000  }
0x89: {  	[sflag:s1] =	ssyncset.done $0x0  }
0x8a: {  	[sflag:s1] =	ssyncadd.s32 $0xFFFFC000  }
0x8b: {  	[spmem:s3] =	stream.indirect.scatter.add.f32 [tilespmem:s0], [sflag:$0x7], $0x80, s7, s31, $0xb8;
	[tilespmem:$0x1C400] =	vst v63  }
0x8c: {  	_ =	swait.ge [sflag:s9], $0x4000  }
0x8d: {  	[sflag:s9] =	ssyncset.done $0x0  }
0x8e: {  	[sflag:s9] =	ssyncadd.s32 $0xFFFFC000  }
0x8f: {  	_ =	swait.ge [sflag:s10], $0x100  }
0x90: {  	p1 =	seq.s32 s19, $0x0;
	[sflag:s10] =	ssyncset.done $0x0  }
0x91: {  	s12 =	sadd.s32 @!p1 s19, s8;
	[sflag:s10] =	ssyncadd.s32 $0xFFFFFF00  }
0x92: {  	[tilespmem:s0], [sflag:$0x5] =	stream.indirect.gather [hbm4b:s6+s31], $0x80, s25, s31, $0xb8;
	[tilespmem:$0x1C400] =	vst v63  }
0x93: {  	s20 =	simm.s32 @!p1 $0x0;
	s21 =	simm.s32 @!p1 $0x14000;
	s13 =	sadd.s32 @!p1 $0xA00, s12  }
0x94: {  	[tilespmem:s21], [sflag:$0x1] =	stream.linear.gather @!p1 [hbm4b:s13+s20], $0x100, $0x38;
	[tilespmem:$0x1C400] =	vst v63  }
0x95: {  	_ =	swait.ge [sflag:s29], $0x4000  }
0x96: {  	[sflag:s29] =	ssyncset.done $0x0  }
0x97: {  	[sflag:s29] =	ssyncadd.s32 $0xFFFFC000  }
0x98: {  	[spmem:s3] =	stream.indirect.scatter.add.f32 [tilespmem:s28], [sflag:$0x7], $0x80, s11, s31, $0xb8;
	[tilespmem:$0x1C400] =	vst v63  }
0x99: {  	_ =	swait.ge [sflag:s9], $0x4000  }
0x9a: {  	[sflag:s9] =	ssyncset.done $0x0  }
0x9b: {  	[sflag:s9] =	ssyncadd.s32 $0xFFFFC000  }
0x9c: {  	_ =	swait.ge [sflag:s17], $0x100  }
0x9d: {  	[sflag:s17] =	ssyncset.done $0x0  }
0x9e: {  	s13 =	simm.s32 @p1 $0x5;
	[sflag:s17] =	ssyncadd.s32 $0xFFFFFF00  }
0x9f: {  	[tilespmem:s28], [sflag:$0x6] =	stream.indirect.gather [hbm4b:s6+s31], $0x80, s26, s31, $0xb8;
	[tilespmem:$0x1C400] =	vst v63  }
0xa0: {  	_ =	swait.ge @p1 [sflag:s13], $0x4000  }
0xa1: {  	s22 =	simm.s32 @p1 $0x14280;
	[sflag:s13] =	ssyncset.done @p1 $0x0  }
0xa2: {  	s30 =	simm.s32 @p1 $0x14400;
	[sflag:s13] =	ssyncadd.s32 @p1 $0xFFFFC000;
	s13 =	simm.s32 @p1 $0x80  }
0xa3: {  	[spmem:s3] =	stream.indirect.scatter.add.f32 @p1 [tilespmem:s30], [sflag:$0x7], $0x80, s22, s13, $0xb8;
	[tilespmem:$0x1C400] =	vst v63  }
0xa4: {  	s13 =	simm.s32 @p1 $0x7  }
0xa5: {  	_ =	swait.ge @p1 [sflag:s13], $0x4000  }
0xa6: {  	[sflag:s13] =	ssyncset.done @p1 $0x0  }
0xa7: {  	s22 =	simm.s32 @!p1 $0x14100;
	[sflag:s13] =	ssyncadd.s32 @p1 $0xFFFFC000;
	s13 =	sadd.s32 @!p1 $0xA20, s12  }
0xa8: {  	[tilespmem:s22], [sflag:$0x2] =	stream.linear.gather @!p1 [hbm4b:s13+s20], $0x100, $0x38;
	[tilespmem:$0x1C400] =	vst v63  }
0xa9: {  	s13 =	simm.s32 @!p1 $0x5  }
0xaa: {  	_ =	swait.ge @!p1 [sflag:s13], $0x4000  }
0xab: {  	s30 =	simm.s32 @!p1 $0x14400;
	[sflag:s13] =	ssyncset.done @!p1 $0x0  }
0xac: {  	s22 =	simm.s32 @!p1 $0x14280;
	[sflag:s13] =	ssyncadd.s32 @!p1 $0xFFFFC000;
	s13 =	simm.s32 @!p1 $0x80  }
0xad: {  	[spmem:s3] =	stream.indirect.scatter.add.f32 @!p1 [tilespmem:s30], [sflag:$0x7], $0x80, s22, s13, $0xb8;
	[tilespmem:$0x1C400] =	vst v63  }
0xae: {  	s22 =	simm.s32 @!p1 $0x7  }
0xaf: {  	_ =	swait.ge @!p1 [sflag:s22], $0x4000  }
0xb0: {  	[sflag:s22] =	ssyncset.done @!p1 $0x0  }
0xb1: {  	[sflag:s22] =	ssyncadd.s32 @!p1 $0xFFFFC000;
	s22 =	simm.s32 @!p1 $0x1  }
0xb2: {  	_ =	swait.ge @!p1 [sflag:s22], $0x100  }
0xb3: {  	[sflag:s22] =	ssyncset.done @!p1 $0x0  }
0xb4: {  	[sflag:s22] =	ssyncadd.s32 @!p1 $0xFFFFFF00  }
0xb5: {  	[tilespmem:s30], [sflag:$0x5] =	stream.indirect.gather @!p1 [hbm4b:s6+s13], $0x80, s21, s13, $0xb8;
	[tilespmem:$0x1C400] =	vst v63  }
0xb6: {  	s12 =	sadd.s32 @!p1 $0xA40, s12;
	s13 =	simm.s32 @!p1 $0x14200  }
0xb7: {  	[tilespmem:s13], [sflag:$0x3] =	stream.linear.gather @!p1 [hbm4b:s12+s20], $0x100, $0x38;
	[tilespmem:$0x1C400] =	vst v63  }
0xb8: {  	_ =	swait.ge [sflag:s29], $0x4000  }
0xb9: {  	[sflag:s29] =	ssyncset.done $0x0  }
.Ltmp4:
0xba: {  	[sflag:s29] =	ssyncadd.s32 $0xFFFFC000;
	(pc) =	sbr.rel @p1 .LBB2_10-.Ltmp4, $4  }
0xbb: {  	[spmem:s3] =	stream.indirect.scatter.add.f32 [tilespmem:s28], [sflag:$0x7], $0x80, s23, s31, $0xb8;
	[tilespmem:$0x1C400] =	vst v63  }
0xbc: {  	_ =	swait.ge [sflag:s9], $0x4000  }
0xbd: {  	[sflag:s9] =	ssyncset.done $0x0  }
0xbe: {  	[sflag:s9] =	ssyncadd.s32 $0xFFFFC000  }
0xbf: {  	_ =	swait.ge [sflag:s2], $0x100  }
.Ltmp5:
0xc0: {  	[sflag:s2] =	ssyncset.done $0x0;
	(pc) =	sbr.rel .LBB2_9-.Ltmp5, $4  }
0xc1: {  	s12 =	sadd.s32 s19, s8;
	[sflag:s2] =	ssyncadd.s32 $0xFFFFFF00  }
0xc2: {  	[tilespmem:s28], [sflag:$0x6] =	stream.indirect.gather [hbm4b:s6+s31], $0x80, s24, s31, $0xb8;
	[tilespmem:$0x1C400] =	vst v63  }
0xc3: {  	s19 =	sadd.s32 $0x80, s19;
	s12 =	sadd.s32 $0xA60, s12  }
0xc4: {  	[tilespmem:s26], [sflag:$0x4] =	stream.linear.gather [hbm4b:s12+s4], $0x100, $0x38;
	[tilespmem:$0x1C400] =	vst v63  }
.LBB2_4:
0xc5: {  	[tilespmem:s0], [sflag:$0x5] =	stream.indirect.gather [hbm4b:s5+s31], $0x80, s12, s31, $0xb8;
	[tilespmem:$0x1C400] =	vst v63  }
0xc6: {  	_ =	swait.ge [sflag:s2], $0x100  }
0xc7: {  	[sflag:s2] =	ssyncset.done $0x0  }
0xc8: {  	s19 =	simm.s32 $0xFFFFF680;
	[sflag:s2] =	ssyncadd.s32 $0xFFFFFF00  }
0xc9: {  	[tilespmem:s28], [sflag:$0x6] =	stream.indirect.gather [hbm4b:s5+s31], $0x80, s24, s31, $0xb8;
	[tilespmem:$0x1C400] =	vst v63  }
.LBB2_5:
0xca: {  	_ =	swait.ge [sflag:s1], $0x4000  }
0xcb: {  	[sflag:s1] =	ssyncset.done $0x0  }
0xcc: {  	[sflag:s1] =	ssyncadd.s32 $0xFFFFC000  }
0xcd: {  	[spmem:s3] =	stream.indirect.scatter.add.f32 [tilespmem:s0], [sflag:$0x7], $0x80, s7, s31, $0xb8;
	[tilespmem:$0x1C400] =	vst v63  }
0xce: {  	_ =	swait.ge [sflag:s9], $0x4000  }
0xcf: {  	[sflag:s9] =	ssyncset.done $0x0  }
0xd0: {  	[sflag:s9] =	ssyncadd.s32 $0xFFFFC000  }
0xd1: {  	_ =	swait.ge [sflag:s10], $0x100  }
0xd2: {  	p1 =	seq.s32 s19, $0x0;
	[sflag:s10] =	ssyncset.done $0x0  }
0xd3: {  	s20 =	sadd.s32 @!p1 s19, s8;
	[sflag:s10] =	ssyncadd.s32 $0xFFFFFF00  }
0xd4: {  	[tilespmem:s0], [sflag:$0x5] =	stream.indirect.gather [hbm4b:s5+s31], $0x80, s25, s31, $0xb8;
	[tilespmem:$0x1C400] =	vst v63  }
0xd5: {  	s22 =	simm.s32 @!p1 $0x0;
	s30 =	simm.s32 @!p1 $0x14000;
	s21 =	sadd.s32 @!p1 $0xA00, s20  }
0xd6: {  	[tilespmem:s30], [sflag:$0x1] =	stream.linear.gather @!p1 [hbm4b:s21+s22], $0x100, $0x38;
	[tilespmem:$0x1C400] =	vst v63  }
0xd7: {  	_ =	swait.ge [sflag:s29], $0x4000  }
0xd8: {  	[sflag:s29] =	ssyncset.done $0x0  }
0xd9: {  	[sflag:s29] =	ssyncadd.s32 $0xFFFFC000  }
0xda: {  	[spmem:s3] =	stream.indirect.scatter.add.f32 [tilespmem:s28], [sflag:$0x7], $0x80, s11, s31, $0xb8;
	[tilespmem:$0x1C400] =	vst v63  }
0xdb: {  	_ =	swait.ge [sflag:s9], $0x4000  }
0xdc: {  	[sflag:s9] =	ssyncset.done $0x0  }
0xdd: {  	[sflag:s9] =	ssyncadd.s32 $0xFFFFC000  }
0xde: {  	_ =	swait.ge [sflag:s17], $0x100  }
0xdf: {  	[sflag:s17] =	ssyncset.done $0x0  }
0xe0: {  	s21 =	simm.s32 @p1 $0x5;
	[sflag:s17] =	ssyncadd.s32 $0xFFFFFF00  }
0xe1: {  	[tilespmem:s28], [sflag:$0x6] =	stream.indirect.gather [hbm4b:s5+s31], $0x80, s26, s31, $0xb8;
	[tilespmem:$0x1C400] =	vst v63  }
0xe2: {  	_ =	swait.ge @p1 [sflag:s21], $0x4000  }
0xe3: {  	s12 =	simm.s32 @p1 $0x14280;
	[sflag:s21] =	ssyncset.done @p1 $0x0  }
0xe4: {  	s13 =	simm.s32 @p1 $0x14400;
	[sflag:s21] =	ssyncadd.s32 @p1 $0xFFFFC000;
	s21 =	simm.s32 @p1 $0x80  }
0xe5: {  	[spmem:s3] =	stream.indirect.scatter.add.f32 @p1 [tilespmem:s13], [sflag:$0x7], $0x80, s12, s21, $0xb8;
	[tilespmem:$0x1C400] =	vst v63  }
0xe6: {  	s12 =	simm.s32 @p1 $0x7  }
0xe7: {  	_ =	swait.ge @p1 [sflag:s12], $0x4000  }
0xe8: {  	[sflag:s12] =	ssyncset.done @p1 $0x0  }
0xe9: {  	s13 =	simm.s32 @!p1 $0x14100;
	[sflag:s12] =	ssyncadd.s32 @p1 $0xFFFFC000;
	s12 =	sadd.s32 @!p1 $0xA20, s20  }
0xea: {  	[tilespmem:s13], [sflag:$0x2] =	stream.linear.gather @!p1 [hbm4b:s12+s22], $0x100, $0x38;
	[tilespmem:$0x1C400] =	vst v63  }
0xeb: {  	s12 =	simm.s32 @!p1 $0x5  }
0xec: {  	_ =	swait.ge @!p1 [sflag:s12], $0x4000  }
0xed: {  	s21 =	simm.s32 @!p1 $0x14400;
	[sflag:s12] =	ssyncset.done @!p1 $0x0  }
0xee: {  	s13 =	simm.s32 @!p1 $0x14280;
	[sflag:s12] =	ssyncadd.s32 @!p1 $0xFFFFC000;
	s12 =	simm.s32 @!p1 $0x80  }
0xef: {  	[spmem:s3] =	stream.indirect.scatter.add.f32 @!p1 [tilespmem:s21], [sflag:$0x7], $0x80, s13, s12, $0xb8;
	[tilespmem:$0x1C400] =	vst v63  }
0xf0: {  	s13 =	simm.s32 @!p1 $0x7  }
0xf1: {  	_ =	swait.ge @!p1 [sflag:s13], $0x4000  }
0xf2: {  	[sflag:s13] =	ssyncset.done @!p1 $0x0  }
0xf3: {  	[sflag:s13] =	ssyncadd.s32 @!p1 $0xFFFFC000;
	s13 =	simm.s32 @!p1 $0x1  }
0xf4: {  	_ =	swait.ge @!p1 [sflag:s13], $0x100  }
0xf5: {  	[sflag:s13] =	ssyncset.done @!p1 $0x0  }
0xf6: {  	[sflag:s13] =	ssyncadd.s32 @!p1 $0xFFFFFF00  }
0xf7: {  	[tilespmem:s21], [sflag:$0x5] =	stream.indirect.gather @!p1 [hbm4b:s5+s12], $0x80, s30, s12, $0xb8;
	[tilespmem:$0x1C400] =	vst v63  }
0xf8: {  	s13 =	simm.s32 @!p1 $0x14200;
	s12 =	sadd.s32 @!p1 $0xA40, s20  }
0xf9: {  	[tilespmem:s13], [sflag:$0x3] =	stream.linear.gather @!p1 [hbm4b:s12+s22], $0x100, $0x38;
	[tilespmem:$0x1C400] =	vst v63  }
0xfa: {  	_ =	swait.ge [sflag:s29], $0x4000  }
0xfb: {  	[sflag:s29] =	ssyncset.done $0x0  }
.Ltmp6:
0xfc: {  	[sflag:s29] =	ssyncadd.s32 $0xFFFFC000;
	(pc) =	sbr.rel @p1 .LBB2_6-.Ltmp6, $4  }
0xfd: {  	[spmem:s3] =	stream.indirect.scatter.add.f32 [tilespmem:s28], [sflag:$0x7], $0x80, s23, s31, $0xb8;
	[tilespmem:$0x1C400] =	vst v63  }
0xfe: {  	_ =	swait.ge [sflag:s9], $0x4000  }
0xff: {  	[sflag:s9] =	ssyncset.done $0x0  }
0x100: {  	[sflag:s9] =	ssyncadd.s32 $0xFFFFC000  }
0x101: {  	_ =	swait.ge [sflag:s2], $0x100  }
.Ltmp7:
0x102: {  	[sflag:s2] =	ssyncset.done $0x0;
	(pc) =	sbr.rel .LBB2_5-.Ltmp7, $4  }
0x103: {  	s12 =	sadd.s32 s19, s8;
	[sflag:s2] =	ssyncadd.s32 $0xFFFFFF00  }
0x104: {  	[tilespmem:s28], [sflag:$0x6] =	stream.indirect.gather [hbm4b:s5+s31], $0x80, s24, s31, $0xb8;
	[tilespmem:$0x1C400] =	vst v63  }
0x105: {  	s19 =	sadd.s32 $0x80, s19;
	s12 =	sadd.s32 $0xA60, s12  }
0x106: {  	[tilespmem:s26], [sflag:$0x4] =	stream.linear.gather [hbm4b:s12+s4], $0x100, $0x38;
	[tilespmem:$0x1C400] =	vst v63  }
.LBB2_6:
.Ltmp8:
0x107: {  	(pc) =	sbr.rel .LBB2_11-.Ltmp8, $4  }
0x108: {  	_ = 	snop  }
0x109: {  	s19 =	rddreg [dreg:$0x1]  }
0x10a: {  	s13 =	rddreg [dreg:$0x8]  }
0x10b: {  	s21 =	smov.u32 s15;
	s22 =	smov.u32 s16;
	s30 =	smov.u32 s14  }
.LBB2_12:
0x10c: {  	_ =	sfence.sel $0x180000  }
0x10d: {  	[bflag:$0x0] =	sbarrier.arrive $0xFFFF  }
0x10e: {  	_ =	strace $0x90000047  }
0x10f: {  	s0 =	stileid.u32;
	[bflag:$0x2] =	sbarrier.arrive $0xFFFF  }
0x110: {  	p0 =	sne.s32 s0, $0x0;
	s0 =	rddreg [dreg:$0x3]  }
0x111: {  	s0 =	sadd.s32 @!p0 $0x100000, s0  }
0x112: {  	[sflag:s0] =	ssyncadd.tile.s32 @!p0 $0x1;
	_ =	shalt  }
.Lfunc_end2:
_tile_overlayer_lowered:
.L_overlay_start_2:
0x113: {  	(tag) =	ssettag $0x2  }
0x114: {  	s0 =	rddreg [dreg:$0x0];
	s2 =	stileid.u32  }
0x115: {  	s1 =	rddreg [dreg:$0x1];
	p0 =	sne.s32 s2, $0x0  }
0x116: {  	s3 =	rddreg [dreg:$0x2];
	[bflag:$0x3] =	sbarrier.arrive $0xFFFF;
	s2 =	simm.s32 @!p0 $0x1C07  }
0x117: {  	[timem:s3], [sflag:s2] =	dma.local @!p0 [hbm:s0], s1  }
0x118: {  	s0 =	simm.s32 @!p0 $0x7  }
0x119: {  	_ =	swait.ge @!p0 [sflag:s0], s1  }
0x11a: {  	s1 =	ssub.s32 @!p0 $0x0, s1;
	[sflag:s0] =	ssyncset.done @!p0 $0x0  }
0x11b: {  	[sflag:s0] =	ssyncadd.s32 @!p0 s1  }
0x11c: {  	[bflag:$0x3] =	sbarrier.arrive $0xFFFF  }
0x11d: {  	_ =	shalt  }

</sc_bundles>
